<compile_context>
chip_gen: v7x
topology: tpu7x:2x2x1
jax: 0.10.2.dev20260603
libtpu: 0.0.44.dev20260713+nightly
codegen_flags: <defaults>
</compile_context>

<pallas_src>
import functools

import jax
import jax.numpy as jnp
from jax import lax
from jax.experimental import pallas as pl
from jax.experimental.pallas import tpu as pltpu
from jax.experimental.pallas import tpu_sc as plsc

N = 10000
E = 320000
G = 64
D_IN = 128
LAT = 32
HID = 512

NC = 2
NS = 16
NW = NC * NS
EPW = E // NW
NB = 80
EPWP = NB * 128
DROWS = 640
ACC_R = 10112
RPT = ACC_R // NS

_mesh = plsc.VectorSubcoreMesh(core_axis_name="c", subcore_axis_name="s")
_sc_params = pltpu.CompilerParams(needs_layout_passes=False,
                                  use_tc_tiling_on_sc=False)



@functools.partial(
    pl.kernel,
    out_type=jax.ShapeDtypeStruct((NW * DROWS * 16,), jnp.float32),
    mesh=_mesh,
    scratch_types=[
        pltpu.VMEM((EPWP,), jnp.int32),
        pltpu.VMEM((DROWS * 16,), jnp.float32),
    ],
    compiler_params=_sc_params,
)
def _sc_degree(dst_hbm, out_hbm, dstv, degloc):
    c = lax.axis_index("c")
    s = lax.axis_index("s")
    w = c * NS + s

    zero16 = jnp.zeros((16,), jnp.float32)
    one16 = jnp.ones((16,), jnp.float32)

    def _zero(r, _):
        degloc[pl.ds(r * 16, 16)] = zero16
        return 0

    lax.fori_loop(0, DROWS, _zero, 0)

    pltpu.sync_copy(dst_hbm.at[pl.ds(w * EPWP, EPWP)], dstv)

    def _hist(i, _):
        idxv = dstv[pl.ds(i * 16, 16)]
        plsc.addupdate_scatter(degloc, [idxv], one16)
        return 0

    lax.fori_loop(0, EPWP // 16, _hist, 0)

    pltpu.sync_copy(degloc, out_hbm.at[pl.ds(w * DROWS * 16, DROWS * 16)])




@functools.partial(
    pl.kernel,
    out_type=jax.ShapeDtypeStruct((NC, ACC_R, LAT), jnp.float32),
    mesh=_mesh,
    scratch_types=[
        pltpu.VMEM((NB, 128), jnp.int32),
        pltpu.VMEM((NB, 128), jnp.int32),
        pltpu.VMEM((128, LAT), jnp.float32),
        pltpu.VMEM((128, LAT), jnp.float32),
        pltpu.VMEM((128, LAT), jnp.float32),
        pltpu.VMEM((128, LAT), jnp.float32),
        pltpu.VMEM((128, LAT), jnp.float32),
        pltpu.VMEM((128, LAT), jnp.float32),
        pltpu.VMEM((128, LAT), jnp.float32),
        pltpu.VMEM((128, LAT), jnp.float32),
        pltpu.VMEM((RPT, LAT), jnp.float32),
        pltpu.VMEM_SHARED((ACC_R, LAT), jnp.float32),
        pltpu.SemaphoreType.DMA,
        pltpu.SemaphoreType.DMA,
        pltpu.SemaphoreType.DMA,
        pltpu.SemaphoreType.DMA,
        pltpu.SemaphoreType.DMA,
        pltpu.SemaphoreType.DMA,
        pltpu.SemaphoreType.DMA,
        pltpu.SemaphoreType.DMA,
    ],
    compiler_params=_sc_params,
)
def _sc_scatter(hp_hbm, src_hbm, dst_hbm, out_hbm, srcv, dstv, buf0, buf1,
                buf2, buf3, buf4, buf5, buf6, buf7, zb, acc,
                sem0, sem1, sem2, sem3, sem4, sem5, sem6, sem7):
    c = lax.axis_index("c")
    s = lax.axis_index("s")
    w = c * NS + s

    zero16 = jnp.zeros((16,), jnp.float32)

    def _zero(r, _):
        zb[r, pl.ds(0, 16)] = zero16
        zb[r, pl.ds(16, 16)] = zero16
        return 0

    lax.fori_loop(0, RPT, _zero, 0)
    pltpu.sync_copy(zb, acc.at[pl.ds(s * RPT, RPT)])
    plsc.subcore_barrier()

    pltpu.sync_copy(src_hbm.at[w], srcv)
    pltpu.sync_copy(dst_hbm.at[w], dstv)

    bufs = (buf0, buf1, buf2, buf3, buf4, buf5, buf6, buf7)
    sems = (sem0, sem1, sem2, sem3, sem4, sem5, sem6, sem7)
    for r in range(8):
        pltpu.async_copy(hp_hbm.at[srcv.at[r]], bufs[r], sems[r])

    def _edges(jj, _):
        j0 = 8 * jj
        for r in range(8):
            pltpu.make_async_copy(hp_hbm.at[srcv.at[j0 + r]], bufs[r],
                                  sems[r]).wait()
            pltpu.sync_copy(bufs[r], acc.at[dstv.at[j0 + r]], add=True)

            @pl.when(jj < NB // 8 - 1)
            def _():
                pltpu.async_copy(hp_hbm.at[srcv.at[j0 + 8 + r]], bufs[r],
                                 sems[r])
        return 0

    lax.fori_loop(0, NB // 8, _edges, 0)
    plsc.subcore_barrier()

    pltpu.sync_copy(acc.at[pl.ds(s * RPT, RPT)], out_hbm.at[c, pl.ds(s * RPT, RPT)])



_P = jax.lax.Precision.DEFAULT


def _tc_prep_body(degt_ref, x_ref, w1_ref, dinv_ref, hp1_ref):
    deg = jnp.sum(degt_ref[pl.ds(0, N), :], axis=1, keepdims=True) + 1.0
    dinv = lax.rsqrt(deg)
    dinv_ref[...] = dinv
    hw = lax.dot_general(x_ref[...], w1_ref[...], (((1,), (0,)), ((), ())),
                         precision=_P)
    hp1_ref[...] = hw * dinv


def _tc_prep(degt, x, w1):
    return pl.pallas_call(
        _tc_prep_body,
        out_shape=(
            jax.ShapeDtypeStruct((N, 1), jnp.float32),
            jax.ShapeDtypeStruct((N, LAT), jnp.float32),
        ),
    )(degt, x, w1)


def _tc_layer_body(agg_ref, hpp_ref, dinv_ref, w_ref, b_ref, h_ref, hpn_ref):
    agg = agg_ref[0, pl.ds(0, N), :] + agg_ref[1, pl.ds(0, N), :]
    dinv = dinv_ref[...]
    h = jnp.tanh(dinv * (agg + hpp_ref[...]) + b_ref[...])
    h_ref[...] = h
    hpn_ref[...] = dinv * lax.dot_general(h, w_ref[...], (((1,), (0,)), ((), ())),
                                          precision=_P)


def _tc_layer(aggparts, hpp, dinv, w_next, b_prev):
    return pl.pallas_call(
        _tc_layer_body,
        out_shape=(
            jax.ShapeDtypeStruct((N, LAT), jnp.float32),
            jax.ShapeDtypeStruct((N, LAT), jnp.float32),
        ),
    )(aggparts, hpp, dinv, w_next, b_prev)


def _tc_head_body(agg_ref, hp3_ref, dinv_ref, b3_ref, h1_ref, h2_ref, idx_ref,
                  y_ref, l1w_ref, l1b_ref, l2w_ref, l2b_ref,
                  logits_ref, loss_ref, acc_ref, feat_ref, h3_ref, gf_ref):
    agg = agg_ref[0, pl.ds(0, N), :] + agg_ref[1, pl.ds(0, N), :]
    h3_ref[...] = jnp.tanh(dinv_ref[...] * (agg + hp3_ref[...]) + b3_ref[...])

    for g in range(G):
        ig = idx_ref[g]
        gf_ref[pl.ds(g, 1), pl.ds(0, LAT)] = h1_ref[pl.ds(ig, 1), :]
        gf_ref[pl.ds(g, 1), pl.ds(LAT, LAT)] = h2_ref[pl.ds(ig, 1), :]
        gf_ref[pl.ds(g, 1), pl.ds(2 * LAT, LAT)] = h3_ref[pl.ds(ig, 1), :]

    hidden = lax.dot_general(gf_ref[...], l1w_ref[...], (((1,), (0,)), ((), ())),
                             precision=_P) + l1b_ref[...]
    feat_ref[...] = hidden
    hr = jnp.maximum(hidden, 0.0)
    z = lax.dot_general(hr, l2w_ref[...], (((1,), (0,)), ((), ())),
                        precision=_P) + l2b_ref[...]
    z0 = z[:, 0:1]
    z1 = z[:, 1:2]
    m = jnp.maximum(z0, z1)
    lse = m + jnp.log(jnp.exp(z0 - m) + jnp.exp(z1 - m))
    logits_ref[...] = z - lse

    ytrue = y_ref[...] == 1
    sel = jnp.where(ytrue, z1, z0) - lse
    loss_ref[...] = -jnp.sum(sel, axis=0, keepdims=True) / G
    pred1 = z1 > z0
    eq = (pred1 == ytrue).astype(jnp.float32)
    acc_ref[...] = jnp.sum(eq, axis=0, keepdims=True) / G


def _tc_head(aggparts, hp3, dinv, b3, h1, h2, idx, y2, l1w, l1b, l2w, l2b):
    return pl.pallas_call(
        _tc_head_body,
        in_specs=[
            pl.BlockSpec(memory_space=pltpu.VMEM),
            pl.BlockSpec(memory_space=pltpu.VMEM),
            pl.BlockSpec(memory_space=pltpu.VMEM),
            pl.BlockSpec(memory_space=pltpu.VMEM),
            pl.BlockSpec(memory_space=pltpu.VMEM),
            pl.BlockSpec(memory_space=pltpu.VMEM),
            pl.BlockSpec(memory_space=pltpu.SMEM),
            pl.BlockSpec(memory_space=pltpu.VMEM),
            pl.BlockSpec(memory_space=pltpu.VMEM),
            pl.BlockSpec(memory_space=pltpu.VMEM),
            pl.BlockSpec(memory_space=pltpu.VMEM),
            pl.BlockSpec(memory_space=pltpu.VMEM),
        ],
        out_shape=(
            jax.ShapeDtypeStruct((G, 2), jnp.float32),
            jax.ShapeDtypeStruct((1, 1), jnp.float32),
            jax.ShapeDtypeStruct((1, 1), jnp.float32),
            jax.ShapeDtypeStruct((G, HID), jnp.float32),
        ),
        scratch_shapes=[
            pltpu.VMEM((N, LAT), jnp.float32),
            pltpu.VMEM((G, 3 * LAT), jnp.float32),
        ],
    )(aggparts, hp3, dinv, b3, h1, h2, idx, y2, l1w, l1b, l2w, l2b)




def kernel(x, edge_index, batch, y, W1, b1, W2, b2, W3, b3, L1w, L1b, L2w, L2b):
    src = edge_index[0]
    dst = edge_index[1]

    pad = jnp.zeros((NW, EPWP - EPW), jnp.int32)
    srcp = jnp.concatenate([src.reshape(NW, EPW), pad], axis=1)
    srcp = srcp.reshape(NW, NB, 128)
    dstp = jnp.concatenate([dst.reshape(NW, EPW), pad + N], axis=1)
    dst2 = dstp.reshape(NW * EPWP)
    dstp = dstp.reshape(NW, NB, 128)

    mask = jnp.concatenate([jnp.ones((1,), jnp.bool_), batch[1:] != batch[:-1]])
    idx = jnp.nonzero(mask, size=G, fill_value=0)[0].astype(jnp.int32)

    degparts = _sc_degree(dst2)
    degt = jnp.transpose(degparts.reshape(NW, DROWS * 16), (1, 0))

    dinv, hp1 = _tc_prep(degt, x, W1)

    agg1 = _sc_scatter(hp1, srcp, dstp)
    h1, hp2 = _tc_layer(agg1, hp1, dinv, W2, b1.reshape(1, LAT))
    agg2 = _sc_scatter(hp2, srcp, dstp)
    h2, hp3 = _tc_layer(agg2, hp2, dinv, W3, b2.reshape(1, LAT))
    agg3 = _sc_scatter(hp3, srcp, dstp)

    logits, loss, acc, feature = _tc_head(
        agg3, hp3, dinv, b3.reshape(1, LAT), h1, h2, idx,
        y.reshape(G, 1).astype(jnp.int32), L1w, L1b.reshape(1, HID),
        L2w, L2b.reshape(1, 2))

    return (logits, loss.reshape(()), acc.reshape(()), feature)

# --- scband reference (transcript-rebuilt; emitter-appended) ---
"""Pipeline reference for scband-dgcnn-33672543600663 (READ-ONLY COPY).

The authoritative reference and input builder live on the scoring server;
editing this copy changes nothing except your own understanding.
"""

import jax, jax.numpy as jnp
import numpy as np

N = 10000
E = 320000
G = 64
D_IN = 128
LATENT = 32
HIDDEN = 512


def setup_inputs(seed: int = 0) -> dict:
    key = jax.random.key(seed)
    ks = jax.random.split(key, 10)
    x = jax.random.normal(ks[0], (N, D_IN), jnp.float32)
    edge_index = jax.random.randint(ks[1], (2, E), 0, N, jnp.int32)
    # sorted graph-id assignment; every graph id in [0, G) is present
    batch = ((jnp.arange(N) * G) // N).astype(jnp.int32)
    y = jax.random.randint(ks[2], (G,), 0, 2, jnp.int32)
    W1 = jax.random.normal(ks[3], (D_IN, LATENT), jnp.float32) * (1.0 / np.sqrt(D_IN))
    b1 = jnp.zeros((LATENT,), jnp.float32)
    W2 = jax.random.normal(ks[4], (LATENT, LATENT), jnp.float32) * (1.0 / np.sqrt(LATENT))
    b2 = jnp.zeros((LATENT,), jnp.float32)
    W3 = jax.random.normal(ks[5], (LATENT, LATENT), jnp.float32) * (1.0 / np.sqrt(LATENT))
    b3 = jnp.zeros((LATENT,), jnp.float32)
    L1w = jax.random.normal(ks[6], (3 * LATENT, HIDDEN), jnp.float32) * (1.0 / np.sqrt(3 * LATENT))
    L1b = jnp.zeros((HIDDEN,), jnp.float32)
    L2w = jax.random.normal(ks[7], (HIDDEN, 2), jnp.float32) * (1.0 / np.sqrt(HIDDEN))
    L2b = jnp.zeros((2,), jnp.float32)
    return {"x": x, "edge_index": edge_index, "batch": batch, "y": y,
            "W1": W1, "b1": b1, "W2": W2, "b2": b2, "W3": W3, "b3": b3,
            "L1w": L1w, "L1b": L1b, "L2w": L2w, "L2b": L2b}


def _gcn_conv(x, edge_index, W, b):
    # PyG GCNConv: add self-loops, symmetric normalization D^-1/2 (A+I) D^-1/2, then XW + b
    n = x.shape[0]
    loop = jnp.arange(n, dtype=edge_index.dtype)
    src = jnp.concatenate([edge_index[0], loop])
    dst = jnp.concatenate([edge_index[1], loop])
    deg = jnp.zeros((n,), x.dtype).at[dst].add(1.0)
    dinv = jax.lax.rsqrt(jnp.maximum(deg, 1e-12))
    norm = dinv[src] * dinv[dst]
    h = x @ W
    msg = h[src] * norm[:, None]
    out = jnp.zeros((n, W.shape[1]), x.dtype).at[dst].add(msg)
    return out + b


def reference(x, edge_index, batch, y, W1, b1, W2, b2, W3, b3, L1w, L1b, L2w, L2b):
    h = x
    feats = []
    for (W, b) in ((W1, b1), (W2, b2), (W3, b3)):
        h = jnp.tanh(_gcn_conv(h, edge_index, W, b))
        feats.append(h)
    cat = jnp.concatenate(feats, axis=1)
    # first node index of each graph (batch is sorted, all G ids present)
    mask = jnp.concatenate([jnp.array([True]), batch[1:] != batch[:-1]])
    idx = jnp.nonzero(mask, size=G, fill_value=0)[0]
    gfeat = cat[idx, :]
    hidden = gfeat @ L1w + L1b
    feature = hidden
    hidden = jax.nn.relu(hidden)
    logits = jax.nn.log_softmax(hidden @ L2w + L2b, axis=1)
    loss = -jnp.mean(jnp.take_along_axis(logits, y[:, None].astype(jnp.int32), axis=1))
    pred = jnp.argmax(logits, axis=1)
    acc = jnp.mean((pred == y).astype(jnp.float32))
    return (logits, loss, acc, feature)

if __name__ == "__main__":
    import jax
    _d = setup_inputs()
    print(jax.jit(kernel)(*tuple(_d.values())))

</pallas_src>

<mosaic_0001>
#map = affine_map<(d0, d1) -> (0, 0)>
#map1 = affine_map<(d0, d1) -> (0, 0, 0)>
module attributes {stable_mosaic.version = 14 : i64} {
  func.func @_sc_scatter(%arg0: i32, %arg1: i32, %arg2: memref<10000x32xf32, #tpu.memory_space<hbm>>, %arg3: memref<32x80x128xi32, #tpu.memory_space<hbm>>, %arg4: memref<32x80x128xi32, #tpu.memory_space<hbm>>, %arg5: memref<2x10112x32xf32, #tpu.memory_space<hbm>>, %arg6: memref<80x128xi32, #tpu.memory_space<vmem>>, %arg7: memref<80x128xi32, #tpu.memory_space<vmem>>, %arg8: memref<128x32xf32, #tpu.memory_space<vmem>>, %arg9: memref<128x32xf32, #tpu.memory_space<vmem>>, %arg10: memref<128x32xf32, #tpu.memory_space<vmem>>, %arg11: memref<128x32xf32, #tpu.memory_space<vmem>>, %arg12: memref<128x32xf32, #tpu.memory_space<vmem>>, %arg13: memref<128x32xf32, #tpu.memory_space<vmem>>, %arg14: memref<128x32xf32, #tpu.memory_space<vmem>>, %arg15: memref<128x32xf32, #tpu.memory_space<vmem>>, %arg16: memref<632x32xf32, #tpu.memory_space<vmem>>, %arg17: memref<10112x32xf32, #tpu.memory_space<vmem_shared>>, %arg18: memref<!tpu.dma_semaphore, #tpu.memory_space<semaphore_mem>>, %arg19: memref<!tpu.dma_semaphore, #tpu.memory_space<semaphore_mem>>, %arg20: memref<!tpu.dma_semaphore, #tpu.memory_space<semaphore_mem>>, %arg21: memref<!tpu.dma_semaphore, #tpu.memory_space<semaphore_mem>>, %arg22: memref<!tpu.dma_semaphore, #tpu.memory_space<semaphore_mem>>, %arg23: memref<!tpu.dma_semaphore, #tpu.memory_space<semaphore_mem>>, %arg24: memref<!tpu.dma_semaphore, #tpu.memory_space<semaphore_mem>>, %arg25: memref<!tpu.dma_semaphore, #tpu.memory_space<semaphore_mem>>) attributes {dimension_semantics = [#tpu.dimension_semantics<core_parallel>, #tpu.dimension_semantics<subcore_parallel>], iteration_bounds = array<i64: 2, 16>, scalar_prefetch = 0 : i64, scratch_operands = 20 : i64, tpu.core_type = #tpu.core_type<sc_vector_subcore>, window_params = [{transform_indices = #map}, {transform_indices = #map1}, {transform_indices = #map1}, {transform_indices = #map1}]} {
    %mul3A = arith.constant 16 : i32
    %mul3A_0 = arith.muli %arg0, %mul3A : i32
    %add3A = arith.addi %mul3A_0, %arg1 : i32
    %broadcast_in_dim3A = arith.constant 0.000000e+00 : f32
    %broadcast_in_dim3A_1 = vector.broadcast %broadcast_in_dim3A : f32 to vector<16xf32>
    %scan3A = arith.constant 0 : i32
    %scan3A_2 = arith.constant 0 : i32
    %scan3A_3 = arith.constant 632 : i32
    %scan3A_4 = arith.addi %scan3A_2, %scan3A_3 : i32
    %scan3A_5 = arith.constant 1 : i32
    %scan3A_6 = scf.for %scan3A_77 = %scan3A_2 to %scan3A_4 step %scan3A_5 iter_args(%scan3A_78 = %scan3A) -> (i32)  : i32 {
      %swap3A = arith.index_cast %scan3A_77 : i32 to index
      %swap3A_79 = arith.constant 0 : index
      %swap3A_80 = tpu.vector_load %arg16[%swap3A, %swap3A_79] {strides = array<i32>} : memref<632x32xf32, #tpu.memory_space<vmem>>, vector<16xf32>,
      tpu.vector_store %arg16[%swap3A, %swap3A_79], %broadcast_in_dim3A_1 {strides = array<i32>} : memref<632x32xf32, #tpu.memory_space<vmem>>, vector<16xf32>,
      %swap3A_81 = arith.index_cast %scan3A_77 : i32 to index
      %swap3A_82 = arith.constant 16 : index
      %swap3A_83 = tpu.vector_load %arg16[%swap3A_81, %swap3A_82] {strides = array<i32>} : memref<632x32xf32, #tpu.memory_space<vmem>>, vector<16xf32>,
      tpu.vector_store %arg16[%swap3A_81, %swap3A_82], %broadcast_in_dim3A_1 {strides = array<i32>} : memref<632x32xf32, #tpu.memory_space<vmem>>, vector<16xf32>,
      %scan3A_84 = arith.constant 0 : i32
      scf.yield %scan3A_84 : i32
    }
    %scan3A_7 = arith.constant 632 : i32
    %mul3A_8 = arith.constant 632 : i32
    %mul3A_9 = arith.muli %arg1, %mul3A_8 : i32
    "tpu.region"() ({
      %run_scoped3A = tpu.sem_alloc : memref<!tpu.dma_semaphore, #tpu.memory_space<semaphore_mem>>
      %dma_start3A_77 = arith.constant 0 : i32
      %dma_start3A_78 = tpu.memref_slice %arg17[%mul3A_9, %dma_start3A_77] : memref<10112x32xf32, #tpu.memory_space<vmem_shared>> -> memref<632x32xf32, #tpu.memory_space<vmem_shared>>
      %dma_start3A_79 = arith.constant 0 : i32
      %dma_start3A_80 = tpu.memref_slice %arg17[%mul3A_9, %dma_start3A_79] : memref<10112x32xf32, #tpu.memory_space<vmem_shared>> -> memref<632x32xf32, #tpu.memory_space<vmem_shared>>
      tpu.enqueue_dma source(%arg16 : memref<632x32xf32, #tpu.memory_space<vmem>>) target(%dma_start3A_80 : memref<632x32xf32, #tpu.memory_space<vmem_shared>>) target_semaphore(%run_scoped3A : memref<!tpu.dma_semaphore, #tpu.memory_space<semaphore_mem>>)
      %dma_wait3A = arith.constant 0 : i32
      %dma_wait3A_81 = tpu.memref_slice %arg17[%mul3A_9, %dma_wait3A] : memref<10112x32xf32, #tpu.memory_space<vmem_shared>> -> memref<632x32xf32, #tpu.memory_space<vmem_shared>>
      %dma_wait3A_82 = arith.constant 0 : i32
      %dma_wait3A_83 = tpu.memref_slice %arg17[%mul3A_9, %dma_wait3A_82] : memref<10112x32xf32, #tpu.memory_space<vmem_shared>> -> memref<632x32xf32, #tpu.memory_space<vmem_shared>>
      tpu.wait_dma2 semaphore(%run_scoped3A : memref<!tpu.dma_semaphore, #tpu.memory_space<semaphore_mem>>) src(%arg16 : memref<632x32xf32, #tpu.memory_space<vmem>>) dst(%dma_wait3A_83 : memref<632x32xf32, #tpu.memory_space<vmem_shared>>)
      tpu.yield
    }) : () -> ()
    %barrier3A = arith.constant 0 : index
    tpu.barrier barrier_id(%barrier3A)
    "tpu.region"() ({
      %run_scoped3A = tpu.sem_alloc : memref<!tpu.dma_semaphore, #tpu.memory_space<semaphore_mem>>
      %dma_start3A_77 = arith.constant 0 : i32
      %dma_start3A_78 = arith.constant 0 : i32
      %dma_start3A_79 = tpu.memref_slice %arg3[%add3A, %dma_start3A_77, %dma_start3A_78] : memref<32x80x128xi32, #tpu.memory_space<hbm>> -> memref<1x80x128xi32, #tpu.memory_space<hbm>>
      %dma_start3A_80 = tpu.memref_squeeze %dma_start3A_79 : memref<1x80x128xi32, #tpu.memory_space<hbm>> -> memref<80x128xi32, #tpu.memory_space<hbm>>
      %dma_start3A_81 = arith.constant 0 : i32
      %dma_start3A_82 = arith.constant 0 : i32
      %dma_start3A_83 = tpu.memref_slice %arg3[%add3A, %dma_start3A_81, %dma_start3A_82] : memref<32x80x128xi32, #tpu.memory_space<hbm>> -> memref<1x80x128xi32, #tpu.memory_space<hbm>>
      %dma_start3A_84 = tpu.memref_squeeze %dma_start3A_83 : memref<1x80x128xi32, #tpu.memory_space<hbm>> -> memref<80x128xi32, #tpu.memory_space<hbm>>
      tpu.enqueue_dma source(%dma_start3A_84 : memref<80x128xi32, #tpu.memory_space<hbm>>) target(%arg6 : memref<80x128xi32, #tpu.memory_space<vmem>>) target_semaphore(%run_scoped3A : memref<!tpu.dma_semaphore, #tpu.memory_space<semaphore_mem>>)
      %dma_wait3A = arith.constant 0 : i32
      %dma_wait3A_85 = arith.constant 0 : i32
      %dma_wait3A_86 = tpu.memref_slice %arg3[%add3A, %dma_wait3A, %dma_wait3A_85] : memref<32x80x128xi32, #tpu.memory_space<hbm>> -> memref<1x80x128xi32, #tpu.memory_space<hbm>>
      %dma_wait3A_87 = tpu.memref_squeeze %dma_wait3A_86 : memref<1x80x128xi32, #tpu.memory_space<hbm>> -> memref<80x128xi32, #tpu.memory_space<hbm>>
      %dma_wait3A_88 = arith.constant 0 : i32
      %dma_wait3A_89 = arith.constant 0 : i32
      %dma_wait3A_90 = tpu.memref_slice %arg3[%add3A, %dma_wait3A_88, %dma_wait3A_89] : memref<32x80x128xi32, #tpu.memory_space<hbm>> -> memref<1x80x128xi32, #tpu.memory_space<hbm>>
      %dma_wait3A_91 = tpu.memref_squeeze %dma_wait3A_90 : memref<1x80x128xi32, #tpu.memory_space<hbm>> -> memref<80x128xi32, #tpu.memory_space<hbm>>
      tpu.wait_dma2 semaphore(%run_scoped3A : memref<!tpu.dma_semaphore, #tpu.memory_space<semaphore_mem>>) src(%dma_wait3A_91 : memref<80x128xi32, #tpu.memory_space<hbm>>) dst(%arg6 : memref<80x128xi32, #tpu.memory_space<vmem>>)
      tpu.yield
    }) : () -> ()
    "tpu.region"() ({
      %run_scoped3A = tpu.sem_alloc : memref<!tpu.dma_semaphore, #tpu.memory_space<semaphore_mem>>
      %dma_start3A_77 = arith.constant 0 : i32
      %dma_start3A_78 = arith.constant 0 : i32
      %dma_start3A_79 = tpu.memref_slice %arg4[%add3A, %dma_start3A_77, %dma_start3A_78] : memref<32x80x128xi32, #tpu.memory_space<hbm>> -> memref<1x80x128xi32, #tpu.memory_space<hbm>>
      %dma_start3A_80 = tpu.memref_squeeze %dma_start3A_79 : memref<1x80x128xi32, #tpu.memory_space<hbm>> -> memref<80x128xi32, #tpu.memory_space<hbm>>
      %dma_start3A_81 = arith.constant 0 : i32
      %dma_start3A_82 = arith.constant 0 : i32
      %dma_start3A_83 = tpu.memref_slice %arg4[%add3A, %dma_start3A_81, %dma_start3A_82] : memref<32x80x128xi32, #tpu.memory_space<hbm>> -> memref<1x80x128xi32, #tpu.memory_space<hbm>>
      %dma_start3A_84 = tpu.memref_squeeze %dma_start3A_83 : memref<1x80x128xi32, #tpu.memory_space<hbm>> -> memref<80x128xi32, #tpu.memory_space<hbm>>
      tpu.enqueue_dma source(%dma_start3A_84 : memref<80x128xi32, #tpu.memory_space<hbm>>) target(%arg7 : memref<80x128xi32, #tpu.memory_space<vmem>>) target_semaphore(%run_scoped3A : memref<!tpu.dma_semaphore, #tpu.memory_space<semaphore_mem>>)
      %dma_wait3A = arith.constant 0 : i32
      %dma_wait3A_85 = arith.constant 0 : i32
      %dma_wait3A_86 = tpu.memref_slice %arg4[%add3A, %dma_wait3A, %dma_wait3A_85] : memref<32x80x128xi32, #tpu.memory_space<hbm>> -> memref<1x80x128xi32, #tpu.memory_space<hbm>>
      %dma_wait3A_87 = tpu.memref_squeeze %dma_wait3A_86 : memref<1x80x128xi32, #tpu.memory_space<hbm>> -> memref<80x128xi32, #tpu.memory_space<hbm>>
      %dma_wait3A_88 = arith.constant 0 : i32
      %dma_wait3A_89 = arith.constant 0 : i32
      %dma_wait3A_90 = tpu.memref_slice %arg4[%add3A, %dma_wait3A_88, %dma_wait3A_89] : memref<32x80x128xi32, #tpu.memory_space<hbm>> -> memref<1x80x128xi32, #tpu.memory_space<hbm>>
      %dma_wait3A_91 = tpu.memref_squeeze %dma_wait3A_90 : memref<1x80x128xi32, #tpu.memory_space<hbm>> -> memref<80x128xi32, #tpu.memory_space<hbm>>
      tpu.wait_dma2 semaphore(%run_scoped3A : memref<!tpu.dma_semaphore, #tpu.memory_space<semaphore_mem>>) src(%dma_wait3A_91 : memref<80x128xi32, #tpu.memory_space<hbm>>) dst(%arg7 : memref<80x128xi32, #tpu.memory_space<vmem>>)
      tpu.yield
    }) : () -> ()
    %dma_start3A = arith.constant 0 : i32
    %dma_start3A_10 = arith.constant 0 : i32
    %dma_start3A_11 = tpu.memref_slice %arg6[%dma_start3A, %dma_start3A_10] : memref<80x128xi32, #tpu.memory_space<vmem>> -> memref<1x128xi32, #tpu.memory_space<vmem>>
    %dma_start3A_12 = tpu.memref_squeeze %dma_start3A_11 : memref<1x128xi32, #tpu.memory_space<vmem>> -> memref<128xi32, #tpu.memory_space<vmem>>
    %dma_start3A_13 = arith.constant 0 : i32
    %dma_start3A_14 = arith.constant 0 : i32
    %dma_start3A_15 = tpu.memref_slice %arg2[%dma_start3A_13, %dma_start3A_14] : memref<10000x32xf32, #tpu.memory_space<hbm>> -> memref<10000x32xf32, #tpu.memory_space<hbm>>
    tpu.enqueue_indirect_dma source(%dma_start3A_15 : memref<10000x32xf32, #tpu.memory_space<hbm>>) target(%arg8 : memref<128x32xf32, #tpu.memory_space<vmem>>) offsets(%dma_start3A_12 : memref<128xi32, #tpu.memory_space<vmem>>) semaphore(%arg18 : memref<!tpu.dma_semaphore, #tpu.memory_space<semaphore_mem>>)
    %dma_start3A_16 = arith.constant 1 : i32
    %dma_start3A_17 = arith.constant 0 : i32
    %dma_start3A_18 = tpu.memref_slice %arg6[%dma_start3A_16, %dma_start3A_17] : memref<80x128xi32, #tpu.memory_space<vmem>> -> memref<1x128xi32, #tpu.memory_space<vmem>>
    %dma_start3A_19 = tpu.memref_squeeze %dma_start3A_18 : memref<1x128xi32, #tpu.memory_space<vmem>> -> memref<128xi32, #tpu.memory_space<vmem>>
    %dma_start3A_20 = arith.constant 0 : i32
    %dma_start3A_21 = arith.constant 0 : i32
    %dma_start3A_22 = tpu.memref_slice %arg2[%dma_start3A_20, %dma_start3A_21] : memref<10000x32xf32, #tpu.memory_space<hbm>> -> memref<10000x32xf32, #tpu.memory_space<hbm>>
    tpu.enqueue_indirect_dma source(%dma_start3A_22 : memref<10000x32xf32, #tpu.memory_space<hbm>>) target(%arg9 : memref<128x32xf32, #tpu.memory_space<vmem>>) offsets(%dma_start3A_19 : memref<128xi32, #tpu.memory_space<vmem>>) semaphore(%arg19 : memref<!tpu.dma_semaphore, #tpu.memory_space<semaphore_mem>>)
    %dma_start3A_23 = arith.constant 2 : i32
    %dma_start3A_24 = arith.constant 0 : i32
    %dma_start3A_25 = tpu.memref_slice %arg6[%dma_start3A_23, %dma_start3A_24] : memref<80x128xi32, #tpu.memory_space<vmem>> -> memref<1x128xi32, #tpu.memory_space<vmem>>
    %dma_start3A_26 = tpu.memref_squeeze %dma_start3A_25 : memref<1x128xi32, #tpu.memory_space<vmem>> -> memref<128xi32, #tpu.memory_space<vmem>>
    %dma_start3A_27 = arith.constant 0 : i32
    %dma_start3A_28 = arith.constant 0 : i32
    %dma_start3A_29 = tpu.memref_slice %arg2[%dma_start3A_27, %dma_start3A_28] : memref<10000x32xf32, #tpu.memory_space<hbm>> -> memref<10000x32xf32, #tpu.memory_space<hbm>>
    tpu.enqueue_indirect_dma source(%dma_start3A_29 : memref<10000x32xf32, #tpu.memory_space<hbm>>) target(%arg10 : memref<128x32xf32, #tpu.memory_space<vmem>>) offsets(%dma_start3A_26 : memref<128xi32, #tpu.memory_space<vmem>>) semaphore(%arg20 : memref<!tpu.dma_semaphore, #tpu.memory_space<semaphore_mem>>)
    %dma_start3A_30 = arith.constant 3 : i32
    %dma_start3A_31 = arith.constant 0 : i32
    %dma_start3A_32 = tpu.memref_slice %arg6[%dma_start3A_30, %dma_start3A_31] : memref<80x128xi32, #tpu.memory_space<vmem>> -> memref<1x128xi32, #tpu.memory_space<vmem>>
    %dma_start3A_33 = tpu.memref_squeeze %dma_start3A_32 : memref<1x128xi32, #tpu.memory_space<vmem>> -> memref<128xi32, #tpu.memory_space<vmem>>
    %dma_start3A_34 = arith.constant 0 : i32
    %dma_start3A_35 = arith.constant 0 : i32
    %dma_start3A_36 = tpu.memref_slice %arg2[%dma_start3A_34, %dma_start3A_35] : memref<10000x32xf32, #tpu.memory_space<hbm>> -> memref<10000x32xf32, #tpu.memory_space<hbm>>
    tpu.enqueue_indirect_dma source(%dma_start3A_36 : memref<10000x32xf32, #tpu.memory_space<hbm>>) target(%arg11 : memref<128x32xf32, #tpu.memory_space<vmem>>) offsets(%dma_start3A_33 : memref<128xi32, #tpu.memory_space<vmem>>) semaphore(%arg21 : memref<!tpu.dma_semaphore, #tpu.memory_space<semaphore_mem>>)
    %dma_start3A_37 = arith.constant 4 : i32
    %dma_start3A_38 = arith.constant 0 : i32
    %dma_start3A_39 = tpu.memref_slice %arg6[%dma_start3A_37, %dma_start3A_38] : memref<80x128xi32, #tpu.memory_space<vmem>> -> memref<1x128xi32, #tpu.memory_space<vmem>>
    %dma_start3A_40 = tpu.memref_squeeze %dma_start3A_39 : memref<1x128xi32, #tpu.memory_space<vmem>> -> memref<128xi32, #tpu.memory_space<vmem>>
    %dma_start3A_41 = arith.constant 0 : i32
    %dma_start3A_42 = arith.constant 0 : i32
    %dma_start3A_43 = tpu.memref_slice %arg2[%dma_start3A_41, %dma_start3A_42] : memref<10000x32xf32, #tpu.memory_space<hbm>> -> memref<10000x32xf32, #tpu.memory_space<hbm>>
    tpu.enqueue_indirect_dma source(%dma_start3A_43 : memref<10000x32xf32, #tpu.memory_space<hbm>>) target(%arg12 : memref<128x32xf32, #tpu.memory_space<vmem>>) offsets(%dma_start3A_40 : memref<128xi32, #tpu.memory_space<vmem>>) semaphore(%arg22 : memref<!tpu.dma_semaphore, #tpu.memory_space<semaphore_mem>>)
    %dma_start3A_44 = arith.constant 5 : i32
    %dma_start3A_45 = arith.constant 0 : i32
    %dma_start3A_46 = tpu.memref_slice %arg6[%dma_start3A_44, %dma_start3A_45] : memref<80x128xi32, #tpu.memory_space<vmem>> -> memref<1x128xi32, #tpu.memory_space<vmem>>
    %dma_start3A_47 = tpu.memref_squeeze %dma_start3A_46 : memref<1x128xi32, #tpu.memory_space<vmem>> -> memref<128xi32, #tpu.memory_space<vmem>>
    %dma_start3A_48 = arith.constant 0 : i32
    %dma_start3A_49 = arith.constant 0 : i32
    %dma_start3A_50 = tpu.memref_slice %arg2[%dma_start3A_48, %dma_start3A_49] : memref<10000x32xf32, #tpu.memory_space<hbm>> -> memref<10000x32xf32, #tpu.memory_space<hbm>>
    tpu.enqueue_indirect_dma source(%dma_start3A_50 : memref<10000x32xf32, #tpu.memory_space<hbm>>) target(%arg13 : memref<128x32xf32, #tpu.memory_space<vmem>>) offsets(%dma_start3A_47 : memref<128xi32, #tpu.memory_space<vmem>>) semaphore(%arg23 : memref<!tpu.dma_semaphore, #tpu.memory_space<semaphore_mem>>)
    %dma_start3A_51 = arith.constant 6 : i32
    %dma_start3A_52 = arith.constant 0 : i32
    %dma_start3A_53 = tpu.memref_slice %arg6[%dma_start3A_51, %dma_start3A_52] : memref<80x128xi32, #tpu.memory_space<vmem>> -> memref<1x128xi32, #tpu.memory_space<vmem>>
    %dma_start3A_54 = tpu.memref_squeeze %dma_start3A_53 : memref<1x128xi32, #tpu.memory_space<vmem>> -> memref<128xi32, #tpu.memory_space<vmem>>
    %dma_start3A_55 = arith.constant 0 : i32
    %dma_start3A_56 = arith.constant 0 : i32
    %dma_start3A_57 = tpu.memref_slice %arg2[%dma_start3A_55, %dma_start3A_56] : memref<10000x32xf32, #tpu.memory_space<hbm>> -> memref<10000x32xf32, #tpu.memory_space<hbm>>
    tpu.enqueue_indirect_dma source(%dma_start3A_57 : memref<10000x32xf32, #tpu.memory_space<hbm>>) target(%arg14 : memref<128x32xf32, #tpu.memory_space<vmem>>) offsets(%dma_start3A_54 : memref<128xi32, #tpu.memory_space<vmem>>) semaphore(%arg24 : memref<!tpu.dma_semaphore, #tpu.memory_space<semaphore_mem>>)
    %dma_start3A_58 = arith.constant 7 : i32
    %dma_start3A_59 = arith.constant 0 : i32
    %dma_start3A_60 = tpu.memref_slice %arg6[%dma_start3A_58, %dma_start3A_59] : memref<80x128xi32, #tpu.memory_space<vmem>> -> memref<1x128xi32, #tpu.memory_space<vmem>>
    %dma_start3A_61 = tpu.memref_squeeze %dma_start3A_60 : memref<1x128xi32, #tpu.memory_space<vmem>> -> memref<128xi32, #tpu.memory_space<vmem>>
    %dma_start3A_62 = arith.constant 0 : i32
    %dma_start3A_63 = arith.constant 0 : i32
    %dma_start3A_64 = tpu.memref_slice %arg2[%dma_start3A_62, %dma_start3A_63] : memref<10000x32xf32, #tpu.memory_space<hbm>> -> memref<10000x32xf32, #tpu.memory_space<hbm>>
    tpu.enqueue_indirect_dma source(%dma_start3A_64 : memref<10000x32xf32, #tpu.memory_space<hbm>>) target(%arg15 : memref<128x32xf32, #tpu.memory_space<vmem>>) offsets(%dma_start3A_61 : memref<128xi32, #tpu.memory_space<vmem>>) semaphore(%arg25 : memref<!tpu.dma_semaphore, #tpu.memory_space<semaphore_mem>>)
    %scan3A_65 = arith.constant 0 : i32
    %scan3A_66 = arith.constant 0 : i32
    %scan3A_67 = arith.constant 10 : i32
    %scan3A_68 = arith.addi %scan3A_66, %scan3A_67 : i32
    %scan3A_69 = arith.constant 1 : i32
    %scan3A_70 = scf.for %scan3A_77 = %scan3A_66 to %scan3A_68 step %scan3A_69 iter_args(%scan3A_78 = %scan3A_65) -> (i32)  : i32 {
      %mul3A_79 = arith.constant 8 : i32
      %mul3A_80 = arith.muli %mul3A_79, %scan3A_77 : i32
      %add3A_81 = arith.constant 0 : i32
      %add3A_82 = arith.addi %mul3A_80, %add3A_81 : i32
      %dma_wait3A = arith.constant 0 : i32
      %dma_wait3A_83 = tpu.memref_slice %arg6[%add3A_82, %dma_wait3A] : memref<80x128xi32, #tpu.memory_space<vmem>> -> memref<1x128xi32, #tpu.memory_space<vmem>>
      %dma_wait3A_84 = tpu.memref_squeeze %dma_wait3A_83 : memref<1x128xi32, #tpu.memory_space<vmem>> -> memref<128xi32, #tpu.memory_space<vmem>>
      %dma_wait3A_85 = arith.constant 0 : i32
      %dma_wait3A_86 = arith.constant 0 : i32
      %dma_wait3A_87 = tpu.memref_slice %arg2[%dma_wait3A_85, %dma_wait3A_86] : memref<10000x32xf32, #tpu.memory_space<hbm>> -> memref<10000x32xf32, #tpu.memory_space<hbm>>
      tpu.wait_indirect_dma semaphore(%arg18 : memref<!tpu.dma_semaphore, #tpu.memory_space<semaphore_mem>>) src(%dma_wait3A_87 : memref<10000x32xf32, #tpu.memory_space<hbm>>) dst(%arg8 : memref<128x32xf32, #tpu.memory_space<vmem>>)
      %add3A_88 = arith.constant 0 : i32
      %add3A_89 = arith.addi %mul3A_80, %add3A_88 : i32
      "tpu.region"() ({
        %run_scoped3A = tpu.sem_alloc : memref<!tpu.dma_semaphore, #tpu.memory_space<semaphore_mem>>
        %dma_start3A_198 = arith.constant 0 : i32
        %dma_start3A_199 = tpu.memref_slice %arg7[%add3A_89, %dma_start3A_198] : memref<80x128xi32, #tpu.memory_space<vmem>> -> memref<1x128xi32, #tpu.memory_space<vmem>>
        %dma_start3A_200 = tpu.memref_squeeze %dma_start3A_199 : memref<1x128xi32, #tpu.memory_space<vmem>> -> memref<128xi32, #tpu.memory_space<vmem>>
        %dma_start3A_201 = arith.constant 0 : i32
        %dma_start3A_202 = arith.constant 0 : i32
        %dma_start3A_203 = tpu.memref_slice %arg17[%dma_start3A_201, %dma_start3A_202] : memref<10112x32xf32, #tpu.memory_space<vmem_shared>> -> memref<10112x32xf32, #tpu.memory_space<vmem_shared>>
        tpu.enqueue_indirect_dma source(%arg8 : memref<128x32xf32, #tpu.memory_space<vmem>>) target(%dma_start3A_203 : memref<10112x32xf32, #tpu.memory_space<vmem_shared>>) offsets(%dma_start3A_200 : memref<128xi32, #tpu.memory_space<vmem>>) semaphore(%run_scoped3A : memref<!tpu.dma_semaphore, #tpu.memory_space<semaphore_mem>>) {add = true}
        %dma_wait3A_204 = arith.constant 0 : i32
        %dma_wait3A_205 = tpu.memref_slice %arg7[%add3A_89, %dma_wait3A_204] : memref<80x128xi32, #tpu.memory_space<vmem>> -> memref<1x128xi32, #tpu.memory_space<vmem>>
        %dma_wait3A_206 = tpu.memref_squeeze %dma_wait3A_205 : memref<1x128xi32, #tpu.memory_space<vmem>> -> memref<128xi32, #tpu.memory_space<vmem>>
        %dma_wait3A_207 = arith.constant 0 : i32
        %dma_wait3A_208 = arith.constant 0 : i32
        %dma_wait3A_209 = tpu.memref_slice %arg17[%dma_wait3A_207, %dma_wait3A_208] : memref<10112x32xf32, #tpu.memory_space<vmem_shared>> -> memref<10112x32xf32, #tpu.memory_space<vmem_shared>>
        tpu.wait_indirect_dma semaphore(%run_scoped3A : memref<!tpu.dma_semaphore, #tpu.memory_space<semaphore_mem>>) src(%arg8 : memref<128x32xf32, #tpu.memory_space<vmem>>) dst(%dma_wait3A_209 : memref<10112x32xf32, #tpu.memory_space<vmem_shared>>)
        tpu.yield
      }) : () -> ()
      %lt3A = arith.constant 9 : i32
      %lt3A_90 = arith.cmpi slt, %scan3A_77, %lt3A : i32
      %convert_element_type3A = arith.extui %lt3A_90 : i1 to i32
      %cond3A = arith.constant 0 : i32
      %cond3A_91 = arith.cmpi ne, %convert_element_type3A, %cond3A : i32
      scf.if %cond3A_91 {
        %add3A_198 = arith.constant 8 : i32
        %add3A_199 = arith.addi %mul3A_80, %add3A_198 : i32
        %add3A_200 = arith.constant 0 : i32
        %add3A_201 = arith.addi %add3A_199, %add3A_200 : i32
        %dma_start3A_202 = arith.constant 0 : i32
        %dma_start3A_203 = tpu.memref_slice %arg6[%add3A_201, %dma_start3A_202] : memref<80x128xi32, #tpu.memory_space<vmem>> -> memref<1x128xi32, #tpu.memory_space<vmem>>
        %dma_start3A_204 = tpu.memref_squeeze %dma_start3A_203 : memref<1x128xi32, #tpu.memory_space<vmem>> -> memref<128xi32, #tpu.memory_space<vmem>>
        %dma_start3A_205 = arith.constant 0 : i32
        %dma_start3A_206 = arith.constant 0 : i32
        %dma_start3A_207 = tpu.memref_slice %arg2[%dma_start3A_205, %dma_start3A_206] : memref<10000x32xf32, #tpu.memory_space<hbm>> -> memref<10000x32xf32, #tpu.memory_space<hbm>>
        tpu.enqueue_indirect_dma source(%dma_start3A_207 : memref<10000x32xf32, #tpu.memory_space<hbm>>) target(%arg8 : memref<128x32xf32, #tpu.memory_space<vmem>>) offsets(%dma_start3A_204 : memref<128xi32, #tpu.memory_space<vmem>>) semaphore(%arg18 : memref<!tpu.dma_semaphore, #tpu.memory_space<semaphore_mem>>)
      } else {
      }
      %add3A_92 = arith.constant 1 : i32
      %add3A_93 = arith.addi %mul3A_80, %add3A_92 : i32
      %dma_wait3A_94 = arith.constant 0 : i32
      %dma_wait3A_95 = tpu.memref_slice %arg6[%add3A_93, %dma_wait3A_94] : memref<80x128xi32, #tpu.memory_space<vmem>> -> memref<1x128xi32, #tpu.memory_space<vmem>>
      %dma_wait3A_96 = tpu.memref_squeeze %dma_wait3A_95 : memref<1x128xi32, #tpu.memory_space<vmem>> -> memref<128xi32, #tpu.memory_space<vmem>>
      %dma_wait3A_97 = arith.constant 0 : i32
      %dma_wait3A_98 = arith.constant 0 : i32
      %dma_wait3A_99 = tpu.memref_slice %arg2[%dma_wait3A_97, %dma_wait3A_98] : memref<10000x32xf32, #tpu.memory_space<hbm>> -> memref<10000x32xf32, #tpu.memory_space<hbm>>
      tpu.wait_indirect_dma semaphore(%arg19 : memref<!tpu.dma_semaphore, #tpu.memory_space<semaphore_mem>>) src(%dma_wait3A_99 : memref<10000x32xf32, #tpu.memory_space<hbm>>) dst(%arg9 : memref<128x32xf32, #tpu.memory_space<vmem>>)
      %add3A_100 = arith.constant 1 : i32
      %add3A_101 = arith.addi %mul3A_80, %add3A_100 : i32
      "tpu.region"() ({
        %run_scoped3A = tpu.sem_alloc : memref<!tpu.dma_semaphore, #tpu.memory_space<semaphore_mem>>
        %dma_start3A_198 = arith.constant 0 : i32
        %dma_start3A_199 = tpu.memref_slice %arg7[%add3A_101, %dma_start3A_198] : memref<80x128xi32, #tpu.memory_space<vmem>> -> memref<1x128xi32, #tpu.memory_space<vmem>>
        %dma_start3A_200 = tpu.memref_squeeze %dma_start3A_199 : memref<1x128xi32, #tpu.memory_space<vmem>> -> memref<128xi32, #tpu.memory_space<vmem>>
        %dma_start3A_201 = arith.constant 0 : i32
        %dma_start3A_202 = arith.constant 0 : i32
        %dma_start3A_203 = tpu.memref_slice %arg17[%dma_start3A_201, %dma_start3A_202] : memref<10112x32xf32, #tpu.memory_space<vmem_shared>> -> memref<10112x32xf32, #tpu.memory_space<vmem_shared>>
        tpu.enqueue_indirect_dma source(%arg9 : memref<128x32xf32, #tpu.memory_space<vmem>>) target(%dma_start3A_203 : memref<10112x32xf32, #tpu.memory_space<vmem_shared>>) offsets(%dma_start3A_200 : memref<128xi32, #tpu.memory_space<vmem>>) semaphore(%run_scoped3A : memref<!tpu.dma_semaphore, #tpu.memory_space<semaphore_mem>>) {add = true}
        %dma_wait3A_204 = arith.constant 0 : i32
        %dma_wait3A_205 = tpu.memref_slice %arg7[%add3A_101, %dma_wait3A_204] : memref<80x128xi32, #tpu.memory_space<vmem>> -> memref<1x128xi32, #tpu.memory_space<vmem>>
        %dma_wait3A_206 = tpu.memref_squeeze %dma_wait3A_205 : memref<1x128xi32, #tpu.memory_space<vmem>> -> memref<128xi32, #tpu.memory_space<vmem>>
        %dma_wait3A_207 = arith.constant 0 : i32
        %dma_wait3A_208 = arith.constant 0 : i32
        %dma_wait3A_209 = tpu.memref_slice %arg17[%dma_wait3A_207, %dma_wait3A_208] : memref<10112x32xf32, #tpu.memory_space<vmem_shared>> -> memref<10112x32xf32, #tpu.memory_space<vmem_shared>>
        tpu.wait_indirect_dma semaphore(%run_scoped3A : memref<!tpu.dma_semaphore, #tpu.memory_space<semaphore_mem>>) src(%arg9 : memref<128x32xf32, #tpu.memory_space<vmem>>) dst(%dma_wait3A_209 : memref<10112x32xf32, #tpu.memory_space<vmem_shared>>)
        tpu.yield
      }) : () -> ()
      %lt3A_102 = arith.constant 9 : i32
      %lt3A_103 = arith.cmpi slt, %scan3A_77, %lt3A_102 : i32
      %convert_element_type3A_104 = arith.extui %lt3A_103 : i1 to i32
      %cond3A_105 = arith.constant 0 : i32
      %cond3A_106 = arith.cmpi ne, %convert_element_type3A_104, %cond3A_105 : i32
      scf.if %cond3A_106 {
        %add3A_198 = arith.constant 8 : i32
        %add3A_199 = arith.addi %mul3A_80, %add3A_198 : i32
        %add3A_200 = arith.constant 1 : i32
        %add3A_201 = arith.addi %add3A_199, %add3A_200 : i32
        %dma_start3A_202 = arith.constant 0 : i32
        %dma_start3A_203 = tpu.memref_slice %arg6[%add3A_201, %dma_start3A_202] : memref<80x128xi32, #tpu.memory_space<vmem>> -> memref<1x128xi32, #tpu.memory_space<vmem>>
        %dma_start3A_204 = tpu.memref_squeeze %dma_start3A_203 : memref<1x128xi32, #tpu.memory_space<vmem>> -> memref<128xi32, #tpu.memory_space<vmem>>
        %dma_start3A_205 = arith.constant 0 : i32
        %dma_start3A_206 = arith.constant 0 : i32
        %dma_start3A_207 = tpu.memref_slice %arg2[%dma_start3A_205, %dma_start3A_206] : memref<10000x32xf32, #tpu.memory_space<hbm>> -> memref<10000x32xf32, #tpu.memory_space<hbm>>
        tpu.enqueue_indirect_dma source(%dma_start3A_207 : memref<10000x32xf32, #tpu.memory_space<hbm>>) target(%arg9 : memref<128x32xf32, #tpu.memory_space<vmem>>) offsets(%dma_start3A_204 : memref<128xi32, #tpu.memory_space<vmem>>) semaphore(%arg19 : memref<!tpu.dma_semaphore, #tpu.memory_space<semaphore_mem>>)
      } else {
      }
      %add3A_107 = arith.constant 2 : i32
      %add3A_108 = arith.addi %mul3A_80, %add3A_107 : i32
      %dma_wait3A_109 = arith.constant 0 : i32
      %dma_wait3A_110 = tpu.memref_slice %arg6[%add3A_108, %dma_wait3A_109] : memref<80x128xi32, #tpu.memory_space<vmem>> -> memref<1x128xi32, #tpu.memory_space<vmem>>
      %dma_wait3A_111 = tpu.memref_squeeze %dma_wait3A_110 : memref<1x128xi32, #tpu.memory_space<vmem>> -> memref<128xi32, #tpu.memory_space<vmem>>
      %dma_wait3A_112 = arith.constant 0 : i32
      %dma_wait3A_113 = arith.constant 0 : i32
      %dma_wait3A_114 = tpu.memref_slice %arg2[%dma_wait3A_112, %dma_wait3A_113] : memref<10000x32xf32, #tpu.memory_space<hbm>> -> memref<10000x32xf32, #tpu.memory_space<hbm>>
      tpu.wait_indirect_dma semaphore(%arg20 : memref<!tpu.dma_semaphore, #tpu.memory_space<semaphore_mem>>) src(%dma_wait3A_114 : memref<10000x32xf32, #tpu.memory_space<hbm>>) dst(%arg10 : memref<128x32xf32, #tpu.memory_space<vmem>>)
      %add3A_115 = arith.constant 2 : i32
      %add3A_116 = arith.addi %mul3A_80, %add3A_115 : i32
      "tpu.region"() ({
        %run_scoped3A = tpu.sem_alloc : memref<!tpu.dma_semaphore, #tpu.memory_space<semaphore_mem>>
        %dma_start3A_198 = arith.constant 0 : i32
        %dma_start3A_199 = tpu.memref_slice %arg7[%add3A_116, %dma_start3A_198] : memref<80x128xi32, #tpu.memory_space<vmem>> -> memref<1x128xi32, #tpu.memory_space<vmem>>
        %dma_start3A_200 = tpu.memref_squeeze %dma_start3A_199 : memref<1x128xi32, #tpu.memory_space<vmem>> -> memref<128xi32, #tpu.memory_space<vmem>>
        %dma_start3A_201 = arith.constant 0 : i32
        %dma_start3A_202 = arith.constant 0 : i32
        %dma_start3A_203 = tpu.memref_slice %arg17[%dma_start3A_201, %dma_start3A_202] : memref<10112x32xf32, #tpu.memory_space<vmem_shared>> -> memref<10112x32xf32, #tpu.memory_space<vmem_shared>>
        tpu.enqueue_indirect_dma source(%arg10 : memref<128x32xf32, #tpu.memory_space<vmem>>) target(%dma_start3A_203 : memref<10112x32xf32, #tpu.memory_space<vmem_shared>>) offsets(%dma_start3A_200 : memref<128xi32, #tpu.memory_space<vmem>>) semaphore(%run_scoped3A : memref<!tpu.dma_semaphore, #tpu.memory_space<semaphore_mem>>) {add = true}
        %dma_wait3A_204 = arith.constant 0 : i32
        %dma_wait3A_205 = tpu.memref_slice %arg7[%add3A_116, %dma_wait3A_204] : memref<80x128xi32, #tpu.memory_space<vmem>> -> memref<1x128xi32, #tpu.memory_space<vmem>>
        %dma_wait3A_206 = tpu.memref_squeeze %dma_wait3A_205 : memref<1x128xi32, #tpu.memory_space<vmem>> -> memref<128xi32, #tpu.memory_space<vmem>>
        %dma_wait3A_207 = arith.constant 0 : i32
        %dma_wait3A_208 = arith.constant 0 : i32
        %dma_wait3A_209 = tpu.memref_slice %arg17[%dma_wait3A_207, %dma_wait3A_208] : memref<10112x32xf32, #tpu.memory_space<vmem_shared>> -> memref<10112x32xf32, #tpu.memory_space<vmem_shared>>
        tpu.wait_indirect_dma semaphore(%run_scoped3A : memref<!tpu.dma_semaphore, #tpu.memory_space<semaphore_mem>>) src(%arg10 : memref<128x32xf32, #tpu.memory_space<vmem>>) dst(%dma_wait3A_209 : memref<10112x32xf32, #tpu.memory_space<vmem_shared>>)
        tpu.yield
      }) : () -> ()
      %lt3A_117 = arith.constant 9 : i32
      %lt3A_118 = arith.cmpi slt, %scan3A_77, %lt3A_117 : i32
      %convert_element_type3A_119 = arith.extui %lt3A_118 : i1 to i32
      %cond3A_120 = arith.constant 0 : i32
      %cond3A_121 = arith.cmpi ne, %convert_element_type3A_119, %cond3A_120 : i32
      scf.if %cond3A_121 {
        %add3A_198 = arith.constant 8 : i32
        %add3A_199 = arith.addi %mul3A_80, %add3A_198 : i32
        %add3A_200 = arith.constant 2 : i32
        %add3A_201 = arith.addi %add3A_199, %add3A_200 : i32
        %dma_start3A_202 = arith.constant 0 : i32
        %dma_start3A_203 = tpu.memref_slice %arg6[%add3A_201, %dma_start3A_202] : memref<80x128xi32, #tpu.memory_space<vmem>> -> memref<1x128xi32, #tpu.memory_space<vmem>>
        %dma_start3A_204 = tpu.memref_squeeze %dma_start3A_203 : memref<1x128xi32, #tpu.memory_space<vmem>> -> memref<128xi32, #tpu.memory_space<vmem>>
        %dma_start3A_205 = arith.constant 0 : i32
        %dma_start3A_206 = arith.constant 0 : i32
        %dma_start3A_207 = tpu.memref_slice %arg2[%dma_start3A_205, %dma_start3A_206] : memref<10000x32xf32, #tpu.memory_space<hbm>> -> memref<10000x32xf32, #tpu.memory_space<hbm>>
        tpu.enqueue_indirect_dma source(%dma_start3A_207 : memref<10000x32xf32, #tpu.memory_space<hbm>>) target(%arg10 : memref<128x32xf32, #tpu.memory_space<vmem>>) offsets(%dma_start3A_204 : memref<128xi32, #tpu.memory_space<vmem>>) semaphore(%arg20 : memref<!tpu.dma_semaphore, #tpu.memory_space<semaphore_mem>>)
      } else {
      }
      %add3A_122 = arith.constant 3 : i32
      %add3A_123 = arith.addi %mul3A_80, %add3A_122 : i32
      %dma_wait3A_124 = arith.constant 0 : i32
      %dma_wait3A_125 = tpu.memref_slice %arg6[%add3A_123, %dma_wait3A_124] : memref<80x128xi32, #tpu.memory_space<vmem>> -> memref<1x128xi32, #tpu.memory_space<vmem>>
      %dma_wait3A_126 = tpu.memref_squeeze %dma_wait3A_125 : memref<1x128xi32, #tpu.memory_space<vmem>> -> memref<128xi32, #tpu.memory_space<vmem>>
      %dma_wait3A_127 = arith.constant 0 : i32
      %dma_wait3A_128 = arith.constant 0 : i32
      %dma_wait3A_129 = tpu.memref_slice %arg2[%dma_wait3A_127, %dma_wait3A_128] : memref<10000x32xf32, #tpu.memory_space<hbm>> -> memref<10000x32xf32, #tpu.memory_space<hbm>>
      tpu.wait_indirect_dma semaphore(%arg21 : memref<!tpu.dma_semaphore, #tpu.memory_space<semaphore_mem>>) src(%dma_wait3A_129 : memref<10000x32xf32, #tpu.memory_space<hbm>>) dst(%arg11 : memref<128x32xf32, #tpu.memory_space<vmem>>)
      %add3A_130 = arith.constant 3 : i32
      %add3A_131 = arith.addi %mul3A_80, %add3A_130 : i32
      "tpu.region"() ({
        %run_scoped3A = tpu.sem_alloc : memref<!tpu.dma_semaphore, #tpu.memory_space<semaphore_mem>>
        %dma_start3A_198 = arith.constant 0 : i32
        %dma_start3A_199 = tpu.memref_slice %arg7[%add3A_131, %dma_start3A_198] : memref<80x128xi32, #tpu.memory_space<vmem>> -> memref<1x128xi32, #tpu.memory_space<vmem>>
        %dma_start3A_200 = tpu.memref_squeeze %dma_start3A_199 : memref<1x128xi32, #tpu.memory_space<vmem>> -> memref<128xi32, #tpu.memory_space<vmem>>
        %dma_start3A_201 = arith.constant 0 : i32
        %dma_start3A_202 = arith.constant 0 : i32
        %dma_start3A_203 = tpu.memref_slice %arg17[%dma_start3A_201, %dma_start3A_202] : memref<10112x32xf32, #tpu.memory_space<vmem_shared>> -> memref<10112x32xf32, #tpu.memory_space<vmem_shared>>
        tpu.enqueue_indirect_dma source(%arg11 : memref<128x32xf32, #tpu.memory_space<vmem>>) target(%dma_start3A_203 : memref<10112x32xf32, #tpu.memory_space<vmem_shared>>) offsets(%dma_start3A_200 : memref<128xi32, #tpu.memory_space<vmem>>) semaphore(%run_scoped3A : memref<!tpu.dma_semaphore, #tpu.memory_space<semaphore_mem>>) {add = true}
        %dma_wait3A_204 = arith.constant 0 : i32
        %dma_wait3A_205 = tpu.memref_slice %arg7[%add3A_131, %dma_wait3A_204] : memref<80x128xi32, #tpu.memory_space<vmem>> -> memref<1x128xi32, #tpu.memory_space<vmem>>
        %dma_wait3A_206 = tpu.memref_squeeze %dma_wait3A_205 : memref<1x128xi32, #tpu.memory_space<vmem>> -> memref<128xi32, #tpu.memory_space<vmem>>
        %dma_wait3A_207 = arith.constant 0 : i32
        %dma_wait3A_208 = arith.constant 0 : i32
        %dma_wait3A_209 = tpu.memref_slice %arg17[%dma_wait3A_207, %dma_wait3A_208] : memref<10112x32xf32, #tpu.memory_space<vmem_shared>> -> memref<10112x32xf32, #tpu.memory_space<vmem_shared>>
        tpu.wait_indirect_dma semaphore(%run_scoped3A : memref<!tpu.dma_semaphore, #tpu.memory_space<semaphore_mem>>) src(%arg11 : memref<128x32xf32, #tpu.memory_space<vmem>>) dst(%dma_wait3A_209 : memref<10112x32xf32, #tpu.memory_space<vmem_shared>>)
        tpu.yield
      }) : () -> ()
      %lt3A_132 = arith.constant 9 : i32
      %lt3A_133 = arith.cmpi slt, %scan3A_77, %lt3A_132 : i32
      %convert_element_type3A_134 = arith.extui %lt3A_133 : i1 to i32
      %cond3A_135 = arith.constant 0 : i32
      %cond3A_136 = arith.cmpi ne, %convert_element_type3A_134, %cond3A_135 : i32
      scf.if %cond3A_136 {
        %add3A_198 = arith.constant 8 : i32
        %add3A_199 = arith.addi %mul3A_80, %add3A_198 : i32
        %add3A_200 = arith.constant 3 : i32
        %add3A_201 = arith.addi %add3A_199, %add3A_200 : i32
        %dma_start3A_202 = arith.constant 0 : i32
        %dma_start3A_203 = tpu.memref_slice %arg6[%add3A_201, %dma_start3A_202] : memref<80x128xi32, #tpu.memory_space<vmem>> -> memref<1x128xi32, #tpu.memory_space<vmem>>
        %dma_start3A_204 = tpu.memref_squeeze %dma_start3A_203 : memref<1x128xi32, #tpu.memory_space<vmem>> -> memref<128xi32, #tpu.memory_space<vmem>>
        %dma_start3A_205 = arith.constant 0 : i32
        %dma_start3A_206 = arith.constant 0 : i32
        %dma_start3A_207 = tpu.memref_slice %arg2[%dma_start3A_205, %dma_start3A_206] : memref<10000x32xf32, #tpu.memory_space<hbm>> -> memref<10000x32xf32, #tpu.memory_space<hbm>>
        tpu.enqueue_indirect_dma source(%dma_start3A_207 : memref<10000x32xf32, #tpu.memory_space<hbm>>) target(%arg11 : memref<128x32xf32, #tpu.memory_space<vmem>>) offsets(%dma_start3A_204 : memref<128xi32, #tpu.memory_space<vmem>>) semaphore(%arg21 : memref<!tpu.dma_semaphore, #tpu.memory_space<semaphore_mem>>)
      } else {
      }
      %add3A_137 = arith.constant 4 : i32
      %add3A_138 = arith.addi %mul3A_80, %add3A_137 : i32
      %dma_wait3A_139 = arith.constant 0 : i32
      %dma_wait3A_140 = tpu.memref_slice %arg6[%add3A_138, %dma_wait3A_139] : memref<80x128xi32, #tpu.memory_space<vmem>> -> memref<1x128xi32, #tpu.memory_space<vmem>>
      %dma_wait3A_141 = tpu.memref_squeeze %dma_wait3A_140 : memref<1x128xi32, #tpu.memory_space<vmem>> -> memref<128xi32, #tpu.memory_space<vmem>>
      %dma_wait3A_142 = arith.constant 0 : i32
      %dma_wait3A_143 = arith.constant 0 : i32
      %dma_wait3A_144 = tpu.memref_slice %arg2[%dma_wait3A_142, %dma_wait3A_143] : memref<10000x32xf32, #tpu.memory_space<hbm>> -> memref<10000x32xf32, #tpu.memory_space<hbm>>
      tpu.wait_indirect_dma semaphore(%arg22 : memref<!tpu.dma_semaphore, #tpu.memory_space<semaphore_mem>>) src(%dma_wait3A_144 : memref<10000x32xf32, #tpu.memory_space<hbm>>) dst(%arg12 : memref<128x32xf32, #tpu.memory_space<vmem>>)
      %add3A_145 = arith.constant 4 : i32
      %add3A_146 = arith.addi %mul3A_80, %add3A_145 : i32
      "tpu.region"() ({
        %run_scoped3A = tpu.sem_alloc : memref<!tpu.dma_semaphore, #tpu.memory_space<semaphore_mem>>
        %dma_start3A_198 = arith.constant 0 : i32
        %dma_start3A_199 = tpu.memref_slice %arg7[%add3A_146, %dma_start3A_198] : memref<80x128xi32, #tpu.memory_space<vmem>> -> memref<1x128xi32, #tpu.memory_space<vmem>>
        %dma_start3A_200 = tpu.memref_squeeze %dma_start3A_199 : memref<1x128xi32, #tpu.memory_space<vmem>> -> memref<128xi32, #tpu.memory_space<vmem>>
        %dma_start3A_201 = arith.constant 0 : i32
        %dma_start3A_202 = arith.constant 0 : i32
        %dma_start3A_203 = tpu.memref_slice %arg17[%dma_start3A_201, %dma_start3A_202] : memref<10112x32xf32, #tpu.memory_space<vmem_shared>> -> memref<10112x32xf32, #tpu.memory_space<vmem_shared>>
        tpu.enqueue_indirect_dma source(%arg12 : memref<128x32xf32, #tpu.memory_space<vmem>>) target(%dma_start3A_203 : memref<10112x32xf32, #tpu.memory_space<vmem_shared>>) offsets(%dma_start3A_200 : memref<128xi32, #tpu.memory_space<vmem>>) semaphore(%run_scoped3A : memref<!tpu.dma_semaphore, #tpu.memory_space<semaphore_mem>>) {add = true}
        %dma_wait3A_204 = arith.constant 0 : i32
        %dma_wait3A_205 = tpu.memref_slice %arg7[%add3A_146, %dma_wait3A_204] : memref<80x128xi32, #tpu.memory_space<vmem>> -> memref<1x128xi32, #tpu.memory_space<vmem>>
        %dma_wait3A_206 = tpu.memref_squeeze %dma_wait3A_205 : memref<1x128xi32, #tpu.memory_space<vmem>> -> memref<128xi32, #tpu.memory_space<vmem>>
        %dma_wait3A_207 = arith.constant 0 : i32
        %dma_wait3A_208 = arith.constant 0 : i32
        %dma_wait3A_209 = tpu.memref_slice %arg17[%dma_wait3A_207, %dma_wait3A_208] : memref<10112x32xf32, #tpu.memory_space<vmem_shared>> -> memref<10112x32xf32, #tpu.memory_space<vmem_shared>>
        tpu.wait_indirect_dma semaphore(%run_scoped3A : memref<!tpu.dma_semaphore, #tpu.memory_space<semaphore_mem>>) src(%arg12 : memref<128x32xf32, #tpu.memory_space<vmem>>) dst(%dma_wait3A_209 : memref<10112x32xf32, #tpu.memory_space<vmem_shared>>)
        tpu.yield
      }) : () -> ()
      %lt3A_147 = arith.constant 9 : i32
      %lt3A_148 = arith.cmpi slt, %scan3A_77, %lt3A_147 : i32
      %convert_element_type3A_149 = arith.extui %lt3A_148 : i1 to i32
      %cond3A_150 = arith.constant 0 : i32
      %cond3A_151 = arith.cmpi ne, %convert_element_type3A_149, %cond3A_150 : i32
      scf.if %cond3A_151 {
        %add3A_198 = arith.constant 8 : i32
        %add3A_199 = arith.addi %mul3A_80, %add3A_198 : i32
        %add3A_200 = arith.constant 4 : i32
        %add3A_201 = arith.addi %add3A_199, %add3A_200 : i32
        %dma_start3A_202 = arith.constant 0 : i32
        %dma_start3A_203 = tpu.memref_slice %arg6[%add3A_201, %dma_start3A_202] : memref<80x128xi32, #tpu.memory_space<vmem>> -> memref<1x128xi32, #tpu.memory_space<vmem>>
        %dma_start3A_204 = tpu.memref_squeeze %dma_start3A_203 : memref<1x128xi32, #tpu.memory_space<vmem>> -> memref<128xi32, #tpu.memory_space<vmem>>
        %dma_start3A_205 = arith.constant 0 : i32
        %dma_start3A_206 = arith.constant 0 : i32
        %dma_start3A_207 = tpu.memref_slice %arg2[%dma_start3A_205, %dma_start3A_206] : memref<10000x32xf32, #tpu.memory_space<hbm>> -> memref<10000x32xf32, #tpu.memory_space<hbm>>
        tpu.enqueue_indirect_dma source(%dma_start3A_207 : memref<10000x32xf32, #tpu.memory_space<hbm>>) target(%arg12 : memref<128x32xf32, #tpu.memory_space<vmem>>) offsets(%dma_start3A_204 : memref<128xi32, #tpu.memory_space<vmem>>) semaphore(%arg22 : memref<!tpu.dma_semaphore, #tpu.memory_space<semaphore_mem>>)
      } else {
      }
      %add3A_152 = arith.constant 5 : i32
      %add3A_153 = arith.addi %mul3A_80, %add3A_152 : i32
      %dma_wait3A_154 = arith.constant 0 : i32
      %dma_wait3A_155 = tpu.memref_slice %arg6[%add3A_153, %dma_wait3A_154] : memref<80x128xi32, #tpu.memory_space<vmem>> -> memref<1x128xi32, #tpu.memory_space<vmem>>
      %dma_wait3A_156 = tpu.memref_squeeze %dma_wait3A_155 : memref<1x128xi32, #tpu.memory_space<vmem>> -> memref<128xi32, #tpu.memory_space<vmem>>
      %dma_wait3A_157 = arith.constant 0 : i32
      %dma_wait3A_158 = arith.constant 0 : i32
      %dma_wait3A_159 = tpu.memref_slice %arg2[%dma_wait3A_157, %dma_wait3A_158] : memref<10000x32xf32, #tpu.memory_space<hbm>> -> memref<10000x32xf32, #tpu.memory_space<hbm>>
      tpu.wait_indirect_dma semaphore(%arg23 : memref<!tpu.dma_semaphore, #tpu.memory_space<semaphore_mem>>) src(%dma_wait3A_159 : memref<10000x32xf32, #tpu.memory_space<hbm>>) dst(%arg13 : memref<128x32xf32, #tpu.memory_space<vmem>>)
      %add3A_160 = arith.constant 5 : i32
      %add3A_161 = arith.addi %mul3A_80, %add3A_160 : i32
      "tpu.region"() ({
        %run_scoped3A = tpu.sem_alloc : memref<!tpu.dma_semaphore, #tpu.memory_space<semaphore_mem>>
        %dma_start3A_198 = arith.constant 0 : i32
        %dma_start3A_199 = tpu.memref_slice %arg7[%add3A_161, %dma_start3A_198] : memref<80x128xi32, #tpu.memory_space<vmem>> -> memref<1x128xi32, #tpu.memory_space<vmem>>
        %dma_start3A_200 = tpu.memref_squeeze %dma_start3A_199 : memref<1x128xi32, #tpu.memory_space<vmem>> -> memref<128xi32, #tpu.memory_space<vmem>>
        %dma_start3A_201 = arith.constant 0 : i32
        %dma_start3A_202 = arith.constant 0 : i32
        %dma_start3A_203 = tpu.memref_slice %arg17[%dma_start3A_201, %dma_start3A_202] : memref<10112x32xf32, #tpu.memory_space<vmem_shared>> -> memref<10112x32xf32, #tpu.memory_space<vmem_shared>>
        tpu.enqueue_indirect_dma source(%arg13 : memref<128x32xf32, #tpu.memory_space<vmem>>) target(%dma_start3A_203 : memref<10112x32xf32, #tpu.memory_space<vmem_shared>>) offsets(%dma_start3A_200 : memref<128xi32, #tpu.memory_space<vmem>>) semaphore(%run_scoped3A : memref<!tpu.dma_semaphore, #tpu.memory_space<semaphore_mem>>) {add = true}
        %dma_wait3A_204 = arith.constant 0 : i32
        %dma_wait3A_205 = tpu.memref_slice %arg7[%add3A_161, %dma_wait3A_204] : memref<80x128xi32, #tpu.memory_space<vmem>> -> memref<1x128xi32, #tpu.memory_space<vmem>>
        %dma_wait3A_206 = tpu.memref_squeeze %dma_wait3A_205 : memref<1x128xi32, #tpu.memory_space<vmem>> -> memref<128xi32, #tpu.memory_space<vmem>>
        %dma_wait3A_207 = arith.constant 0 : i32
        %dma_wait3A_208 = arith.constant 0 : i32
        %dma_wait3A_209 = tpu.memref_slice %arg17[%dma_wait3A_207, %dma_wait3A_208] : memref<10112x32xf32, #tpu.memory_space<vmem_shared>> -> memref<10112x32xf32, #tpu.memory_space<vmem_shared>>
        tpu.wait_indirect_dma semaphore(%run_scoped3A : memref<!tpu.dma_semaphore, #tpu.memory_space<semaphore_mem>>) src(%arg13 : memref<128x32xf32, #tpu.memory_space<vmem>>) dst(%dma_wait3A_209 : memref<10112x32xf32, #tpu.memory_space<vmem_shared>>)
        tpu.yield
      }) : () -> ()
      %lt3A_162 = arith.constant 9 : i32
      %lt3A_163 = arith.cmpi slt, %scan3A_77, %lt3A_162 : i32
      %convert_element_type3A_164 = arith.extui %lt3A_163 : i1 to i32
      %cond3A_165 = arith.constant 0 : i32
      %cond3A_166 = arith.cmpi ne, %convert_element_type3A_164, %cond3A_165 : i32
      scf.if %cond3A_166 {
        %add3A_198 = arith.constant 8 : i32
        %add3A_199 = arith.addi %mul3A_80, %add3A_198 : i32
        %add3A_200 = arith.constant 5 : i32
        %add3A_201 = arith.addi %add3A_199, %add3A_200 : i32
        %dma_start3A_202 = arith.constant 0 : i32
        %dma_start3A_203 = tpu.memref_slice %arg6[%add3A_201, %dma_start3A_202] : memref<80x128xi32, #tpu.memory_space<vmem>> -> memref<1x128xi32, #tpu.memory_space<vmem>>
        %dma_start3A_204 = tpu.memref_squeeze %dma_start3A_203 : memref<1x128xi32, #tpu.memory_space<vmem>> -> memref<128xi32, #tpu.memory_space<vmem>>
        %dma_start3A_205 = arith.constant 0 : i32
        %dma_start3A_206 = arith.constant 0 : i32
        %dma_start3A_207 = tpu.memref_slice %arg2[%dma_start3A_205, %dma_start3A_206] : memref<10000x32xf32, #tpu.memory_space<hbm>> -> memref<10000x32xf32, #tpu.memory_space<hbm>>
        tpu.enqueue_indirect_dma source(%dma_start3A_207 : memref<10000x32xf32, #tpu.memory_space<hbm>>) target(%arg13 : memref<128x32xf32, #tpu.memory_space<vmem>>) offsets(%dma_start3A_204 : memref<128xi32, #tpu.memory_space<vmem>>) semaphore(%arg23 : memref<!tpu.dma_semaphore, #tpu.memory_space<semaphore_mem>>)
      } else {
      }
      %add3A_167 = arith.constant 6 : i32
      %add3A_168 = arith.addi %mul3A_80, %add3A_167 : i32
      %dma_wait3A_169 = arith.constant 0 : i32
      %dma_wait3A_170 = tpu.memref_slice %arg6[%add3A_168, %dma_wait3A_169] : memref<80x128xi32, #tpu.memory_space<vmem>> -> memref<1x128xi32, #tpu.memory_space<vmem>>
      %dma_wait3A_171 = tpu.memref_squeeze %dma_wait3A_170 : memref<1x128xi32, #tpu.memory_space<vmem>> -> memref<128xi32, #tpu.memory_space<vmem>>
      %dma_wait3A_172 = arith.constant 0 : i32
      %dma_wait3A_173 = arith.constant 0 : i32
      %dma_wait3A_174 = tpu.memref_slice %arg2[%dma_wait3A_172, %dma_wait3A_173] : memref<10000x32xf32, #tpu.memory_space<hbm>> -> memref<10000x32xf32, #tpu.memory_space<hbm>>
      tpu.wait_indirect_dma semaphore(%arg24 : memref<!tpu.dma_semaphore, #tpu.memory_space<semaphore_mem>>) src(%dma_wait3A_174 : memref<10000x32xf32, #tpu.memory_space<hbm>>) dst(%arg14 : memref<128x32xf32, #tpu.memory_space<vmem>>)
      %add3A_175 = arith.constant 6 : i32
      %add3A_176 = arith.addi %mul3A_80, %add3A_175 : i32
      "tpu.region"() ({
        %run_scoped3A = tpu.sem_alloc : memref<!tpu.dma_semaphore, #tpu.memory_space<semaphore_mem>>
        %dma_start3A_198 = arith.constant 0 : i32
        %dma_start3A_199 = tpu.memref_slice %arg7[%add3A_176, %dma_start3A_198] : memref<80x128xi32, #tpu.memory_space<vmem>> -> memref<1x128xi32, #tpu.memory_space<vmem>>
        %dma_start3A_200 = tpu.memref_squeeze %dma_start3A_199 : memref<1x128xi32, #tpu.memory_space<vmem>> -> memref<128xi32, #tpu.memory_space<vmem>>
        %dma_start3A_201 = arith.constant 0 : i32
        %dma_start3A_202 = arith.constant 0 : i32
        %dma_start3A_203 = tpu.memref_slice %arg17[%dma_start3A_201, %dma_start3A_202] : memref<10112x32xf32, #tpu.memory_space<vmem_shared>> -> memref<10112x32xf32, #tpu.memory_space<vmem_shared>>
        tpu.enqueue_indirect_dma source(%arg14 : memref<128x32xf32, #tpu.memory_space<vmem>>) target(%dma_start3A_203 : memref<10112x32xf32, #tpu.memory_space<vmem_shared>>) offsets(%dma_start3A_200 : memref<128xi32, #tpu.memory_space<vmem>>) semaphore(%run_scoped3A : memref<!tpu.dma_semaphore, #tpu.memory_space<semaphore_mem>>) {add = true}
        %dma_wait3A_204 = arith.constant 0 : i32
        %dma_wait3A_205 = tpu.memref_slice %arg7[%add3A_176, %dma_wait3A_204] : memref<80x128xi32, #tpu.memory_space<vmem>> -> memref<1x128xi32, #tpu.memory_space<vmem>>
        %dma_wait3A_206 = tpu.memref_squeeze %dma_wait3A_205 : memref<1x128xi32, #tpu.memory_space<vmem>> -> memref<128xi32, #tpu.memory_space<vmem>>
        %dma_wait3A_207 = arith.constant 0 : i32
        %dma_wait3A_208 = arith.constant 0 : i32
        %dma_wait3A_209 = tpu.memref_slice %arg17[%dma_wait3A_207, %dma_wait3A_208] : memref<10112x32xf32, #tpu.memory_space<vmem_shared>> -> memref<10112x32xf32, #tpu.memory_space<vmem_shared>>
        tpu.wait_indirect_dma semaphore(%run_scoped3A : memref<!tpu.dma_semaphore, #tpu.memory_space<semaphore_mem>>) src(%arg14 : memref<128x32xf32, #tpu.memory_space<vmem>>) dst(%dma_wait3A_209 : memref<10112x32xf32, #tpu.memory_space<vmem_shared>>)
        tpu.yield
      }) : () -> ()
      %lt3A_177 = arith.constant 9 : i32
      %lt3A_178 = arith.cmpi slt, %scan3A_77, %lt3A_177 : i32
      %convert_element_type3A_179 = arith.extui %lt3A_178 : i1 to i32
      %cond3A_180 = arith.constant 0 : i32
      %cond3A_181 = arith.cmpi ne, %convert_element_type3A_179, %cond3A_180 : i32
      scf.if %cond3A_181 {
        %add3A_198 = arith.constant 8 : i32
        %add3A_199 = arith.addi %mul3A_80, %add3A_198 : i32
        %add3A_200 = arith.constant 6 : i32
        %add3A_201 = arith.addi %add3A_199, %add3A_200 : i32
        %dma_start3A_202 = arith.constant 0 : i32
        %dma_start3A_203 = tpu.memref_slice %arg6[%add3A_201, %dma_start3A_202] : memref<80x128xi32, #tpu.memory_space<vmem>> -> memref<1x128xi32, #tpu.memory_space<vmem>>
        %dma_start3A_204 = tpu.memref_squeeze %dma_start3A_203 : memref<1x128xi32, #tpu.memory_space<vmem>> -> memref<128xi32, #tpu.memory_space<vmem>>
        %dma_start3A_205 = arith.constant 0 : i32
        %dma_start3A_206 = arith.constant 0 : i32
        %dma_start3A_207 = tpu.memref_slice %arg2[%dma_start3A_205, %dma_start3A_206] : memref<10000x32xf32, #tpu.memory_space<hbm>> -> memref<10000x32xf32, #tpu.memory_space<hbm>>
        tpu.enqueue_indirect_dma source(%dma_start3A_207 : memref<10000x32xf32, #tpu.memory_space<hbm>>) target(%arg14 : memref<128x32xf32, #tpu.memory_space<vmem>>) offsets(%dma_start3A_204 : memref<128xi32, #tpu.memory_space<vmem>>) semaphore(%arg24 : memref<!tpu.dma_semaphore, #tpu.memory_space<semaphore_mem>>)
      } else {
      }
      %add3A_182 = arith.constant 7 : i32
      %add3A_183 = arith.addi %mul3A_80, %add3A_182 : i32
      %dma_wait3A_184 = arith.constant 0 : i32
      %dma_wait3A_185 = tpu.memref_slice %arg6[%add3A_183, %dma_wait3A_184] : memref<80x128xi32, #tpu.memory_space<vmem>> -> memref<1x128xi32, #tpu.memory_space<vmem>>
      %dma_wait3A_186 = tpu.memref_squeeze %dma_wait3A_185 : memref<1x128xi32, #tpu.memory_space<vmem>> -> memref<128xi32, #tpu.memory_space<vmem>>
      %dma_wait3A_187 = arith.constant 0 : i32
      %dma_wait3A_188 = arith.constant 0 : i32
      %dma_wait3A_189 = tpu.memref_slice %arg2[%dma_wait3A_187, %dma_wait3A_188] : memref<10000x32xf32, #tpu.memory_space<hbm>> -> memref<10000x32xf32, #tpu.memory_space<hbm>>
      tpu.wait_indirect_dma semaphore(%arg25 : memref<!tpu.dma_semaphore, #tpu.memory_space<semaphore_mem>>) src(%dma_wait3A_189 : memref<10000x32xf32, #tpu.memory_space<hbm>>) dst(%arg15 : memref<128x32xf32, #tpu.memory_space<vmem>>)
      %add3A_190 = arith.constant 7 : i32
      %add3A_191 = arith.addi %mul3A_80, %add3A_190 : i32
      "tpu.region"() ({
        %run_scoped3A = tpu.sem_alloc : memref<!tpu.dma_semaphore, #tpu.memory_space<semaphore_mem>>
        %dma_start3A_198 = arith.constant 0 : i32
        %dma_start3A_199 = tpu.memref_slice %arg7[%add3A_191, %dma_start3A_198] : memref<80x128xi32, #tpu.memory_space<vmem>> -> memref<1x128xi32, #tpu.memory_space<vmem>>
        %dma_start3A_200 = tpu.memref_squeeze %dma_start3A_199 : memref<1x128xi32, #tpu.memory_space<vmem>> -> memref<128xi32, #tpu.memory_space<vmem>>
        %dma_start3A_201 = arith.constant 0 : i32
        %dma_start3A_202 = arith.constant 0 : i32
        %dma_start3A_203 = tpu.memref_slice %arg17[%dma_start3A_201, %dma_start3A_202] : memref<10112x32xf32, #tpu.memory_space<vmem_shared>> -> memref<10112x32xf32, #tpu.memory_space<vmem_shared>>
        tpu.enqueue_indirect_dma source(%arg15 : memref<128x32xf32, #tpu.memory_space<vmem>>) target(%dma_start3A_203 : memref<10112x32xf32, #tpu.memory_space<vmem_shared>>) offsets(%dma_start3A_200 : memref<128xi32, #tpu.memory_space<vmem>>) semaphore(%run_scoped3A : memref<!tpu.dma_semaphore, #tpu.memory_space<semaphore_mem>>) {add = true}
        %dma_wait3A_204 = arith.constant 0 : i32
        %dma_wait3A_205 = tpu.memref_slice %arg7[%add3A_191, %dma_wait3A_204] : memref<80x128xi32, #tpu.memory_space<vmem>> -> memref<1x128xi32, #tpu.memory_space<vmem>>
        %dma_wait3A_206 = tpu.memref_squeeze %dma_wait3A_205 : memref<1x128xi32, #tpu.memory_space<vmem>> -> memref<128xi32, #tpu.memory_space<vmem>>
        %dma_wait3A_207 = arith.constant 0 : i32
        %dma_wait3A_208 = arith.constant 0 : i32
        %dma_wait3A_209 = tpu.memref_slice %arg17[%dma_wait3A_207, %dma_wait3A_208] : memref<10112x32xf32, #tpu.memory_space<vmem_shared>> -> memref<10112x32xf32, #tpu.memory_space<vmem_shared>>
        tpu.wait_indirect_dma semaphore(%run_scoped3A : memref<!tpu.dma_semaphore, #tpu.memory_space<semaphore_mem>>) src(%arg15 : memref<128x32xf32, #tpu.memory_space<vmem>>) dst(%dma_wait3A_209 : memref<10112x32xf32, #tpu.memory_space<vmem_shared>>)
        tpu.yield
      }) : () -> ()
      %lt3A_192 = arith.constant 9 : i32
      %lt3A_193 = arith.cmpi slt, %scan3A_77, %lt3A_192 : i32
      %convert_element_type3A_194 = arith.extui %lt3A_193 : i1 to i32
      %cond3A_195 = arith.constant 0 : i32
      %cond3A_196 = arith.cmpi ne, %convert_element_type3A_194, %cond3A_195 : i32
      scf.if %cond3A_196 {
        %add3A_198 = arith.constant 8 : i32
        %add3A_199 = arith.addi %mul3A_80, %add3A_198 : i32
        %add3A_200 = arith.constant 7 : i32
        %add3A_201 = arith.addi %add3A_199, %add3A_200 : i32
        %dma_start3A_202 = arith.constant 0 : i32
        %dma_start3A_203 = tpu.memref_slice %arg6[%add3A_201, %dma_start3A_202] : memref<80x128xi32, #tpu.memory_space<vmem>> -> memref<1x128xi32, #tpu.memory_space<vmem>>
        %dma_start3A_204 = tpu.memref_squeeze %dma_start3A_203 : memref<1x128xi32, #tpu.memory_space<vmem>> -> memref<128xi32, #tpu.memory_space<vmem>>
        %dma_start3A_205 = arith.constant 0 : i32
        %dma_start3A_206 = arith.constant 0 : i32
        %dma_start3A_207 = tpu.memref_slice %arg2[%dma_start3A_205, %dma_start3A_206] : memref<10000x32xf32, #tpu.memory_space<hbm>> -> memref<10000x32xf32, #tpu.memory_space<hbm>>
        tpu.enqueue_indirect_dma source(%dma_start3A_207 : memref<10000x32xf32, #tpu.memory_space<hbm>>) target(%arg15 : memref<128x32xf32, #tpu.memory_space<vmem>>) offsets(%dma_start3A_204 : memref<128xi32, #tpu.memory_space<vmem>>) semaphore(%arg25 : memref<!tpu.dma_semaphore, #tpu.memory_space<semaphore_mem>>)
      } else {
      }
      %scan3A_197 = arith.constant 0 : i32
      scf.yield %scan3A_197 : i32
    }
    %scan3A_71 = arith.constant 10 : i32
    %barrier3A_72 = arith.constant 0 : index
    tpu.barrier barrier_id(%barrier3A_72)
    %mul3A_73 = arith.constant 632 : i32
    %mul3A_74 = arith.muli %arg1, %mul3A_73 : i32
    %mul3A_75 = arith.constant 632 : i32
    %mul3A_76 = arith.muli %arg1, %mul3A_75 : i32
    "tpu.region"() ({
      %run_scoped3A = tpu.sem_alloc : memref<!tpu.dma_semaphore, #tpu.memory_space<semaphore_mem>>
      %dma_start3A_77 = arith.constant 0 : i32
      %dma_start3A_78 = tpu.memref_slice %arg5[%arg0, %mul3A_76, %dma_start3A_77] : memref<2x10112x32xf32, #tpu.memory_space<hbm>> -> memref<1x632x32xf32, #tpu.memory_space<hbm>>
      %dma_start3A_79 = tpu.memref_squeeze %dma_start3A_78 : memref<1x632x32xf32, #tpu.memory_space<hbm>> -> memref<632x32xf32, #tpu.memory_space<hbm>>
      %dma_start3A_80 = arith.constant 0 : i32
      %dma_start3A_81 = tpu.memref_slice %arg17[%mul3A_74, %dma_start3A_80] : memref<10112x32xf32, #tpu.memory_space<vmem_shared>> -> memref<632x32xf32, #tpu.memory_space<vmem_shared>>
      tpu.enqueue_dma source(%dma_start3A_81 : memref<632x32xf32, #tpu.memory_space<vmem_shared>>) target(%dma_start3A_79 : memref<632x32xf32, #tpu.memory_space<hbm>>) target_semaphore(%run_scoped3A : memref<!tpu.dma_semaphore, #tpu.memory_space<semaphore_mem>>)
      %dma_wait3A = arith.constant 0 : i32
      %dma_wait3A_82 = tpu.memref_slice %arg5[%arg0, %mul3A_76, %dma_wait3A] : memref<2x10112x32xf32, #tpu.memory_space<hbm>> -> memref<1x632x32xf32, #tpu.memory_space<hbm>>
      %dma_wait3A_83 = tpu.memref_squeeze %dma_wait3A_82 : memref<1x632x32xf32, #tpu.memory_space<hbm>> -> memref<632x32xf32, #tpu.memory_space<hbm>>
      %dma_wait3A_84 = arith.constant 0 : i32
      %dma_wait3A_85 = tpu.memref_slice %arg17[%mul3A_74, %dma_wait3A_84] : memref<10112x32xf32, #tpu.memory_space<vmem_shared>> -> memref<632x32xf32, #tpu.memory_space<vmem_shared>>
      tpu.wait_dma2 semaphore(%run_scoped3A : memref<!tpu.dma_semaphore, #tpu.memory_space<semaphore_mem>>) src(%dma_wait3A_85 : memref<632x32xf32, #tpu.memory_space<vmem_shared>>) dst(%dma_wait3A_83 : memref<632x32xf32, #tpu.memory_space<hbm>>)
      tpu.yield
    }) : () -> ()
    return
  }
}

#map = affine_map<(d0, d1) -> (0)>
module attributes {stable_mosaic.version = 14 : i64} {
  func.func @_sc_degree(%arg0: i32, %arg1: i32, %arg2: memref<327680xi32, #tpu.memory_space<hbm>>, %arg3: memref<327680xf32, #tpu.memory_space<hbm>>, %arg4: memref<10240xi32, #tpu.memory_space<vmem>>, %arg5: memref<10240xf32, #tpu.memory_space<vmem>>) attributes {dimension_semantics = [#tpu.dimension_semantics<core_parallel>, #tpu.dimension_semantics<subcore_parallel>], iteration_bounds = array<i64: 2, 16>, scalar_prefetch = 0 : i64, scratch_operands = 2 : i64, tpu.core_type = #tpu.core_type<sc_vector_subcore>, window_params = [{transform_indices = #map}, {transform_indices = #map}]} {
    %mul3A = arith.constant 16 : i32
    %mul3A_0 = arith.muli %arg0, %mul3A : i32
    %add3A = arith.addi %mul3A_0, %arg1 : i32
    %broadcast_in_dim3A = arith.constant 0.000000e+00 : f32
    %broadcast_in_dim3A_1 = vector.broadcast %broadcast_in_dim3A : f32 to vector<16xf32>
    %broadcast_in_dim3A_2 = arith.constant 1.000000e+00 : f32
    %broadcast_in_dim3A_3 = vector.broadcast %broadcast_in_dim3A_2 : f32 to vector<16xf32>
    %scan3A = arith.constant 0 : i32
    %scan3A_4 = arith.constant 0 : i32
    %scan3A_5 = arith.constant 640 : i32
    %scan3A_6 = arith.addi %scan3A_4, %scan3A_5 : i32
    %scan3A_7 = arith.constant 1 : i32
    %scan3A_8 = scf.for %scan3A_23 = %scan3A_4 to %scan3A_6 step %scan3A_7 iter_args(%scan3A_24 = %scan3A) -> (i32)  : i32 {
      %mul3A_25 = arith.constant 16 : i32
      %mul3A_26 = arith.muli %scan3A_23, %mul3A_25 : i32
      %swap3A = arith.index_cast %mul3A_26 : i32 to index
      %swap3A_27 = tpu.vector_load %arg5[%swap3A] {strides = array<i32>} : memref<10240xf32, #tpu.memory_space<vmem>>, vector<16xf32>,
      tpu.vector_store %arg5[%swap3A], %broadcast_in_dim3A_1 {strides = array<i32>} : memref<10240xf32, #tpu.memory_space<vmem>>, vector<16xf32>,
      %scan3A_28 = arith.constant 0 : i32
      scf.yield %scan3A_28 : i32
    }
    %scan3A_9 = arith.constant 640 : i32
    %mul3A_10 = arith.constant 10240 : i32
    %mul3A_11 = arith.muli %add3A, %mul3A_10 : i32
    "tpu.region"() ({
      %run_scoped3A = tpu.sem_alloc : memref<!tpu.dma_semaphore, #tpu.memory_space<semaphore_mem>>
      %dma_start3A = tpu.memref_slice %arg2[%mul3A_11] : memref<327680xi32, #tpu.memory_space<hbm>> -> memref<10240xi32, #tpu.memory_space<hbm>>
      %dma_start3A_23 = tpu.memref_slice %arg2[%mul3A_11] : memref<327680xi32, #tpu.memory_space<hbm>> -> memref<10240xi32, #tpu.memory_space<hbm>>
      tpu.enqueue_dma source(%dma_start3A_23 : memref<10240xi32, #tpu.memory_space<hbm>>) target(%arg4 : memref<10240xi32, #tpu.memory_space<vmem>>) target_semaphore(%run_scoped3A : memref<!tpu.dma_semaphore, #tpu.memory_space<semaphore_mem>>)
      %dma_wait3A = tpu.memref_slice %arg2[%mul3A_11] : memref<327680xi32, #tpu.memory_space<hbm>> -> memref<10240xi32, #tpu.memory_space<hbm>>
      %dma_wait3A_24 = tpu.memref_slice %arg2[%mul3A_11] : memref<327680xi32, #tpu.memory_space<hbm>> -> memref<10240xi32, #tpu.memory_space<hbm>>
      tpu.wait_dma2 semaphore(%run_scoped3A : memref<!tpu.dma_semaphore, #tpu.memory_space<semaphore_mem>>) src(%dma_wait3A_24 : memref<10240xi32, #tpu.memory_space<hbm>>) dst(%arg4 : memref<10240xi32, #tpu.memory_space<vmem>>)
      tpu.yield
    }) : () -> ()
    %scan3A_12 = arith.constant 0 : i32
    %scan3A_13 = arith.constant 0 : i32
    %scan3A_14 = arith.constant 640 : i32
    %scan3A_15 = arith.addi %scan3A_13, %scan3A_14 : i32
    %scan3A_16 = arith.constant 1 : i32
    %scan3A_17 = scf.for %scan3A_23 = %scan3A_13 to %scan3A_15 step %scan3A_16 iter_args(%scan3A_24 = %scan3A_12) -> (i32)  : i32 {
      %mul3A_25 = arith.constant 16 : i32
      %mul3A_26 = arith.muli %scan3A_23, %mul3A_25 : i32
      %get3A = arith.index_cast %mul3A_26 : i32 to index
      %get3A_27 = tpu.vector_load %arg4[%get3A] {strides = array<i32>} : memref<10240xi32, #tpu.memory_space<vmem>>, vector<16xi32>,
      tpu.vector_store_idx %arg5[%get3A_27], %broadcast_in_dim3A_3 {add = true} : memref<10240xf32, #tpu.memory_space<vmem>>[vector<16xi32>], vector<16xf32>,
      %scan3A_28 = arith.constant 0 : i32
      scf.yield %scan3A_28 : i32
    }
    %scan3A_18 = arith.constant 640 : i32
    %mul3A_19 = arith.constant 640 : i32
    %mul3A_20 = arith.muli %add3A, %mul3A_19 : i32
    %mul3A_21 = arith.constant 16 : i32
    %mul3A_22 = arith.muli %mul3A_20, %mul3A_21 : i32
    "tpu.region"() ({
      %run_scoped3A = tpu.sem_alloc : memref<!tpu.dma_semaphore, #tpu.memory_space<semaphore_mem>>
      %dma_start3A = tpu.memref_slice %arg3[%mul3A_22] : memref<327680xf32, #tpu.memory_space<hbm>> -> memref<10240xf32, #tpu.memory_space<hbm>>
      %dma_start3A_23 = tpu.memref_slice %arg3[%mul3A_22] : memref<327680xf32, #tpu.memory_space<hbm>> -> memref<10240xf32, #tpu.memory_space<hbm>>
      tpu.enqueue_dma source(%arg5 : memref<10240xf32, #tpu.memory_space<vmem>>) target(%dma_start3A_23 : memref<10240xf32, #tpu.memory_space<hbm>>) target_semaphore(%run_scoped3A : memref<!tpu.dma_semaphore, #tpu.memory_space<semaphore_mem>>)
      %dma_wait3A = tpu.memref_slice %arg3[%mul3A_22] : memref<327680xf32, #tpu.memory_space<hbm>> -> memref<10240xf32, #tpu.memory_space<hbm>>
      %dma_wait3A_24 = tpu.memref_slice %arg3[%mul3A_22] : memref<327680xf32, #tpu.memory_space<hbm>> -> memref<10240xf32, #tpu.memory_space<hbm>>
      tpu.wait_dma2 semaphore(%run_scoped3A : memref<!tpu.dma_semaphore, #tpu.memory_space<semaphore_mem>>) src(%arg5 : memref<10240xf32, #tpu.memory_space<vmem>>) dst(%dma_wait3A_24 : memref<10240xf32, #tpu.memory_space<hbm>>)
      tpu.yield
    }) : () -> ()
    return
  }
}

#map = affine_map<(d0, d1) -> (0, 0)>
#map1 = affine_map<(d0, d1) -> (0, 0, 0)>
module attributes {stable_mosaic.version = 14 : i64} {
  func.func @_sc_scatter(%arg0: i32, %arg1: i32, %arg2: memref<10000x32xf32, #tpu.memory_space<hbm>>, %arg3: memref<32x80x128xi32, #tpu.memory_space<hbm>>, %arg4: memref<32x80x128xi32, #tpu.memory_space<hbm>>, %arg5: memref<2x10112x32xf32, #tpu.memory_space<hbm>>, %arg6: memref<80x128xi32, #tpu.memory_space<vmem>>, %arg7: memref<80x128xi32, #tpu.memory_space<vmem>>, %arg8: memref<128x32xf32, #tpu.memory_space<vmem>>, %arg9: memref<128x32xf32, #tpu.memory_space<vmem>>, %arg10: memref<128x32xf32, #tpu.memory_space<vmem>>, %arg11: memref<128x32xf32, #tpu.memory_space<vmem>>, %arg12: memref<128x32xf32, #tpu.memory_space<vmem>>, %arg13: memref<128x32xf32, #tpu.memory_space<vmem>>, %arg14: memref<128x32xf32, #tpu.memory_space<vmem>>, %arg15: memref<128x32xf32, #tpu.memory_space<vmem>>, %arg16: memref<632x32xf32, #tpu.memory_space<vmem>>, %arg17: memref<10112x32xf32, #tpu.memory_space<vmem_shared>>, %arg18: memref<!tpu.dma_semaphore, #tpu.memory_space<semaphore_mem>>, %arg19: memref<!tpu.dma_semaphore, #tpu.memory_space<semaphore_mem>>, %arg20: memref<!tpu.dma_semaphore, #tpu.memory_space<semaphore_mem>>, %arg21: memref<!tpu.dma_semaphore, #tpu.memory_space<semaphore_mem>>, %arg22: memref<!tpu.dma_semaphore, #tpu.memory_space<semaphore_mem>>, %arg23: memref<!tpu.dma_semaphore, #tpu.memory_space<semaphore_mem>>, %arg24: memref<!tpu.dma_semaphore, #tpu.memory_space<semaphore_mem>>, %arg25: memref<!tpu.dma_semaphore, #tpu.memory_space<semaphore_mem>>) attributes {dimension_semantics = [#tpu.dimension_semantics<core_parallel>, #tpu.dimension_semantics<subcore_parallel>], iteration_bounds = array<i64: 2, 16>, scalar_prefetch = 0 : i64, scratch_operands = 20 : i64, tpu.core_type = #tpu.core_type<sc_vector_subcore>, window_params = [{transform_indices = #map}, {transform_indices = #map1}, {transform_indices = #map1}, {transform_indices = #map1}]} {
    %mul3A = arith.constant 16 : i32
    %mul3A_0 = arith.muli %arg0, %mul3A : i32
    %add3A = arith.addi %mul3A_0, %arg1 : i32
    %broadcast_in_dim3A = arith.constant 0.000000e+00 : f32
    %broadcast_in_dim3A_1 = vector.broadcast %broadcast_in_dim3A : f32 to vector<16xf32>
    %scan3A = arith.constant 0 : i32
    %scan3A_2 = arith.constant 0 : i32
    %scan3A_3 = arith.constant 632 : i32
    %scan3A_4 = arith.addi %scan3A_2, %scan3A_3 : i32
    %scan3A_5 = arith.constant 1 : i32
    %scan3A_6 = scf.for %scan3A_77 = %scan3A_2 to %scan3A_4 step %scan3A_5 iter_args(%scan3A_78 = %scan3A) -> (i32)  : i32 {
      %swap3A = arith.index_cast %scan3A_77 : i32 to index
      %swap3A_79 = arith.constant 0 : index
      %swap3A_80 = tpu.vector_load %arg16[%swap3A, %swap3A_79] {strides = array<i32>} : memref<632x32xf32, #tpu.memory_space<vmem>>, vector<16xf32>,
      tpu.vector_store %arg16[%swap3A, %swap3A_79], %broadcast_in_dim3A_1 {strides = array<i32>} : memref<632x32xf32, #tpu.memory_space<vmem>>, vector<16xf32>,
      %swap3A_81 = arith.index_cast %scan3A_77 : i32 to index
      %swap3A_82 = arith.constant 16 : index
      %swap3A_83 = tpu.vector_load %arg16[%swap3A_81, %swap3A_82] {strides = array<i32>} : memref<632x32xf32, #tpu.memory_space<vmem>>, vector<16xf32>,
      tpu.vector_store %arg16[%swap3A_81, %swap3A_82], %broadcast_in_dim3A_1 {strides = array<i32>} : memref<632x32xf32, #tpu.memory_space<vmem>>, vector<16xf32>,
      %scan3A_84 = arith.constant 0 : i32
      scf.yield %scan3A_84 : i32
    }
    %scan3A_7 = arith.constant 632 : i32
    %mul3A_8 = arith.constant 632 : i32
    %mul3A_9 = arith.muli %arg1, %mul3A_8 : i32
    "tpu.region"() ({
      %run_scoped3A = tpu.sem_alloc : memref<!tpu.dma_semaphore, #tpu.memory_space<semaphore_mem>>
      %dma_start3A_77 = arith.constant 0 : i32
      %dma_start3A_78 = tpu.memref_slice %arg17[%mul3A_9, %dma_start3A_77] : memref<10112x32xf32, #tpu.memory_space<vmem_shared>> -> memref<632x32xf32, #tpu.memory_space<vmem_shared>>
      %dma_start3A_79 = arith.constant 0 : i32
      %dma_start3A_80 = tpu.memref_slice %arg17[%mul3A_9, %dma_start3A_79] : memref<10112x32xf32, #tpu.memory_space<vmem_shared>> -> memref<632x32xf32, #tpu.memory_space<vmem_shared>>
      tpu.enqueue_dma source(%arg16 : memref<632x32xf32, #tpu.memory_space<vmem>>) target(%dma_start3A_80 : memref<632x32xf32, #tpu.memory_space<vmem_shared>>) target_semaphore(%run_scoped3A : memref<!tpu.dma_semaphore, #tpu.memory_space<semaphore_mem>>)
      %dma_wait3A = arith.constant 0 : i32
      %dma_wait3A_81 = tpu.memref_slice %arg17[%mul3A_9, %dma_wait3A] : memref<10112x32xf32, #tpu.memory_space<vmem_shared>> -> memref<632x32xf32, #tpu.memory_space<vmem_shared>>
      %dma_wait3A_82 = arith.constant 0 : i32
      %dma_wait3A_83 = tpu.memref_slice %arg17[%mul3A_9, %dma_wait3A_82] : memref<10112x32xf32, #tpu.memory_space<vmem_shared>> -> memref<632x32xf32, #tpu.memory_space<vmem_shared>>
      tpu.wait_dma2 semaphore(%run_scoped3A : memref<!tpu.dma_semaphore, #tpu.memory_space<semaphore_mem>>) src(%arg16 : memref<632x32xf32, #tpu.memory_space<vmem>>) dst(%dma_wait3A_83 : memref<632x32xf32, #tpu.memory_space<vmem_shared>>)
      tpu.yield
    }) : () -> ()
    %barrier3A = arith.constant 0 : index
    tpu.barrier barrier_id(%barrier3A)
    "tpu.region"() ({
      %run_scoped3A = tpu.sem_alloc : memref<!tpu.dma_semaphore, #tpu.memory_space<semaphore_mem>>
      %dma_start3A_77 = arith.constant 0 : i32
      %dma_start3A_78 = arith.constant 0 : i32
      %dma_start3A_79 = tpu.memref_slice %arg3[%add3A, %dma_start3A_77, %dma_start3A_78] : memref<32x80x128xi32, #tpu.memory_space<hbm>> -> memref<1x80x128xi32, #tpu.memory_space<hbm>>
      %dma_start3A_80 = tpu.memref_squeeze %dma_start3A_79 : memref<1x80x128xi32, #tpu.memory_space<hbm>> -> memref<80x128xi32, #tpu.memory_space<hbm>>
      %dma_start3A_81 = arith.constant 0 : i32
      %dma_start3A_82 = arith.constant 0 : i32
      %dma_start3A_83 = tpu.memref_slice %arg3[%add3A, %dma_start3A_81, %dma_start3A_82] : memref<32x80x128xi32, #tpu.memory_space<hbm>> -> memref<1x80x128xi32, #tpu.memory_space<hbm>>
      %dma_start3A_84 = tpu.memref_squeeze %dma_start3A_83 : memref<1x80x128xi32, #tpu.memory_space<hbm>> -> memref<80x128xi32, #tpu.memory_space<hbm>>
      tpu.enqueue_dma source(%dma_start3A_84 : memref<80x128xi32, #tpu.memory_space<hbm>>) target(%arg6 : memref<80x128xi32, #tpu.memory_space<vmem>>) target_semaphore(%run_scoped3A : memref<!tpu.dma_semaphore, #tpu.memory_space<semaphore_mem>>)
      %dma_wait3A = arith.constant 0 : i32
      %dma_wait3A_85 = arith.constant 0 : i32
      %dma_wait3A_86 = tpu.memref_slice %arg3[%add3A, %dma_wait3A, %dma_wait3A_85] : memref<32x80x128xi32, #tpu.memory_space<hbm>> -> memref<1x80x128xi32, #tpu.memory_space<hbm>>
      %dma_wait3A_87 = tpu.memref_squeeze %dma_wait3A_86 : memref<1x80x128xi32, #tpu.memory_space<hbm>> -> memref<80x128xi32, #tpu.memory_space<hbm>>
      %dma_wait3A_88 = arith.constant 0 : i32
      %dma_wait3A_89 = arith.constant 0 : i32
      %dma_wait3A_90 = tpu.memref_slice %arg3[%add3A, %dma_wait3A_88, %dma_wait3A_89] : memref<32x80x128xi32, #tpu.memory_space<hbm>> -> memref<1x80x128xi32, #tpu.memory_space<hbm>>
      %dma_wait3A_91 = tpu.memref_squeeze %dma_wait3A_90 : memref<1x80x128xi32, #tpu.memory_space<hbm>> -> memref<80x128xi32, #tpu.memory_space<hbm>>
      tpu.wait_dma2 semaphore(%run_scoped3A : memref<!tpu.dma_semaphore, #tpu.memory_space<semaphore_mem>>) src(%dma_wait3A_91 : memref<80x128xi32, #tpu.memory_space<hbm>>) dst(%arg6 : memref<80x128xi32, #tpu.memory_space<vmem>>)
      tpu.yield
    }) : () -> ()
    "tpu.region"() ({
      %run_scoped3A = tpu.sem_alloc : memref<!tpu.dma_semaphore, #tpu.memory_space<semaphore_mem>>
      %dma_start3A_77 = arith.constant 0 : i32
      %dma_start3A_78 = arith.constant 0 : i32
      %dma_start3A_79 = tpu.memref_slice %arg4[%add3A, %dma_start3A_77, %dma_start3A_78] : memref<32x80x128xi32, #tpu.memory_space<hbm>> -> memref<1x80x128xi32, #tpu.memory_space<hbm>>
      %dma_start3A_80 = tpu.memref_squeeze %dma_start3A_79 : memref<1x80x128xi32, #tpu.memory_space<hbm>> -> memref<80x128xi32, #tpu.memory_space<hbm>>
      %dma_start3A_81 = arith.constant 0 : i32
      %dma_start3A_82 = arith.constant 0 : i32
      %dma_start3A_83 = tpu.memref_slice %arg4[%add3A, %dma_start3A_81, %dma_start3A_82] : memref<32x80x128xi32, #tpu.memory_space<hbm>> -> memref<1x80x128xi32, #tpu.memory_space<hbm>>
      %dma_start3A_84 = tpu.memref_squeeze %dma_start3A_83 : memref<1x80x128xi32, #tpu.memory_space<hbm>> -> memref<80x128xi32, #tpu.memory_space<hbm>>
      tpu.enqueue_dma source(%dma_start3A_84 : memref<80x128xi32, #tpu.memory_space<hbm>>) target(%arg7 : memref<80x128xi32, #tpu.memory_space<vmem>>) target_semaphore(%run_scoped3A : memref<!tpu.dma_semaphore, #tpu.memory_space<semaphore_mem>>)
      %dma_wait3A = arith.constant 0 : i32
      %dma_wait3A_85 = arith.constant 0 : i32
      %dma_wait3A_86 = tpu.memref_slice %arg4[%add3A, %dma_wait3A, %dma_wait3A_85] : memref<32x80x128xi32, #tpu.memory_space<hbm>> -> memref<1x80x128xi32, #tpu.memory_space<hbm>>
      %dma_wait3A_87 = tpu.memref_squeeze %dma_wait3A_86 : memref<1x80x128xi32, #tpu.memory_space<hbm>> -> memref<80x128xi32, #tpu.memory_space<hbm>>
      %dma_wait3A_88 = arith.constant 0 : i32
      %dma_wait3A_89 = arith.constant 0 : i32
      %dma_wait3A_90 = tpu.memref_slice %arg4[%add3A, %dma_wait3A_88, %dma_wait3A_89] : memref<32x80x128xi32, #tpu.memory_space<hbm>> -> memref<1x80x128xi32, #tpu.memory_space<hbm>>
      %dma_wait3A_91 = tpu.memref_squeeze %dma_wait3A_90 : memref<1x80x128xi32, #tpu.memory_space<hbm>> -> memref<80x128xi32, #tpu.memory_space<hbm>>
      tpu.wait_dma2 semaphore(%run_scoped3A : memref<!tpu.dma_semaphore, #tpu.memory_space<semaphore_mem>>) src(%dma_wait3A_91 : memref<80x128xi32, #tpu.memory_space<hbm>>) dst(%arg7 : memref<80x128xi32, #tpu.memory_space<vmem>>)
      tpu.yield
    }) : () -> ()
    %dma_start3A = arith.constant 0 : i32
    %dma_start3A_10 = arith.constant 0 : i32
    %dma_start3A_11 = tpu.memref_slice %arg6[%dma_start3A, %dma_start3A_10] : memref<80x128xi32, #tpu.memory_space<vmem>> -> memref<1x128xi32, #tpu.memory_space<vmem>>
    %dma_start3A_12 = tpu.memref_squeeze %dma_start3A_11 : memref<1x128xi32, #tpu.memory_space<vmem>> -> memref<128xi32, #tpu.memory_space<vmem>>
    %dma_start3A_13 = arith.constant 0 : i32
    %dma_start3A_14 = arith.constant 0 : i32
    %dma_start3A_15 = tpu.memref_slice %arg2[%dma_start3A_13, %dma_start3A_14] : memref<10000x32xf32, #tpu.memory_space<hbm>> -> memref<10000x32xf32, #tpu.memory_space<hbm>>
    tpu.enqueue_indirect_dma source(%dma_start3A_15 : memref<10000x32xf32, #tpu.memory_space<hbm>>) target(%arg8 : memref<128x32xf32, #tpu.memory_space<vmem>>) offsets(%dma_start3A_12 : memref<128xi32, #tpu.memory_space<vmem>>) semaphore(%arg18 : memref<!tpu.dma_semaphore, #tpu.memory_space<semaphore_mem>>)
    %dma_start3A_16 = arith.constant 1 : i32
    %dma_start3A_17 = arith.constant 0 : i32
    %dma_start3A_18 = tpu.memref_slice %arg6[%dma_start3A_16, %dma_start3A_17] : memref<80x128xi32, #tpu.memory_space<vmem>> -> memref<1x128xi32, #tpu.memory_space<vmem>>
    %dma_start3A_19 = tpu.memref_squeeze %dma_start3A_18 : memref<1x128xi32, #tpu.memory_space<vmem>> -> memref<128xi32, #tpu.memory_space<vmem>>
    %dma_start3A_20 = arith.constant 0 : i32
    %dma_start3A_21 = arith.constant 0 : i32
    %dma_start3A_22 = tpu.memref_slice %arg2[%dma_start3A_20, %dma_start3A_21] : memref<10000x32xf32, #tpu.memory_space<hbm>> -> memref<10000x32xf32, #tpu.memory_space<hbm>>
    tpu.enqueue_indirect_dma source(%dma_start3A_22 : memref<10000x32xf32, #tpu.memory_space<hbm>>) target(%arg9 : memref<128x32xf32, #tpu.memory_space<vmem>>) offsets(%dma_start3A_19 : memref<128xi32, #tpu.memory_space<vmem>>) semaphore(%arg19 : memref<!tpu.dma_semaphore, #tpu.memory_space<semaphore_mem>>)
    %dma_start3A_23 = arith.constant 2 : i32
    %dma_start3A_24 = arith.constant 0 : i32
    %dma_start3A_25 = tpu.memref_slice %arg6[%dma_start3A_23, %dma_start3A_24] : memref<80x128xi32, #tpu.memory_space<vmem>> -> memref<1x128xi32, #tpu.memory_space<vmem>>
    %dma_start3A_26 = tpu.memref_squeeze %dma_start3A_25 : memref<1x128xi32, #tpu.memory_space<vmem>> -> memref<128xi32, #tpu.memory_space<vmem>>
    %dma_start3A_27 = arith.constant 0 : i32
    %dma_start3A_28 = arith.constant 0 : i32
    %dma_start3A_29 = tpu.memref_slice %arg2[%dma_start3A_27, %dma_start3A_28] : memref<10000x32xf32, #tpu.memory_space<hbm>> -> memref<10000x32xf32, #tpu.memory_space<hbm>>
    tpu.enqueue_indirect_dma source(%dma_start3A_29 : memref<10000x32xf32, #tpu.memory_space<hbm>>) target(%arg10 : memref<128x32xf32, #tpu.memory_space<vmem>>) offsets(%dma_start3A_26 : memref<128xi32, #tpu.memory_space<vmem>>) semaphore(%arg20 : memref<!tpu.dma_semaphore, #tpu.memory_space<semaphore_mem>>)
    %dma_start3A_30 = arith.constant 3 : i32
    %dma_start3A_31 = arith.constant 0 : i32
    %dma_start3A_32 = tpu.memref_slice %arg6[%dma_start3A_30, %dma_start3A_31] : memref<80x128xi32, #tpu.memory_space<vmem>> -> memref<1x128xi32, #tpu.memory_space<vmem>>
    %dma_start3A_33 = tpu.memref_squeeze %dma_start3A_32 : memref<1x128xi32, #tpu.memory_space<vmem>> -> memref<128xi32, #tpu.memory_space<vmem>>
    %dma_start3A_34 = arith.constant 0 : i32
    %dma_start3A_35 = arith.constant 0 : i32
    %dma_start3A_36 = tpu.memref_slice %arg2[%dma_start3A_34, %dma_start3A_35] : memref<10000x32xf32, #tpu.memory_space<hbm>> -> memref<10000x32xf32, #tpu.memory_space<hbm>>
    tpu.enqueue_indirect_dma source(%dma_start3A_36 : memref<10000x32xf32, #tpu.memory_space<hbm>>) target(%arg11 : memref<128x32xf32, #tpu.memory_space<vmem>>) offsets(%dma_start3A_33 : memref<128xi32, #tpu.memory_space<vmem>>) semaphore(%arg21 : memref<!tpu.dma_semaphore, #tpu.memory_space<semaphore_mem>>)
    %dma_start3A_37 = arith.constant 4 : i32
    %dma_start3A_38 = arith.constant 0 : i32
    %dma_start3A_39 = tpu.memref_slice %arg6[%dma_start3A_37, %dma_start3A_38] : memref<80x128xi32, #tpu.memory_space<vmem>> -> memref<1x128xi32, #tpu.memory_space<vmem>>
    %dma_start3A_40 = tpu.memref_squeeze %dma_start3A_39 : memref<1x128xi32, #tpu.memory_space<vmem>> -> memref<128xi32, #tpu.memory_space<vmem>>
    %dma_start3A_41 = arith.constant 0 : i32
    %dma_start3A_42 = arith.constant 0 : i32
    %dma_start3A_43 = tpu.memref_slice %arg2[%dma_start3A_41, %dma_start3A_42] : memref<10000x32xf32, #tpu.memory_space<hbm>> -> memref<10000x32xf32, #tpu.memory_space<hbm>>
    tpu.enqueue_indirect_dma source(%dma_start3A_43 : memref<10000x32xf32, #tpu.memory_space<hbm>>) target(%arg12 : memref<128x32xf32, #tpu.memory_space<vmem>>) offsets(%dma_start3A_40 : memref<128xi32, #tpu.memory_space<vmem>>) semaphore(%arg22 : memref<!tpu.dma_semaphore, #tpu.memory_space<semaphore_mem>>)
    %dma_start3A_44 = arith.constant 5 : i32
    %dma_start3A_45 = arith.constant 0 : i32
    %dma_start3A_46 = tpu.memref_slice %arg6[%dma_start3A_44, %dma_start3A_45] : memref<80x128xi32, #tpu.memory_space<vmem>> -> memref<1x128xi32, #tpu.memory_space<vmem>>
    %dma_start3A_47 = tpu.memref_squeeze %dma_start3A_46 : memref<1x128xi32, #tpu.memory_space<vmem>> -> memref<128xi32, #tpu.memory_space<vmem>>
    %dma_start3A_48 = arith.constant 0 : i32
    %dma_start3A_49 = arith.constant 0 : i32
    %dma_start3A_50 = tpu.memref_slice %arg2[%dma_start3A_48, %dma_start3A_49] : memref<10000x32xf32, #tpu.memory_space<hbm>> -> memref<10000x32xf32, #tpu.memory_space<hbm>>
    tpu.enqueue_indirect_dma source(%dma_start3A_50 : memref<10000x32xf32, #tpu.memory_space<hbm>>) target(%arg13 : memref<128x32xf32, #tpu.memory_space<vmem>>) offsets(%dma_start3A_47 : memref<128xi32, #tpu.memory_space<vmem>>) semaphore(%arg23 : memref<!tpu.dma_semaphore, #tpu.memory_space<semaphore_mem>>)
    %dma_start3A_51 = arith.constant 6 : i32
    %dma_start3A_52 = arith.constant 0 : i32
    %dma_start3A_53 = tpu.memref_slice %arg6[%dma_start3A_51, %dma_start3A_52] : memref<80x128xi32, #tpu.memory_space<vmem>> -> memref<1x128xi32, #tpu.memory_space<vmem>>
    %dma_start3A_54 = tpu.memref_squeeze %dma_start3A_53 : memref<1x128xi32, #tpu.memory_space<vmem>> -> memref<128xi32, #tpu.memory_space<vmem>>
    %dma_start3A_55 = arith.constant 0 : i32
    %dma_start3A_56 = arith.constant 0 : i32
    %dma_start3A_57 = tpu.memref_slice %arg2[%dma_start3A_55, %dma_start3A_56] : memref<10000x32xf32, #tpu.memory_space<hbm>> -> memref<10000x32xf32, #tpu.memory_space<hbm>>
    tpu.enqueue_indirect_dma source(%dma_start3A_57 : memref<10000x32xf32, #tpu.memory_space<hbm>>) target(%arg14 : memref<128x32xf32, #tpu.memory_space<vmem>>) offsets(%dma_start3A_54 : memref<128xi32, #tpu.memory_space<vmem>>) semaphore(%arg24 : memref<!tpu.dma_semaphore, #tpu.memory_space<semaphore_mem>>)
    %dma_start3A_58 = arith.constant 7 : i32
    %dma_start3A_59 = arith.constant 0 : i32
    %dma_start3A_60 = tpu.memref_slice %arg6[%dma_start3A_58, %dma_start3A_59] : memref<80x128xi32, #tpu.memory_space<vmem>> -> memref<1x128xi32, #tpu.memory_space<vmem>>
    %dma_start3A_61 = tpu.memref_squeeze %dma_start3A_60 : memref<1x128xi32, #tpu.memory_space<vmem>> -> memref<128xi32, #tpu.memory_space<vmem>>
    %dma_start3A_62 = arith.constant 0 : i32
    %dma_start3A_63 = arith.constant 0 : i32
    %dma_start3A_64 = tpu.memref_slice %arg2[%dma_start3A_62, %dma_start3A_63] : memref<10000x32xf32, #tpu.memory_space<hbm>> -> memref<10000x32xf32, #tpu.memory_space<hbm>>
    tpu.enqueue_indirect_dma source(%dma_start3A_64 : memref<10000x32xf32, #tpu.memory_space<hbm>>) target(%arg15 : memref<128x32xf32, #tpu.memory_space<vmem>>) offsets(%dma_start3A_61 : memref<128xi32, #tpu.memory_space<vmem>>) semaphore(%arg25 : memref<!tpu.dma_semaphore, #tpu.memory_space<semaphore_mem>>)
    %scan3A_65 = arith.constant 0 : i32
    %scan3A_66 = arith.constant 0 : i32
    %scan3A_67 = arith.constant 10 : i32
    %scan3A_68 = arith.addi %scan3A_66, %scan3A_67 : i32
    %scan3A_69 = arith.constant 1 : i32
    %scan3A_70 = scf.for %scan3A_77 = %scan3A_66 to %scan3A_68 step %scan3A_69 iter_args(%scan3A_78 = %scan3A_65) -> (i32)  : i32 {
      %mul3A_79 = arith.constant 8 : i32
      %mul3A_80 = arith.muli %mul3A_79, %scan3A_77 : i32
      %add3A_81 = arith.constant 0 : i32
      %add3A_82 = arith.addi %mul3A_80, %add3A_81 : i32
      %dma_wait3A = arith.constant 0 : i32
      %dma_wait3A_83 = tpu.memref_slice %arg6[%add3A_82, %dma_wait3A] : memref<80x128xi32, #tpu.memory_space<vmem>> -> memref<1x128xi32, #tpu.memory_space<vmem>>
      %dma_wait3A_84 = tpu.memref_squeeze %dma_wait3A_83 : memref<1x128xi32, #tpu.memory_space<vmem>> -> memref<128xi32, #tpu.memory_space<vmem>>
      %dma_wait3A_85 = arith.constant 0 : i32
      %dma_wait3A_86 = arith.constant 0 : i32
      %dma_wait3A_87 = tpu.memref_slice %arg2[%dma_wait3A_85, %dma_wait3A_86] : memref<10000x32xf32, #tpu.memory_space<hbm>> -> memref<10000x32xf32, #tpu.memory_space<hbm>>
      tpu.wait_indirect_dma semaphore(%arg18 : memref<!tpu.dma_semaphore, #tpu.memory_space<semaphore_mem>>) src(%dma_wait3A_87 : memref<10000x32xf32, #tpu.memory_space<hbm>>) dst(%arg8 : memref<128x32xf32, #tpu.memory_space<vmem>>)
      %add3A_88 = arith.constant 0 : i32
      %add3A_89 = arith.addi %mul3A_80, %add3A_88 : i32
      "tpu.region"() ({
        %run_scoped3A = tpu.sem_alloc : memref<!tpu.dma_semaphore, #tpu.memory_space<semaphore_mem>>
        %dma_start3A_198 = arith.constant 0 : i32
        %dma_start3A_199 = tpu.memref_slice %arg7[%add3A_89, %dma_start3A_198] : memref<80x128xi32, #tpu.memory_space<vmem>> -> memref<1x128xi32, #tpu.memory_space<vmem>>
        %dma_start3A_200 = tpu.memref_squeeze %dma_start3A_199 : memref<1x128xi32, #tpu.memory_space<vmem>> -> memref<128xi32, #tpu.memory_space<vmem>>
        %dma_start3A_201 = arith.constant 0 : i32
        %dma_start3A_202 = arith.constant 0 : i32
        %dma_start3A_203 = tpu.memref_slice %arg17[%dma_start3A_201, %dma_start3A_202] : memref<10112x32xf32, #tpu.memory_space<vmem_shared>> -> memref<10112x32xf32, #tpu.memory_space<vmem_shared>>
        tpu.enqueue_indirect_dma source(%arg8 : memref<128x32xf32, #tpu.memory_space<vmem>>) target(%dma_start3A_203 : memref<10112x32xf32, #tpu.memory_space<vmem_shared>>) offsets(%dma_start3A_200 : memref<128xi32, #tpu.memory_space<vmem>>) semaphore(%run_scoped3A : memref<!tpu.dma_semaphore, #tpu.memory_space<semaphore_mem>>) {add = true}
        %dma_wait3A_204 = arith.constant 0 : i32
        %dma_wait3A_205 = tpu.memref_slice %arg7[%add3A_89, %dma_wait3A_204] : memref<80x128xi32, #tpu.memory_space<vmem>> -> memref<1x128xi32, #tpu.memory_space<vmem>>
        %dma_wait3A_206 = tpu.memref_squeeze %dma_wait3A_205 : memref<1x128xi32, #tpu.memory_space<vmem>> -> memref<128xi32, #tpu.memory_space<vmem>>
        %dma_wait3A_207 = arith.constant 0 : i32
        %dma_wait3A_208 = arith.constant 0 : i32
        %dma_wait3A_209 = tpu.memref_slice %arg17[%dma_wait3A_207, %dma_wait3A_208] : memref<10112x32xf32, #tpu.memory_space<vmem_shared>> -> memref<10112x32xf32, #tpu.memory_space<vmem_shared>>
        tpu.wait_indirect_dma semaphore(%run_scoped3A : memref<!tpu.dma_semaphore, #tpu.memory_space<semaphore_mem>>) src(%arg8 : memref<128x32xf32, #tpu.memory_space<vmem>>) dst(%dma_wait3A_209 : memref<10112x32xf32, #tpu.memory_space<vmem_shared>>)
        tpu.yield
      }) : () -> ()
      %lt3A = arith.constant 9 : i32
      %lt3A_90 = arith.cmpi slt, %scan3A_77, %lt3A : i32
      %convert_element_type3A = arith.extui %lt3A_90 : i1 to i32
      %cond3A = arith.constant 0 : i32
      %cond3A_91 = arith.cmpi ne, %convert_element_type3A, %cond3A : i32
      scf.if %cond3A_91 {
        %add3A_198 = arith.constant 8 : i32
        %add3A_199 = arith.addi %mul3A_80, %add3A_198 : i32
        %add3A_200 = arith.constant 0 : i32
        %add3A_201 = arith.addi %add3A_199, %add3A_200 : i32
        %dma_start3A_202 = arith.constant 0 : i32
        %dma_start3A_203 = tpu.memref_slice %arg6[%add3A_201, %dma_start3A_202] : memref<80x128xi32, #tpu.memory_space<vmem>> -> memref<1x128xi32, #tpu.memory_space<vmem>>
        %dma_start3A_204 = tpu.memref_squeeze %dma_start3A_203 : memref<1x128xi32, #tpu.memory_space<vmem>> -> memref<128xi32, #tpu.memory_space<vmem>>
        %dma_start3A_205 = arith.constant 0 : i32
        %dma_start3A_206 = arith.constant 0 : i32
        %dma_start3A_207 = tpu.memref_slice %arg2[%dma_start3A_205, %dma_start3A_206] : memref<10000x32xf32, #tpu.memory_space<hbm>> -> memref<10000x32xf32, #tpu.memory_space<hbm>>
        tpu.enqueue_indirect_dma source(%dma_start3A_207 : memref<10000x32xf32, #tpu.memory_space<hbm>>) target(%arg8 : memref<128x32xf32, #tpu.memory_space<vmem>>) offsets(%dma_start3A_204 : memref<128xi32, #tpu.memory_space<vmem>>) semaphore(%arg18 : memref<!tpu.dma_semaphore, #tpu.memory_space<semaphore_mem>>)
      } else {
      }
      %add3A_92 = arith.constant 1 : i32
      %add3A_93 = arith.addi %mul3A_80, %add3A_92 : i32
      %dma_wait3A_94 = arith.constant 0 : i32
      %dma_wait3A_95 = tpu.memref_slice %arg6[%add3A_93, %dma_wait3A_94] : memref<80x128xi32, #tpu.memory_space<vmem>> -> memref<1x128xi32, #tpu.memory_space<vmem>>
      %dma_wait3A_96 = tpu.memref_squeeze %dma_wait3A_95 : memref<1x128xi32, #tpu.memory_space<vmem>> -> memref<128xi32, #tpu.memory_space<vmem>>
      %dma_wait3A_97 = arith.constant 0 : i32
      %dma_wait3A_98 = arith.constant 0 : i32
      %dma_wait3A_99 = tpu.memref_slice %arg2[%dma_wait3A_97, %dma_wait3A_98] : memref<10000x32xf32, #tpu.memory_space<hbm>> -> memref<10000x32xf32, #tpu.memory_space<hbm>>
      tpu.wait_indirect_dma semaphore(%arg19 : memref<!tpu.dma_semaphore, #tpu.memory_space<semaphore_mem>>) src(%dma_wait3A_99 : memref<10000x32xf32, #tpu.memory_space<hbm>>) dst(%arg9 : memref<128x32xf32, #tpu.memory_space<vmem>>)
      %add3A_100 = arith.constant 1 : i32
      %add3A_101 = arith.addi %mul3A_80, %add3A_100 : i32
      "tpu.region"() ({
        %run_scoped3A = tpu.sem_alloc : memref<!tpu.dma_semaphore, #tpu.memory_space<semaphore_mem>>
        %dma_start3A_198 = arith.constant 0 : i32
        %dma_start3A_199 = tpu.memref_slice %arg7[%add3A_101, %dma_start3A_198] : memref<80x128xi32, #tpu.memory_space<vmem>> -> memref<1x128xi32, #tpu.memory_space<vmem>>
        %dma_start3A_200 = tpu.memref_squeeze %dma_start3A_199 : memref<1x128xi32, #tpu.memory_space<vmem>> -> memref<128xi32, #tpu.memory_space<vmem>>
        %dma_start3A_201 = arith.constant 0 : i32
        %dma_start3A_202 = arith.constant 0 : i32
        %dma_start3A_203 = tpu.memref_slice %arg17[%dma_start3A_201, %dma_start3A_202] : memref<10112x32xf32, #tpu.memory_space<vmem_shared>> -> memref<10112x32xf32, #tpu.memory_space<vmem_shared>>
        tpu.enqueue_indirect_dma source(%arg9 : memref<128x32xf32, #tpu.memory_space<vmem>>) target(%dma_start3A_203 : memref<10112x32xf32, #tpu.memory_space<vmem_shared>>) offsets(%dma_start3A_200 : memref<128xi32, #tpu.memory_space<vmem>>) semaphore(%run_scoped3A : memref<!tpu.dma_semaphore, #tpu.memory_space<semaphore_mem>>) {add = true}
        %dma_wait3A_204 = arith.constant 0 : i32
        %dma_wait3A_205 = tpu.memref_slice %arg7[%add3A_101, %dma_wait3A_204] : memref<80x128xi32, #tpu.memory_space<vmem>> -> memref<1x128xi32, #tpu.memory_space<vmem>>
        %dma_wait3A_206 = tpu.memref_squeeze %dma_wait3A_205 : memref<1x128xi32, #tpu.memory_space<vmem>> -> memref<128xi32, #tpu.memory_space<vmem>>
        %dma_wait3A_207 = arith.constant 0 : i32
        %dma_wait3A_208 = arith.constant 0 : i32
        %dma_wait3A_209 = tpu.memref_slice %arg17[%dma_wait3A_207, %dma_wait3A_208] : memref<10112x32xf32, #tpu.memory_space<vmem_shared>> -> memref<10112x32xf32, #tpu.memory_space<vmem_shared>>
        tpu.wait_indirect_dma semaphore(%run_scoped3A : memref<!tpu.dma_semaphore, #tpu.memory_space<semaphore_mem>>) src(%arg9 : memref<128x32xf32, #tpu.memory_space<vmem>>) dst(%dma_wait3A_209 : memref<10112x32xf32, #tpu.memory_space<vmem_shared>>)
        tpu.yield
      }) : () -> ()
      %lt3A_102 = arith.constant 9 : i32
      %lt3A_103 = arith.cmpi slt, %scan3A_77, %lt3A_102 : i32
      %convert_element_type3A_104 = arith.extui %lt3A_103 : i1 to i32
      %cond3A_105 = arith.constant 0 : i32
      %cond3A_106 = arith.cmpi ne, %convert_element_type3A_104, %cond3A_105 : i32
      scf.if %cond3A_106 {
        %add3A_198 = arith.constant 8 : i32
        %add3A_199 = arith.addi %mul3A_80, %add3A_198 : i32
        %add3A_200 = arith.constant 1 : i32
        %add3A_201 = arith.addi %add3A_199, %add3A_200 : i32
        %dma_start3A_202 = arith.constant 0 : i32
        %dma_start3A_203 = tpu.memref_slice %arg6[%add3A_201, %dma_start3A_202] : memref<80x128xi32, #tpu.memory_space<vmem>> -> memref<1x128xi32, #tpu.memory_space<vmem>>
        %dma_start3A_204 = tpu.memref_squeeze %dma_start3A_203 : memref<1x128xi32, #tpu.memory_space<vmem>> -> memref<128xi32, #tpu.memory_space<vmem>>
        %dma_start3A_205 = arith.constant 0 : i32
        %dma_start3A_206 = arith.constant 0 : i32
        %dma_start3A_207 = tpu.memref_slice %arg2[%dma_start3A_205, %dma_start3A_206] : memref<10000x32xf32, #tpu.memory_space<hbm>> -> memref<10000x32xf32, #tpu.memory_space<hbm>>
        tpu.enqueue_indirect_dma source(%dma_start3A_207 : memref<10000x32xf32, #tpu.memory_space<hbm>>) target(%arg9 : memref<128x32xf32, #tpu.memory_space<vmem>>) offsets(%dma_start3A_204 : memref<128xi32, #tpu.memory_space<vmem>>) semaphore(%arg19 : memref<!tpu.dma_semaphore, #tpu.memory_space<semaphore_mem>>)
      } else {
      }
      %add3A_107 = arith.constant 2 : i32
      %add3A_108 = arith.addi %mul3A_80, %add3A_107 : i32
      %dma_wait3A_109 = arith.constant 0 : i32
      %dma_wait3A_110 = tpu.memref_slice %arg6[%add3A_108, %dma_wait3A_109] : memref<80x128xi32, #tpu.memory_space<vmem>> -> memref<1x128xi32, #tpu.memory_space<vmem>>
      %dma_wait3A_111 = tpu.memref_squeeze %dma_wait3A_110 : memref<1x128xi32, #tpu.memory_space<vmem>> -> memref<128xi32, #tpu.memory_space<vmem>>
      %dma_wait3A_112 = arith.constant 0 : i32
      %dma_wait3A_113 = arith.constant 0 : i32
      %dma_wait3A_114 = tpu.memref_slice %arg2[%dma_wait3A_112, %dma_wait3A_113] : memref<10000x32xf32, #tpu.memory_space<hbm>> -> memref<10000x32xf32, #tpu.memory_space<hbm>>
      tpu.wait_indirect_dma semaphore(%arg20 : memref<!tpu.dma_semaphore, #tpu.memory_space<semaphore_mem>>) src(%dma_wait3A_114 : memref<10000x32xf32, #tpu.memory_space<hbm>>) dst(%arg10 : memref<128x32xf32, #tpu.memory_space<vmem>>)
      %add3A_115 = arith.constant 2 : i32
      %add3A_116 = arith.addi %mul3A_80, %add3A_115 : i32
      "tpu.region"() ({
        %run_scoped3A = tpu.sem_alloc : memref<!tpu.dma_semaphore, #tpu.memory_space<semaphore_mem>>
        %dma_start3A_198 = arith.constant 0 : i32
        %dma_start3A_199 = tpu.memref_slice %arg7[%add3A_116, %dma_start3A_198] : memref<80x128xi32, #tpu.memory_space<vmem>> -> memref<1x128xi32, #tpu.memory_space<vmem>>
        %dma_start3A_200 = tpu.memref_squeeze %dma_start3A_199 : memref<1x128xi32, #tpu.memory_space<vmem>> -> memref<128xi32, #tpu.memory_space<vmem>>
        %dma_start3A_201 = arith.constant 0 : i32
        %dma_start3A_202 = arith.constant 0 : i32
        %dma_start3A_203 = tpu.memref_slice %arg17[%dma_start3A_201, %dma_start3A_202] : memref<10112x32xf32, #tpu.memory_space<vmem_shared>> -> memref<10112x32xf32, #tpu.memory_space<vmem_shared>>
        tpu.enqueue_indirect_dma source(%arg10 : memref<128x32xf32, #tpu.memory_space<vmem>>) target(%dma_start3A_203 : memref<10112x32xf32, #tpu.memory_space<vmem_shared>>) offsets(%dma_start3A_200 : memref<128xi32, #tpu.memory_space<vmem>>) semaphore(%run_scoped3A : memref<!tpu.dma_semaphore, #tpu.memory_space<semaphore_mem>>) {add = true}
        %dma_wait3A_204 = arith.constant 0 : i32
        %dma_wait3A_205 = tpu.memref_slice %arg7[%add3A_116, %dma_wait3A_204] : memref<80x128xi32, #tpu.memory_space<vmem>> -> memref<1x128xi32, #tpu.memory_space<vmem>>
        %dma_wait3A_206 = tpu.memref_squeeze %dma_wait3A_205 : memref<1x128xi32, #tpu.memory_space<vmem>> -> memref<128xi32, #tpu.memory_space<vmem>>
        %dma_wait3A_207 = arith.constant 0 : i32
        %dma_wait3A_208 = arith.constant 0 : i32
        %dma_wait3A_209 = tpu.memref_slice %arg17[%dma_wait3A_207, %dma_wait3A_208] : memref<10112x32xf32, #tpu.memory_space<vmem_shared>> -> memref<10112x32xf32, #tpu.memory_space<vmem_shared>>
        tpu.wait_indirect_dma semaphore(%run_scoped3A : memref<!tpu.dma_semaphore, #tpu.memory_space<semaphore_mem>>) src(%arg10 : memref<128x32xf32, #tpu.memory_space<vmem>>) dst(%dma_wait3A_209 : memref<10112x32xf32, #tpu.memory_space<vmem_shared>>)
        tpu.yield
      }) : () -> ()
      %lt3A_117 = arith.constant 9 : i32
      %lt3A_118 = arith.cmpi slt, %scan3A_77, %lt3A_117 : i32
      %convert_element_type3A_119 = arith.extui %lt3A_118 : i1 to i32
      %cond3A_120 = arith.constant 0 : i32
      %cond3A_121 = arith.cmpi ne, %convert_element_type3A_119, %cond3A_120 : i32
      scf.if %cond3A_121 {
        %add3A_198 = arith.constant 8 : i32
        %add3A_199 = arith.addi %mul3A_80, %add3A_198 : i32
        %add3A_200 = arith.constant 2 : i32
        %add3A_201 = arith.addi %add3A_199, %add3A_200 : i32
        %dma_start3A_202 = arith.constant 0 : i32
        %dma_start3A_203 = tpu.memref_slice %arg6[%add3A_201, %dma_start3A_202] : memref<80x128xi32, #tpu.memory_space<vmem>> -> memref<1x128xi32, #tpu.memory_space<vmem>>
        %dma_start3A_204 = tpu.memref_squeeze %dma_start3A_203 : memref<1x128xi32, #tpu.memory_space<vmem>> -> memref<128xi32, #tpu.memory_space<vmem>>
        %dma_start3A_205 = arith.constant 0 : i32
        %dma_start3A_206 = arith.constant 0 : i32
        %dma_start3A_207 = tpu.memref_slice %arg2[%dma_start3A_205, %dma_start3A_206] : memref<10000x32xf32, #tpu.memory_space<hbm>> -> memref<10000x32xf32, #tpu.memory_space<hbm>>
        tpu.enqueue_indirect_dma source(%dma_start3A_207 : memref<10000x32xf32, #tpu.memory_space<hbm>>) target(%arg10 : memref<128x32xf32, #tpu.memory_space<vmem>>) offsets(%dma_start3A_204 : memref<128xi32, #tpu.memory_space<vmem>>) semaphore(%arg20 : memref<!tpu.dma_semaphore, #tpu.memory_space<semaphore_mem>>)
      } else {
      }
      %add3A_122 = arith.constant 3 : i32
      %add3A_123 = arith.addi %mul3A_80, %add3A_122 : i32
      %dma_wait3A_124 = arith.constant 0 : i32
      %dma_wait3A_125 = tpu.memref_slice %arg6[%add3A_123, %dma_wait3A_124] : memref<80x128xi32, #tpu.memory_space<vmem>> -> memref<1x128xi32, #tpu.memory_space<vmem>>
      %dma_wait3A_126 = tpu.memref_squeeze %dma_wait3A_125 : memref<1x128xi32, #tpu.memory_space<vmem>> -> memref<128xi32, #tpu.memory_space<vmem>>
      %dma_wait3A_127 = arith.constant 0 : i32
      %dma_wait3A_128 = arith.constant 0 : i32
      %dma_wait3A_129 = tpu.memref_slice %arg2[%dma_wait3A_127, %dma_wait3A_128] : memref<10000x32xf32, #tpu.memory_space<hbm>> -> memref<10000x32xf32, #tpu.memory_space<hbm>>
      tpu.wait_indirect_dma semaphore(%arg21 : memref<!tpu.dma_semaphore, #tpu.memory_space<semaphore_mem>>) src(%dma_wait3A_129 : memref<10000x32xf32, #tpu.memory_space<hbm>>) dst(%arg11 : memref<128x32xf32, #tpu.memory_space<vmem>>)
      %add3A_130 = arith.constant 3 : i32
      %add3A_131 = arith.addi %mul3A_80, %add3A_130 : i32
      "tpu.region"() ({
        %run_scoped3A = tpu.sem_alloc : memref<!tpu.dma_semaphore, #tpu.memory_space<semaphore_mem>>
        %dma_start3A_198 = arith.constant 0 : i32
        %dma_start3A_199 = tpu.memref_slice %arg7[%add3A_131, %dma_start3A_198] : memref<80x128xi32, #tpu.memory_space<vmem>> -> memref<1x128xi32, #tpu.memory_space<vmem>>
        %dma_start3A_200 = tpu.memref_squeeze %dma_start3A_199 : memref<1x128xi32, #tpu.memory_space<vmem>> -> memref<128xi32, #tpu.memory_space<vmem>>
        %dma_start3A_201 = arith.constant 0 : i32
        %dma_start3A_202 = arith.constant 0 : i32
        %dma_start3A_203 = tpu.memref_slice %arg17[%dma_start3A_201, %dma_start3A_202] : memref<10112x32xf32, #tpu.memory_space<vmem_shared>> -> memref<10112x32xf32, #tpu.memory_space<vmem_shared>>
        tpu.enqueue_indirect_dma source(%arg11 : memref<128x32xf32, #tpu.memory_space<vmem>>) target(%dma_start3A_203 : memref<10112x32xf32, #tpu.memory_space<vmem_shared>>) offsets(%dma_start3A_200 : memref<128xi32, #tpu.memory_space<vmem>>) semaphore(%run_scoped3A : memref<!tpu.dma_semaphore, #tpu.memory_space<semaphore_mem>>) {add = true}
        %dma_wait3A_204 = arith.constant 0 : i32
        %dma_wait3A_205 = tpu.memref_slice %arg7[%add3A_131, %dma_wait3A_204] : memref<80x128xi32, #tpu.memory_space<vmem>> -> memref<1x128xi32, #tpu.memory_space<vmem>>
        %dma_wait3A_206 = tpu.memref_squeeze %dma_wait3A_205 : memref<1x128xi32, #tpu.memory_space<vmem>> -> memref<128xi32, #tpu.memory_space<vmem>>
        %dma_wait3A_207 = arith.constant 0 : i32
        %dma_wait3A_208 = arith.constant 0 : i32
        %dma_wait3A_209 = tpu.memref_slice %arg17[%dma_wait3A_207, %dma_wait3A_208] : memref<10112x32xf32, #tpu.memory_space<vmem_shared>> -> memref<10112x32xf32, #tpu.memory_space<vmem_shared>>
        tpu.wait_indirect_dma semaphore(%run_scoped3A : memref<!tpu.dma_semaphore, #tpu.memory_space<semaphore_mem>>) src(%arg11 : memref<128x32xf32, #tpu.memory_space<vmem>>) dst(%dma_wait3A_209 : memref<10112x32xf32, #tpu.memory_space<vmem_shared>>)
        tpu.yield
      }) : () -> ()
      %lt3A_132 = arith.constant 9 : i32
      %lt3A_133 = arith.cmpi slt, %scan3A_77, %lt3A_132 : i32
      %convert_element_type3A_134 = arith.extui %lt3A_133 : i1 to i32
      %cond3A_135 = arith.constant 0 : i32
      %cond3A_136 = arith.cmpi ne, %convert_element_type3A_134, %cond3A_135 : i32
      scf.if %cond3A_136 {
        %add3A_198 = arith.constant 8 : i32
        %add3A_199 = arith.addi %mul3A_80, %add3A_198 : i32
        %add3A_200 = arith.constant 3 : i32
        %add3A_201 = arith.addi %add3A_199, %add3A_200 : i32
        %dma_start3A_202 = arith.constant 0 : i32
        %dma_start3A_203 = tpu.memref_slice %arg6[%add3A_201, %dma_start3A_202] : memref<80x128xi32, #tpu.memory_space<vmem>> -> memref<1x128xi32, #tpu.memory_space<vmem>>
        %dma_start3A_204 = tpu.memref_squeeze %dma_start3A_203 : memref<1x128xi32, #tpu.memory_space<vmem>> -> memref<128xi32, #tpu.memory_space<vmem>>
        %dma_start3A_205 = arith.constant 0 : i32
        %dma_start3A_206 = arith.constant 0 : i32
        %dma_start3A_207 = tpu.memref_slice %arg2[%dma_start3A_205, %dma_start3A_206] : memref<10000x32xf32, #tpu.memory_space<hbm>> -> memref<10000x32xf32, #tpu.memory_space<hbm>>
        tpu.enqueue_indirect_dma source(%dma_start3A_207 : memref<10000x32xf32, #tpu.memory_space<hbm>>) target(%arg11 : memref<128x32xf32, #tpu.memory_space<vmem>>) offsets(%dma_start3A_204 : memref<128xi32, #tpu.memory_space<vmem>>) semaphore(%arg21 : memref<!tpu.dma_semaphore, #tpu.memory_space<semaphore_mem>>)
      } else {
      }
      %add3A_137 = arith.constant 4 : i32
      %add3A_138 = arith.addi %mul3A_80, %add3A_137 : i32
      %dma_wait3A_139 = arith.constant 0 : i32
      %dma_wait3A_140 = tpu.memref_slice %arg6[%add3A_138, %dma_wait3A_139] : memref<80x128xi32, #tpu.memory_space<vmem>> -> memref<1x128xi32, #tpu.memory_space<vmem>>
      %dma_wait3A_141 = tpu.memref_squeeze %dma_wait3A_140 : memref<1x128xi32, #tpu.memory_space<vmem>> -> memref<128xi32, #tpu.memory_space<vmem>>
      %dma_wait3A_142 = arith.constant 0 : i32
      %dma_wait3A_143 = arith.constant 0 : i32
      %dma_wait3A_144 = tpu.memref_slice %arg2[%dma_wait3A_142, %dma_wait3A_143] : memref<10000x32xf32, #tpu.memory_space<hbm>> -> memref<10000x32xf32, #tpu.memory_space<hbm>>
      tpu.wait_indirect_dma semaphore(%arg22 : memref<!tpu.dma_semaphore, #tpu.memory_space<semaphore_mem>>) src(%dma_wait3A_144 : memref<10000x32xf32, #tpu.memory_space<hbm>>) dst(%arg12 : memref<128x32xf32, #tpu.memory_space<vmem>>)
      %add3A_145 = arith.constant 4 : i32
      %add3A_146 = arith.addi %mul3A_80, %add3A_145 : i32
      "tpu.region"() ({
        %run_scoped3A = tpu.sem_alloc : memref<!tpu.dma_semaphore, #tpu.memory_space<semaphore_mem>>
        %dma_start3A_198 = arith.constant 0 : i32
        %dma_start3A_199 = tpu.memref_slice %arg7[%add3A_146, %dma_start3A_198] : memref<80x128xi32, #tpu.memory_space<vmem>> -> memref<1x128xi32, #tpu.memory_space<vmem>>
        %dma_start3A_200 = tpu.memref_squeeze %dma_start3A_199 : memref<1x128xi32, #tpu.memory_space<vmem>> -> memref<128xi32, #tpu.memory_space<vmem>>
        %dma_start3A_201 = arith.constant 0 : i32
        %dma_start3A_202 = arith.constant 0 : i32
        %dma_start3A_203 = tpu.memref_slice %arg17[%dma_start3A_201, %dma_start3A_202] : memref<10112x32xf32, #tpu.memory_space<vmem_shared>> -> memref<10112x32xf32, #tpu.memory_space<vmem_shared>>
        tpu.enqueue_indirect_dma source(%arg12 : memref<128x32xf32, #tpu.memory_space<vmem>>) target(%dma_start3A_203 : memref<10112x32xf32, #tpu.memory_space<vmem_shared>>) offsets(%dma_start3A_200 : memref<128xi32, #tpu.memory_space<vmem>>) semaphore(%run_scoped3A : memref<!tpu.dma_semaphore, #tpu.memory_space<semaphore_mem>>) {add = true}
        %dma_wait3A_204 = arith.constant 0 : i32
        %dma_wait3A_205 = tpu.memref_slice %arg7[%add3A_146, %dma_wait3A_204] : memref<80x128xi32, #tpu.memory_space<vmem>> -> memref<1x128xi32, #tpu.memory_space<vmem>>
        %dma_wait3A_206 = tpu.memref_squeeze %dma_wait3A_205 : memref<1x128xi32, #tpu.memory_space<vmem>> -> memref<128xi32, #tpu.memory_space<vmem>>
        %dma_wait3A_207 = arith.constant 0 : i32
        %dma_wait3A_208 = arith.constant 0 : i32
        %dma_wait3A_209 = tpu.memref_slice %arg17[%dma_wait3A_207, %dma_wait3A_208] : memref<10112x32xf32, #tpu.memory_space<vmem_shared>> -> memref<10112x32xf32, #tpu.memory_space<vmem_shared>>
        tpu.wait_indirect_dma semaphore(%run_scoped3A : memref<!tpu.dma_semaphore, #tpu.memory_space<semaphore_mem>>) src(%arg12 : memref<128x32xf32, #tpu.memory_space<vmem>>) dst(%dma_wait3A_209 : memref<10112x32xf32, #tpu.memory_space<vmem_shared>>)
        tpu.yield
      }) : () -> ()
      %lt3A_147 = arith.constant 9 : i32
      %lt3A_148 = arith.cmpi slt, %scan3A_77, %lt3A_147 : i32
      %convert_element_type3A_149 = arith.extui %lt3A_148 : i1 to i32
      %cond3A_150 = arith.constant 0 : i32
      %cond3A_151 = arith.cmpi ne, %convert_element_type3A_149, %cond3A_150 : i32
      scf.if %cond3A_151 {
        %add3A_198 = arith.constant 8 : i32
        %add3A_199 = arith.addi %mul3A_80, %add3A_198 : i32
        %add3A_200 = arith.constant 4 : i32
        %add3A_201 = arith.addi %add3A_199, %add3A_200 : i32
        %dma_start3A_202 = arith.constant 0 : i32
        %dma_start3A_203 = tpu.memref_slice %arg6[%add3A_201, %dma_start3A_202] : memref<80x128xi32, #tpu.memory_space<vmem>> -> memref<1x128xi32, #tpu.memory_space<vmem>>
        %dma_start3A_204 = tpu.memref_squeeze %dma_start3A_203 : memref<1x128xi32, #tpu.memory_space<vmem>> -> memref<128xi32, #tpu.memory_space<vmem>>
        %dma_start3A_205 = arith.constant 0 : i32
        %dma_start3A_206 = arith.constant 0 : i32
        %dma_start3A_207 = tpu.memref_slice %arg2[%dma_start3A_205, %dma_start3A_206] : memref<10000x32xf32, #tpu.memory_space<hbm>> -> memref<10000x32xf32, #tpu.memory_space<hbm>>
        tpu.enqueue_indirect_dma source(%dma_start3A_207 : memref<10000x32xf32, #tpu.memory_space<hbm>>) target(%arg12 : memref<128x32xf32, #tpu.memory_space<vmem>>) offsets(%dma_start3A_204 : memref<128xi32, #tpu.memory_space<vmem>>) semaphore(%arg22 : memref<!tpu.dma_semaphore, #tpu.memory_space<semaphore_mem>>)
      } else {
      }
      %add3A_152 = arith.constant 5 : i32
      %add3A_153 = arith.addi %mul3A_80, %add3A_152 : i32
      %dma_wait3A_154 = arith.constant 0 : i32
      %dma_wait3A_155 = tpu.memref_slice %arg6[%add3A_153, %dma_wait3A_154] : memref<80x128xi32, #tpu.memory_space<vmem>> -> memref<1x128xi32, #tpu.memory_space<vmem>>
      %dma_wait3A_156 = tpu.memref_squeeze %dma_wait3A_155 : memref<1x128xi32, #tpu.memory_space<vmem>> -> memref<128xi32, #tpu.memory_space<vmem>>
      %dma_wait3A_157 = arith.constant 0 : i32
      %dma_wait3A_158 = arith.constant 0 : i32
      %dma_wait3A_159 = tpu.memref_slice %arg2[%dma_wait3A_157, %dma_wait3A_158] : memref<10000x32xf32, #tpu.memory_space<hbm>> -> memref<10000x32xf32, #tpu.memory_space<hbm>>
      tpu.wait_indirect_dma semaphore(%arg23 : memref<!tpu.dma_semaphore, #tpu.memory_space<semaphore_mem>>) src(%dma_wait3A_159 : memref<10000x32xf32, #tpu.memory_space<hbm>>) dst(%arg13 : memref<128x32xf32, #tpu.memory_space<vmem>>)
      %add3A_160 = arith.constant 5 : i32
      %add3A_161 = arith.addi %mul3A_80, %add3A_160 : i32
      "tpu.region"() ({
        %run_scoped3A = tpu.sem_alloc : memref<!tpu.dma_semaphore, #tpu.memory_space<semaphore_mem>>
        %dma_start3A_198 = arith.constant 0 : i32
        %dma_start3A_199 = tpu.memref_slice %arg7[%add3A_161, %dma_start3A_198] : memref<80x128xi32, #tpu.memory_space<vmem>> -> memref<1x128xi32, #tpu.memory_space<vmem>>
        %dma_start3A_200 = tpu.memref_squeeze %dma_start3A_199 : memref<1x128xi32, #tpu.memory_space<vmem>> -> memref<128xi32, #tpu.memory_space<vmem>>
        %dma_start3A_201 = arith.constant 0 : i32
        %dma_start3A_202 = arith.constant 0 : i32
        %dma_start3A_203 = tpu.memref_slice %arg17[%dma_start3A_201, %dma_start3A_202] : memref<10112x32xf32, #tpu.memory_space<vmem_shared>> -> memref<10112x32xf32, #tpu.memory_space<vmem_shared>>
        tpu.enqueue_indirect_dma source(%arg13 : memref<128x32xf32, #tpu.memory_space<vmem>>) target(%dma_start3A_203 : memref<10112x32xf32, #tpu.memory_space<vmem_shared>>) offsets(%dma_start3A_200 : memref<128xi32, #tpu.memory_space<vmem>>) semaphore(%run_scoped3A : memref<!tpu.dma_semaphore, #tpu.memory_space<semaphore_mem>>) {add = true}
        %dma_wait3A_204 = arith.constant 0 : i32
        %dma_wait3A_205 = tpu.memref_slice %arg7[%add3A_161, %dma_wait3A_204] : memref<80x128xi32, #tpu.memory_space<vmem>> -> memref<1x128xi32, #tpu.memory_space<vmem>>
        %dma_wait3A_206 = tpu.memref_squeeze %dma_wait3A_205 : memref<1x128xi32, #tpu.memory_space<vmem>> -> memref<128xi32, #tpu.memory_space<vmem>>
        %dma_wait3A_207 = arith.constant 0 : i32
        %dma_wait3A_208 = arith.constant 0 : i32
        %dma_wait3A_209 = tpu.memref_slice %arg17[%dma_wait3A_207, %dma_wait3A_208] : memref<10112x32xf32, #tpu.memory_space<vmem_shared>> -> memref<10112x32xf32, #tpu.memory_space<vmem_shared>>
        tpu.wait_indirect_dma semaphore(%run_scoped3A : memref<!tpu.dma_semaphore, #tpu.memory_space<semaphore_mem>>) src(%arg13 : memref<128x32xf32, #tpu.memory_space<vmem>>) dst(%dma_wait3A_209 : memref<10112x32xf32, #tpu.memory_space<vmem_shared>>)
        tpu.yield
      }) : () -> ()
      %lt3A_162 = arith.constant 9 : i32
      %lt3A_163 = arith.cmpi slt, %scan3A_77, %lt3A_162 : i32
      %convert_element_type3A_164 = arith.extui %lt3A_163 : i1 to i32
      %cond3A_165 = arith.constant 0 : i32
      %cond3A_166 = arith.cmpi ne, %convert_element_type3A_164, %cond3A_165 : i32
      scf.if %cond3A_166 {
        %add3A_198 = arith.constant 8 : i32
        %add3A_199 = arith.addi %mul3A_80, %add3A_198 : i32
        %add3A_200 = arith.constant 5 : i32
        %add3A_201 = arith.addi %add3A_199, %add3A_200 : i32
        %dma_start3A_202 = arith.constant 0 : i32
        %dma_start3A_203 = tpu.memref_slice %arg6[%add3A_201, %dma_start3A_202] : memref<80x128xi32, #tpu.memory_space<vmem>> -> memref<1x128xi32, #tpu.memory_space<vmem>>
        %dma_start3A_204 = tpu.memref_squeeze %dma_start3A_203 : memref<1x128xi32, #tpu.memory_space<vmem>> -> memref<128xi32, #tpu.memory_space<vmem>>
        %dma_start3A_205 = arith.constant 0 : i32
        %dma_start3A_206 = arith.constant 0 : i32
        %dma_start3A_207 = tpu.memref_slice %arg2[%dma_start3A_205, %dma_start3A_206] : memref<10000x32xf32, #tpu.memory_space<hbm>> -> memref<10000x32xf32, #tpu.memory_space<hbm>>
        tpu.enqueue_indirect_dma source(%dma_start3A_207 : memref<10000x32xf32, #tpu.memory_space<hbm>>) target(%arg13 : memref<128x32xf32, #tpu.memory_space<vmem>>) offsets(%dma_start3A_204 : memref<128xi32, #tpu.memory_space<vmem>>) semaphore(%arg23 : memref<!tpu.dma_semaphore, #tpu.memory_space<semaphore_mem>>)
      } else {
      }
      %add3A_167 = arith.constant 6 : i32
      %add3A_168 = arith.addi %mul3A_80, %add3A_167 : i32
      %dma_wait3A_169 = arith.constant 0 : i32
      %dma_wait3A_170 = tpu.memref_slice %arg6[%add3A_168, %dma_wait3A_169] : memref<80x128xi32, #tpu.memory_space<vmem>> -> memref<1x128xi32, #tpu.memory_space<vmem>>
      %dma_wait3A_171 = tpu.memref_squeeze %dma_wait3A_170 : memref<1x128xi32, #tpu.memory_space<vmem>> -> memref<128xi32, #tpu.memory_space<vmem>>
      %dma_wait3A_172 = arith.constant 0 : i32
      %dma_wait3A_173 = arith.constant 0 : i32
      %dma_wait3A_174 = tpu.memref_slice %arg2[%dma_wait3A_172, %dma_wait3A_173] : memref<10000x32xf32, #tpu.memory_space<hbm>> -> memref<10000x32xf32, #tpu.memory_space<hbm>>
      tpu.wait_indirect_dma semaphore(%arg24 : memref<!tpu.dma_semaphore, #tpu.memory_space<semaphore_mem>>) src(%dma_wait3A_174 : memref<10000x32xf32, #tpu.memory_space<hbm>>) dst(%arg14 : memref<128x32xf32, #tpu.memory_space<vmem>>)
      %add3A_175 = arith.constant 6 : i32
      %add3A_176 = arith.addi %mul3A_80, %add3A_175 : i32
      "tpu.region"() ({
        %run_scoped3A = tpu.sem_alloc : memref<!tpu.dma_semaphore, #tpu.memory_space<semaphore_mem>>
        %dma_start3A_198 = arith.constant 0 : i32
        %dma_start3A_199 = tpu.memref_slice %arg7[%add3A_176, %dma_start3A_198] : memref<80x128xi32, #tpu.memory_space<vmem>> -> memref<1x128xi32, #tpu.memory_space<vmem>>
        %dma_start3A_200 = tpu.memref_squeeze %dma_start3A_199 : memref<1x128xi32, #tpu.memory_space<vmem>> -> memref<128xi32, #tpu.memory_space<vmem>>
        %dma_start3A_201 = arith.constant 0 : i32
        %dma_start3A_202 = arith.constant 0 : i32
        %dma_start3A_203 = tpu.memref_slice %arg17[%dma_start3A_201, %dma_start3A_202] : memref<10112x32xf32, #tpu.memory_space<vmem_shared>> -> memref<10112x32xf32, #tpu.memory_space<vmem_shared>>
        tpu.enqueue_indirect_dma source(%arg14 : memref<128x32xf32, #tpu.memory_space<vmem>>) target(%dma_start3A_203 : memref<10112x32xf32, #tpu.memory_space<vmem_shared>>) offsets(%dma_start3A_200 : memref<128xi32, #tpu.memory_space<vmem>>) semaphore(%run_scoped3A : memref<!tpu.dma_semaphore, #tpu.memory_space<semaphore_mem>>) {add = true}
        %dma_wait3A_204 = arith.constant 0 : i32
        %dma_wait3A_205 = tpu.memref_slice %arg7[%add3A_176, %dma_wait3A_204] : memref<80x128xi32, #tpu.memory_space<vmem>> -> memref<1x128xi32, #tpu.memory_space<vmem>>
        %dma_wait3A_206 = tpu.memref_squeeze %dma_wait3A_205 : memref<1x128xi32, #tpu.memory_space<vmem>> -> memref<128xi32, #tpu.memory_space<vmem>>
        %dma_wait3A_207 = arith.constant 0 : i32
        %dma_wait3A_208 = arith.constant 0 : i32
        %dma_wait3A_209 = tpu.memref_slice %arg17[%dma_wait3A_207, %dma_wait3A_208] : memref<10112x32xf32, #tpu.memory_space<vmem_shared>> -> memref<10112x32xf32, #tpu.memory_space<vmem_shared>>
        tpu.wait_indirect_dma semaphore(%run_scoped3A : memref<!tpu.dma_semaphore, #tpu.memory_space<semaphore_mem>>) src(%arg14 : memref<128x32xf32, #tpu.memory_space<vmem>>) dst(%dma_wait3A_209 : memref<10112x32xf32, #tpu.memory_space<vmem_shared>>)
        tpu.yield
      }) : () -> ()
      %lt3A_177 = arith.constant 9 : i32
      %lt3A_178 = arith.cmpi slt, %scan3A_77, %lt3A_177 : i32
      %convert_element_type3A_179 = arith.extui %lt3A_178 : i1 to i32
      %cond3A_180 = arith.constant 0 : i32
      %cond3A_181 = arith.cmpi ne, %convert_element_type3A_179, %cond3A_180 : i32
      scf.if %cond3A_181 {
        %add3A_198 = arith.constant 8 : i32
        %add3A_199 = arith.addi %mul3A_80, %add3A_198 : i32
        %add3A_200 = arith.constant 6 : i32
        %add3A_201 = arith.addi %add3A_199, %add3A_200 : i32
        %dma_start3A_202 = arith.constant 0 : i32
        %dma_start3A_203 = tpu.memref_slice %arg6[%add3A_201, %dma_start3A_202] : memref<80x128xi32, #tpu.memory_space<vmem>> -> memref<1x128xi32, #tpu.memory_space<vmem>>
        %dma_start3A_204 = tpu.memref_squeeze %dma_start3A_203 : memref<1x128xi32, #tpu.memory_space<vmem>> -> memref<128xi32, #tpu.memory_space<vmem>>
        %dma_start3A_205 = arith.constant 0 : i32
        %dma_start3A_206 = arith.constant 0 : i32
        %dma_start3A_207 = tpu.memref_slice %arg2[%dma_start3A_205, %dma_start3A_206] : memref<10000x32xf32, #tpu.memory_space<hbm>> -> memref<10000x32xf32, #tpu.memory_space<hbm>>
        tpu.enqueue_indirect_dma source(%dma_start3A_207 : memref<10000x32xf32, #tpu.memory_space<hbm>>) target(%arg14 : memref<128x32xf32, #tpu.memory_space<vmem>>) offsets(%dma_start3A_204 : memref<128xi32, #tpu.memory_space<vmem>>) semaphore(%arg24 : memref<!tpu.dma_semaphore, #tpu.memory_space<semaphore_mem>>)
      } else {
      }
      %add3A_182 = arith.constant 7 : i32
      %add3A_183 = arith.addi %mul3A_80, %add3A_182 : i32
      %dma_wait3A_184 = arith.constant 0 : i32
      %dma_wait3A_185 = tpu.memref_slice %arg6[%add3A_183, %dma_wait3A_184] : memref<80x128xi32, #tpu.memory_space<vmem>> -> memref<1x128xi32, #tpu.memory_space<vmem>>
      %dma_wait3A_186 = tpu.memref_squeeze %dma_wait3A_185 : memref<1x128xi32, #tpu.memory_space<vmem>> -> memref<128xi32, #tpu.memory_space<vmem>>
      %dma_wait3A_187 = arith.constant 0 : i32
      %dma_wait3A_188 = arith.constant 0 : i32
      %dma_wait3A_189 = tpu.memref_slice %arg2[%dma_wait3A_187, %dma_wait3A_188] : memref<10000x32xf32, #tpu.memory_space<hbm>> -> memref<10000x32xf32, #tpu.memory_space<hbm>>
      tpu.wait_indirect_dma semaphore(%arg25 : memref<!tpu.dma_semaphore, #tpu.memory_space<semaphore_mem>>) src(%dma_wait3A_189 : memref<10000x32xf32, #tpu.memory_space<hbm>>) dst(%arg15 : memref<128x32xf32, #tpu.memory_space<vmem>>)
      %add3A_190 = arith.constant 7 : i32
      %add3A_191 = arith.addi %mul3A_80, %add3A_190 : i32
      "tpu.region"() ({
        %run_scoped3A = tpu.sem_alloc : memref<!tpu.dma_semaphore, #tpu.memory_space<semaphore_mem>>
        %dma_start3A_198 = arith.constant 0 : i32
        %dma_start3A_199 = tpu.memref_slice %arg7[%add3A_191, %dma_start3A_198] : memref<80x128xi32, #tpu.memory_space<vmem>> -> memref<1x128xi32, #tpu.memory_space<vmem>>
        %dma_start3A_200 = tpu.memref_squeeze %dma_start3A_199 : memref<1x128xi32, #tpu.memory_space<vmem>> -> memref<128xi32, #tpu.memory_space<vmem>>
        %dma_start3A_201 = arith.constant 0 : i32
        %dma_start3A_202 = arith.constant 0 : i32
        %dma_start3A_203 = tpu.memref_slice %arg17[%dma_start3A_201, %dma_start3A_202] : memref<10112x32xf32, #tpu.memory_space<vmem_shared>> -> memref<10112x32xf32, #tpu.memory_space<vmem_shared>>
        tpu.enqueue_indirect_dma source(%arg15 : memref<128x32xf32, #tpu.memory_space<vmem>>) target(%dma_start3A_203 : memref<10112x32xf32, #tpu.memory_space<vmem_shared>>) offsets(%dma_start3A_200 : memref<128xi32, #tpu.memory_space<vmem>>) semaphore(%run_scoped3A : memref<!tpu.dma_semaphore, #tpu.memory_space<semaphore_mem>>) {add = true}
        %dma_wait3A_204 = arith.constant 0 : i32
        %dma_wait3A_205 = tpu.memref_slice %arg7[%add3A_191, %dma_wait3A_204] : memref<80x128xi32, #tpu.memory_space<vmem>> -> memref<1x128xi32, #tpu.memory_space<vmem>>
        %dma_wait3A_206 = tpu.memref_squeeze %dma_wait3A_205 : memref<1x128xi32, #tpu.memory_space<vmem>> -> memref<128xi32, #tpu.memory_space<vmem>>
        %dma_wait3A_207 = arith.constant 0 : i32
        %dma_wait3A_208 = arith.constant 0 : i32
        %dma_wait3A_209 = tpu.memref_slice %arg17[%dma_wait3A_207, %dma_wait3A_208] : memref<10112x32xf32, #tpu.memory_space<vmem_shared>> -> memref<10112x32xf32, #tpu.memory_space<vmem_shared>>
        tpu.wait_indirect_dma semaphore(%run_scoped3A : memref<!tpu.dma_semaphore, #tpu.memory_space<semaphore_mem>>) src(%arg15 : memref<128x32xf32, #tpu.memory_space<vmem>>) dst(%dma_wait3A_209 : memref<10112x32xf32, #tpu.memory_space<vmem_shared>>)
        tpu.yield
      }) : () -> ()
      %lt3A_192 = arith.constant 9 : i32
      %lt3A_193 = arith.cmpi slt, %scan3A_77, %lt3A_192 : i32
      %convert_element_type3A_194 = arith.extui %lt3A_193 : i1 to i32
      %cond3A_195 = arith.constant 0 : i32
      %cond3A_196 = arith.cmpi ne, %convert_element_type3A_194, %cond3A_195 : i32
      scf.if %cond3A_196 {
        %add3A_198 = arith.constant 8 : i32
        %add3A_199 = arith.addi %mul3A_80, %add3A_198 : i32
        %add3A_200 = arith.constant 7 : i32
        %add3A_201 = arith.addi %add3A_199, %add3A_200 : i32
        %dma_start3A_202 = arith.constant 0 : i32
        %dma_start3A_203 = tpu.memref_slice %arg6[%add3A_201, %dma_start3A_202] : memref<80x128xi32, #tpu.memory_space<vmem>> -> memref<1x128xi32, #tpu.memory_space<vmem>>
        %dma_start3A_204 = tpu.memref_squeeze %dma_start3A_203 : memref<1x128xi32, #tpu.memory_space<vmem>> -> memref<128xi32, #tpu.memory_space<vmem>>
        %dma_start3A_205 = arith.constant 0 : i32
        %dma_start3A_206 = arith.constant 0 : i32
        %dma_start3A_207 = tpu.memref_slice %arg2[%dma_start3A_205, %dma_start3A_206] : memref<10000x32xf32, #tpu.memory_space<hbm>> -> memref<10000x32xf32, #tpu.memory_space<hbm>>
        tpu.enqueue_indirect_dma source(%dma_start3A_207 : memref<10000x32xf32, #tpu.memory_space<hbm>>) target(%arg15 : memref<128x32xf32, #tpu.memory_space<vmem>>) offsets(%dma_start3A_204 : memref<128xi32, #tpu.memory_space<vmem>>) semaphore(%arg25 : memref<!tpu.dma_semaphore, #tpu.memory_space<semaphore_mem>>)
      } else {
      }
      %scan3A_197 = arith.constant 0 : i32
      scf.yield %scan3A_197 : i32
    }
    %scan3A_71 = arith.constant 10 : i32
    %barrier3A_72 = arith.constant 0 : index
    tpu.barrier barrier_id(%barrier3A_72)
    %mul3A_73 = arith.constant 632 : i32
    %mul3A_74 = arith.muli %arg1, %mul3A_73 : i32
    %mul3A_75 = arith.constant 632 : i32
    %mul3A_76 = arith.muli %arg1, %mul3A_75 : i32
    "tpu.region"() ({
      %run_scoped3A = tpu.sem_alloc : memref<!tpu.dma_semaphore, #tpu.memory_space<semaphore_mem>>
      %dma_start3A_77 = arith.constant 0 : i32
      %dma_start3A_78 = tpu.memref_slice %arg5[%arg0, %mul3A_76, %dma_start3A_77] : memref<2x10112x32xf32, #tpu.memory_space<hbm>> -> memref<1x632x32xf32, #tpu.memory_space<hbm>>
      %dma_start3A_79 = tpu.memref_squeeze %dma_start3A_78 : memref<1x632x32xf32, #tpu.memory_space<hbm>> -> memref<632x32xf32, #tpu.memory_space<hbm>>
      %dma_start3A_80 = arith.constant 0 : i32
      %dma_start3A_81 = tpu.memref_slice %arg17[%mul3A_74, %dma_start3A_80] : memref<10112x32xf32, #tpu.memory_space<vmem_shared>> -> memref<632x32xf32, #tpu.memory_space<vmem_shared>>
      tpu.enqueue_dma source(%dma_start3A_81 : memref<632x32xf32, #tpu.memory_space<vmem_shared>>) target(%dma_start3A_79 : memref<632x32xf32, #tpu.memory_space<hbm>>) target_semaphore(%run_scoped3A : memref<!tpu.dma_semaphore, #tpu.memory_space<semaphore_mem>>)
      %dma_wait3A = arith.constant 0 : i32
      %dma_wait3A_82 = tpu.memref_slice %arg5[%arg0, %mul3A_76, %dma_wait3A] : memref<2x10112x32xf32, #tpu.memory_space<hbm>> -> memref<1x632x32xf32, #tpu.memory_space<hbm>>
      %dma_wait3A_83 = tpu.memref_squeeze %dma_wait3A_82 : memref<1x632x32xf32, #tpu.memory_space<hbm>> -> memref<632x32xf32, #tpu.memory_space<hbm>>
      %dma_wait3A_84 = arith.constant 0 : i32
      %dma_wait3A_85 = tpu.memref_slice %arg17[%mul3A_74, %dma_wait3A_84] : memref<10112x32xf32, #tpu.memory_space<vmem_shared>> -> memref<632x32xf32, #tpu.memory_space<vmem_shared>>
      tpu.wait_dma2 semaphore(%run_scoped3A : memref<!tpu.dma_semaphore, #tpu.memory_space<semaphore_mem>>) src(%dma_wait3A_85 : memref<632x32xf32, #tpu.memory_space<vmem_shared>>) dst(%dma_wait3A_83 : memref<632x32xf32, #tpu.memory_space<hbm>>)
      tpu.yield
    }) : () -> ()
    return
  }
}

#map = affine_map<(d0, d1) -> (0, 0)>
#map1 = affine_map<(d0, d1) -> (0, 0, 0)>
module attributes {stable_mosaic.version = 14 : i64} {
  func.func @_sc_scatter(%arg0: i32, %arg1: i32, %arg2: memref<10000x32xf32, #tpu.memory_space<hbm>>, %arg3: memref<32x80x128xi32, #tpu.memory_space<hbm>>, %arg4: memref<32x80x128xi32, #tpu.memory_space<hbm>>, %arg5: memref<2x10112x32xf32, #tpu.memory_space<hbm>>, %arg6: memref<80x128xi32, #tpu.memory_space<vmem>>, %arg7: memref<80x128xi32, #tpu.memory_space<vmem>>, %arg8: memref<128x32xf32, #tpu.memory_space<vmem>>, %arg9: memref<128x32xf32, #tpu.memory_space<vmem>>, %arg10: memref<128x32xf32, #tpu.memory_space<vmem>>, %arg11: memref<128x32xf32, #tpu.memory_space<vmem>>, %arg12: memref<128x32xf32, #tpu.memory_space<vmem>>, %arg13: memref<128x32xf32, #tpu.memory_space<vmem>>, %arg14: memref<128x32xf32, #tpu.memory_space<vmem>>, %arg15: memref<128x32xf32, #tpu.memory_space<vmem>>, %arg16: memref<632x32xf32, #tpu.memory_space<vmem>>, %arg17: memref<10112x32xf32, #tpu.memory_space<vmem_shared>>, %arg18: memref<!tpu.dma_semaphore, #tpu.memory_space<semaphore_mem>>, %arg19: memref<!tpu.dma_semaphore, #tpu.memory_space<semaphore_mem>>, %arg20: memref<!tpu.dma_semaphore, #tpu.memory_space<semaphore_mem>>, %arg21: memref<!tpu.dma_semaphore, #tpu.memory_space<semaphore_mem>>, %arg22: memref<!tpu.dma_semaphore, #tpu.memory_space<semaphore_mem>>, %arg23: memref<!tpu.dma_semaphore, #tpu.memory_space<semaphore_mem>>, %arg24: memref<!tpu.dma_semaphore, #tpu.memory_space<semaphore_mem>>, %arg25: memref<!tpu.dma_semaphore, #tpu.memory_space<semaphore_mem>>) attributes {dimension_semantics = [#tpu.dimension_semantics<core_parallel>, #tpu.dimension_semantics<subcore_parallel>], iteration_bounds = array<i64: 2, 16>, scalar_prefetch = 0 : i64, scratch_operands = 20 : i64, tpu.core_type = #tpu.core_type<sc_vector_subcore>, window_params = [{transform_indices = #map}, {transform_indices = #map1}, {transform_indices = #map1}, {transform_indices = #map1}]} {
    %mul3A = arith.constant 16 : i32
    %mul3A_0 = arith.muli %arg0, %mul3A : i32
    %add3A = arith.addi %mul3A_0, %arg1 : i32
    %broadcast_in_dim3A = arith.constant 0.000000e+00 : f32
    %broadcast_in_dim3A_1 = vector.broadcast %broadcast_in_dim3A : f32 to vector<16xf32>
    %scan3A = arith.constant 0 : i32
    %scan3A_2 = arith.constant 0 : i32
    %scan3A_3 = arith.constant 632 : i32
    %scan3A_4 = arith.addi %scan3A_2, %scan3A_3 : i32
    %scan3A_5 = arith.constant 1 : i32
    %scan3A_6 = scf.for %scan3A_77 = %scan3A_2 to %scan3A_4 step %scan3A_5 iter_args(%scan3A_78 = %scan3A) -> (i32)  : i32 {
      %swap3A = arith.index_cast %scan3A_77 : i32 to index
      %swap3A_79 = arith.constant 0 : index
      %swap3A_80 = tpu.vector_load %arg16[%swap3A, %swap3A_79] {strides = array<i32>} : memref<632x32xf32, #tpu.memory_space<vmem>>, vector<16xf32>,
      tpu.vector_store %arg16[%swap3A, %swap3A_79], %broadcast_in_dim3A_1 {strides = array<i32>} : memref<632x32xf32, #tpu.memory_space<vmem>>, vector<16xf32>,
      %swap3A_81 = arith.index_cast %scan3A_77 : i32 to index
      %swap3A_82 = arith.constant 16 : index
      %swap3A_83 = tpu.vector_load %arg16[%swap3A_81, %swap3A_82] {strides = array<i32>} : memref<632x32xf32, #tpu.memory_space<vmem>>, vector<16xf32>,
      tpu.vector_store %arg16[%swap3A_81, %swap3A_82], %broadcast_in_dim3A_1 {strides = array<i32>} : memref<632x32xf32, #tpu.memory_space<vmem>>, vector<16xf32>,
      %scan3A_84 = arith.constant 0 : i32
      scf.yield %scan3A_84 : i32
    }
    %scan3A_7 = arith.constant 632 : i32
    %mul3A_8 = arith.constant 632 : i32
    %mul3A_9 = arith.muli %arg1, %mul3A_8 : i32
    "tpu.region"() ({
      %run_scoped3A = tpu.sem_alloc : memref<!tpu.dma_semaphore, #tpu.memory_space<semaphore_mem>>
      %dma_start3A_77 = arith.constant 0 : i32
      %dma_start3A_78 = tpu.memref_slice %arg17[%mul3A_9, %dma_start3A_77] : memref<10112x32xf32, #tpu.memory_space<vmem_shared>> -> memref<632x32xf32, #tpu.memory_space<vmem_shared>>
      %dma_start3A_79 = arith.constant 0 : i32
      %dma_start3A_80 = tpu.memref_slice %arg17[%mul3A_9, %dma_start3A_79] : memref<10112x32xf32, #tpu.memory_space<vmem_shared>> -> memref<632x32xf32, #tpu.memory_space<vmem_shared>>
      tpu.enqueue_dma source(%arg16 : memref<632x32xf32, #tpu.memory_space<vmem>>) target(%dma_start3A_80 : memref<632x32xf32, #tpu.memory_space<vmem_shared>>) target_semaphore(%run_scoped3A : memref<!tpu.dma_semaphore, #tpu.memory_space<semaphore_mem>>)
      %dma_wait3A = arith.constant 0 : i32
      %dma_wait3A_81 = tpu.memref_slice %arg17[%mul3A_9, %dma_wait3A] : memref<10112x32xf32, #tpu.memory_space<vmem_shared>> -> memref<632x32xf32, #tpu.memory_space<vmem_shared>>
      %dma_wait3A_82 = arith.constant 0 : i32
      %dma_wait3A_83 = tpu.memref_slice %arg17[%mul3A_9, %dma_wait3A_82] : memref<10112x32xf32, #tpu.memory_space<vmem_shared>> -> memref<632x32xf32, #tpu.memory_space<vmem_shared>>
      tpu.wait_dma2 semaphore(%run_scoped3A : memref<!tpu.dma_semaphore, #tpu.memory_space<semaphore_mem>>) src(%arg16 : memref<632x32xf32, #tpu.memory_space<vmem>>) dst(%dma_wait3A_83 : memref<632x32xf32, #tpu.memory_space<vmem_shared>>)
      tpu.yield
    }) : () -> ()
    %barrier3A = arith.constant 0 : index
    tpu.barrier barrier_id(%barrier3A)
    "tpu.region"() ({
      %run_scoped3A = tpu.sem_alloc : memref<!tpu.dma_semaphore, #tpu.memory_space<semaphore_mem>>
      %dma_start3A_77 = arith.constant 0 : i32
      %dma_start3A_78 = arith.constant 0 : i32
      %dma_start3A_79 = tpu.memref_slice %arg3[%add3A, %dma_start3A_77, %dma_start3A_78] : memref<32x80x128xi32, #tpu.memory_space<hbm>> -> memref<1x80x128xi32, #tpu.memory_space<hbm>>
      %dma_start3A_80 = tpu.memref_squeeze %dma_start3A_79 : memref<1x80x128xi32, #tpu.memory_space<hbm>> -> memref<80x128xi32, #tpu.memory_space<hbm>>
      %dma_start3A_81 = arith.constant 0 : i32
      %dma_start3A_82 = arith.constant 0 : i32
      %dma_start3A_83 = tpu.memref_slice %arg3[%add3A, %dma_start3A_81, %dma_start3A_82] : memref<32x80x128xi32, #tpu.memory_space<hbm>> -> memref<1x80x128xi32, #tpu.memory_space<hbm>>
      %dma_start3A_84 = tpu.memref_squeeze %dma_start3A_83 : memref<1x80x128xi32, #tpu.memory_space<hbm>> -> memref<80x128xi32, #tpu.memory_space<hbm>>
      tpu.enqueue_dma source(%dma_start3A_84 : memref<80x128xi32, #tpu.memory_space<hbm>>) target(%arg6 : memref<80x128xi32, #tpu.memory_space<vmem>>) target_semaphore(%run_scoped3A : memref<!tpu.dma_semaphore, #tpu.memory_space<semaphore_mem>>)
      %dma_wait3A = arith.constant 0 : i32
      %dma_wait3A_85 = arith.constant 0 : i32
      %dma_wait3A_86 = tpu.memref_slice %arg3[%add3A, %dma_wait3A, %dma_wait3A_85] : memref<32x80x128xi32, #tpu.memory_space<hbm>> -> memref<1x80x128xi32, #tpu.memory_space<hbm>>
      %dma_wait3A_87 = tpu.memref_squeeze %dma_wait3A_86 : memref<1x80x128xi32, #tpu.memory_space<hbm>> -> memref<80x128xi32, #tpu.memory_space<hbm>>
      %dma_wait3A_88 = arith.constant 0 : i32
      %dma_wait3A_89 = arith.constant 0 : i32
      %dma_wait3A_90 = tpu.memref_slice %arg3[%add3A, %dma_wait3A_88, %dma_wait3A_89] : memref<32x80x128xi32, #tpu.memory_space<hbm>> -> memref<1x80x128xi32, #tpu.memory_space<hbm>>
      %dma_wait3A_91 = tpu.memref_squeeze %dma_wait3A_90 : memref<1x80x128xi32, #tpu.memory_space<hbm>> -> memref<80x128xi32, #tpu.memory_space<hbm>>
      tpu.wait_dma2 semaphore(%run_scoped3A : memref<!tpu.dma_semaphore, #tpu.memory_space<semaphore_mem>>) src(%dma_wait3A_91 : memref<80x128xi32, #tpu.memory_space<hbm>>) dst(%arg6 : memref<80x128xi32, #tpu.memory_space<vmem>>)
      tpu.yield
    }) : () -> ()
    "tpu.region"() ({
      %run_scoped3A = tpu.sem_alloc : memref<!tpu.dma_semaphore, #tpu.memory_space<semaphore_mem>>
      %dma_start3A_77 = arith.constant 0 : i32
      %dma_start3A_78 = arith.constant 0 : i32
      %dma_start3A_79 = tpu.memref_slice %arg4[%add3A, %dma_start3A_77, %dma_start3A_78] : memref<32x80x128xi32, #tpu.memory_space<hbm>> -> memref<1x80x128xi32, #tpu.memory_space<hbm>>
      %dma_start3A_80 = tpu.memref_squeeze %dma_start3A_79 : memref<1x80x128xi32, #tpu.memory_space<hbm>> -> memref<80x128xi32, #tpu.memory_space<hbm>>
      %dma_start3A_81 = arith.constant 0 : i32
      %dma_start3A_82 = arith.constant 0 : i32
      %dma_start3A_83 = tpu.memref_slice %arg4[%add3A, %dma_start3A_81, %dma_start3A_82] : memref<32x80x128xi32, #tpu.memory_space<hbm>> -> memref<1x80x128xi32, #tpu.memory_space<hbm>>
      %dma_start3A_84 = tpu.memref_squeeze %dma_start3A_83 : memref<1x80x128xi32, #tpu.memory_space<hbm>> -> memref<80x128xi32, #tpu.memory_space<hbm>>
      tpu.enqueue_dma source(%dma_start3A_84 : memref<80x128xi32, #tpu.memory_space<hbm>>) target(%arg7 : memref<80x128xi32, #tpu.memory_space<vmem>>) target_semaphore(%run_scoped3A : memref<!tpu.dma_semaphore, #tpu.memory_space<semaphore_mem>>)
      %dma_wait3A = arith.constant 0 : i32
      %dma_wait3A_85 = arith.constant 0 : i32
      %dma_wait3A_86 = tpu.memref_slice %arg4[%add3A, %dma_wait3A, %dma_wait3A_85] : memref<32x80x128xi32, #tpu.memory_space<hbm>> -> memref<1x80x128xi32, #tpu.memory_space<hbm>>
      %dma_wait3A_87 = tpu.memref_squeeze %dma_wait3A_86 : memref<1x80x128xi32, #tpu.memory_space<hbm>> -> memref<80x128xi32, #tpu.memory_space<hbm>>
      %dma_wait3A_88 = arith.constant 0 : i32
      %dma_wait3A_89 = arith.constant 0 : i32
      %dma_wait3A_90 = tpu.memref_slice %arg4[%add3A, %dma_wait3A_88, %dma_wait3A_89] : memref<32x80x128xi32, #tpu.memory_space<hbm>> -> memref<1x80x128xi32, #tpu.memory_space<hbm>>
      %dma_wait3A_91 = tpu.memref_squeeze %dma_wait3A_90 : memref<1x80x128xi32, #tpu.memory_space<hbm>> -> memref<80x128xi32, #tpu.memory_space<hbm>>
      tpu.wait_dma2 semaphore(%run_scoped3A : memref<!tpu.dma_semaphore, #tpu.memory_space<semaphore_mem>>) src(%dma_wait3A_91 : memref<80x128xi32, #tpu.memory_space<hbm>>) dst(%arg7 : memref<80x128xi32, #tpu.memory_space<vmem>>)
      tpu.yield
    }) : () -> ()
    %dma_start3A = arith.constant 0 : i32
    %dma_start3A_10 = arith.constant 0 : i32
    %dma_start3A_11 = tpu.memref_slice %arg6[%dma_start3A, %dma_start3A_10] : memref<80x128xi32, #tpu.memory_space<vmem>> -> memref<1x128xi32, #tpu.memory_space<vmem>>
    %dma_start3A_12 = tpu.memref_squeeze %dma_start3A_11 : memref<1x128xi32, #tpu.memory_space<vmem>> -> memref<128xi32, #tpu.memory_space<vmem>>
    %dma_start3A_13 = arith.constant 0 : i32
    %dma_start3A_14 = arith.constant 0 : i32
    %dma_start3A_15 = tpu.memref_slice %arg2[%dma_start3A_13, %dma_start3A_14] : memref<10000x32xf32, #tpu.memory_space<hbm>> -> memref<10000x32xf32, #tpu.memory_space<hbm>>
    tpu.enqueue_indirect_dma source(%dma_start3A_15 : memref<10000x32xf32, #tpu.memory_space<hbm>>) target(%arg8 : memref<128x32xf32, #tpu.memory_space<vmem>>) offsets(%dma_start3A_12 : memref<128xi32, #tpu.memory_space<vmem>>) semaphore(%arg18 : memref<!tpu.dma_semaphore, #tpu.memory_space<semaphore_mem>>)
    %dma_start3A_16 = arith.constant 1 : i32
    %dma_start3A_17 = arith.constant 0 : i32
    %dma_start3A_18 = tpu.memref_slice %arg6[%dma_start3A_16, %dma_start3A_17] : memref<80x128xi32, #tpu.memory_space<vmem>> -> memref<1x128xi32, #tpu.memory_space<vmem>>
    %dma_start3A_19 = tpu.memref_squeeze %dma_start3A_18 : memref<1x128xi32, #tpu.memory_space<vmem>> -> memref<128xi32, #tpu.memory_space<vmem>>
    %dma_start3A_20 = arith.constant 0 : i32
    %dma_start3A_21 = arith.constant 0 : i32
    %dma_start3A_22 = tpu.memref_slice %arg2[%dma_start3A_20, %dma_start3A_21] : memref<10000x32xf32, #tpu.memory_space<hbm>> -> memref<10000x32xf32, #tpu.memory_space<hbm>>
    tpu.enqueue_indirect_dma source(%dma_start3A_22 : memref<10000x32xf32, #tpu.memory_space<hbm>>) target(%arg9 : memref<128x32xf32, #tpu.memory_space<vmem>>) offsets(%dma_start3A_19 : memref<128xi32, #tpu.memory_space<vmem>>) semaphore(%arg19 : memref<!tpu.dma_semaphore, #tpu.memory_space<semaphore_mem>>)
    %dma_start3A_23 = arith.constant 2 : i32
    %dma_start3A_24 = arith.constant 0 : i32
    %dma_start3A_25 = tpu.memref_slice %arg6[%dma_start3A_23, %dma_start3A_24] : memref<80x128xi32, #tpu.memory_space<vmem>> -> memref<1x128xi32, #tpu.memory_space<vmem>>
    %dma_start3A_26 = tpu.memref_squeeze %dma_start3A_25 : memref<1x128xi32, #tpu.memory_space<vmem>> -> memref<128xi32, #tpu.memory_space<vmem>>
    %dma_start3A_27 = arith.constant 0 : i32
    %dma_start3A_28 = arith.constant 0 : i32
    %dma_start3A_29 = tpu.memref_slice %arg2[%dma_start3A_27, %dma_start3A_28] : memref<10000x32xf32, #tpu.memory_space<hbm>> -> memref<10000x32xf32, #tpu.memory_space<hbm>>
    tpu.enqueue_indirect_dma source(%dma_start3A_29 : memref<10000x32xf32, #tpu.memory_space<hbm>>) target(%arg10 : memref<128x32xf32, #tpu.memory_space<vmem>>) offsets(%dma_start3A_26 : memref<128xi32, #tpu.memory_space<vmem>>) semaphore(%arg20 : memref<!tpu.dma_semaphore, #tpu.memory_space<semaphore_mem>>)
    %dma_start3A_30 = arith.constant 3 : i32
    %dma_start3A_31 = arith.constant 0 : i32
    %dma_start3A_32 = tpu.memref_slice %arg6[%dma_start3A_30, %dma_start3A_31] : memref<80x128xi32, #tpu.memory_space<vmem>> -> memref<1x128xi32, #tpu.memory_space<vmem>>
    %dma_start3A_33 = tpu.memref_squeeze %dma_start3A_32 : memref<1x128xi32, #tpu.memory_space<vmem>> -> memref<128xi32, #tpu.memory_space<vmem>>
    %dma_start3A_34 = arith.constant 0 : i32
    %dma_start3A_35 = arith.constant 0 : i32
    %dma_start3A_36 = tpu.memref_slice %arg2[%dma_start3A_34, %dma_start3A_35] : memref<10000x32xf32, #tpu.memory_space<hbm>> -> memref<10000x32xf32, #tpu.memory_space<hbm>>
    tpu.enqueue_indirect_dma source(%dma_start3A_36 : memref<10000x32xf32, #tpu.memory_space<hbm>>) target(%arg11 : memref<128x32xf32, #tpu.memory_space<vmem>>) offsets(%dma_start3A_33 : memref<128xi32, #tpu.memory_space<vmem>>) semaphore(%arg21 : memref<!tpu.dma_semaphore, #tpu.memory_space<semaphore_mem>>)
    %dma_start3A_37 = arith.constant 4 : i32
    %dma_start3A_38 = arith.constant 0 : i32
    %dma_start3A_39 = tpu.memref_slice %arg6[%dma_start3A_37, %dma_start3A_38] : memref<80x128xi32, #tpu.memory_space<vmem>> -> memref<1x128xi32, #tpu.memory_space<vmem>>
    %dma_start3A_40 = tpu.memref_squeeze %dma_start3A_39 : memref<1x128xi32, #tpu.memory_space<vmem>> -> memref<128xi32, #tpu.memory_space<vmem>>
    %dma_start3A_41 = arith.constant 0 : i32
    %dma_start3A_42 = arith.constant 0 : i32
    %dma_start3A_43 = tpu.memref_slice %arg2[%dma_start3A_41, %dma_start3A_42] : memref<10000x32xf32, #tpu.memory_space<hbm>> -> memref<10000x32xf32, #tpu.memory_space<hbm>>
    tpu.enqueue_indirect_dma source(%dma_start3A_43 : memref<10000x32xf32, #tpu.memory_space<hbm>>) target(%arg12 : memref<128x32xf32, #tpu.memory_space<vmem>>) offsets(%dma_start3A_40 : memref<128xi32, #tpu.memory_space<vmem>>) semaphore(%arg22 : memref<!tpu.dma_semaphore, #tpu.memory_space<semaphore_mem>>)
    %dma_start3A_44 = arith.constant 5 : i32
    %dma_start3A_45 = arith.constant 0 : i32
    %dma_start3A_46 = tpu.memref_slice %arg6[%dma_start3A_44, %dma_start3A_45] : memref<80x128xi32, #tpu.memory_space<vmem>> -> memref<1x128xi32, #tpu.memory_space<vmem>>
    %dma_start3A_47 = tpu.memref_squeeze %dma_start3A_46 : memref<1x128xi32, #tpu.memory_space<vmem>> -> memref<128xi32, #tpu.memory_space<vmem>>
    %dma_start3A_48 = arith.constant 0 : i32
    %dma_start3A_49 = arith.constant 0 : i32
    %dma_start3A_50 = tpu.memref_slice %arg2[%dma_start3A_48, %dma_start3A_49] : memref<10000x32xf32, #tpu.memory_space<hbm>> -> memref<10000x32xf32, #tpu.memory_space<hbm>>
    tpu.enqueue_indirect_dma source(%dma_start3A_50 : memref<10000x32xf32, #tpu.memory_space<hbm>>) target(%arg13 : memref<128x32xf32, #tpu.memory_space<vmem>>) offsets(%dma_start3A_47 : memref<128xi32, #tpu.memory_space<vmem>>) semaphore(%arg23 : memref<!tpu.dma_semaphore, #tpu.memory_space<semaphore_mem>>)
    %dma_start3A_51 = arith.constant 6 : i32
    %dma_start3A_52 = arith.constant 0 : i32
    %dma_start3A_53 = tpu.memref_slice %arg6[%dma_start3A_51, %dma_start3A_52] : memref<80x128xi32, #tpu.memory_space<vmem>> -> memref<1x128xi32, #tpu.memory_space<vmem>>
    %dma_start3A_54 = tpu.memref_squeeze %dma_start3A_53 : memref<1x128xi32, #tpu.memory_space<vmem>> -> memref<128xi32, #tpu.memory_space<vmem>>
    %dma_start3A_55 = arith.constant 0 : i32
    %dma_start3A_56 = arith.constant 0 : i32
    %dma_start3A_57 = tpu.memref_slice %arg2[%dma_start3A_55, %dma_start3A_56] : memref<10000x32xf32, #tpu.memory_space<hbm>> -> memref<10000x32xf32, #tpu.memory_space<hbm>>
    tpu.enqueue_indirect_dma source(%dma_start3A_57 : memref<10000x32xf32, #tpu.memory_space<hbm>>) target(%arg14 : memref<128x32xf32, #tpu.memory_space<vmem>>) offsets(%dma_start3A_54 : memref<128xi32, #tpu.memory_space<vmem>>) semaphore(%arg24 : memref<!tpu.dma_semaphore, #tpu.memory_space<semaphore_mem>>)
    %dma_start3A_58 = arith.constant 7 : i32
    %dma_start3A_59 = arith.constant 0 : i32
    %dma_start3A_60 = tpu.memref_slice %arg6[%dma_start3A_58, %dma_start3A_59] : memref<80x128xi32, #tpu.memory_space<vmem>> -> memref<1x128xi32, #tpu.memory_space<vmem>>
    %dma_start3A_61 = tpu.memref_squeeze %dma_start3A_60 : memref<1x128xi32, #tpu.memory_space<vmem>> -> memref<128xi32, #tpu.memory_space<vmem>>
    %dma_start3A_62 = arith.constant 0 : i32
    %dma_start3A_63 = arith.constant 0 : i32
    %dma_start3A_64 = tpu.memref_slice %arg2[%dma_start3A_62, %dma_start3A_63] : memref<10000x32xf32, #tpu.memory_space<hbm>> -> memref<10000x32xf32, #tpu.memory_space<hbm>>
    tpu.enqueue_indirect_dma source(%dma_start3A_64 : memref<10000x32xf32, #tpu.memory_space<hbm>>) target(%arg15 : memref<128x32xf32, #tpu.memory_space<vmem>>) offsets(%dma_start3A_61 : memref<128xi32, #tpu.memory_space<vmem>>) semaphore(%arg25 : memref<!tpu.dma_semaphore, #tpu.memory_space<semaphore_mem>>)
    %scan3A_65 = arith.constant 0 : i32
    %scan3A_66 = arith.constant 0 : i32
    %scan3A_67 = arith.constant 10 : i32
    %scan3A_68 = arith.addi %scan3A_66, %scan3A_67 : i32
    %scan3A_69 = arith.constant 1 : i32
    %scan3A_70 = scf.for %scan3A_77 = %scan3A_66 to %scan3A_68 step %scan3A_69 iter_args(%scan3A_78 = %scan3A_65) -> (i32)  : i32 {
      %mul3A_79 = arith.constant 8 : i32
      %mul3A_80 = arith.muli %mul3A_79, %scan3A_77 : i32
      %add3A_81 = arith.constant 0 : i32
      %add3A_82 = arith.addi %mul3A_80, %add3A_81 : i32
      %dma_wait3A = arith.constant 0 : i32
      %dma_wait3A_83 = tpu.memref_slice %arg6[%add3A_82, %dma_wait3A] : memref<80x128xi32, #tpu.memory_space<vmem>> -> memref<1x128xi32, #tpu.memory_space<vmem>>
      %dma_wait3A_84 = tpu.memref_squeeze %dma_wait3A_83 : memref<1x128xi32, #tpu.memory_space<vmem>> -> memref<128xi32, #tpu.memory_space<vmem>>
      %dma_wait3A_85 = arith.constant 0 : i32
      %dma_wait3A_86 = arith.constant 0 : i32
      %dma_wait3A_87 = tpu.memref_slice %arg2[%dma_wait3A_85, %dma_wait3A_86] : memref<10000x32xf32, #tpu.memory_space<hbm>> -> memref<10000x32xf32, #tpu.memory_space<hbm>>
      tpu.wait_indirect_dma semaphore(%arg18 : memref<!tpu.dma_semaphore, #tpu.memory_space<semaphore_mem>>) src(%dma_wait3A_87 : memref<10000x32xf32, #tpu.memory_space<hbm>>) dst(%arg8 : memref<128x32xf32, #tpu.memory_space<vmem>>)
      %add3A_88 = arith.constant 0 : i32
      %add3A_89 = arith.addi %mul3A_80, %add3A_88 : i32
      "tpu.region"() ({
        %run_scoped3A = tpu.sem_alloc : memref<!tpu.dma_semaphore, #tpu.memory_space<semaphore_mem>>
        %dma_start3A_198 = arith.constant 0 : i32
        %dma_start3A_199 = tpu.memref_slice %arg7[%add3A_89, %dma_start3A_198] : memref<80x128xi32, #tpu.memory_space<vmem>> -> memref<1x128xi32, #tpu.memory_space<vmem>>
        %dma_start3A_200 = tpu.memref_squeeze %dma_start3A_199 : memref<1x128xi32, #tpu.memory_space<vmem>> -> memref<128xi32, #tpu.memory_space<vmem>>
        %dma_start3A_201 = arith.constant 0 : i32
        %dma_start3A_202 = arith.constant 0 : i32
        %dma_start3A_203 = tpu.memref_slice %arg17[%dma_start3A_201, %dma_start3A_202] : memref<10112x32xf32, #tpu.memory_space<vmem_shared>> -> memref<10112x32xf32, #tpu.memory_space<vmem_shared>>
        tpu.enqueue_indirect_dma source(%arg8 : memref<128x32xf32, #tpu.memory_space<vmem>>) target(%dma_start3A_203 : memref<10112x32xf32, #tpu.memory_space<vmem_shared>>) offsets(%dma_start3A_200 : memref<128xi32, #tpu.memory_space<vmem>>) semaphore(%run_scoped3A : memref<!tpu.dma_semaphore, #tpu.memory_space<semaphore_mem>>) {add = true}
        %dma_wait3A_204 = arith.constant 0 : i32
        %dma_wait3A_205 = tpu.memref_slice %arg7[%add3A_89, %dma_wait3A_204] : memref<80x128xi32, #tpu.memory_space<vmem>> -> memref<1x128xi32, #tpu.memory_space<vmem>>
        %dma_wait3A_206 = tpu.memref_squeeze %dma_wait3A_205 : memref<1x128xi32, #tpu.memory_space<vmem>> -> memref<128xi32, #tpu.memory_space<vmem>>
        %dma_wait3A_207 = arith.constant 0 : i32
        %dma_wait3A_208 = arith.constant 0 : i32
        %dma_wait3A_209 = tpu.memref_slice %arg17[%dma_wait3A_207, %dma_wait3A_208] : memref<10112x32xf32, #tpu.memory_space<vmem_shared>> -> memref<10112x32xf32, #tpu.memory_space<vmem_shared>>
        tpu.wait_indirect_dma semaphore(%run_scoped3A : memref<!tpu.dma_semaphore, #tpu.memory_space<semaphore_mem>>) src(%arg8 : memref<128x32xf32, #tpu.memory_space<vmem>>) dst(%dma_wait3A_209 : memref<10112x32xf32, #tpu.memory_space<vmem_shared>>)
        tpu.yield
      }) : () -> ()
      %lt3A = arith.constant 9 : i32
      %lt3A_90 = arith.cmpi slt, %scan3A_77, %lt3A : i32
      %convert_element_type3A = arith.extui %lt3A_90 : i1 to i32
      %cond3A = arith.constant 0 : i32
      %cond3A_91 = arith.cmpi ne, %convert_element_type3A, %cond3A : i32
      scf.if %cond3A_91 {
        %add3A_198 = arith.constant 8 : i32
        %add3A_199 = arith.addi %mul3A_80, %add3A_198 : i32
        %add3A_200 = arith.constant 0 : i32
        %add3A_201 = arith.addi %add3A_199, %add3A_200 : i32
        %dma_start3A_202 = arith.constant 0 : i32
        %dma_start3A_203 = tpu.memref_slice %arg6[%add3A_201, %dma_start3A_202] : memref<80x128xi32, #tpu.memory_space<vmem>> -> memref<1x128xi32, #tpu.memory_space<vmem>>
        %dma_start3A_204 = tpu.memref_squeeze %dma_start3A_203 : memref<1x128xi32, #tpu.memory_space<vmem>> -> memref<128xi32, #tpu.memory_space<vmem>>
        %dma_start3A_205 = arith.constant 0 : i32
        %dma_start3A_206 = arith.constant 0 : i32
        %dma_start3A_207 = tpu.memref_slice %arg2[%dma_start3A_205, %dma_start3A_206] : memref<10000x32xf32, #tpu.memory_space<hbm>> -> memref<10000x32xf32, #tpu.memory_space<hbm>>
        tpu.enqueue_indirect_dma source(%dma_start3A_207 : memref<10000x32xf32, #tpu.memory_space<hbm>>) target(%arg8 : memref<128x32xf32, #tpu.memory_space<vmem>>) offsets(%dma_start3A_204 : memref<128xi32, #tpu.memory_space<vmem>>) semaphore(%arg18 : memref<!tpu.dma_semaphore, #tpu.memory_space<semaphore_mem>>)
      } else {
      }
      %add3A_92 = arith.constant 1 : i32
      %add3A_93 = arith.addi %mul3A_80, %add3A_92 : i32
      %dma_wait3A_94 = arith.constant 0 : i32
      %dma_wait3A_95 = tpu.memref_slice %arg6[%add3A_93, %dma_wait3A_94] : memref<80x128xi32, #tpu.memory_space<vmem>> -> memref<1x128xi32, #tpu.memory_space<vmem>>
      %dma_wait3A_96 = tpu.memref_squeeze %dma_wait3A_95 : memref<1x128xi32, #tpu.memory_space<vmem>> -> memref<128xi32, #tpu.memory_space<vmem>>
      %dma_wait3A_97 = arith.constant 0 : i32
      %dma_wait3A_98 = arith.constant 0 : i32
      %dma_wait3A_99 = tpu.memref_slice %arg2[%dma_wait3A_97, %dma_wait3A_98] : memref<10000x32xf32, #tpu.memory_space<hbm>> -> memref<10000x32xf32, #tpu.memory_space<hbm>>
      tpu.wait_indirect_dma semaphore(%arg19 : memref<!tpu.dma_semaphore, #tpu.memory_space<semaphore_mem>>) src(%dma_wait3A_99 : memref<10000x32xf32, #tpu.memory_space<hbm>>) dst(%arg9 : memref<128x32xf32, #tpu.memory_space<vmem>>)
      %add3A_100 = arith.constant 1 : i32
      %add3A_101 = arith.addi %mul3A_80, %add3A_100 : i32
      "tpu.region"() ({
        %run_scoped3A = tpu.sem_alloc : memref<!tpu.dma_semaphore, #tpu.memory_space<semaphore_mem>>
        %dma_start3A_198 = arith.constant 0 : i32
        %dma_start3A_199 = tpu.memref_slice %arg7[%add3A_101, %dma_start3A_198] : memref<80x128xi32, #tpu.memory_space<vmem>> -> memref<1x128xi32, #tpu.memory_space<vmem>>
        %dma_start3A_200 = tpu.memref_squeeze %dma_start3A_199 : memref<1x128xi32, #tpu.memory_space<vmem>> -> memref<128xi32, #tpu.memory_space<vmem>>
        %dma_start3A_201 = arith.constant 0 : i32
        %dma_start3A_202 = arith.constant 0 : i32
        %dma_start3A_203 = tpu.memref_slice %arg17[%dma_start3A_201, %dma_start3A_202] : memref<10112x32xf32, #tpu.memory_space<vmem_shared>> -> memref<10112x32xf32, #tpu.memory_space<vmem_shared>>
        tpu.enqueue_indirect_dma source(%arg9 : memref<128x32xf32, #tpu.memory_space<vmem>>) target(%dma_start3A_203 : memref<10112x32xf32, #tpu.memory_space<vmem_shared>>) offsets(%dma_start3A_200 : memref<128xi32, #tpu.memory_space<vmem>>) semaphore(%run_scoped3A : memref<!tpu.dma_semaphore, #tpu.memory_space<semaphore_mem>>) {add = true}
        %dma_wait3A_204 = arith.constant 0 : i32
        %dma_wait3A_205 = tpu.memref_slice %arg7[%add3A_101, %dma_wait3A_204] : memref<80x128xi32, #tpu.memory_space<vmem>> -> memref<1x128xi32, #tpu.memory_space<vmem>>
        %dma_wait3A_206 = tpu.memref_squeeze %dma_wait3A_205 : memref<1x128xi32, #tpu.memory_space<vmem>> -> memref<128xi32, #tpu.memory_space<vmem>>
        %dma_wait3A_207 = arith.constant 0 : i32
        %dma_wait3A_208 = arith.constant 0 : i32
        %dma_wait3A_209 = tpu.memref_slice %arg17[%dma_wait3A_207, %dma_wait3A_208] : memref<10112x32xf32, #tpu.memory_space<vmem_shared>> -> memref<10112x32xf32, #tpu.memory_space<vmem_shared>>
        tpu.wait_indirect_dma semaphore(%run_scoped3A : memref<!tpu.dma_semaphore, #tpu.memory_space<semaphore_mem>>) src(%arg9 : memref<128x32xf32, #tpu.memory_space<vmem>>) dst(%dma_wait3A_209 : memref<10112x32xf32, #tpu.memory_space<vmem_shared>>)
        tpu.yield
      }) : () -> ()
      %lt3A_102 = arith.constant 9 : i32
      %lt3A_103 = arith.cmpi slt, %scan3A_77, %lt3A_102 : i32
      %convert_element_type3A_104 = arith.extui %lt3A_103 : i1 to i32
      %cond3A_105 = arith.constant 0 : i32
      %cond3A_106 = arith.cmpi ne, %convert_element_type3A_104, %cond3A_105 : i32
      scf.if %cond3A_106 {
        %add3A_198 = arith.constant 8 : i32
        %add3A_199 = arith.addi %mul3A_80, %add3A_198 : i32
        %add3A_200 = arith.constant 1 : i32
        %add3A_201 = arith.addi %add3A_199, %add3A_200 : i32
        %dma_start3A_202 = arith.constant 0 : i32
        %dma_start3A_203 = tpu.memref_slice %arg6[%add3A_201, %dma_start3A_202] : memref<80x128xi32, #tpu.memory_space<vmem>> -> memref<1x128xi32, #tpu.memory_space<vmem>>
        %dma_start3A_204 = tpu.memref_squeeze %dma_start3A_203 : memref<1x128xi32, #tpu.memory_space<vmem>> -> memref<128xi32, #tpu.memory_space<vmem>>
        %dma_start3A_205 = arith.constant 0 : i32
        %dma_start3A_206 = arith.constant 0 : i32
        %dma_start3A_207 = tpu.memref_slice %arg2[%dma_start3A_205, %dma_start3A_206] : memref<10000x32xf32, #tpu.memory_space<hbm>> -> memref<10000x32xf32, #tpu.memory_space<hbm>>
        tpu.enqueue_indirect_dma source(%dma_start3A_207 : memref<10000x32xf32, #tpu.memory_space<hbm>>) target(%arg9 : memref<128x32xf32, #tpu.memory_space<vmem>>) offsets(%dma_start3A_204 : memref<128xi32, #tpu.memory_space<vmem>>) semaphore(%arg19 : memref<!tpu.dma_semaphore, #tpu.memory_space<semaphore_mem>>)
      } else {
      }
      %add3A_107 = arith.constant 2 : i32
      %add3A_108 = arith.addi %mul3A_80, %add3A_107 : i32
      %dma_wait3A_109 = arith.constant 0 : i32
      %dma_wait3A_110 = tpu.memref_slice %arg6[%add3A_108, %dma_wait3A_109] : memref<80x128xi32, #tpu.memory_space<vmem>> -> memref<1x128xi32, #tpu.memory_space<vmem>>
      %dma_wait3A_111 = tpu.memref_squeeze %dma_wait3A_110 : memref<1x128xi32, #tpu.memory_space<vmem>> -> memref<128xi32, #tpu.memory_space<vmem>>
      %dma_wait3A_112 = arith.constant 0 : i32
      %dma_wait3A_113 = arith.constant 0 : i32
      %dma_wait3A_114 = tpu.memref_slice %arg2[%dma_wait3A_112, %dma_wait3A_113] : memref<10000x32xf32, #tpu.memory_space<hbm>> -> memref<10000x32xf32, #tpu.memory_space<hbm>>
      tpu.wait_indirect_dma semaphore(%arg20 : memref<!tpu.dma_semaphore, #tpu.memory_space<semaphore_mem>>) src(%dma_wait3A_114 : memref<10000x32xf32, #tpu.memory_space<hbm>>) dst(%arg10 : memref<128x32xf32, #tpu.memory_space<vmem>>)
      %add3A_115 = arith.constant 2 : i32
      %add3A_116 = arith.addi %mul3A_80, %add3A_115 : i32
      "tpu.region"() ({
        %run_scoped3A = tpu.sem_alloc : memref<!tpu.dma_semaphore, #tpu.memory_space<semaphore_mem>>
        %dma_start3A_198 = arith.constant 0 : i32
        %dma_start3A_199 = tpu.memref_slice %arg7[%add3A_116, %dma_start3A_198] : memref<80x128xi32, #tpu.memory_space<vmem>> -> memref<1x128xi32, #tpu.memory_space<vmem>>
        %dma_start3A_200 = tpu.memref_squeeze %dma_start3A_199 : memref<1x128xi32, #tpu.memory_space<vmem>> -> memref<128xi32, #tpu.memory_space<vmem>>
        %dma_start3A_201 = arith.constant 0 : i32
        %dma_start3A_202 = arith.constant 0 : i32
        %dma_start3A_203 = tpu.memref_slice %arg17[%dma_start3A_201, %dma_start3A_202] : memref<10112x32xf32, #tpu.memory_space<vmem_shared>> -> memref<10112x32xf32, #tpu.memory_space<vmem_shared>>
        tpu.enqueue_indirect_dma source(%arg10 : memref<128x32xf32, #tpu.memory_space<vmem>>) target(%dma_start3A_203 : memref<10112x32xf32, #tpu.memory_space<vmem_shared>>) offsets(%dma_start3A_200 : memref<128xi32, #tpu.memory_space<vmem>>) semaphore(%run_scoped3A : memref<!tpu.dma_semaphore, #tpu.memory_space<semaphore_mem>>) {add = true}
        %dma_wait3A_204 = arith.constant 0 : i32
        %dma_wait3A_205 = tpu.memref_slice %arg7[%add3A_116, %dma_wait3A_204] : memref<80x128xi32, #tpu.memory_space<vmem>> -> memref<1x128xi32, #tpu.memory_space<vmem>>
        %dma_wait3A_206 = tpu.memref_squeeze %dma_wait3A_205 : memref<1x128xi32, #tpu.memory_space<vmem>> -> memref<128xi32, #tpu.memory_space<vmem>>
        %dma_wait3A_207 = arith.constant 0 : i32
        %dma_wait3A_208 = arith.constant 0 : i32
        %dma_wait3A_209 = tpu.memref_slice %arg17[%dma_wait3A_207, %dma_wait3A_208] : memref<10112x32xf32, #tpu.memory_space<vmem_shared>> -> memref<10112x32xf32, #tpu.memory_space<vmem_shared>>
        tpu.wait_indirect_dma semaphore(%run_scoped3A : memref<!tpu.dma_semaphore, #tpu.memory_space<semaphore_mem>>) src(%arg10 : memref<128x32xf32, #tpu.memory_space<vmem>>) dst(%dma_wait3A_209 : memref<10112x32xf32, #tpu.memory_space<vmem_shared>>)
        tpu.yield
      }) : () -> ()
      %lt3A_117 = arith.constant 9 : i32
      %lt3A_118 = arith.cmpi slt, %scan3A_77, %lt3A_117 : i32
      %convert_element_type3A_119 = arith.extui %lt3A_118 : i1 to i32
      %cond3A_120 = arith.constant 0 : i32
      %cond3A_121 = arith.cmpi ne, %convert_element_type3A_119, %cond3A_120 : i32
      scf.if %cond3A_121 {
        %add3A_198 = arith.constant 8 : i32
        %add3A_199 = arith.addi %mul3A_80, %add3A_198 : i32
        %add3A_200 = arith.constant 2 : i32
        %add3A_201 = arith.addi %add3A_199, %add3A_200 : i32
        %dma_start3A_202 = arith.constant 0 : i32
        %dma_start3A_203 = tpu.memref_slice %arg6[%add3A_201, %dma_start3A_202] : memref<80x128xi32, #tpu.memory_space<vmem>> -> memref<1x128xi32, #tpu.memory_space<vmem>>
        %dma_start3A_204 = tpu.memref_squeeze %dma_start3A_203 : memref<1x128xi32, #tpu.memory_space<vmem>> -> memref<128xi32, #tpu.memory_space<vmem>>
        %dma_start3A_205 = arith.constant 0 : i32
        %dma_start3A_206 = arith.constant 0 : i32
        %dma_start3A_207 = tpu.memref_slice %arg2[%dma_start3A_205, %dma_start3A_206] : memref<10000x32xf32, #tpu.memory_space<hbm>> -> memref<10000x32xf32, #tpu.memory_space<hbm>>
        tpu.enqueue_indirect_dma source(%dma_start3A_207 : memref<10000x32xf32, #tpu.memory_space<hbm>>) target(%arg10 : memref<128x32xf32, #tpu.memory_space<vmem>>) offsets(%dma_start3A_204 : memref<128xi32, #tpu.memory_space<vmem>>) semaphore(%arg20 : memref<!tpu.dma_semaphore, #tpu.memory_space<semaphore_mem>>)
      } else {
      }
      %add3A_122 = arith.constant 3 : i32
      %add3A_123 = arith.addi %mul3A_80, %add3A_122 : i32
      %dma_wait3A_124 = arith.constant 0 : i32
      %dma_wait3A_125 = tpu.memref_slice %arg6[%add3A_123, %dma_wait3A_124] : memref<80x128xi32, #tpu.memory_space<vmem>> -> memref<1x128xi32, #tpu.memory_space<vmem>>
      %dma_wait3A_126 = tpu.memref_squeeze %dma_wait3A_125 : memref<1x128xi32, #tpu.memory_space<vmem>> -> memref<128xi32, #tpu.memory_space<vmem>>
      %dma_wait3A_127 = arith.constant 0 : i32
      %dma_wait3A_128 = arith.constant 0 : i32
      %dma_wait3A_129 = tpu.memref_slice %arg2[%dma_wait3A_127, %dma_wait3A_128] : memref<10000x32xf32, #tpu.memory_space<hbm>> -> memref<10000x32xf32, #tpu.memory_space<hbm>>
      tpu.wait_indirect_dma semaphore(%arg21 : memref<!tpu.dma_semaphore, #tpu.memory_space<semaphore_mem>>) src(%dma_wait3A_129 : memref<10000x32xf32, #tpu.memory_space<hbm>>) dst(%arg11 : memref<128x32xf32, #tpu.memory_space<vmem>>)
      %add3A_130 = arith.constant 3 : i32
      %add3A_131 = arith.addi %mul3A_80, %add3A_130 : i32
      "tpu.region"() ({
        %run_scoped3A = tpu.sem_alloc : memref<!tpu.dma_semaphore, #tpu.memory_space<semaphore_mem>>
        %dma_start3A_198 = arith.constant 0 : i32
        %dma_start3A_199 = tpu.memref_slice %arg7[%add3A_131, %dma_start3A_198] : memref<80x128xi32, #tpu.memory_space<vmem>> -> memref<1x128xi32, #tpu.memory_space<vmem>>
        %dma_start3A_200 = tpu.memref_squeeze %dma_start3A_199 : memref<1x128xi32, #tpu.memory_space<vmem>> -> memref<128xi32, #tpu.memory_space<vmem>>
        %dma_start3A_201 = arith.constant 0 : i32
        %dma_start3A_202 = arith.constant 0 : i32
        %dma_start3A_203 = tpu.memref_slice %arg17[%dma_start3A_201, %dma_start3A_202] : memref<10112x32xf32, #tpu.memory_space<vmem_shared>> -> memref<10112x32xf32, #tpu.memory_space<vmem_shared>>
        tpu.enqueue_indirect_dma source(%arg11 : memref<128x32xf32, #tpu.memory_space<vmem>>) target(%dma_start3A_203 : memref<10112x32xf32, #tpu.memory_space<vmem_shared>>) offsets(%dma_start3A_200 : memref<128xi32, #tpu.memory_space<vmem>>) semaphore(%run_scoped3A : memref<!tpu.dma_semaphore, #tpu.memory_space<semaphore_mem>>) {add = true}
        %dma_wait3A_204 = arith.constant 0 : i32
        %dma_wait3A_205 = tpu.memref_slice %arg7[%add3A_131, %dma_wait3A_204] : memref<80x128xi32, #tpu.memory_space<vmem>> -> memref<1x128xi32, #tpu.memory_space<vmem>>
        %dma_wait3A_206 = tpu.memref_squeeze %dma_wait3A_205 : memref<1x128xi32, #tpu.memory_space<vmem>> -> memref<128xi32, #tpu.memory_space<vmem>>
        %dma_wait3A_207 = arith.constant 0 : i32
        %dma_wait3A_208 = arith.constant 0 : i32
        %dma_wait3A_209 = tpu.memref_slice %arg17[%dma_wait3A_207, %dma_wait3A_208] : memref<10112x32xf32, #tpu.memory_space<vmem_shared>> -> memref<10112x32xf32, #tpu.memory_space<vmem_shared>>
        tpu.wait_indirect_dma semaphore(%run_scoped3A : memref<!tpu.dma_semaphore, #tpu.memory_space<semaphore_mem>>) src(%arg11 : memref<128x32xf32, #tpu.memory_space<vmem>>) dst(%dma_wait3A_209 : memref<10112x32xf32, #tpu.memory_space<vmem_shared>>)
        tpu.yield
      }) : () -> ()
      %lt3A_132 = arith.constant 9 : i32
      %lt3A_133 = arith.cmpi slt, %scan3A_77, %lt3A_132 : i32
      %convert_element_type3A_134 = arith.extui %lt3A_133 : i1 to i32
      %cond3A_135 = arith.constant 0 : i32
      %cond3A_136 = arith.cmpi ne, %convert_element_type3A_134, %cond3A_135 : i32
      scf.if %cond3A_136 {
        %add3A_198 = arith.constant 8 : i32
        %add3A_199 = arith.addi %mul3A_80, %add3A_198 : i32
        %add3A_200 = arith.constant 3 : i32
        %add3A_201 = arith.addi %add3A_199, %add3A_200 : i32
        %dma_start3A_202 = arith.constant 0 : i32
        %dma_start3A_203 = tpu.memref_slice %arg6[%add3A_201, %dma_start3A_202] : memref<80x128xi32, #tpu.memory_space<vmem>> -> memref<1x128xi32, #tpu.memory_space<vmem>>
        %dma_start3A_204 = tpu.memref_squeeze %dma_start3A_203 : memref<1x128xi32, #tpu.memory_space<vmem>> -> memref<128xi32, #tpu.memory_space<vmem>>
        %dma_start3A_205 = arith.constant 0 : i32
        %dma_start3A_206 = arith.constant 0 : i32
        %dma_start3A_207 = tpu.memref_slice %arg2[%dma_start3A_205, %dma_start3A_206] : memref<10000x32xf32, #tpu.memory_space<hbm>> -> memref<10000x32xf32, #tpu.memory_space<hbm>>
        tpu.enqueue_indirect_dma source(%dma_start3A_207 : memref<10000x32xf32, #tpu.memory_space<hbm>>) target(%arg11 : memref<128x32xf32, #tpu.memory_space<vmem>>) offsets(%dma_start3A_204 : memref<128xi32, #tpu.memory_space<vmem>>) semaphore(%arg21 : memref<!tpu.dma_semaphore, #tpu.memory_space<semaphore_mem>>)
      } else {
      }
      %add3A_137 = arith.constant 4 : i32
      %add3A_138 = arith.addi %mul3A_80, %add3A_137 : i32
      %dma_wait3A_139 = arith.constant 0 : i32
      %dma_wait3A_140 = tpu.memref_slice %arg6[%add3A_138, %dma_wait3A_139] : memref<80x128xi32, #tpu.memory_space<vmem>> -> memref<1x128xi32, #tpu.memory_space<vmem>>
      %dma_wait3A_141 = tpu.memref_squeeze %dma_wait3A_140 : memref<1x128xi32, #tpu.memory_space<vmem>> -> memref<128xi32, #tpu.memory_space<vmem>>
      %dma_wait3A_142 = arith.constant 0 : i32
      %dma_wait3A_143 = arith.constant 0 : i32
      %dma_wait3A_144 = tpu.memref_slice %arg2[%dma_wait3A_142, %dma_wait3A_143] : memref<10000x32xf32, #tpu.memory_space<hbm>> -> memref<10000x32xf32, #tpu.memory_space<hbm>>
      tpu.wait_indirect_dma semaphore(%arg22 : memref<!tpu.dma_semaphore, #tpu.memory_space<semaphore_mem>>) src(%dma_wait3A_144 : memref<10000x32xf32, #tpu.memory_space<hbm>>) dst(%arg12 : memref<128x32xf32, #tpu.memory_space<vmem>>)
      %add3A_145 = arith.constant 4 : i32
      %add3A_146 = arith.addi %mul3A_80, %add3A_145 : i32
      "tpu.region"() ({
        %run_scoped3A = tpu.sem_alloc : memref<!tpu.dma_semaphore, #tpu.memory_space<semaphore_mem>>
        %dma_start3A_198 = arith.constant 0 : i32
        %dma_start3A_199 = tpu.memref_slice %arg7[%add3A_146, %dma_start3A_198] : memref<80x128xi32, #tpu.memory_space<vmem>> -> memref<1x128xi32, #tpu.memory_space<vmem>>
        %dma_start3A_200 = tpu.memref_squeeze %dma_start3A_199 : memref<1x128xi32, #tpu.memory_space<vmem>> -> memref<128xi32, #tpu.memory_space<vmem>>
        %dma_start3A_201 = arith.constant 0 : i32
        %dma_start3A_202 = arith.constant 0 : i32
        %dma_start3A_203 = tpu.memref_slice %arg17[%dma_start3A_201, %dma_start3A_202] : memref<10112x32xf32, #tpu.memory_space<vmem_shared>> -> memref<10112x32xf32, #tpu.memory_space<vmem_shared>>
        tpu.enqueue_indirect_dma source(%arg12 : memref<128x32xf32, #tpu.memory_space<vmem>>) target(%dma_start3A_203 : memref<10112x32xf32, #tpu.memory_space<vmem_shared>>) offsets(%dma_start3A_200 : memref<128xi32, #tpu.memory_space<vmem>>) semaphore(%run_scoped3A : memref<!tpu.dma_semaphore, #tpu.memory_space<semaphore_mem>>) {add = true}
        %dma_wait3A_204 = arith.constant 0 : i32
        %dma_wait3A_205 = tpu.memref_slice %arg7[%add3A_146, %dma_wait3A_204] : memref<80x128xi32, #tpu.memory_space<vmem>> -> memref<1x128xi32, #tpu.memory_space<vmem>>
        %dma_wait3A_206 = tpu.memref_squeeze %dma_wait3A_205 : memref<1x128xi32, #tpu.memory_space<vmem>> -> memref<128xi32, #tpu.memory_space<vmem>>
        %dma_wait3A_207 = arith.constant 0 : i32
        %dma_wait3A_208 = arith.constant 0 : i32
        %dma_wait3A_209 = tpu.memref_slice %arg17[%dma_wait3A_207, %dma_wait3A_208] : memref<10112x32xf32, #tpu.memory_space<vmem_shared>> -> memref<10112x32xf32, #tpu.memory_space<vmem_shared>>
        tpu.wait_indirect_dma semaphore(%run_scoped3A : memref<!tpu.dma_semaphore, #tpu.memory_space<semaphore_mem>>) src(%arg12 : memref<128x32xf32, #tpu.memory_space<vmem>>) dst(%dma_wait3A_209 : memref<10112x32xf32, #tpu.memory_space<vmem_shared>>)
        tpu.yield
      }) : () -> ()
      %lt3A_147 = arith.constant 9 : i32
      %lt3A_148 = arith.cmpi slt, %scan3A_77, %lt3A_147 : i32
      %convert_element_type3A_149 = arith.extui %lt3A_148 : i1 to i32
      %cond3A_150 = arith.constant 0 : i32
      %cond3A_151 = arith.cmpi ne, %convert_element_type3A_149, %cond3A_150 : i32
      scf.if %cond3A_151 {
        %add3A_198 = arith.constant 8 : i32
        %add3A_199 = arith.addi %mul3A_80, %add3A_198 : i32
        %add3A_200 = arith.constant 4 : i32
        %add3A_201 = arith.addi %add3A_199, %add3A_200 : i32
        %dma_start3A_202 = arith.constant 0 : i32
        %dma_start3A_203 = tpu.memref_slice %arg6[%add3A_201, %dma_start3A_202] : memref<80x128xi32, #tpu.memory_space<vmem>> -> memref<1x128xi32, #tpu.memory_space<vmem>>
        %dma_start3A_204 = tpu.memref_squeeze %dma_start3A_203 : memref<1x128xi32, #tpu.memory_space<vmem>> -> memref<128xi32, #tpu.memory_space<vmem>>
        %dma_start3A_205 = arith.constant 0 : i32
        %dma_start3A_206 = arith.constant 0 : i32
        %dma_start3A_207 = tpu.memref_slice %arg2[%dma_start3A_205, %dma_start3A_206] : memref<10000x32xf32, #tpu.memory_space<hbm>> -> memref<10000x32xf32, #tpu.memory_space<hbm>>
        tpu.enqueue_indirect_dma source(%dma_start3A_207 : memref<10000x32xf32, #tpu.memory_space<hbm>>) target(%arg12 : memref<128x32xf32, #tpu.memory_space<vmem>>) offsets(%dma_start3A_204 : memref<128xi32, #tpu.memory_space<vmem>>) semaphore(%arg22 : memref<!tpu.dma_semaphore, #tpu.memory_space<semaphore_mem>>)
      } else {
      }
      %add3A_152 = arith.constant 5 : i32
      %add3A_153 = arith.addi %mul3A_80, %add3A_152 : i32
      %dma_wait3A_154 = arith.constant 0 : i32
      %dma_wait3A_155 = tpu.memref_slice %arg6[%add3A_153, %dma_wait3A_154] : memref<80x128xi32, #tpu.memory_space<vmem>> -> memref<1x128xi32, #tpu.memory_space<vmem>>
      %dma_wait3A_156 = tpu.memref_squeeze %dma_wait3A_155 : memref<1x128xi32, #tpu.memory_space<vmem>> -> memref<128xi32, #tpu.memory_space<vmem>>
      %dma_wait3A_157 = arith.constant 0 : i32
      %dma_wait3A_158 = arith.constant 0 : i32
      %dma_wait3A_159 = tpu.memref_slice %arg2[%dma_wait3A_157, %dma_wait3A_158] : memref<10000x32xf32, #tpu.memory_space<hbm>> -> memref<10000x32xf32, #tpu.memory_space<hbm>>
      tpu.wait_indirect_dma semaphore(%arg23 : memref<!tpu.dma_semaphore, #tpu.memory_space<semaphore_mem>>) src(%dma_wait3A_159 : memref<10000x32xf32, #tpu.memory_space<hbm>>) dst(%arg13 : memref<128x32xf32, #tpu.memory_space<vmem>>)
      %add3A_160 = arith.constant 5 : i32
      %add3A_161 = arith.addi %mul3A_80, %add3A_160 : i32
      "tpu.region"() ({
        %run_scoped3A = tpu.sem_alloc : memref<!tpu.dma_semaphore, #tpu.memory_space<semaphore_mem>>
        %dma_start3A_198 = arith.constant 0 : i32
        %dma_start3A_199 = tpu.memref_slice %arg7[%add3A_161, %dma_start3A_198] : memref<80x128xi32, #tpu.memory_space<vmem>> -> memref<1x128xi32, #tpu.memory_space<vmem>>
        %dma_start3A_200 = tpu.memref_squeeze %dma_start3A_199 : memref<1x128xi32, #tpu.memory_space<vmem>> -> memref<128xi32, #tpu.memory_space<vmem>>
        %dma_start3A_201 = arith.constant 0 : i32
        %dma_start3A_202 = arith.constant 0 : i32
        %dma_start3A_203 = tpu.memref_slice %arg17[%dma_start3A_201, %dma_start3A_202] : memref<10112x32xf32, #tpu.memory_space<vmem_shared>> -> memref<10112x32xf32, #tpu.memory_space<vmem_shared>>
        tpu.enqueue_indirect_dma source(%arg13 : memref<128x32xf32, #tpu.memory_space<vmem>>) target(%dma_start3A_203 : memref<10112x32xf32, #tpu.memory_space<vmem_shared>>) offsets(%dma_start3A_200 : memref<128xi32, #tpu.memory_space<vmem>>) semaphore(%run_scoped3A : memref<!tpu.dma_semaphore, #tpu.memory_space<semaphore_mem>>) {add = true}
        %dma_wait3A_204 = arith.constant 0 : i32
        %dma_wait3A_205 = tpu.memref_slice %arg7[%add3A_161, %dma_wait3A_204] : memref<80x128xi32, #tpu.memory_space<vmem>> -> memref<1x128xi32, #tpu.memory_space<vmem>>
        %dma_wait3A_206 = tpu.memref_squeeze %dma_wait3A_205 : memref<1x128xi32, #tpu.memory_space<vmem>> -> memref<128xi32, #tpu.memory_space<vmem>>
        %dma_wait3A_207 = arith.constant 0 : i32
        %dma_wait3A_208 = arith.constant 0 : i32
        %dma_wait3A_209 = tpu.memref_slice %arg17[%dma_wait3A_207, %dma_wait3A_208] : memref<10112x32xf32, #tpu.memory_space<vmem_shared>> -> memref<10112x32xf32, #tpu.memory_space<vmem_shared>>
        tpu.wait_indirect_dma semaphore(%run_scoped3A : memref<!tpu.dma_semaphore, #tpu.memory_space<semaphore_mem>>) src(%arg13 : memref<128x32xf32, #tpu.memory_space<vmem>>) dst(%dma_wait3A_209 : memref<10112x32xf32, #tpu.memory_space<vmem_shared>>)
        tpu.yield
      }) : () -> ()
      %lt3A_162 = arith.constant 9 : i32
      %lt3A_163 = arith.cmpi slt, %scan3A_77, %lt3A_162 : i32
      %convert_element_type3A_164 = arith.extui %lt3A_163 : i1 to i32
      %cond3A_165 = arith.constant 0 : i32
      %cond3A_166 = arith.cmpi ne, %convert_element_type3A_164, %cond3A_165 : i32
      scf.if %cond3A_166 {
        %add3A_198 = arith.constant 8 : i32
        %add3A_199 = arith.addi %mul3A_80, %add3A_198 : i32
        %add3A_200 = arith.constant 5 : i32
        %add3A_201 = arith.addi %add3A_199, %add3A_200 : i32
        %dma_start3A_202 = arith.constant 0 : i32
        %dma_start3A_203 = tpu.memref_slice %arg6[%add3A_201, %dma_start3A_202] : memref<80x128xi32, #tpu.memory_space<vmem>> -> memref<1x128xi32, #tpu.memory_space<vmem>>
        %dma_start3A_204 = tpu.memref_squeeze %dma_start3A_203 : memref<1x128xi32, #tpu.memory_space<vmem>> -> memref<128xi32, #tpu.memory_space<vmem>>
        %dma_start3A_205 = arith.constant 0 : i32
        %dma_start3A_206 = arith.constant 0 : i32
        %dma_start3A_207 = tpu.memref_slice %arg2[%dma_start3A_205, %dma_start3A_206] : memref<10000x32xf32, #tpu.memory_space<hbm>> -> memref<10000x32xf32, #tpu.memory_space<hbm>>
        tpu.enqueue_indirect_dma source(%dma_start3A_207 : memref<10000x32xf32, #tpu.memory_space<hbm>>) target(%arg13 : memref<128x32xf32, #tpu.memory_space<vmem>>) offsets(%dma_start3A_204 : memref<128xi32, #tpu.memory_space<vmem>>) semaphore(%arg23 : memref<!tpu.dma_semaphore, #tpu.memory_space<semaphore_mem>>)
      } else {
      }
      %add3A_167 = arith.constant 6 : i32
      %add3A_168 = arith.addi %mul3A_80, %add3A_167 : i32
      %dma_wait3A_169 = arith.constant 0 : i32
      %dma_wait3A_170 = tpu.memref_slice %arg6[%add3A_168, %dma_wait3A_169] : memref<80x128xi32, #tpu.memory_space<vmem>> -> memref<1x128xi32, #tpu.memory_space<vmem>>
      %dma_wait3A_171 = tpu.memref_squeeze %dma_wait3A_170 : memref<1x128xi32, #tpu.memory_space<vmem>> -> memref<128xi32, #tpu.memory_space<vmem>>
      %dma_wait3A_172 = arith.constant 0 : i32
      %dma_wait3A_173 = arith.constant 0 : i32
      %dma_wait3A_174 = tpu.memref_slice %arg2[%dma_wait3A_172, %dma_wait3A_173] : memref<10000x32xf32, #tpu.memory_space<hbm>> -> memref<10000x32xf32, #tpu.memory_space<hbm>>
      tpu.wait_indirect_dma semaphore(%arg24 : memref<!tpu.dma_semaphore, #tpu.memory_space<semaphore_mem>>) src(%dma_wait3A_174 : memref<10000x32xf32, #tpu.memory_space<hbm>>) dst(%arg14 : memref<128x32xf32, #tpu.memory_space<vmem>>)
      %add3A_175 = arith.constant 6 : i32
      %add3A_176 = arith.addi %mul3A_80, %add3A_175 : i32
      "tpu.region"() ({
        %run_scoped3A = tpu.sem_alloc : memref<!tpu.dma_semaphore, #tpu.memory_space<semaphore_mem>>
        %dma_start3A_198 = arith.constant 0 : i32
        %dma_start3A_199 = tpu.memref_slice %arg7[%add3A_176, %dma_start3A_198] : memref<80x128xi32, #tpu.memory_space<vmem>> -> memref<1x128xi32, #tpu.memory_space<vmem>>
        %dma_start3A_200 = tpu.memref_squeeze %dma_start3A_199 : memref<1x128xi32, #tpu.memory_space<vmem>> -> memref<128xi32, #tpu.memory_space<vmem>>
        %dma_start3A_201 = arith.constant 0 : i32
        %dma_start3A_202 = arith.constant 0 : i32
        %dma_start3A_203 = tpu.memref_slice %arg17[%dma_start3A_201, %dma_start3A_202] : memref<10112x32xf32, #tpu.memory_space<vmem_shared>> -> memref<10112x32xf32, #tpu.memory_space<vmem_shared>>
        tpu.enqueue_indirect_dma source(%arg14 : memref<128x32xf32, #tpu.memory_space<vmem>>) target(%dma_start3A_203 : memref<10112x32xf32, #tpu.memory_space<vmem_shared>>) offsets(%dma_start3A_200 : memref<128xi32, #tpu.memory_space<vmem>>) semaphore(%run_scoped3A : memref<!tpu.dma_semaphore, #tpu.memory_space<semaphore_mem>>) {add = true}
        %dma_wait3A_204 = arith.constant 0 : i32
        %dma_wait3A_205 = tpu.memref_slice %arg7[%add3A_176, %dma_wait3A_204] : memref<80x128xi32, #tpu.memory_space<vmem>> -> memref<1x128xi32, #tpu.memory_space<vmem>>
        %dma_wait3A_206 = tpu.memref_squeeze %dma_wait3A_205 : memref<1x128xi32, #tpu.memory_space<vmem>> -> memref<128xi32, #tpu.memory_space<vmem>>
        %dma_wait3A_207 = arith.constant 0 : i32
        %dma_wait3A_208 = arith.constant 0 : i32
        %dma_wait3A_209 = tpu.memref_slice %arg17[%dma_wait3A_207, %dma_wait3A_208] : memref<10112x32xf32, #tpu.memory_space<vmem_shared>> -> memref<10112x32xf32, #tpu.memory_space<vmem_shared>>
        tpu.wait_indirect_dma semaphore(%run_scoped3A : memref<!tpu.dma_semaphore, #tpu.memory_space<semaphore_mem>>) src(%arg14 : memref<128x32xf32, #tpu.memory_space<vmem>>) dst(%dma_wait3A_209 : memref<10112x32xf32, #tpu.memory_space<vmem_shared>>)
        tpu.yield
      }) : () -> ()
      %lt3A_177 = arith.constant 9 : i32
      %lt3A_178 = arith.cmpi slt, %scan3A_77, %lt3A_177 : i32
      %convert_element_type3A_179 = arith.extui %lt3A_178 : i1 to i32
      %cond3A_180 = arith.constant 0 : i32
      %cond3A_181 = arith.cmpi ne, %convert_element_type3A_179, %cond3A_180 : i32
      scf.if %cond3A_181 {
        %add3A_198 = arith.constant 8 : i32
        %add3A_199 = arith.addi %mul3A_80, %add3A_198 : i32
        %add3A_200 = arith.constant 6 : i32
        %add3A_201 = arith.addi %add3A_199, %add3A_200 : i32
        %dma_start3A_202 = arith.constant 0 : i32
        %dma_start3A_203 = tpu.memref_slice %arg6[%add3A_201, %dma_start3A_202] : memref<80x128xi32, #tpu.memory_space<vmem>> -> memref<1x128xi32, #tpu.memory_space<vmem>>
        %dma_start3A_204 = tpu.memref_squeeze %dma_start3A_203 : memref<1x128xi32, #tpu.memory_space<vmem>> -> memref<128xi32, #tpu.memory_space<vmem>>
        %dma_start3A_205 = arith.constant 0 : i32
        %dma_start3A_206 = arith.constant 0 : i32
        %dma_start3A_207 = tpu.memref_slice %arg2[%dma_start3A_205, %dma_start3A_206] : memref<10000x32xf32, #tpu.memory_space<hbm>> -> memref<10000x32xf32, #tpu.memory_space<hbm>>
        tpu.enqueue_indirect_dma source(%dma_start3A_207 : memref<10000x32xf32, #tpu.memory_space<hbm>>) target(%arg14 : memref<128x32xf32, #tpu.memory_space<vmem>>) offsets(%dma_start3A_204 : memref<128xi32, #tpu.memory_space<vmem>>) semaphore(%arg24 : memref<!tpu.dma_semaphore, #tpu.memory_space<semaphore_mem>>)
      } else {
      }
      %add3A_182 = arith.constant 7 : i32
      %add3A_183 = arith.addi %mul3A_80, %add3A_182 : i32
      %dma_wait3A_184 = arith.constant 0 : i32
      %dma_wait3A_185 = tpu.memref_slice %arg6[%add3A_183, %dma_wait3A_184] : memref<80x128xi32, #tpu.memory_space<vmem>> -> memref<1x128xi32, #tpu.memory_space<vmem>>
      %dma_wait3A_186 = tpu.memref_squeeze %dma_wait3A_185 : memref<1x128xi32, #tpu.memory_space<vmem>> -> memref<128xi32, #tpu.memory_space<vmem>>
      %dma_wait3A_187 = arith.constant 0 : i32
      %dma_wait3A_188 = arith.constant 0 : i32
      %dma_wait3A_189 = tpu.memref_slice %arg2[%dma_wait3A_187, %dma_wait3A_188] : memref<10000x32xf32, #tpu.memory_space<hbm>> -> memref<10000x32xf32, #tpu.memory_space<hbm>>
      tpu.wait_indirect_dma semaphore(%arg25 : memref<!tpu.dma_semaphore, #tpu.memory_space<semaphore_mem>>) src(%dma_wait3A_189 : memref<10000x32xf32, #tpu.memory_space<hbm>>) dst(%arg15 : memref<128x32xf32, #tpu.memory_space<vmem>>)
      %add3A_190 = arith.constant 7 : i32
      %add3A_191 = arith.addi %mul3A_80, %add3A_190 : i32
      "tpu.region"() ({
        %run_scoped3A = tpu.sem_alloc : memref<!tpu.dma_semaphore, #tpu.memory_space<semaphore_mem>>
        %dma_start3A_198 = arith.constant 0 : i32
        %dma_start3A_199 = tpu.memref_slice %arg7[%add3A_191, %dma_start3A_198] : memref<80x128xi32, #tpu.memory_space<vmem>> -> memref<1x128xi32, #tpu.memory_space<vmem>>
        %dma_start3A_200 = tpu.memref_squeeze %dma_start3A_199 : memref<1x128xi32, #tpu.memory_space<vmem>> -> memref<128xi32, #tpu.memory_space<vmem>>
        %dma_start3A_201 = arith.constant 0 : i32
        %dma_start3A_202 = arith.constant 0 : i32
        %dma_start3A_203 = tpu.memref_slice %arg17[%dma_start3A_201, %dma_start3A_202] : memref<10112x32xf32, #tpu.memory_space<vmem_shared>> -> memref<10112x32xf32, #tpu.memory_space<vmem_shared>>
        tpu.enqueue_indirect_dma source(%arg15 : memref<128x32xf32, #tpu.memory_space<vmem>>) target(%dma_start3A_203 : memref<10112x32xf32, #tpu.memory_space<vmem_shared>>) offsets(%dma_start3A_200 : memref<128xi32, #tpu.memory_space<vmem>>) semaphore(%run_scoped3A : memref<!tpu.dma_semaphore, #tpu.memory_space<semaphore_mem>>) {add = true}
        %dma_wait3A_204 = arith.constant 0 : i32
        %dma_wait3A_205 = tpu.memref_slice %arg7[%add3A_191, %dma_wait3A_204] : memref<80x128xi32, #tpu.memory_space<vmem>> -> memref<1x128xi32, #tpu.memory_space<vmem>>
        %dma_wait3A_206 = tpu.memref_squeeze %dma_wait3A_205 : memref<1x128xi32, #tpu.memory_space<vmem>> -> memref<128xi32, #tpu.memory_space<vmem>>
        %dma_wait3A_207 = arith.constant 0 : i32
        %dma_wait3A_208 = arith.constant 0 : i32
        %dma_wait3A_209 = tpu.memref_slice %arg17[%dma_wait3A_207, %dma_wait3A_208] : memref<10112x32xf32, #tpu.memory_space<vmem_shared>> -> memref<10112x32xf32, #tpu.memory_space<vmem_shared>>
        tpu.wait_indirect_dma semaphore(%run_scoped3A : memref<!tpu.dma_semaphore, #tpu.memory_space<semaphore_mem>>) src(%arg15 : memref<128x32xf32, #tpu.memory_space<vmem>>) dst(%dma_wait3A_209 : memref<10112x32xf32, #tpu.memory_space<vmem_shared>>)
        tpu.yield
      }) : () -> ()
      %lt3A_192 = arith.constant 9 : i32
      %lt3A_193 = arith.cmpi slt, %scan3A_77, %lt3A_192 : i32
      %convert_element_type3A_194 = arith.extui %lt3A_193 : i1 to i32
      %cond3A_195 = arith.constant 0 : i32
      %cond3A_196 = arith.cmpi ne, %convert_element_type3A_194, %cond3A_195 : i32
      scf.if %cond3A_196 {
        %add3A_198 = arith.constant 8 : i32
        %add3A_199 = arith.addi %mul3A_80, %add3A_198 : i32
        %add3A_200 = arith.constant 7 : i32
        %add3A_201 = arith.addi %add3A_199, %add3A_200 : i32
        %dma_start3A_202 = arith.constant 0 : i32
        %dma_start3A_203 = tpu.memref_slice %arg6[%add3A_201, %dma_start3A_202] : memref<80x128xi32, #tpu.memory_space<vmem>> -> memref<1x128xi32, #tpu.memory_space<vmem>>
        %dma_start3A_204 = tpu.memref_squeeze %dma_start3A_203 : memref<1x128xi32, #tpu.memory_space<vmem>> -> memref<128xi32, #tpu.memory_space<vmem>>
        %dma_start3A_205 = arith.constant 0 : i32
        %dma_start3A_206 = arith.constant 0 : i32
        %dma_start3A_207 = tpu.memref_slice %arg2[%dma_start3A_205, %dma_start3A_206] : memref<10000x32xf32, #tpu.memory_space<hbm>> -> memref<10000x32xf32, #tpu.memory_space<hbm>>
        tpu.enqueue_indirect_dma source(%dma_start3A_207 : memref<10000x32xf32, #tpu.memory_space<hbm>>) target(%arg15 : memref<128x32xf32, #tpu.memory_space<vmem>>) offsets(%dma_start3A_204 : memref<128xi32, #tpu.memory_space<vmem>>) semaphore(%arg25 : memref<!tpu.dma_semaphore, #tpu.memory_space<semaphore_mem>>)
      } else {
      }
      %scan3A_197 = arith.constant 0 : i32
      scf.yield %scan3A_197 : i32
    }
    %scan3A_71 = arith.constant 10 : i32
    %barrier3A_72 = arith.constant 0 : index
    tpu.barrier barrier_id(%barrier3A_72)
    %mul3A_73 = arith.constant 632 : i32
    %mul3A_74 = arith.muli %arg1, %mul3A_73 : i32
    %mul3A_75 = arith.constant 632 : i32
    %mul3A_76 = arith.muli %arg1, %mul3A_75 : i32
    "tpu.region"() ({
      %run_scoped3A = tpu.sem_alloc : memref<!tpu.dma_semaphore, #tpu.memory_space<semaphore_mem>>
      %dma_start3A_77 = arith.constant 0 : i32
      %dma_start3A_78 = tpu.memref_slice %arg5[%arg0, %mul3A_76, %dma_start3A_77] : memref<2x10112x32xf32, #tpu.memory_space<hbm>> -> memref<1x632x32xf32, #tpu.memory_space<hbm>>
      %dma_start3A_79 = tpu.memref_squeeze %dma_start3A_78 : memref<1x632x32xf32, #tpu.memory_space<hbm>> -> memref<632x32xf32, #tpu.memory_space<hbm>>
      %dma_start3A_80 = arith.constant 0 : i32
      %dma_start3A_81 = tpu.memref_slice %arg17[%mul3A_74, %dma_start3A_80] : memref<10112x32xf32, #tpu.memory_space<vmem_shared>> -> memref<632x32xf32, #tpu.memory_space<vmem_shared>>
      tpu.enqueue_dma source(%dma_start3A_81 : memref<632x32xf32, #tpu.memory_space<vmem_shared>>) target(%dma_start3A_79 : memref<632x32xf32, #tpu.memory_space<hbm>>) target_semaphore(%run_scoped3A : memref<!tpu.dma_semaphore, #tpu.memory_space<semaphore_mem>>)
      %dma_wait3A = arith.constant 0 : i32
      %dma_wait3A_82 = tpu.memref_slice %arg5[%arg0, %mul3A_76, %dma_wait3A] : memref<2x10112x32xf32, #tpu.memory_space<hbm>> -> memref<1x632x32xf32, #tpu.memory_space<hbm>>
      %dma_wait3A_83 = tpu.memref_squeeze %dma_wait3A_82 : memref<1x632x32xf32, #tpu.memory_space<hbm>> -> memref<632x32xf32, #tpu.memory_space<hbm>>
      %dma_wait3A_84 = arith.constant 0 : i32
      %dma_wait3A_85 = tpu.memref_slice %arg17[%mul3A_74, %dma_wait3A_84] : memref<10112x32xf32, #tpu.memory_space<vmem_shared>> -> memref<632x32xf32, #tpu.memory_space<vmem_shared>>
      tpu.wait_dma2 semaphore(%run_scoped3A : memref<!tpu.dma_semaphore, #tpu.memory_space<semaphore_mem>>) src(%dma_wait3A_85 : memref<632x32xf32, #tpu.memory_space<vmem_shared>>) dst(%dma_wait3A_83 : memref<632x32xf32, #tpu.memory_space<hbm>>)
      tpu.yield
    }) : () -> ()
    return
  }
}

module attributes {stable_mosaic.version = 14 : i64} {
  func.func @_tc_prep_body(%arg0: memref<10240x32xf32, #tpu.memory_space<vmem>>, %arg1: memref<10000x128xf32, #tpu.memory_space<vmem>>, %arg2: memref<128x32xf32, #tpu.memory_space<vmem>>, %arg3: memref<10000x1xf32, #tpu.memory_space<vmem>>, %arg4: memref<10000x32xf32, #tpu.memory_space<vmem>>) attributes {dimension_semantics = [], scalar_prefetch = 0 : i64, scratch_operands = 0 : i64, tpu.core_type = #tpu.core_type<tc>} {
    %get3A = arith.constant 0 : index
    %get3A_0 = arith.constant 0 : index
    %get3A_1 = vector.load %arg0[%get3A, %get3A_0] : memref<10240x32xf32, #tpu.memory_space<vmem>>, vector<10000x32xf32>
    %reduce_sum3A = arith.constant dense<0.000000e+00> : vector<10000xf32>
    %reduce_sum3A_2 = vector.multi_reduction <add>, %get3A_1, %reduce_sum3A [1] : vector<10000x32xf32> to vector<10000xf32>
    %broadcast_in_dim3A = vector.shape_cast %reduce_sum3A_2 : vector<10000xf32> to vector<10000x1xf32>
    %add3A = arith.constant 1.000000e+00 : f32
    %add3A_3 = vector.broadcast %add3A : f32 to vector<10000x1xf32>
    %add3A_4 = arith.addf %broadcast_in_dim3A, %add3A_3 : vector<10000x1xf32>
    %rsqrt3A = math.rsqrt %add3A_4 : vector<10000x1xf32>
    %swap3A = arith.constant 0 : index
    %swap3A_5 = arith.constant 0 : index
    %swap3A_6 = vector.load %arg3[%swap3A, %swap3A_5] : memref<10000x1xf32, #tpu.memory_space<vmem>>, vector<10000x1xf32>
    tpu.vector_store %arg3[%swap3A, %swap3A_5], %rsqrt3A {strides = array<i32>} : memref<10000x1xf32, #tpu.memory_space<vmem>>, vector<10000x1xf32>,
    %get3A_7 = arith.constant 0 : index
    %get3A_8 = arith.constant 0 : index
    %get3A_9 = vector.load %arg1[%get3A_7, %get3A_8] : memref<10000x128xf32, #tpu.memory_space<vmem>>, vector<10000x128xf32>
    %get3A_10 = arith.constant 0 : index
    %get3A_11 = arith.constant 0 : index
    %get3A_12 = vector.load %arg2[%get3A_10, %get3A_11] : memref<128x32xf32, #tpu.memory_space<vmem>>, vector<128x32xf32>
    %dot_general3A = arith.constant dense<0.000000e+00> : vector<10000x32xf32>
    %dot_general3A_13 = tpu.matmul %get3A_9, %get3A_12, %dot_general3A {dimension_numbers = #tpu.dot_dimension_numbers<[1], [0], [0], [1], [0, 0, 1, 1], [], []>, transpose_lhs_hint = false} : vector<10000x128xf32>, vector<128x32xf32>, vector<10000x32xf32> -> vector<10000x32xf32>
    %mul3A = vector.broadcast %rsqrt3A : vector<10000x1xf32> to vector<10000x32xf32>
    %mul3A_14 = arith.mulf %dot_general3A_13, %mul3A : vector<10000x32xf32>
    %swap3A_15 = arith.constant 0 : index
    %swap3A_16 = arith.constant 0 : index
    %swap3A_17 = vector.load %arg4[%swap3A_15, %swap3A_16] : memref<10000x32xf32, #tpu.memory_space<vmem>>, vector<10000x32xf32>
    tpu.vector_store %arg4[%swap3A_15, %swap3A_16], %mul3A_14 {strides = array<i32>} : memref<10000x32xf32, #tpu.memory_space<vmem>>, vector<10000x32xf32>,
    return
  }
}

module attributes {stable_mosaic.version = 14 : i64} {
  func.func @_tc_layer_body(%arg0: memref<2x10112x32xf32, #tpu.memory_space<vmem>>, %arg1: memref<10000x32xf32, #tpu.memory_space<vmem>>, %arg2: memref<10000x1xf32, #tpu.memory_space<vmem>>, %arg3: memref<32x32xf32, #tpu.memory_space<vmem>>, %arg4: memref<1x32xf32, #tpu.memory_space<vmem>>, %arg5: memref<10000x32xf32, #tpu.memory_space<vmem>>, %arg6: memref<10000x32xf32, #tpu.memory_space<vmem>>) attributes {dimension_semantics = [], scalar_prefetch = 0 : i64, scratch_operands = 0 : i64, tpu.core_type = #tpu.core_type<tc>} {
    %get3A = arith.constant 0 : index
    %get3A_0 = arith.constant 0 : index
    %get3A_1 = arith.constant 0 : index
    %get3A_2 = vector.load %arg0[%get3A, %get3A_0, %get3A_1] : memref<2x10112x32xf32, #tpu.memory_space<vmem>>, vector<1x10000x32xf32>
    %get3A_3 = vector.shape_cast %get3A_2 : vector<1x10000x32xf32> to vector<10000x32xf32>
    %get3A_4 = arith.constant 1 : index
    %get3A_5 = arith.constant 0 : index
    %get3A_6 = arith.constant 0 : index
    %get3A_7 = vector.load %arg0[%get3A_4, %get3A_5, %get3A_6] : memref<2x10112x32xf32, #tpu.memory_space<vmem>>, vector<1x10000x32xf32>
    %get3A_8 = vector.shape_cast %get3A_7 : vector<1x10000x32xf32> to vector<10000x32xf32>
    %add3A = arith.addf %get3A_3, %get3A_8 : vector<10000x32xf32>
    %get3A_9 = arith.constant 0 : index
    %get3A_10 = arith.constant 0 : index
    %get3A_11 = vector.load %arg2[%get3A_9, %get3A_10] : memref<10000x1xf32, #tpu.memory_space<vmem>>, vector<10000x1xf32>
    %get3A_12 = arith.constant 0 : index
    %get3A_13 = arith.constant 0 : index
    %get3A_14 = vector.load %arg1[%get3A_12, %get3A_13] : memref<10000x32xf32, #tpu.memory_space<vmem>>, vector<10000x32xf32>
    %add3A_15 = arith.addf %add3A, %get3A_14 : vector<10000x32xf32>
    %mul3A = vector.broadcast %get3A_11 : vector<10000x1xf32> to vector<10000x32xf32>
    %mul3A_16 = arith.mulf %mul3A, %add3A_15 : vector<10000x32xf32>
    %get3A_17 = arith.constant 0 : index
    %get3A_18 = arith.constant 0 : index
    %get3A_19 = vector.load %arg4[%get3A_17, %get3A_18] : memref<1x32xf32, #tpu.memory_space<vmem>>, vector<1x32xf32>
    %add3A_20 = vector.broadcast %get3A_19 : vector<1x32xf32> to vector<10000x32xf32>
    %add3A_21 = arith.addf %mul3A_16, %add3A_20 : vector<10000x32xf32>
    %tanh3A = math.tanh %add3A_21 : vector<10000x32xf32>
    %swap3A = arith.constant 0 : index
    %swap3A_22 = arith.constant 0 : index
    %swap3A_23 = vector.load %arg5[%swap3A, %swap3A_22] : memref<10000x32xf32, #tpu.memory_space<vmem>>, vector<10000x32xf32>
    tpu.vector_store %arg5[%swap3A, %swap3A_22], %tanh3A {strides = array<i32>} : memref<10000x32xf32, #tpu.memory_space<vmem>>, vector<10000x32xf32>,
    %get3A_24 = arith.constant 0 : index
    %get3A_25 = arith.constant 0 : index
    %get3A_26 = vector.load %arg3[%get3A_24, %get3A_25] : memref<32x32xf32, #tpu.memory_space<vmem>>, vector<32x32xf32>
    %dot_general3A = arith.constant dense<0.000000e+00> : vector<10000x32xf32>
    %dot_general3A_27 = tpu.matmul %tanh3A, %get3A_26, %dot_general3A {dimension_numbers = #tpu.dot_dimension_numbers<[1], [0], [0], [1], [0, 0, 1, 1], [], []>, transpose_lhs_hint = false} : vector<10000x32xf32>, vector<32x32xf32>, vector<10000x32xf32> -> vector<10000x32xf32>
    %mul3A_28 = vector.broadcast %get3A_11 : vector<10000x1xf32> to vector<10000x32xf32>
    %mul3A_29 = arith.mulf %mul3A_28, %dot_general3A_27 : vector<10000x32xf32>
    %swap3A_30 = arith.constant 0 : index
    %swap3A_31 = arith.constant 0 : index
    %swap3A_32 = vector.load %arg6[%swap3A_30, %swap3A_31] : memref<10000x32xf32, #tpu.memory_space<vmem>>, vector<10000x32xf32>
    tpu.vector_store %arg6[%swap3A_30, %swap3A_31], %mul3A_29 {strides = array<i32>} : memref<10000x32xf32, #tpu.memory_space<vmem>>, vector<10000x32xf32>,
    return
  }
}

module attributes {stable_mosaic.version = 14 : i64} {
  func.func @_tc_head_body(%arg0: memref<2x10112x32xf32, #tpu.memory_space<vmem>>, %arg1: memref<10000x32xf32, #tpu.memory_space<vmem>>, %arg2: memref<10000x1xf32, #tpu.memory_space<vmem>>, %arg3: memref<1x32xf32, #tpu.memory_space<vmem>>, %arg4: memref<10000x32xf32, #tpu.memory_space<vmem>>, %arg5: memref<10000x32xf32, #tpu.memory_space<vmem>>, %arg6: memref<64xi32, #tpu.memory_space<smem>>, %arg7: memref<64x1xi32, #tpu.memory_space<vmem>>, %arg8: memref<96x512xf32, #tpu.memory_space<vmem>>, %arg9: memref<1x512xf32, #tpu.memory_space<vmem>>, %arg10: memref<512x2xf32, #tpu.memory_space<vmem>>, %arg11: memref<1x2xf32, #tpu.memory_space<vmem>>, %arg12: memref<64x2xf32, #tpu.memory_space<vmem>>, %arg13: memref<1x1xf32, #tpu.memory_space<vmem>>, %arg14: memref<1x1xf32, #tpu.memory_space<vmem>>, %arg15: memref<64x512xf32, #tpu.memory_space<vmem>>, %arg16: memref<10000x32xf32, #tpu.memory_space<vmem>>, %arg17: memref<64x96xf32, #tpu.memory_space<vmem>>) attributes {dimension_semantics = [], scalar_prefetch = 0 : i64, scratch_operands = 2 : i64, tpu.core_type = #tpu.core_type<tc>} {
    %get3A = arith.constant 0 : index
    %get3A_0 = arith.constant 0 : index
    %get3A_1 = arith.constant 0 : index
    %get3A_2 = vector.load %arg0[%get3A, %get3A_0, %get3A_1] : memref<2x10112x32xf32, #tpu.memory_space<vmem>>, vector<1x10000x32xf32>
    %get3A_3 = vector.shape_cast %get3A_2 : vector<1x10000x32xf32> to vector<10000x32xf32>
    %get3A_4 = arith.constant 1 : index
    %get3A_5 = arith.constant 0 : index
    %get3A_6 = arith.constant 0 : index
    %get3A_7 = vector.load %arg0[%get3A_4, %get3A_5, %get3A_6] : memref<2x10112x32xf32, #tpu.memory_space<vmem>>, vector<1x10000x32xf32>
    %get3A_8 = vector.shape_cast %get3A_7 : vector<1x10000x32xf32> to vector<10000x32xf32>
    %add3A = arith.addf %get3A_3, %get3A_8 : vector<10000x32xf32>
    %get3A_9 = arith.constant 0 : index
    %get3A_10 = arith.constant 0 : index
    %get3A_11 = vector.load %arg2[%get3A_9, %get3A_10] : memref<10000x1xf32, #tpu.memory_space<vmem>>, vector<10000x1xf32>
    %get3A_12 = arith.constant 0 : index
    %get3A_13 = arith.constant 0 : index
    %get3A_14 = vector.load %arg1[%get3A_12, %get3A_13] : memref<10000x32xf32, #tpu.memory_space<vmem>>, vector<10000x32xf32>
    %add3A_15 = arith.addf %add3A, %get3A_14 : vector<10000x32xf32>
    %mul3A = vector.broadcast %get3A_11 : vector<10000x1xf32> to vector<10000x32xf32>
    %mul3A_16 = arith.mulf %mul3A, %add3A_15 : vector<10000x32xf32>
    %get3A_17 = arith.constant 0 : index
    %get3A_18 = arith.constant 0 : index
    %get3A_19 = vector.load %arg3[%get3A_17, %get3A_18] : memref<1x32xf32, #tpu.memory_space<vmem>>, vector<1x32xf32>
    %add3A_20 = vector.broadcast %get3A_19 : vector<1x32xf32> to vector<10000x32xf32>
    %add3A_21 = arith.addf %mul3A_16, %add3A_20 : vector<10000x32xf32>
    %tanh3A = math.tanh %add3A_21 : vector<10000x32xf32>
    %swap3A = arith.constant 0 : index
    %swap3A_22 = arith.constant 0 : index
    %swap3A_23 = vector.load %arg16[%swap3A, %swap3A_22] : memref<10000x32xf32, #tpu.memory_space<vmem>>, vector<10000x32xf32>
    tpu.vector_store %arg16[%swap3A, %swap3A_22], %tanh3A {strides = array<i32>} : memref<10000x32xf32, #tpu.memory_space<vmem>>, vector<10000x32xf32>,
    %get3A_24 = arith.constant 0 : index
    %get3A_25 = memref.load %arg6[%get3A_24] : memref<64xi32, #tpu.memory_space<smem>>
    %get3A_26 = arith.index_cast %get3A_25 : i32 to index
    %get3A_27 = arith.constant 0 : index
    %get3A_28 = vector.load %arg4[%get3A_26, %get3A_27] : memref<10000x32xf32, #tpu.memory_space<vmem>>, vector<1x32xf32>
    %swap3A_29 = arith.constant 0 : index
    %swap3A_30 = arith.constant 0 : index
    %swap3A_31 = vector.load %arg17[%swap3A_29, %swap3A_30] : memref<64x96xf32, #tpu.memory_space<vmem>>, vector<1x32xf32>
    tpu.vector_store %arg17[%swap3A_29, %swap3A_30], %get3A_28 {strides = array<i32>} : memref<64x96xf32, #tpu.memory_space<vmem>>, vector<1x32xf32>,
    %get3A_32 = arith.index_cast %get3A_25 : i32 to index
    %get3A_33 = arith.constant 0 : index
    %get3A_34 = vector.load %arg5[%get3A_32, %get3A_33] : memref<10000x32xf32, #tpu.memory_space<vmem>>, vector<1x32xf32>
    %swap3A_35 = arith.constant 0 : index
    %swap3A_36 = arith.constant 32 : index
    %swap3A_37 = vector.load %arg17[%swap3A_35, %swap3A_36] : memref<64x96xf32, #tpu.memory_space<vmem>>, vector<1x32xf32>
    tpu.vector_store %arg17[%swap3A_35, %swap3A_36], %get3A_34 {strides = array<i32>} : memref<64x96xf32, #tpu.memory_space<vmem>>, vector<1x32xf32>,
    %get3A_38 = arith.index_cast %get3A_25 : i32 to index
    %get3A_39 = arith.constant 0 : index
    %get3A_40 = vector.load %arg16[%get3A_38, %get3A_39] : memref<10000x32xf32, #tpu.memory_space<vmem>>, vector<1x32xf32>
    %swap3A_41 = arith.constant 0 : index
    %swap3A_42 = arith.constant 64 : index
    %swap3A_43 = vector.load %arg17[%swap3A_41, %swap3A_42] : memref<64x96xf32, #tpu.memory_space<vmem>>, vector<1x32xf32>
    tpu.vector_store %arg17[%swap3A_41, %swap3A_42], %get3A_40 {strides = array<i32>} : memref<64x96xf32, #tpu.memory_space<vmem>>, vector<1x32xf32>,
    %get3A_44 = arith.constant 1 : index
    %get3A_45 = memref.load %arg6[%get3A_44] : memref<64xi32, #tpu.memory_space<smem>>
    %get3A_46 = arith.index_cast %get3A_45 : i32 to index
    %get3A_47 = arith.constant 0 : index
    %get3A_48 = vector.load %arg4[%get3A_46, %get3A_47] : memref<10000x32xf32, #tpu.memory_space<vmem>>, vector<1x32xf32>
    %swap3A_49 = arith.constant 1 : index
    %swap3A_50 = arith.constant 0 : index
    %swap3A_51 = vector.load %arg17[%swap3A_49, %swap3A_50] : memref<64x96xf32, #tpu.memory_space<vmem>>, vector<1x32xf32>
    tpu.vector_store %arg17[%swap3A_49, %swap3A_50], %get3A_48 {strides = array<i32>} : memref<64x96xf32, #tpu.memory_space<vmem>>, vector<1x32xf32>,
    %get3A_52 = arith.index_cast %get3A_45 : i32 to index
    %get3A_53 = arith.constant 0 : index
    %get3A_54 = vector.load %arg5[%get3A_52, %get3A_53] : memref<10000x32xf32, #tpu.memory_space<vmem>>, vector<1x32xf32>
    %swap3A_55 = arith.constant 1 : index
    %swap3A_56 = arith.constant 32 : index
    %swap3A_57 = vector.load %arg17[%swap3A_55, %swap3A_56] : memref<64x96xf32, #tpu.memory_space<vmem>>, vector<1x32xf32>
    tpu.vector_store %arg17[%swap3A_55, %swap3A_56], %get3A_54 {strides = array<i32>} : memref<64x96xf32, #tpu.memory_space<vmem>>, vector<1x32xf32>,
    %get3A_58 = arith.index_cast %get3A_45 : i32 to index
    %get3A_59 = arith.constant 0 : index
    %get3A_60 = vector.load %arg16[%get3A_58, %get3A_59] : memref<10000x32xf32, #tpu.memory_space<vmem>>, vector<1x32xf32>
    %swap3A_61 = arith.constant 1 : index
    %swap3A_62 = arith.constant 64 : index
    %swap3A_63 = vector.load %arg17[%swap3A_61, %swap3A_62] : memref<64x96xf32, #tpu.memory_space<vmem>>, vector<1x32xf32>
    tpu.vector_store %arg17[%swap3A_61, %swap3A_62], %get3A_60 {strides = array<i32>} : memref<64x96xf32, #tpu.memory_space<vmem>>, vector<1x32xf32>,
    %get3A_64 = arith.constant 2 : index
    %get3A_65 = memref.load %arg6[%get3A_64] : memref<64xi32, #tpu.memory_space<smem>>
    %get3A_66 = arith.index_cast %get3A_65 : i32 to index
    %get3A_67 = arith.constant 0 : index
    %get3A_68 = vector.load %arg4[%get3A_66, %get3A_67] : memref<10000x32xf32, #tpu.memory_space<vmem>>, vector<1x32xf32>
    %swap3A_69 = arith.constant 2 : index
    %swap3A_70 = arith.constant 0 : index
    %swap3A_71 = vector.load %arg17[%swap3A_69, %swap3A_70] : memref<64x96xf32, #tpu.memory_space<vmem>>, vector<1x32xf32>
    tpu.vector_store %arg17[%swap3A_69, %swap3A_70], %get3A_68 {strides = array<i32>} : memref<64x96xf32, #tpu.memory_space<vmem>>, vector<1x32xf32>,
    %get3A_72 = arith.index_cast %get3A_65 : i32 to index
    %get3A_73 = arith.constant 0 : index
    %get3A_74 = vector.load %arg5[%get3A_72, %get3A_73] : memref<10000x32xf32, #tpu.memory_space<vmem>>, vector<1x32xf32>
    %swap3A_75 = arith.constant 2 : index
    %swap3A_76 = arith.constant 32 : index
    %swap3A_77 = vector.load %arg17[%swap3A_75, %swap3A_76] : memref<64x96xf32, #tpu.memory_space<vmem>>, vector<1x32xf32>
    tpu.vector_store %arg17[%swap3A_75, %swap3A_76], %get3A_74 {strides = array<i32>} : memref<64x96xf32, #tpu.memory_space<vmem>>, vector<1x32xf32>,
    %get3A_78 = arith.index_cast %get3A_65 : i32 to index
    %get3A_79 = arith.constant 0 : index
    %get3A_80 = vector.load %arg16[%get3A_78, %get3A_79] : memref<10000x32xf32, #tpu.memory_space<vmem>>, vector<1x32xf32>
    %swap3A_81 = arith.constant 2 : index
    %swap3A_82 = arith.constant 64 : index
    %swap3A_83 = vector.load %arg17[%swap3A_81, %swap3A_82] : memref<64x96xf32, #tpu.memory_space<vmem>>, vector<1x32xf32>
    tpu.vector_store %arg17[%swap3A_81, %swap3A_82], %get3A_80 {strides = array<i32>} : memref<64x96xf32, #tpu.memory_space<vmem>>, vector<1x32xf32>,
    %get3A_84 = arith.constant 3 : index
    %get3A_85 = memref.load %arg6[%get3A_84] : memref<64xi32, #tpu.memory_space<smem>>
    %get3A_86 = arith.index_cast %get3A_85 : i32 to index
    %get3A_87 = arith.constant 0 : index
    %get3A_88 = vector.load %arg4[%get3A_86, %get3A_87] : memref<10000x32xf32, #tpu.memory_space<vmem>>, vector<1x32xf32>
    %swap3A_89 = arith.constant 3 : index
    %swap3A_90 = arith.constant 0 : index
    %swap3A_91 = vector.load %arg17[%swap3A_89, %swap3A_90] : memref<64x96xf32, #tpu.memory_space<vmem>>, vector<1x32xf32>
    tpu.vector_store %arg17[%swap3A_89, %swap3A_90], %get3A_88 {strides = array<i32>} : memref<64x96xf32, #tpu.memory_space<vmem>>, vector<1x32xf32>,
    %get3A_92 = arith.index_cast %get3A_85 : i32 to index
    %get3A_93 = arith.constant 0 : index
    %get3A_94 = vector.load %arg5[%get3A_92, %get3A_93] : memref<10000x32xf32, #tpu.memory_space<vmem>>, vector<1x32xf32>
    %swap3A_95 = arith.constant 3 : index
    %swap3A_96 = arith.constant 32 : index
    %swap3A_97 = vector.load %arg17[%swap3A_95, %swap3A_96] : memref<64x96xf32, #tpu.memory_space<vmem>>, vector<1x32xf32>
    tpu.vector_store %arg17[%swap3A_95, %swap3A_96], %get3A_94 {strides = array<i32>} : memref<64x96xf32, #tpu.memory_space<vmem>>, vector<1x32xf32>,
    %get3A_98 = arith.index_cast %get3A_85 : i32 to index
    %get3A_99 = arith.constant 0 : index
    %get3A_100 = vector.load %arg16[%get3A_98, %get3A_99] : memref<10000x32xf32, #tpu.memory_space<vmem>>, vector<1x32xf32>
    %swap3A_101 = arith.constant 3 : index
    %swap3A_102 = arith.constant 64 : index
    %swap3A_103 = vector.load %arg17[%swap3A_101, %swap3A_102] : memref<64x96xf32, #tpu.memory_space<vmem>>, vector<1x32xf32>
    tpu.vector_store %arg17[%swap3A_101, %swap3A_102], %get3A_100 {strides = array<i32>} : memref<64x96xf32, #tpu.memory_space<vmem>>, vector<1x32xf32>,
    %get3A_104 = arith.constant 4 : index
    %get3A_105 = memref.load %arg6[%get3A_104] : memref<64xi32, #tpu.memory_space<smem>>
    %get3A_106 = arith.index_cast %get3A_105 : i32 to index
    %get3A_107 = arith.constant 0 : index
    %get3A_108 = vector.load %arg4[%get3A_106, %get3A_107] : memref<10000x32xf32, #tpu.memory_space<vmem>>, vector<1x32xf32>
    %swap3A_109 = arith.constant 4 : index
    %swap3A_110 = arith.constant 0 : index
    %swap3A_111 = vector.load %arg17[%swap3A_109, %swap3A_110] : memref<64x96xf32, #tpu.memory_space<vmem>>, vector<1x32xf32>
    tpu.vector_store %arg17[%swap3A_109, %swap3A_110], %get3A_108 {strides = array<i32>} : memref<64x96xf32, #tpu.memory_space<vmem>>, vector<1x32xf32>,
    %get3A_112 = arith.index_cast %get3A_105 : i32 to index
    %get3A_113 = arith.constant 0 : index
    %get3A_114 = vector.load %arg5[%get3A_112, %get3A_113] : memref<10000x32xf32, #tpu.memory_space<vmem>>, vector<1x32xf32>
    %swap3A_115 = arith.constant 4 : index
    %swap3A_116 = arith.constant 32 : index
    %swap3A_117 = vector.load %arg17[%swap3A_115, %swap3A_116] : memref<64x96xf32, #tpu.memory_space<vmem>>, vector<1x32xf32>
    tpu.vector_store %arg17[%swap3A_115, %swap3A_116], %get3A_114 {strides = array<i32>} : memref<64x96xf32, #tpu.memory_space<vmem>>, vector<1x32xf32>,
    %get3A_118 = arith.index_cast %get3A_105 : i32 to index
    %get3A_119 = arith.constant 0 : index
    %get3A_120 = vector.load %arg16[%get3A_118, %get3A_119] : memref<10000x32xf32, #tpu.memory_space<vmem>>, vector<1x32xf32>
    %swap3A_121 = arith.constant 4 : index
    %swap3A_122 = arith.constant 64 : index
    %swap3A_123 = vector.load %arg17[%swap3A_121, %swap3A_122] : memref<64x96xf32, #tpu.memory_space<vmem>>, vector<1x32xf32>
    tpu.vector_store %arg17[%swap3A_121, %swap3A_122], %get3A_120 {strides = array<i32>} : memref<64x96xf32, #tpu.memory_space<vmem>>, vector<1x32xf32>,
    %get3A_124 = arith.constant 5 : index
    %get3A_125 = memref.load %arg6[%get3A_124] : memref<64xi32, #tpu.memory_space<smem>>
    %get3A_126 = arith.index_cast %get3A_125 : i32 to index
    %get3A_127 = arith.constant 0 : index
    %get3A_128 = vector.load %arg4[%get3A_126, %get3A_127] : memref<10000x32xf32, #tpu.memory_space<vmem>>, vector<1x32xf32>
    %swap3A_129 = arith.constant 5 : index
    %swap3A_130 = arith.constant 0 : index
    %swap3A_131 = vector.load %arg17[%swap3A_129, %swap3A_130] : memref<64x96xf32, #tpu.memory_space<vmem>>, vector<1x32xf32>
    tpu.vector_store %arg17[%swap3A_129, %swap3A_130], %get3A_128 {strides = array<i32>} : memref<64x96xf32, #tpu.memory_space<vmem>>, vector<1x32xf32>,
    %get3A_132 = arith.index_cast %get3A_125 : i32 to index
    %get3A_133 = arith.constant 0 : index
    %get3A_134 = vector.load %arg5[%get3A_132, %get3A_133] : memref<10000x32xf32, #tpu.memory_space<vmem>>, vector<1x32xf32>
    %swap3A_135 = arith.constant 5 : index
    %swap3A_136 = arith.constant 32 : index
    %swap3A_137 = vector.load %arg17[%swap3A_135, %swap3A_136] : memref<64x96xf32, #tpu.memory_space<vmem>>, vector<1x32xf32>
    tpu.vector_store %arg17[%swap3A_135, %swap3A_136], %get3A_134 {strides = array<i32>} : memref<64x96xf32, #tpu.memory_space<vmem>>, vector<1x32xf32>,
    %get3A_138 = arith.index_cast %get3A_125 : i32 to index
    %get3A_139 = arith.constant 0 : index
    %get3A_140 = vector.load %arg16[%get3A_138, %get3A_139] : memref<10000x32xf32, #tpu.memory_space<vmem>>, vector<1x32xf32>
    %swap3A_141 = arith.constant 5 : index
    %swap3A_142 = arith.constant 64 : index
    %swap3A_143 = vector.load %arg17[%swap3A_141, %swap3A_142] : memref<64x96xf32, #tpu.memory_space<vmem>>, vector<1x32xf32>
    tpu.vector_store %arg17[%swap3A_141, %swap3A_142], %get3A_140 {strides = array<i32>} : memref<64x96xf32, #tpu.memory_space<vmem>>, vector<1x32xf32>,
    %get3A_144 = arith.constant 6 : index
    %get3A_145 = memref.load %arg6[%get3A_144] : memref<64xi32, #tpu.memory_space<smem>>
    %get3A_146 = arith.index_cast %get3A_145 : i32 to index
    %get3A_147 = arith.constant 0 : index
    %get3A_148 = vector.load %arg4[%get3A_146, %get3A_147] : memref<10000x32xf32, #tpu.memory_space<vmem>>, vector<1x32xf32>
    %swap3A_149 = arith.constant 6 : index
    %swap3A_150 = arith.constant 0 : index
    %swap3A_151 = vector.load %arg17[%swap3A_149, %swap3A_150] : memref<64x96xf32, #tpu.memory_space<vmem>>, vector<1x32xf32>
    tpu.vector_store %arg17[%swap3A_149, %swap3A_150], %get3A_148 {strides = array<i32>} : memref<64x96xf32, #tpu.memory_space<vmem>>, vector<1x32xf32>,
    %get3A_152 = arith.index_cast %get3A_145 : i32 to index
    %get3A_153 = arith.constant 0 : index
    %get3A_154 = vector.load %arg5[%get3A_152, %get3A_153] : memref<10000x32xf32, #tpu.memory_space<vmem>>, vector<1x32xf32>
    %swap3A_155 = arith.constant 6 : index
    %swap3A_156 = arith.constant 32 : index
    %swap3A_157 = vector.load %arg17[%swap3A_155, %swap3A_156] : memref<64x96xf32, #tpu.memory_space<vmem>>, vector<1x32xf32>
    tpu.vector_store %arg17[%swap3A_155, %swap3A_156], %get3A_154 {strides = array<i32>} : memref<64x96xf32, #tpu.memory_space<vmem>>, vector<1x32xf32>,
    %get3A_158 = arith.index_cast %get3A_145 : i32 to index
    %get3A_159 = arith.constant 0 : index
    %get3A_160 = vector.load %arg16[%get3A_158, %get3A_159] : memref<10000x32xf32, #tpu.memory_space<vmem>>, vector<1x32xf32>
    %swap3A_161 = arith.constant 6 : index
    %swap3A_162 = arith.constant 64 : index
    %swap3A_163 = vector.load %arg17[%swap3A_161, %swap3A_162] : memref<64x96xf32, #tpu.memory_space<vmem>>, vector<1x32xf32>
    tpu.vector_store %arg17[%swap3A_161, %swap3A_162], %get3A_160 {strides = array<i32>} : memref<64x96xf32, #tpu.memory_space<vmem>>, vector<1x32xf32>,
    %get3A_164 = arith.constant 7 : index
    %get3A_165 = memref.load %arg6[%get3A_164] : memref<64xi32, #tpu.memory_space<smem>>
    %get3A_166 = arith.index_cast %get3A_165 : i32 to index
    %get3A_167 = arith.constant 0 : index
    %get3A_168 = vector.load %arg4[%get3A_166, %get3A_167] : memref<10000x32xf32, #tpu.memory_space<vmem>>, vector<1x32xf32>
    %swap3A_169 = arith.constant 7 : index
    %swap3A_170 = arith.constant 0 : index
    %swap3A_171 = vector.load %arg17[%swap3A_169, %swap3A_170] : memref<64x96xf32, #tpu.memory_space<vmem>>, vector<1x32xf32>
    tpu.vector_store %arg17[%swap3A_169, %swap3A_170], %get3A_168 {strides = array<i32>} : memref<64x96xf32, #tpu.memory_space<vmem>>, vector<1x32xf32>,
    %get3A_172 = arith.index_cast %get3A_165 : i32 to index
    %get3A_173 = arith.constant 0 : index
    %get3A_174 = vector.load %arg5[%get3A_172, %get3A_173] : memref<10000x32xf32, #tpu.memory_space<vmem>>, vector<1x32xf32>
    %swap3A_175 = arith.constant 7 : index
    %swap3A_176 = arith.constant 32 : index
    %swap3A_177 = vector.load %arg17[%swap3A_175, %swap3A_176] : memref<64x96xf32, #tpu.memory_space<vmem>>, vector<1x32xf32>
    tpu.vector_store %arg17[%swap3A_175, %swap3A_176], %get3A_174 {strides = array<i32>} : memref<64x96xf32, #tpu.memory_space<vmem>>, vector<1x32xf32>,
    %get3A_178 = arith.index_cast %get3A_165 : i32 to index
    %get3A_179 = arith.constant 0 : index
    %get3A_180 = vector.load %arg16[%get3A_178, %get3A_179] : memref<10000x32xf32, #tpu.memory_space<vmem>>, vector<1x32xf32>
    %swap3A_181 = arith.constant 7 : index
    %swap3A_182 = arith.constant 64 : index
    %swap3A_183 = vector.load %arg17[%swap3A_181, %swap3A_182] : memref<64x96xf32, #tpu.memory_space<vmem>>, vector<1x32xf32>
    tpu.vector_store %arg17[%swap3A_181, %swap3A_182], %get3A_180 {strides = array<i32>} : memref<64x96xf32, #tpu.memory_space<vmem>>, vector<1x32xf32>,
    %get3A_184 = arith.constant 8 : index
    %get3A_185 = memref.load %arg6[%get3A_184] : memref<64xi32, #tpu.memory_space<smem>>
    %get3A_186 = arith.index_cast %get3A_185 : i32 to index
    %get3A_187 = arith.constant 0 : index
    %get3A_188 = vector.load %arg4[%get3A_186, %get3A_187] : memref<10000x32xf32, #tpu.memory_space<vmem>>, vector<1x32xf32>
    %swap3A_189 = arith.constant 8 : index
    %swap3A_190 = arith.constant 0 : index
    %swap3A_191 = vector.load %arg17[%swap3A_189, %swap3A_190] : memref<64x96xf32, #tpu.memory_space<vmem>>, vector<1x32xf32>
    tpu.vector_store %arg17[%swap3A_189, %swap3A_190], %get3A_188 {strides = array<i32>} : memref<64x96xf32, #tpu.memory_space<vmem>>, vector<1x32xf32>,
    %get3A_192 = arith.index_cast %get3A_185 : i32 to index
    %get3A_193 = arith.constant 0 : index
    %get3A_194 = vector.load %arg5[%get3A_192, %get3A_193] : memref<10000x32xf32, #tpu.memory_space<vmem>>, vector<1x32xf32>
    %swap3A_195 = arith.constant 8 : index
    %swap3A_196 = arith.constant 32 : index
    %swap3A_197 = vector.load %arg17[%swap3A_195, %swap3A_196] : memref<64x96xf32, #tpu.memory_space<vmem>>, vector<1x32xf32>
    tpu.vector_store %arg17[%swap3A_195, %swap3A_196], %get3A_194 {strides = array<i32>} : memref<64x96xf32, #tpu.memory_space<vmem>>, vector<1x32xf32>,
    %get3A_198 = arith.index_cast %get3A_185 : i32 to index
    %get3A_199 = arith.constant 0 : index
    %get3A_200 = vector.load %arg16[%get3A_198, %get3A_199] : memref<10000x32xf32, #tpu.memory_space<vmem>>, vector<1x32xf32>
    %swap3A_201 = arith.constant 8 : index
    %swap3A_202 = arith.constant 64 : index
    %swap3A_203 = vector.load %arg17[%swap3A_201, %swap3A_202] : memref<64x96xf32, #tpu.memory_space<vmem>>, vector<1x32xf32>
    tpu.vector_store %arg17[%swap3A_201, %swap3A_202], %get3A_200 {strides = array<i32>} : memref<64x96xf32, #tpu.memory_space<vmem>>, vector<1x32xf32>,
    %get3A_204 = arith.constant 9 : index
    %get3A_205 = memref.load %arg6[%get3A_204] : memref<64xi32, #tpu.memory_space<smem>>
    %get3A_206 = arith.index_cast %get3A_205 : i32 to index
    %get3A_207 = arith.constant 0 : index
    %get3A_208 = vector.load %arg4[%get3A_206, %get3A_207] : memref<10000x32xf32, #tpu.memory_space<vmem>>, vector<1x32xf32>
    %swap3A_209 = arith.constant 9 : index
    %swap3A_210 = arith.constant 0 : index
    %swap3A_211 = vector.load %arg17[%swap3A_209, %swap3A_210] : memref<64x96xf32, #tpu.memory_space<vmem>>, vector<1x32xf32>
    tpu.vector_store %arg17[%swap3A_209, %swap3A_210], %get3A_208 {strides = array<i32>} : memref<64x96xf32, #tpu.memory_space<vmem>>, vector<1x32xf32>,
    %get3A_212 = arith.index_cast %get3A_205 : i32 to index
    %get3A_213 = arith.constant 0 : index
    %get3A_214 = vector.load %arg5[%get3A_212, %get3A_213] : memref<10000x32xf32, #tpu.memory_space<vmem>>, vector<1x32xf32>
    %swap3A_215 = arith.constant 9 : index
    %swap3A_216 = arith.constant 32 : index
    %swap3A_217 = vector.load %arg17[%swap3A_215, %swap3A_216] : memref<64x96xf32, #tpu.memory_space<vmem>>, vector<1x32xf32>
    tpu.vector_store %arg17[%swap3A_215, %swap3A_216], %get3A_214 {strides = array<i32>} : memref<64x96xf32, #tpu.memory_space<vmem>>, vector<1x32xf32>,
    %get3A_218 = arith.index_cast %get3A_205 : i32 to index
    %get3A_219 = arith.constant 0 : index
    %get3A_220 = vector.load %arg16[%get3A_218, %get3A_219] : memref<10000x32xf32, #tpu.memory_space<vmem>>, vector<1x32xf32>
    %swap3A_221 = arith.constant 9 : index
    %swap3A_222 = arith.constant 64 : index
    %swap3A_223 = vector.load %arg17[%swap3A_221, %swap3A_222] : memref<64x96xf32, #tpu.memory_space<vmem>>, vector<1x32xf32>
    tpu.vector_store %arg17[%swap3A_221, %swap3A_222], %get3A_220 {strides = array<i32>} : memref<64x96xf32, #tpu.memory_space<vmem>>, vector<1x32xf32>,
    %get3A_224 = arith.constant 10 : index
    %get3A_225 = memref.load %arg6[%get3A_224] : memref<64xi32, #tpu.memory_space<smem>>
    %get3A_226 = arith.index_cast %get3A_225 : i32 to index
    %get3A_227 = arith.constant 0 : index
    %get3A_228 = vector.load %arg4[%get3A_226, %get3A_227] : memref<10000x32xf32, #tpu.memory_space<vmem>>, vector<1x32xf32>
    %swap3A_229 = arith.constant 10 : index
    %swap3A_230 = arith.constant 0 : index
    %swap3A_231 = vector.load %arg17[%swap3A_229, %swap3A_230] : memref<64x96xf32, #tpu.memory_space<vmem>>, vector<1x32xf32>
    tpu.vector_store %arg17[%swap3A_229, %swap3A_230], %get3A_228 {strides = array<i32>} : memref<64x96xf32, #tpu.memory_space<vmem>>, vector<1x32xf32>,
    %get3A_232 = arith.index_cast %get3A_225 : i32 to index
    %get3A_233 = arith.constant 0 : index
    %get3A_234 = vector.load %arg5[%get3A_232, %get3A_233] : memref<10000x32xf32, #tpu.memory_space<vmem>>, vector<1x32xf32>
    %swap3A_235 = arith.constant 10 : index
    %swap3A_236 = arith.constant 32 : index
    %swap3A_237 = vector.load %arg17[%swap3A_235, %swap3A_236] : memref<64x96xf32, #tpu.memory_space<vmem>>, vector<1x32xf32>
    tpu.vector_store %arg17[%swap3A_235, %swap3A_236], %get3A_234 {strides = array<i32>} : memref<64x96xf32, #tpu.memory_space<vmem>>, vector<1x32xf32>,
    %get3A_238 = arith.index_cast %get3A_225 : i32 to index
    %get3A_239 = arith.constant 0 : index
    %get3A_240 = vector.load %arg16[%get3A_238, %get3A_239] : memref<10000x32xf32, #tpu.memory_space<vmem>>, vector<1x32xf32>
    %swap3A_241 = arith.constant 10 : index
    %swap3A_242 = arith.constant 64 : index
    %swap3A_243 = vector.load %arg17[%swap3A_241, %swap3A_242] : memref<64x96xf32, #tpu.memory_space<vmem>>, vector<1x32xf32>
    tpu.vector_store %arg17[%swap3A_241, %swap3A_242], %get3A_240 {strides = array<i32>} : memref<64x96xf32, #tpu.memory_space<vmem>>, vector<1x32xf32>,
    %get3A_244 = arith.constant 11 : index
    %get3A_245 = memref.load %arg6[%get3A_244] : memref<64xi32, #tpu.memory_space<smem>>
    %get3A_246 = arith.index_cast %get3A_245 : i32 to index
    %get3A_247 = arith.constant 0 : index
    %get3A_248 = vector.load %arg4[%get3A_246, %get3A_247] : memref<10000x32xf32, #tpu.memory_space<vmem>>, vector<1x32xf32>
    %swap3A_249 = arith.constant 11 : index
    %swap3A_250 = arith.constant 0 : index
    %swap3A_251 = vector.load %arg17[%swap3A_249, %swap3A_250] : memref<64x96xf32, #tpu.memory_space<vmem>>, vector<1x32xf32>
    tpu.vector_store %arg17[%swap3A_249, %swap3A_250], %get3A_248 {strides = array<i32>} : memref<64x96xf32, #tpu.memory_space<vmem>>, vector<1x32xf32>,
    %get3A_252 = arith.index_cast %get3A_245 : i32 to index
    %get3A_253 = arith.constant 0 : index
    %get3A_254 = vector.load %arg5[%get3A_252, %get3A_253] : memref<10000x32xf32, #tpu.memory_space<vmem>>, vector<1x32xf32>
    %swap3A_255 = arith.constant 11 : index
    %swap3A_256 = arith.constant 32 : index
    %swap3A_257 = vector.load %arg17[%swap3A_255, %swap3A_256] : memref<64x96xf32, #tpu.memory_space<vmem>>, vector<1x32xf32>
    tpu.vector_store %arg17[%swap3A_255, %swap3A_256], %get3A_254 {strides = array<i32>} : memref<64x96xf32, #tpu.memory_space<vmem>>, vector<1x32xf32>,
    %get3A_258 = arith.index_cast %get3A_245 : i32 to index
    %get3A_259 = arith.constant 0 : index
    %get3A_260 = vector.load %arg16[%get3A_258, %get3A_259] : memref<10000x32xf32, #tpu.memory_space<vmem>>, vector<1x32xf32>
    %swap3A_261 = arith.constant 11 : index
    %swap3A_262 = arith.constant 64 : index
    %swap3A_263 = vector.load %arg17[%swap3A_261, %swap3A_262] : memref<64x96xf32, #tpu.memory_space<vmem>>, vector<1x32xf32>
    tpu.vector_store %arg17[%swap3A_261, %swap3A_262], %get3A_260 {strides = array<i32>} : memref<64x96xf32, #tpu.memory_space<vmem>>, vector<1x32xf32>,
    %get3A_264 = arith.constant 12 : index
    %get3A_265 = memref.load %arg6[%get3A_264] : memref<64xi32, #tpu.memory_space<smem>>
    %get3A_266 = arith.index_cast %get3A_265 : i32 to index
    %get3A_267 = arith.constant 0 : index
    %get3A_268 = vector.load %arg4[%get3A_266, %get3A_267] : memref<10000x32xf32, #tpu.memory_space<vmem>>, vector<1x32xf32>
    %swap3A_269 = arith.constant 12 : index
    %swap3A_270 = arith.constant 0 : index
    %swap3A_271 = vector.load %arg17[%swap3A_269, %swap3A_270] : memref<64x96xf32, #tpu.memory_space<vmem>>, vector<1x32xf32>
    tpu.vector_store %arg17[%swap3A_269, %swap3A_270], %get3A_268 {strides = array<i32>} : memref<64x96xf32, #tpu.memory_space<vmem>>, vector<1x32xf32>,
    %get3A_272 = arith.index_cast %get3A_265 : i32 to index
    %get3A_273 = arith.constant 0 : index
    %get3A_274 = vector.load %arg5[%get3A_272, %get3A_273] : memref<10000x32xf32, #tpu.memory_space<vmem>>, vector<1x32xf32>
    %swap3A_275 = arith.constant 12 : index
    %swap3A_276 = arith.constant 32 : index
    %swap3A_277 = vector.load %arg17[%swap3A_275, %swap3A_276] : memref<64x96xf32, #tpu.memory_space<vmem>>, vector<1x32xf32>
    tpu.vector_store %arg17[%swap3A_275, %swap3A_276], %get3A_274 {strides = array<i32>} : memref<64x96xf32, #tpu.memory_space<vmem>>, vector<1x32xf32>,
    %get3A_278 = arith.index_cast %get3A_265 : i32 to index
    %get3A_279 = arith.constant 0 : index
    %get3A_280 = vector.load %arg16[%get3A_278, %get3A_279] : memref<10000x32xf32, #tpu.memory_space<vmem>>, vector<1x32xf32>
    %swap3A_281 = arith.constant 12 : index
    %swap3A_282 = arith.constant 64 : index
    %swap3A_283 = vector.load %arg17[%swap3A_281, %swap3A_282] : memref<64x96xf32, #tpu.memory_space<vmem>>, vector<1x32xf32>
    tpu.vector_store %arg17[%swap3A_281, %swap3A_282], %get3A_280 {strides = array<i32>} : memref<64x96xf32, #tpu.memory_space<vmem>>, vector<1x32xf32>,
    %get3A_284 = arith.constant 13 : index
    %get3A_285 = memref.load %arg6[%get3A_284] : memref<64xi32, #tpu.memory_space<smem>>
    %get3A_286 = arith.index_cast %get3A_285 : i32 to index
    %get3A_287 = arith.constant 0 : index
    %get3A_288 = vector.load %arg4[%get3A_286, %get3A_287] : memref<10000x32xf32, #tpu.memory_space<vmem>>, vector<1x32xf32>
    %swap3A_289 = arith.constant 13 : index
    %swap3A_290 = arith.constant 0 : index
    %swap3A_291 = vector.load %arg17[%swap3A_289, %swap3A_290] : memref<64x96xf32, #tpu.memory_space<vmem>>, vector<1x32xf32>
    tpu.vector_store %arg17[%swap3A_289, %swap3A_290], %get3A_288 {strides = array<i32>} : memref<64x96xf32, #tpu.memory_space<vmem>>, vector<1x32xf32>,
    %get3A_292 = arith.index_cast %get3A_285 : i32 to index
    %get3A_293 = arith.constant 0 : index
    %get3A_294 = vector.load %arg5[%get3A_292, %get3A_293] : memref<10000x32xf32, #tpu.memory_space<vmem>>, vector<1x32xf32>
    %swap3A_295 = arith.constant 13 : index
    %swap3A_296 = arith.constant 32 : index
    %swap3A_297 = vector.load %arg17[%swap3A_295, %swap3A_296] : memref<64x96xf32, #tpu.memory_space<vmem>>, vector<1x32xf32>
    tpu.vector_store %arg17[%swap3A_295, %swap3A_296], %get3A_294 {strides = array<i32>} : memref<64x96xf32, #tpu.memory_space<vmem>>, vector<1x32xf32>,
    %get3A_298 = arith.index_cast %get3A_285 : i32 to index
    %get3A_299 = arith.constant 0 : index
    %get3A_300 = vector.load %arg16[%get3A_298, %get3A_299] : memref<10000x32xf32, #tpu.memory_space<vmem>>, vector<1x32xf32>
    %swap3A_301 = arith.constant 13 : index
    %swap3A_302 = arith.constant 64 : index
    %swap3A_303 = vector.load %arg17[%swap3A_301, %swap3A_302] : memref<64x96xf32, #tpu.memory_space<vmem>>, vector<1x32xf32>
    tpu.vector_store %arg17[%swap3A_301, %swap3A_302], %get3A_300 {strides = array<i32>} : memref<64x96xf32, #tpu.memory_space<vmem>>, vector<1x32xf32>,
    %get3A_304 = arith.constant 14 : index
    %get3A_305 = memref.load %arg6[%get3A_304] : memref<64xi32, #tpu.memory_space<smem>>
    %get3A_306 = arith.index_cast %get3A_305 : i32 to index
    %get3A_307 = arith.constant 0 : index
    %get3A_308 = vector.load %arg4[%get3A_306, %get3A_307] : memref<10000x32xf32, #tpu.memory_space<vmem>>, vector<1x32xf32>
    %swap3A_309 = arith.constant 14 : index
    %swap3A_310 = arith.constant 0 : index
    %swap3A_311 = vector.load %arg17[%swap3A_309, %swap3A_310] : memref<64x96xf32, #tpu.memory_space<vmem>>, vector<1x32xf32>
    tpu.vector_store %arg17[%swap3A_309, %swap3A_310], %get3A_308 {strides = array<i32>} : memref<64x96xf32, #tpu.memory_space<vmem>>, vector<1x32xf32>,
    %get3A_312 = arith.index_cast %get3A_305 : i32 to index
    %get3A_313 = arith.constant 0 : index
    %get3A_314 = vector.load %arg5[%get3A_312, %get3A_313] : memref<10000x32xf32, #tpu.memory_space<vmem>>, vector<1x32xf32>
    %swap3A_315 = arith.constant 14 : index
    %swap3A_316 = arith.constant 32 : index
    %swap3A_317 = vector.load %arg17[%swap3A_315, %swap3A_316] : memref<64x96xf32, #tpu.memory_space<vmem>>, vector<1x32xf32>
    tpu.vector_store %arg17[%swap3A_315, %swap3A_316], %get3A_314 {strides = array<i32>} : memref<64x96xf32, #tpu.memory_space<vmem>>, vector<1x32xf32>,
    %get3A_318 = arith.index_cast %get3A_305 : i32 to index
    %get3A_319 = arith.constant 0 : index
    %get3A_320 = vector.load %arg16[%get3A_318, %get3A_319] : memref<10000x32xf32, #tpu.memory_space<vmem>>, vector<1x32xf32>
    %swap3A_321 = arith.constant 14 : index
    %swap3A_322 = arith.constant 64 : index
    %swap3A_323 = vector.load %arg17[%swap3A_321, %swap3A_322] : memref<64x96xf32, #tpu.memory_space<vmem>>, vector<1x32xf32>
    tpu.vector_store %arg17[%swap3A_321, %swap3A_322], %get3A_320 {strides = array<i32>} : memref<64x96xf32, #tpu.memory_space<vmem>>, vector<1x32xf32>,
    %get3A_324 = arith.constant 15 : index
    %get3A_325 = memref.load %arg6[%get3A_324] : memref<64xi32, #tpu.memory_space<smem>>
    %get3A_326 = arith.index_cast %get3A_325 : i32 to index
    %get3A_327 = arith.constant 0 : index
    %get3A_328 = vector.load %arg4[%get3A_326, %get3A_327] : memref<10000x32xf32, #tpu.memory_space<vmem>>, vector<1x32xf32>
    %swap3A_329 = arith.constant 15 : index
    %swap3A_330 = arith.constant 0 : index
    %swap3A_331 = vector.load %arg17[%swap3A_329, %swap3A_330] : memref<64x96xf32, #tpu.memory_space<vmem>>, vector<1x32xf32>
    tpu.vector_store %arg17[%swap3A_329, %swap3A_330], %get3A_328 {strides = array<i32>} : memref<64x96xf32, #tpu.memory_space<vmem>>, vector<1x32xf32>,
    %get3A_332 = arith.index_cast %get3A_325 : i32 to index
    %get3A_333 = arith.constant 0 : index
    %get3A_334 = vector.load %arg5[%get3A_332, %get3A_333] : memref<10000x32xf32, #tpu.memory_space<vmem>>, vector<1x32xf32>
    %swap3A_335 = arith.constant 15 : index
    %swap3A_336 = arith.constant 32 : index
    %swap3A_337 = vector.load %arg17[%swap3A_335, %swap3A_336] : memref<64x96xf32, #tpu.memory_space<vmem>>, vector<1x32xf32>
    tpu.vector_store %arg17[%swap3A_335, %swap3A_336], %get3A_334 {strides = array<i32>} : memref<64x96xf32, #tpu.memory_space<vmem>>, vector<1x32xf32>,
    %get3A_338 = arith.index_cast %get3A_325 : i32 to index
    %get3A_339 = arith.constant 0 : index
    %get3A_340 = vector.load %arg16[%get3A_338, %get3A_339] : memref<10000x32xf32, #tpu.memory_space<vmem>>, vector<1x32xf32>
    %swap3A_341 = arith.constant 15 : index
    %swap3A_342 = arith.constant 64 : index
    %swap3A_343 = vector.load %arg17[%swap3A_341, %swap3A_342] : memref<64x96xf32, #tpu.memory_space<vmem>>, vector<1x32xf32>
    tpu.vector_store %arg17[%swap3A_341, %swap3A_342], %get3A_340 {strides = array<i32>} : memref<64x96xf32, #tpu.memory_space<vmem>>, vector<1x32xf32>,
    %get3A_344 = arith.constant 16 : index
    %get3A_345 = memref.load %arg6[%get3A_344] : memref<64xi32, #tpu.memory_space<smem>>
    %get3A_346 = arith.index_cast %get3A_345 : i32 to index
    %get3A_347 = arith.constant 0 : index
    %get3A_348 = vector.load %arg4[%get3A_346, %get3A_347] : memref<10000x32xf32, #tpu.memory_space<vmem>>, vector<1x32xf32>
    %swap3A_349 = arith.constant 16 : index
    %swap3A_350 = arith.constant 0 : index
    %swap3A_351 = vector.load %arg17[%swap3A_349, %swap3A_350] : memref<64x96xf32, #tpu.memory_space<vmem>>, vector<1x32xf32>
    tpu.vector_store %arg17[%swap3A_349, %swap3A_350], %get3A_348 {strides = array<i32>} : memref<64x96xf32, #tpu.memory_space<vmem>>, vector<1x32xf32>,
    %get3A_352 = arith.index_cast %get3A_345 : i32 to index
    %get3A_353 = arith.constant 0 : index
    %get3A_354 = vector.load %arg5[%get3A_352, %get3A_353] : memref<10000x32xf32, #tpu.memory_space<vmem>>, vector<1x32xf32>
    %swap3A_355 = arith.constant 16 : index
    %swap3A_356 = arith.constant 32 : index
    %swap3A_357 = vector.load %arg17[%swap3A_355, %swap3A_356] : memref<64x96xf32, #tpu.memory_space<vmem>>, vector<1x32xf32>
    tpu.vector_store %arg17[%swap3A_355, %swap3A_356], %get3A_354 {strides = array<i32>} : memref<64x96xf32, #tpu.memory_space<vmem>>, vector<1x32xf32>,
    %get3A_358 = arith.index_cast %get3A_345 : i32 to index
    %get3A_359 = arith.constant 0 : index
    %get3A_360 = vector.load %arg16[%get3A_358, %get3A_359] : memref<10000x32xf32, #tpu.memory_space<vmem>>, vector<1x32xf32>
    %swap3A_361 = arith.constant 16 : index
    %swap3A_362 = arith.constant 64 : index
    %swap3A_363 = vector.load %arg17[%swap3A_361, %swap3A_362] : memref<64x96xf32, #tpu.memory_space<vmem>>, vector<1x32xf32>
    tpu.vector_store %arg17[%swap3A_361, %swap3A_362], %get3A_360 {strides = array<i32>} : memref<64x96xf32, #tpu.memory_space<vmem>>, vector<1x32xf32>,
    %get3A_364 = arith.constant 17 : index
    %get3A_365 = memref.load %arg6[%get3A_364] : memref<64xi32, #tpu.memory_space<smem>>
    %get3A_366 = arith.index_cast %get3A_365 : i32 to index
    %get3A_367 = arith.constant 0 : index
    %get3A_368 = vector.load %arg4[%get3A_366, %get3A_367] : memref<10000x32xf32, #tpu.memory_space<vmem>>, vector<1x32xf32>
    %swap3A_369 = arith.constant 17 : index
    %swap3A_370 = arith.constant 0 : index
    %swap3A_371 = vector.load %arg17[%swap3A_369, %swap3A_370] : memref<64x96xf32, #tpu.memory_space<vmem>>, vector<1x32xf32>
    tpu.vector_store %arg17[%swap3A_369, %swap3A_370], %get3A_368 {strides = array<i32>} : memref<64x96xf32, #tpu.memory_space<vmem>>, vector<1x32xf32>,
    %get3A_372 = arith.index_cast %get3A_365 : i32 to index
    %get3A_373 = arith.constant 0 : index
    %get3A_374 = vector.load %arg5[%get3A_372, %get3A_373] : memref<10000x32xf32, #tpu.memory_space<vmem>>, vector<1x32xf32>
    %swap3A_375 = arith.constant 17 : index
    %swap3A_376 = arith.constant 32 : index
    %swap3A_377 = vector.load %arg17[%swap3A_375, %swap3A_376] : memref<64x96xf32, #tpu.memory_space<vmem>>, vector<1x32xf32>
    tpu.vector_store %arg17[%swap3A_375, %swap3A_376], %get3A_374 {strides = array<i32>} : memref<64x96xf32, #tpu.memory_space<vmem>>, vector<1x32xf32>,
    %get3A_378 = arith.index_cast %get3A_365 : i32 to index
    %get3A_379 = arith.constant 0 : index
    %get3A_380 = vector.load %arg16[%get3A_378, %get3A_379] : memref<10000x32xf32, #tpu.memory_space<vmem>>, vector<1x32xf32>
    %swap3A_381 = arith.constant 17 : index
    %swap3A_382 = arith.constant 64 : index
    %swap3A_383 = vector.load %arg17[%swap3A_381, %swap3A_382] : memref<64x96xf32, #tpu.memory_space<vmem>>, vector<1x32xf32>
    tpu.vector_store %arg17[%swap3A_381, %swap3A_382], %get3A_380 {strides = array<i32>} : memref<64x96xf32, #tpu.memory_space<vmem>>, vector<1x32xf32>,
    %get3A_384 = arith.constant 18 : index
    %get3A_385 = memref.load %arg6[%get3A_384] : memref<64xi32, #tpu.memory_space<smem>>
    %get3A_386 = arith.index_cast %get3A_385 : i32 to index
    %get3A_387 = arith.constant 0 : index
    %get3A_388 = vector.load %arg4[%get3A_386, %get3A_387] : memref<10000x32xf32, #tpu.memory_space<vmem>>, vector<1x32xf32>
    %swap3A_389 = arith.constant 18 : index
    %swap3A_390 = arith.constant 0 : index
    %swap3A_391 = vector.load %arg17[%swap3A_389, %swap3A_390] : memref<64x96xf32, #tpu.memory_space<vmem>>, vector<1x32xf32>
    tpu.vector_store %arg17[%swap3A_389, %swap3A_390], %get3A_388 {strides = array<i32>} : memref<64x96xf32, #tpu.memory_space<vmem>>, vector<1x32xf32>,
    %get3A_392 = arith.index_cast %get3A_385 : i32 to index
    %get3A_393 = arith.constant 0 : index
    %get3A_394 = vector.load %arg5[%get3A_392, %get3A_393] : memref<10000x32xf32, #tpu.memory_space<vmem>>, vector<1x32xf32>
    %swap3A_395 = arith.constant 18 : index
    %swap3A_396 = arith.constant 32 : index
    %swap3A_397 = vector.load %arg17[%swap3A_395, %swap3A_396] : memref<64x96xf32, #tpu.memory_space<vmem>>, vector<1x32xf32>
    tpu.vector_store %arg17[%swap3A_395, %swap3A_396], %get3A_394 {strides = array<i32>} : memref<64x96xf32, #tpu.memory_space<vmem>>, vector<1x32xf32>,
    %get3A_398 = arith.index_cast %get3A_385 : i32 to index
    %get3A_399 = arith.constant 0 : index
    %get3A_400 = vector.load %arg16[%get3A_398, %get3A_399] : memref<10000x32xf32, #tpu.memory_space<vmem>>, vector<1x32xf32>
    %swap3A_401 = arith.constant 18 : index
    %swap3A_402 = arith.constant 64 : index
    %swap3A_403 = vector.load %arg17[%swap3A_401, %swap3A_402] : memref<64x96xf32, #tpu.memory_space<vmem>>, vector<1x32xf32>
    tpu.vector_store %arg17[%swap3A_401, %swap3A_402], %get3A_400 {strides = array<i32>} : memref<64x96xf32, #tpu.memory_space<vmem>>, vector<1x32xf32>,
    %get3A_404 = arith.constant 19 : index
    %get3A_405 = memref.load %arg6[%get3A_404] : memref<64xi32, #tpu.memory_space<smem>>
    %get3A_406 = arith.index_cast %get3A_405 : i32 to index
    %get3A_407 = arith.constant 0 : index
    %get3A_408 = vector.load %arg4[%get3A_406, %get3A_407] : memref<10000x32xf32, #tpu.memory_space<vmem>>, vector<1x32xf32>
    %swap3A_409 = arith.constant 19 : index
    %swap3A_410 = arith.constant 0 : index
    %swap3A_411 = vector.load %arg17[%swap3A_409, %swap3A_410] : memref<64x96xf32, #tpu.memory_space<vmem>>, vector<1x32xf32>
    tpu.vector_store %arg17[%swap3A_409, %swap3A_410], %get3A_408 {strides = array<i32>} : memref<64x96xf32, #tpu.memory_space<vmem>>, vector<1x32xf32>,
    %get3A_412 = arith.index_cast %get3A_405 : i32 to index
    %get3A_413 = arith.constant 0 : index
    %get3A_414 = vector.load %arg5[%get3A_412, %get3A_413] : memref<10000x32xf32, #tpu.memory_space<vmem>>, vector<1x32xf32>
    %swap3A_415 = arith.constant 19 : index
    %swap3A_416 = arith.constant 32 : index
    %swap3A_417 = vector.load %arg17[%swap3A_415, %swap3A_416] : memref<64x96xf32, #tpu.memory_space<vmem>>, vector<1x32xf32>
    tpu.vector_store %arg17[%swap3A_415, %swap3A_416], %get3A_414 {strides = array<i32>} : memref<64x96xf32, #tpu.memory_space<vmem>>, vector<1x32xf32>,
    %get3A_418 = arith.index_cast %get3A_405 : i32 to index
    %get3A_419 = arith.constant 0 : index
    %get3A_420 = vector.load %arg16[%get3A_418, %get3A_419] : memref<10000x32xf32, #tpu.memory_space<vmem>>, vector<1x32xf32>
    %swap3A_421 = arith.constant 19 : index
    %swap3A_422 = arith.constant 64 : index
    %swap3A_423 = vector.load %arg17[%swap3A_421, %swap3A_422] : memref<64x96xf32, #tpu.memory_space<vmem>>, vector<1x32xf32>
    tpu.vector_store %arg17[%swap3A_421, %swap3A_422], %get3A_420 {strides = array<i32>} : memref<64x96xf32, #tpu.memory_space<vmem>>, vector<1x32xf32>,
    %get3A_424 = arith.constant 20 : index
    %get3A_425 = memref.load %arg6[%get3A_424] : memref<64xi32, #tpu.memory_space<smem>>
    %get3A_426 = arith.index_cast %get3A_425 : i32 to index
    %get3A_427 = arith.constant 0 : index
    %get3A_428 = vector.load %arg4[%get3A_426, %get3A_427] : memref<10000x32xf32, #tpu.memory_space<vmem>>, vector<1x32xf32>
    %swap3A_429 = arith.constant 20 : index
    %swap3A_430 = arith.constant 0 : index
    %swap3A_431 = vector.load %arg17[%swap3A_429, %swap3A_430] : memref<64x96xf32, #tpu.memory_space<vmem>>, vector<1x32xf32>
    tpu.vector_store %arg17[%swap3A_429, %swap3A_430], %get3A_428 {strides = array<i32>} : memref<64x96xf32, #tpu.memory_space<vmem>>, vector<1x32xf32>,
    %get3A_432 = arith.index_cast %get3A_425 : i32 to index
    %get3A_433 = arith.constant 0 : index
    %get3A_434 = vector.load %arg5[%get3A_432, %get3A_433] : memref<10000x32xf32, #tpu.memory_space<vmem>>, vector<1x32xf32>
    %swap3A_435 = arith.constant 20 : index
    %swap3A_436 = arith.constant 32 : index
    %swap3A_437 = vector.load %arg17[%swap3A_435, %swap3A_436] : memref<64x96xf32, #tpu.memory_space<vmem>>, vector<1x32xf32>
    tpu.vector_store %arg17[%swap3A_435, %swap3A_436], %get3A_434 {strides = array<i32>} : memref<64x96xf32, #tpu.memory_space<vmem>>, vector<1x32xf32>,
    %get3A_438 = arith.index_cast %get3A_425 : i32 to index
    %get3A_439 = arith.constant 0 : index
    %get3A_440 = vector.load %arg16[%get3A_438, %get3A_439] : memref<10000x32xf32, #tpu.memory_space<vmem>>, vector<1x32xf32>
    %swap3A_441 = arith.constant 20 : index
    %swap3A_442 = arith.constant 64 : index
    %swap3A_443 = vector.load %arg17[%swap3A_441, %swap3A_442] : memref<64x96xf32, #tpu.memory_space<vmem>>, vector<1x32xf32>
    tpu.vector_store %arg17[%swap3A_441, %swap3A_442], %get3A_440 {strides = array<i32>} : memref<64x96xf32, #tpu.memory_space<vmem>>, vector<1x32xf32>,
    %get3A_444 = arith.constant 21 : index
    %get3A_445 = memref.load %arg6[%get3A_444] : memref<64xi32, #tpu.memory_space<smem>>
    %get3A_446 = arith.index_cast %get3A_445 : i32 to index
    %get3A_447 = arith.constant 0 : index
    %get3A_448 = vector.load %arg4[%get3A_446, %get3A_447] : memref<10000x32xf32, #tpu.memory_space<vmem>>, vector<1x32xf32>
    %swap3A_449 = arith.constant 21 : index
    %swap3A_450 = arith.constant 0 : index
    %swap3A_451 = vector.load %arg17[%swap3A_449, %swap3A_450] : memref<64x96xf32, #tpu.memory_space<vmem>>, vector<1x32xf32>
    tpu.vector_store %arg17[%swap3A_449, %swap3A_450], %get3A_448 {strides = array<i32>} : memref<64x96xf32, #tpu.memory_space<vmem>>, vector<1x32xf32>,
    %get3A_452 = arith.index_cast %get3A_445 : i32 to index
    %get3A_453 = arith.constant 0 : index
    %get3A_454 = vector.load %arg5[%get3A_452, %get3A_453] : memref<10000x32xf32, #tpu.memory_space<vmem>>, vector<1x32xf32>
    %swap3A_455 = arith.constant 21 : index
    %swap3A_456 = arith.constant 32 : index
    %swap3A_457 = vector.load %arg17[%swap3A_455, %swap3A_456] : memref<64x96xf32, #tpu.memory_space<vmem>>, vector<1x32xf32>
    tpu.vector_store %arg17[%swap3A_455, %swap3A_456], %get3A_454 {strides = array<i32>} : memref<64x96xf32, #tpu.memory_space<vmem>>, vector<1x32xf32>,
    %get3A_458 = arith.index_cast %get3A_445 : i32 to index
    %get3A_459 = arith.constant 0 : index
    %get3A_460 = vector.load %arg16[%get3A_458, %get3A_459] : memref<10000x32xf32, #tpu.memory_space<vmem>>, vector<1x32xf32>
    %swap3A_461 = arith.constant 21 : index
    %swap3A_462 = arith.constant 64 : index
    %swap3A_463 = vector.load %arg17[%swap3A_461, %swap3A_462] : memref<64x96xf32, #tpu.memory_space<vmem>>, vector<1x32xf32>
    tpu.vector_store %arg17[%swap3A_461, %swap3A_462], %get3A_460 {strides = array<i32>} : memref<64x96xf32, #tpu.memory_space<vmem>>, vector<1x32xf32>,
    %get3A_464 = arith.constant 22 : index
    %get3A_465 = memref.load %arg6[%get3A_464] : memref<64xi32, #tpu.memory_space<smem>>
    %get3A_466 = arith.index_cast %get3A_465 : i32 to index
    %get3A_467 = arith.constant 0 : index
    %get3A_468 = vector.load %arg4[%get3A_466, %get3A_467] : memref<10000x32xf32, #tpu.memory_space<vmem>>, vector<1x32xf32>
    %swap3A_469 = arith.constant 22 : index
    %swap3A_470 = arith.constant 0 : index
    %swap3A_471 = vector.load %arg17[%swap3A_469, %swap3A_470] : memref<64x96xf32, #tpu.memory_space<vmem>>, vector<1x32xf32>
    tpu.vector_store %arg17[%swap3A_469, %swap3A_470], %get3A_468 {strides = array<i32>} : memref<64x96xf32, #tpu.memory_space<vmem>>, vector<1x32xf32>,
    %get3A_472 = arith.index_cast %get3A_465 : i32 to index
    %get3A_473 = arith.constant 0 : index
    %get3A_474 = vector.load %arg5[%get3A_472, %get3A_473] : memref<10000x32xf32, #tpu.memory_space<vmem>>, vector<1x32xf32>
    %swap3A_475 = arith.constant 22 : index
    %swap3A_476 = arith.constant 32 : index
    %swap3A_477 = vector.load %arg17[%swap3A_475, %swap3A_476] : memref<64x96xf32, #tpu.memory_space<vmem>>, vector<1x32xf32>
    tpu.vector_store %arg17[%swap3A_475, %swap3A_476], %get3A_474 {strides = array<i32>} : memref<64x96xf32, #tpu.memory_space<vmem>>, vector<1x32xf32>,
    %get3A_478 = arith.index_cast %get3A_465 : i32 to index
    %get3A_479 = arith.constant 0 : index
    %get3A_480 = vector.load %arg16[%get3A_478, %get3A_479] : memref<10000x32xf32, #tpu.memory_space<vmem>>, vector<1x32xf32>
    %swap3A_481 = arith.constant 22 : index
    %swap3A_482 = arith.constant 64 : index
    %swap3A_483 = vector.load %arg17[%swap3A_481, %swap3A_482] : memref<64x96xf32, #tpu.memory_space<vmem>>, vector<1x32xf32>
    tpu.vector_store %arg17[%swap3A_481, %swap3A_482], %get3A_480 {strides = array<i32>} : memref<64x96xf32, #tpu.memory_space<vmem>>, vector<1x32xf32>,
    %get3A_484 = arith.constant 23 : index
    %get3A_485 = memref.load %arg6[%get3A_484] : memref<64xi32, #tpu.memory_space<smem>>
    %get3A_486 = arith.index_cast %get3A_485 : i32 to index
    %get3A_487 = arith.constant 0 : index
    %get3A_488 = vector.load %arg4[%get3A_486, %get3A_487] : memref<10000x32xf32, #tpu.memory_space<vmem>>, vector<1x32xf32>
    %swap3A_489 = arith.constant 23 : index
    %swap3A_490 = arith.constant 0 : index
    %swap3A_491 = vector.load %arg17[%swap3A_489, %swap3A_490] : memref<64x96xf32, #tpu.memory_space<vmem>>, vector<1x32xf32>
    tpu.vector_store %arg17[%swap3A_489, %swap3A_490], %get3A_488 {strides = array<i32>} : memref<64x96xf32, #tpu.memory_space<vmem>>, vector<1x32xf32>,
    %get3A_492 = arith.index_cast %get3A_485 : i32 to index
    %get3A_493 = arith.constant 0 : index
    %get3A_494 = vector.load %arg5[%get3A_492, %get3A_493] : memref<10000x32xf32, #tpu.memory_space<vmem>>, vector<1x32xf32>
    %swap3A_495 = arith.constant 23 : index
    %swap3A_496 = arith.constant 32 : index
    %swap3A_497 = vector.load %arg17[%swap3A_495, %swap3A_496] : memref<64x96xf32, #tpu.memory_space<vmem>>, vector<1x32xf32>
    tpu.vector_store %arg17[%swap3A_495, %swap3A_496], %get3A_494 {strides = array<i32>} : memref<64x96xf32, #tpu.memory_space<vmem>>, vector<1x32xf32>,
    %get3A_498 = arith.index_cast %get3A_485 : i32 to index
    %get3A_499 = arith.constant 0 : index
    %get3A_500 = vector.load %arg16[%get3A_498, %get3A_499] : memref<10000x32xf32, #tpu.memory_space<vmem>>, vector<1x32xf32>
    %swap3A_501 = arith.constant 23 : index
    %swap3A_502 = arith.constant 64 : index
    %swap3A_503 = vector.load %arg17[%swap3A_501, %swap3A_502] : memref<64x96xf32, #tpu.memory_space<vmem>>, vector<1x32xf32>
    tpu.vector_store %arg17[%swap3A_501, %swap3A_502], %get3A_500 {strides = array<i32>} : memref<64x96xf32, #tpu.memory_space<vmem>>, vector<1x32xf32>,
    %get3A_504 = arith.constant 24 : index
    %get3A_505 = memref.load %arg6[%get3A_504] : memref<64xi32, #tpu.memory_space<smem>>
    %get3A_506 = arith.index_cast %get3A_505 : i32 to index
    %get3A_507 = arith.constant 0 : index
    %get3A_508 = vector.load %arg4[%get3A_506, %get3A_507] : memref<10000x32xf32, #tpu.memory_space<vmem>>, vector<1x32xf32>
    %swap3A_509 = arith.constant 24 : index
    %swap3A_510 = arith.constant 0 : index
    %swap3A_511 = vector.load %arg17[%swap3A_509, %swap3A_510] : memref<64x96xf32, #tpu.memory_space<vmem>>, vector<1x32xf32>
    tpu.vector_store %arg17[%swap3A_509, %swap3A_510], %get3A_508 {strides = array<i32>} : memref<64x96xf32, #tpu.memory_space<vmem>>, vector<1x32xf32>,
    %get3A_512 = arith.index_cast %get3A_505 : i32 to index
    %get3A_513 = arith.constant 0 : index
    %get3A_514 = vector.load %arg5[%get3A_512, %get3A_513] : memref<10000x32xf32, #tpu.memory_space<vmem>>, vector<1x32xf32>
    %swap3A_515 = arith.constant 24 : index
    %swap3A_516 = arith.constant 32 : index
    %swap3A_517 = vector.load %arg17[%swap3A_515, %swap3A_516] : memref<64x96xf32, #tpu.memory_space<vmem>>, vector<1x32xf32>
    tpu.vector_store %arg17[%swap3A_515, %swap3A_516], %get3A_514 {strides = array<i32>} : memref<64x96xf32, #tpu.memory_space<vmem>>, vector<1x32xf32>,
    %get3A_518 = arith.index_cast %get3A_505 : i32 to index
    %get3A_519 = arith.constant 0 : index
    %get3A_520 = vector.load %arg16[%get3A_518, %get3A_519] : memref<10000x32xf32, #tpu.memory_space<vmem>>, vector<1x32xf32>
    %swap3A_521 = arith.constant 24 : index
    %swap3A_522 = arith.constant 64 : index
    %swap3A_523 = vector.load %arg17[%swap3A_521, %swap3A_522] : memref<64x96xf32, #tpu.memory_space<vmem>>, vector<1x32xf32>
    tpu.vector_store %arg17[%swap3A_521, %swap3A_522], %get3A_520 {strides = array<i32>} : memref<64x96xf32, #tpu.memory_space<vmem>>, vector<1x32xf32>,
    %get3A_524 = arith.constant 25 : index
    %get3A_525 = memref.load %arg6[%get3A_524] : memref<64xi32, #tpu.memory_space<smem>>
    %get3A_526 = arith.index_cast %get3A_525 : i32 to index
    %get3A_527 = arith.constant 0 : index
    %get3A_528 = vector.load %arg4[%get3A_526, %get3A_527] : memref<10000x32xf32, #tpu.memory_space<vmem>>, vector<1x32xf32>
    %swap3A_529 = arith.constant 25 : index
    %swap3A_530 = arith.constant 0 : index
    %swap3A_531 = vector.load %arg17[%swap3A_529, %swap3A_530] : memref<64x96xf32, #tpu.memory_space<vmem>>, vector<1x32xf32>
    tpu.vector_store %arg17[%swap3A_529, %swap3A_530], %get3A_528 {strides = array<i32>} : memref<64x96xf32, #tpu.memory_space<vmem>>, vector<1x32xf32>,
    %get3A_532 = arith.index_cast %get3A_525 : i32 to index
    %get3A_533 = arith.constant 0 : index
    %get3A_534 = vector.load %arg5[%get3A_532, %get3A_533] : memref<10000x32xf32, #tpu.memory_space<vmem>>, vector<1x32xf32>
    %swap3A_535 = arith.constant 25 : index
    %swap3A_536 = arith.constant 32 : index
    %swap3A_537 = vector.load %arg17[%swap3A_535, %swap3A_536] : memref<64x96xf32, #tpu.memory_space<vmem>>, vector<1x32xf32>
    tpu.vector_store %arg17[%swap3A_535, %swap3A_536], %get3A_534 {strides = array<i32>} : memref<64x96xf32, #tpu.memory_space<vmem>>, vector<1x32xf32>,
    %get3A_538 = arith.index_cast %get3A_525 : i32 to index
    %get3A_539 = arith.constant 0 : index
    %get3A_540 = vector.load %arg16[%get3A_538, %get3A_539] : memref<10000x32xf32, #tpu.memory_space<vmem>>, vector<1x32xf32>
    %swap3A_541 = arith.constant 25 : index
    %swap3A_542 = arith.constant 64 : index
    %swap3A_543 = vector.load %arg17[%swap3A_541, %swap3A_542] : memref<64x96xf32, #tpu.memory_space<vmem>>, vector<1x32xf32>
    tpu.vector_store %arg17[%swap3A_541, %swap3A_542], %get3A_540 {strides = array<i32>} : memref<64x96xf32, #tpu.memory_space<vmem>>, vector<1x32xf32>,
    %get3A_544 = arith.constant 26 : index
    %get3A_545 = memref.load %arg6[%get3A_544] : memref<64xi32, #tpu.memory_space<smem>>
    %get3A_546 = arith.index_cast %get3A_545 : i32 to index
    %get3A_547 = arith.constant 0 : index
    %get3A_548 = vector.load %arg4[%get3A_546, %get3A_547] : memref<10000x32xf32, #tpu.memory_space<vmem>>, vector<1x32xf32>
    %swap3A_549 = arith.constant 26 : index
    %swap3A_550 = arith.constant 0 : index
    %swap3A_551 = vector.load %arg17[%swap3A_549, %swap3A_550] : memref<64x96xf32, #tpu.memory_space<vmem>>, vector<1x32xf32>
    tpu.vector_store %arg17[%swap3A_549, %swap3A_550], %get3A_548 {strides = array<i32>} : memref<64x96xf32, #tpu.memory_space<vmem>>, vector<1x32xf32>,
    %get3A_552 = arith.index_cast %get3A_545 : i32 to index
    %get3A_553 = arith.constant 0 : index
    %get3A_554 = vector.load %arg5[%get3A_552, %get3A_553] : memref<10000x32xf32, #tpu.memory_space<vmem>>, vector<1x32xf32>
    %swap3A_555 = arith.constant 26 : index
    %swap3A_556 = arith.constant 32 : index
    %swap3A_557 = vector.load %arg17[%swap3A_555, %swap3A_556] : memref<64x96xf32, #tpu.memory_space<vmem>>, vector<1x32xf32>
    tpu.vector_store %arg17[%swap3A_555, %swap3A_556], %get3A_554 {strides = array<i32>} : memref<64x96xf32, #tpu.memory_space<vmem>>, vector<1x32xf32>,
    %get3A_558 = arith.index_cast %get3A_545 : i32 to index
    %get3A_559 = arith.constant 0 : index
    %get3A_560 = vector.load %arg16[%get3A_558, %get3A_559] : memref<10000x32xf32, #tpu.memory_space<vmem>>, vector<1x32xf32>
    %swap3A_561 = arith.constant 26 : index
    %swap3A_562 = arith.constant 64 : index
    %swap3A_563 = vector.load %arg17[%swap3A_561, %swap3A_562] : memref<64x96xf32, #tpu.memory_space<vmem>>, vector<1x32xf32>
    tpu.vector_store %arg17[%swap3A_561, %swap3A_562], %get3A_560 {strides = array<i32>} : memref<64x96xf32, #tpu.memory_space<vmem>>, vector<1x32xf32>,
    %get3A_564 = arith.constant 27 : index
    %get3A_565 = memref.load %arg6[%get3A_564] : memref<64xi32, #tpu.memory_space<smem>>
    %get3A_566 = arith.index_cast %get3A_565 : i32 to index
    %get3A_567 = arith.constant 0 : index
    %get3A_568 = vector.load %arg4[%get3A_566, %get3A_567] : memref<10000x32xf32, #tpu.memory_space<vmem>>, vector<1x32xf32>
    %swap3A_569 = arith.constant 27 : index
    %swap3A_570 = arith.constant 0 : index
    %swap3A_571 = vector.load %arg17[%swap3A_569, %swap3A_570] : memref<64x96xf32, #tpu.memory_space<vmem>>, vector<1x32xf32>
    tpu.vector_store %arg17[%swap3A_569, %swap3A_570], %get3A_568 {strides = array<i32>} : memref<64x96xf32, #tpu.memory_space<vmem>>, vector<1x32xf32>,
    %get3A_572 = arith.index_cast %get3A_565 : i32 to index
    %get3A_573 = arith.constant 0 : index
    %get3A_574 = vector.load %arg5[%get3A_572, %get3A_573] : memref<10000x32xf32, #tpu.memory_space<vmem>>, vector<1x32xf32>
    %swap3A_575 = arith.constant 27 : index
    %swap3A_576 = arith.constant 32 : index
    %swap3A_577 = vector.load %arg17[%swap3A_575, %swap3A_576] : memref<64x96xf32, #tpu.memory_space<vmem>>, vector<1x32xf32>
    tpu.vector_store %arg17[%swap3A_575, %swap3A_576], %get3A_574 {strides = array<i32>} : memref<64x96xf32, #tpu.memory_space<vmem>>, vector<1x32xf32>,
    %get3A_578 = arith.index_cast %get3A_565 : i32 to index
    %get3A_579 = arith.constant 0 : index
    %get3A_580 = vector.load %arg16[%get3A_578, %get3A_579] : memref<10000x32xf32, #tpu.memory_space<vmem>>, vector<1x32xf32>
    %swap3A_581 = arith.constant 27 : index
    %swap3A_582 = arith.constant 64 : index
    %swap3A_583 = vector.load %arg17[%swap3A_581, %swap3A_582] : memref<64x96xf32, #tpu.memory_space<vmem>>, vector<1x32xf32>
    tpu.vector_store %arg17[%swap3A_581, %swap3A_582], %get3A_580 {strides = array<i32>} : memref<64x96xf32, #tpu.memory_space<vmem>>, vector<1x32xf32>,
    %get3A_584 = arith.constant 28 : index
    %get3A_585 = memref.load %arg6[%get3A_584] : memref<64xi32, #tpu.memory_space<smem>>
    %get3A_586 = arith.index_cast %get3A_585 : i32 to index
    %get3A_587 = arith.constant 0 : index
    %get3A_588 = vector.load %arg4[%get3A_586, %get3A_587] : memref<10000x32xf32, #tpu.memory_space<vmem>>, vector<1x32xf32>
    %swap3A_589 = arith.constant 28 : index
    %swap3A_590 = arith.constant 0 : index
    %swap3A_591 = vector.load %arg17[%swap3A_589, %swap3A_590] : memref<64x96xf32, #tpu.memory_space<vmem>>, vector<1x32xf32>
    tpu.vector_store %arg17[%swap3A_589, %swap3A_590], %get3A_588 {strides = array<i32>} : memref<64x96xf32, #tpu.memory_space<vmem>>, vector<1x32xf32>,
    %get3A_592 = arith.index_cast %get3A_585 : i32 to index
    %get3A_593 = arith.constant 0 : index
    %get3A_594 = vector.load %arg5[%get3A_592, %get3A_593] : memref<10000x32xf32, #tpu.memory_space<vmem>>, vector<1x32xf32>
    %swap3A_595 = arith.constant 28 : index
    %swap3A_596 = arith.constant 32 : index
    %swap3A_597 = vector.load %arg17[%swap3A_595, %swap3A_596] : memref<64x96xf32, #tpu.memory_space<vmem>>, vector<1x32xf32>
    tpu.vector_store %arg17[%swap3A_595, %swap3A_596], %get3A_594 {strides = array<i32>} : memref<64x96xf32, #tpu.memory_space<vmem>>, vector<1x32xf32>,
    %get3A_598 = arith.index_cast %get3A_585 : i32 to index
    %get3A_599 = arith.constant 0 : index
    %get3A_600 = vector.load %arg16[%get3A_598, %get3A_599] : memref<10000x32xf32, #tpu.memory_space<vmem>>, vector<1x32xf32>
    %swap3A_601 = arith.constant 28 : index
    %swap3A_602 = arith.constant 64 : index
    %swap3A_603 = vector.load %arg17[%swap3A_601, %swap3A_602] : memref<64x96xf32, #tpu.memory_space<vmem>>, vector<1x32xf32>
    tpu.vector_store %arg17[%swap3A_601, %swap3A_602], %get3A_600 {strides = array<i32>} : memref<64x96xf32, #tpu.memory_space<vmem>>, vector<1x32xf32>,
    %get3A_604 = arith.constant 29 : index
    %get3A_605 = memref.load %arg6[%get3A_604] : memref<64xi32, #tpu.memory_space<smem>>
    %get3A_606 = arith.index_cast %get3A_605 : i32 to index
    %get3A_607 = arith.constant 0 : index
    %get3A_608 = vector.load %arg4[%get3A_606, %get3A_607] : memref<10000x32xf32, #tpu.memory_space<vmem>>, vector<1x32xf32>
    %swap3A_609 = arith.constant 29 : index
    %swap3A_610 = arith.constant 0 : index
    %swap3A_611 = vector.load %arg17[%swap3A_609, %swap3A_610] : memref<64x96xf32, #tpu.memory_space<vmem>>, vector<1x32xf32>
    tpu.vector_store %arg17[%swap3A_609, %swap3A_610], %get3A_608 {strides = array<i32>} : memref<64x96xf32, #tpu.memory_space<vmem>>, vector<1x32xf32>,
    %get3A_612 = arith.index_cast %get3A_605 : i32 to index
    %get3A_613 = arith.constant 0 : index
    %get3A_614 = vector.load %arg5[%get3A_612, %get3A_613] : memref<10000x32xf32, #tpu.memory_space<vmem>>, vector<1x32xf32>
    %swap3A_615 = arith.constant 29 : index
    %swap3A_616 = arith.constant 32 : index
    %swap3A_617 = vector.load %arg17[%swap3A_615, %swap3A_616] : memref<64x96xf32, #tpu.memory_space<vmem>>, vector<1x32xf32>
    tpu.vector_store %arg17[%swap3A_615, %swap3A_616], %get3A_614 {strides = array<i32>} : memref<64x96xf32, #tpu.memory_space<vmem>>, vector<1x32xf32>,
    %get3A_618 = arith.index_cast %get3A_605 : i32 to index
    %get3A_619 = arith.constant 0 : index
    %get3A_620 = vector.load %arg16[%get3A_618, %get3A_619] : memref<10000x32xf32, #tpu.memory_space<vmem>>, vector<1x32xf32>
    %swap3A_621 = arith.constant 29 : index
    %swap3A_622 = arith.constant 64 : index
    %swap3A_623 = vector.load %arg17[%swap3A_621, %swap3A_622] : memref<64x96xf32, #tpu.memory_space<vmem>>, vector<1x32xf32>
    tpu.vector_store %arg17[%swap3A_621, %swap3A_622], %get3A_620 {strides = array<i32>} : memref<64x96xf32, #tpu.memory_space<vmem>>, vector<1x32xf32>,
    %get3A_624 = arith.constant 30 : index
    %get3A_625 = memref.load %arg6[%get3A_624] : memref<64xi32, #tpu.memory_space<smem>>
    %get3A_626 = arith.index_cast %get3A_625 : i32 to index
    %get3A_627 = arith.constant 0 : index
    %get3A_628 = vector.load %arg4[%get3A_626, %get3A_627] : memref<10000x32xf32, #tpu.memory_space<vmem>>, vector<1x32xf32>
    %swap3A_629 = arith.constant 30 : index
    %swap3A_630 = arith.constant 0 : index
    %swap3A_631 = vector.load %arg17[%swap3A_629, %swap3A_630] : memref<64x96xf32, #tpu.memory_space<vmem>>, vector<1x32xf32>
    tpu.vector_store %arg17[%swap3A_629, %swap3A_630], %get3A_628 {strides = array<i32>} : memref<64x96xf32, #tpu.memory_space<vmem>>, vector<1x32xf32>,
    %get3A_632 = arith.index_cast %get3A_625 : i32 to index
    %get3A_633 = arith.constant 0 : index
    %get3A_634 = vector.load %arg5[%get3A_632, %get3A_633] : memref<10000x32xf32, #tpu.memory_space<vmem>>, vector<1x32xf32>
    %swap3A_635 = arith.constant 30 : index
    %swap3A_636 = arith.constant 32 : index
    %swap3A_637 = vector.load %arg17[%swap3A_635, %swap3A_636] : memref<64x96xf32, #tpu.memory_space<vmem>>, vector<1x32xf32>
    tpu.vector_store %arg17[%swap3A_635, %swap3A_636], %get3A_634 {strides = array<i32>} : memref<64x96xf32, #tpu.memory_space<vmem>>, vector<1x32xf32>,
    %get3A_638 = arith.index_cast %get3A_625 : i32 to index
    %get3A_639 = arith.constant 0 : index
    %get3A_640 = vector.load %arg16[%get3A_638, %get3A_639] : memref<10000x32xf32, #tpu.memory_space<vmem>>, vector<1x32xf32>
    %swap3A_641 = arith.constant 30 : index
    %swap3A_642 = arith.constant 64 : index
    %swap3A_643 = vector.load %arg17[%swap3A_641, %swap3A_642] : memref<64x96xf32, #tpu.memory_space<vmem>>, vector<1x32xf32>
    tpu.vector_store %arg17[%swap3A_641, %swap3A_642], %get3A_640 {strides = array<i32>} : memref<64x96xf32, #tpu.memory_space<vmem>>, vector<1x32xf32>,
    %get3A_644 = arith.constant 31 : index
    %get3A_645 = memref.load %arg6[%get3A_644] : memref<64xi32, #tpu.memory_space<smem>>
    %get3A_646 = arith.index_cast %get3A_645 : i32 to index
    %get3A_647 = arith.constant 0 : index
    %get3A_648 = vector.load %arg4[%get3A_646, %get3A_647] : memref<10000x32xf32, #tpu.memory_space<vmem>>, vector<1x32xf32>
    %swap3A_649 = arith.constant 31 : index
    %swap3A_650 = arith.constant 0 : index
    %swap3A_651 = vector.load %arg17[%swap3A_649, %swap3A_650] : memref<64x96xf32, #tpu.memory_space<vmem>>, vector<1x32xf32>
    tpu.vector_store %arg17[%swap3A_649, %swap3A_650], %get3A_648 {strides = array<i32>} : memref<64x96xf32, #tpu.memory_space<vmem>>, vector<1x32xf32>,
    %get3A_652 = arith.index_cast %get3A_645 : i32 to index
    %get3A_653 = arith.constant 0 : index
    %get3A_654 = vector.load %arg5[%get3A_652, %get3A_653] : memref<10000x32xf32, #tpu.memory_space<vmem>>, vector<1x32xf32>
    %swap3A_655 = arith.constant 31 : index
    %swap3A_656 = arith.constant 32 : index
    %swap3A_657 = vector.load %arg17[%swap3A_655, %swap3A_656] : memref<64x96xf32, #tpu.memory_space<vmem>>, vector<1x32xf32>
    tpu.vector_store %arg17[%swap3A_655, %swap3A_656], %get3A_654 {strides = array<i32>} : memref<64x96xf32, #tpu.memory_space<vmem>>, vector<1x32xf32>,
    %get3A_658 = arith.index_cast %get3A_645 : i32 to index
    %get3A_659 = arith.constant 0 : index
    %get3A_660 = vector.load %arg16[%get3A_658, %get3A_659] : memref<10000x32xf32, #tpu.memory_space<vmem>>, vector<1x32xf32>
    %swap3A_661 = arith.constant 31 : index
    %swap3A_662 = arith.constant 64 : index
    %swap3A_663 = vector.load %arg17[%swap3A_661, %swap3A_662] : memref<64x96xf32, #tpu.memory_space<vmem>>, vector<1x32xf32>
    tpu.vector_store %arg17[%swap3A_661, %swap3A_662], %get3A_660 {strides = array<i32>} : memref<64x96xf32, #tpu.memory_space<vmem>>, vector<1x32xf32>,
    %get3A_664 = arith.constant 32 : index
    %get3A_665 = memref.load %arg6[%get3A_664] : memref<64xi32, #tpu.memory_space<smem>>
    %get3A_666 = arith.index_cast %get3A_665 : i32 to index
    %get3A_667 = arith.constant 0 : index
    %get3A_668 = vector.load %arg4[%get3A_666, %get3A_667] : memref<10000x32xf32, #tpu.memory_space<vmem>>, vector<1x32xf32>
    %swap3A_669 = arith.constant 32 : index
    %swap3A_670 = arith.constant 0 : index
    %swap3A_671 = vector.load %arg17[%swap3A_669, %swap3A_670] : memref<64x96xf32, #tpu.memory_space<vmem>>, vector<1x32xf32>
    tpu.vector_store %arg17[%swap3A_669, %swap3A_670], %get3A_668 {strides = array<i32>} : memref<64x96xf32, #tpu.memory_space<vmem>>, vector<1x32xf32>,
    %get3A_672 = arith.index_cast %get3A_665 : i32 to index
    %get3A_673 = arith.constant 0 : index
    %get3A_674 = vector.load %arg5[%get3A_672, %get3A_673] : memref<10000x32xf32, #tpu.memory_space<vmem>>, vector<1x32xf32>
    %swap3A_675 = arith.constant 32 : index
    %swap3A_676 = arith.constant 32 : index
    %swap3A_677 = vector.load %arg17[%swap3A_675, %swap3A_676] : memref<64x96xf32, #tpu.memory_space<vmem>>, vector<1x32xf32>
    tpu.vector_store %arg17[%swap3A_675, %swap3A_676], %get3A_674 {strides = array<i32>} : memref<64x96xf32, #tpu.memory_space<vmem>>, vector<1x32xf32>,
    %get3A_678 = arith.index_cast %get3A_665 : i32 to index
    %get3A_679 = arith.constant 0 : index
    %get3A_680 = vector.load %arg16[%get3A_678, %get3A_679] : memref<10000x32xf32, #tpu.memory_space<vmem>>, vector<1x32xf32>
    %swap3A_681 = arith.constant 32 : index
    %swap3A_682 = arith.constant 64 : index
    %swap3A_683 = vector.load %arg17[%swap3A_681, %swap3A_682] : memref<64x96xf32, #tpu.memory_space<vmem>>, vector<1x32xf32>
    tpu.vector_store %arg17[%swap3A_681, %swap3A_682], %get3A_680 {strides = array<i32>} : memref<64x96xf32, #tpu.memory_space<vmem>>, vector<1x32xf32>,
    %get3A_684 = arith.constant 33 : index
    %get3A_685 = memref.load %arg6[%get3A_684] : memref<64xi32, #tpu.memory_space<smem>>
    %get3A_686 = arith.index_cast %get3A_685 : i32 to index
    %get3A_687 = arith.constant 0 : index
    %get3A_688 = vector.load %arg4[%get3A_686, %get3A_687] : memref<10000x32xf32, #tpu.memory_space<vmem>>, vector<1x32xf32>
    %swap3A_689 = arith.constant 33 : index
    %swap3A_690 = arith.constant 0 : index
    %swap3A_691 = vector.load %arg17[%swap3A_689, %swap3A_690] : memref<64x96xf32, #tpu.memory_space<vmem>>, vector<1x32xf32>
    tpu.vector_store %arg17[%swap3A_689, %swap3A_690], %get3A_688 {strides = array<i32>} : memref<64x96xf32, #tpu.memory_space<vmem>>, vector<1x32xf32>,
    %get3A_692 = arith.index_cast %get3A_685 : i32 to index
    %get3A_693 = arith.constant 0 : index
    %get3A_694 = vector.load %arg5[%get3A_692, %get3A_693] : memref<10000x32xf32, #tpu.memory_space<vmem>>, vector<1x32xf32>
    %swap3A_695 = arith.constant 33 : index
    %swap3A_696 = arith.constant 32 : index
    %swap3A_697 = vector.load %arg17[%swap3A_695, %swap3A_696] : memref<64x96xf32, #tpu.memory_space<vmem>>, vector<1x32xf32>
    tpu.vector_store %arg17[%swap3A_695, %swap3A_696], %get3A_694 {strides = array<i32>} : memref<64x96xf32, #tpu.memory_space<vmem>>, vector<1x32xf32>,
    %get3A_698 = arith.index_cast %get3A_685 : i32 to index
    %get3A_699 = arith.constant 0 : index
    %get3A_700 = vector.load %arg16[%get3A_698, %get3A_699] : memref<10000x32xf32, #tpu.memory_space<vmem>>, vector<1x32xf32>
    %swap3A_701 = arith.constant 33 : index
    %swap3A_702 = arith.constant 64 : index
    %swap3A_703 = vector.load %arg17[%swap3A_701, %swap3A_702] : memref<64x96xf32, #tpu.memory_space<vmem>>, vector<1x32xf32>
    tpu.vector_store %arg17[%swap3A_701, %swap3A_702], %get3A_700 {strides = array<i32>} : memref<64x96xf32, #tpu.memory_space<vmem>>, vector<1x32xf32>,
    %get3A_704 = arith.constant 34 : index
    %get3A_705 = memref.load %arg6[%get3A_704] : memref<64xi32, #tpu.memory_space<smem>>
    %get3A_706 = arith.index_cast %get3A_705 : i32 to index
    %get3A_707 = arith.constant 0 : index
    %get3A_708 = vector.load %arg4[%get3A_706, %get3A_707] : memref<10000x32xf32, #tpu.memory_space<vmem>>, vector<1x32xf32>
    %swap3A_709 = arith.constant 34 : index
    %swap3A_710 = arith.constant 0 : index
    %swap3A_711 = vector.load %arg17[%swap3A_709, %swap3A_710] : memref<64x96xf32, #tpu.memory_space<vmem>>, vector<1x32xf32>
    tpu.vector_store %arg17[%swap3A_709, %swap3A_710], %get3A_708 {strides = array<i32>} : memref<64x96xf32, #tpu.memory_space<vmem>>, vector<1x32xf32>,
    %get3A_712 = arith.index_cast %get3A_705 : i32 to index
    %get3A_713 = arith.constant 0 : index
    %get3A_714 = vector.load %arg5[%get3A_712, %get3A_713] : memref<10000x32xf32, #tpu.memory_space<vmem>>, vector<1x32xf32>
    %swap3A_715 = arith.constant 34 : index
    %swap3A_716 = arith.constant 32 : index
    %swap3A_717 = vector.load %arg17[%swap3A_715, %swap3A_716] : memref<64x96xf32, #tpu.memory_space<vmem>>, vector<1x32xf32>
    tpu.vector_store %arg17[%swap3A_715, %swap3A_716], %get3A_714 {strides = array<i32>} : memref<64x96xf32, #tpu.memory_space<vmem>>, vector<1x32xf32>,
    %get3A_718 = arith.index_cast %get3A_705 : i32 to index
    %get3A_719 = arith.constant 0 : index
    %get3A_720 = vector.load %arg16[%get3A_718, %get3A_719] : memref<10000x32xf32, #tpu.memory_space<vmem>>, vector<1x32xf32>
    %swap3A_721 = arith.constant 34 : index
    %swap3A_722 = arith.constant 64 : index
    %swap3A_723 = vector.load %arg17[%swap3A_721, %swap3A_722] : memref<64x96xf32, #tpu.memory_space<vmem>>, vector<1x32xf32>
    tpu.vector_store %arg17[%swap3A_721, %swap3A_722], %get3A_720 {strides = array<i32>} : memref<64x96xf32, #tpu.memory_space<vmem>>, vector<1x32xf32>,
    %get3A_724 = arith.constant 35 : index
    %get3A_725 = memref.load %arg6[%get3A_724] : memref<64xi32, #tpu.memory_space<smem>>
    %get3A_726 = arith.index_cast %get3A_725 : i32 to index
    %get3A_727 = arith.constant 0 : index
    %get3A_728 = vector.load %arg4[%get3A_726, %get3A_727] : memref<10000x32xf32, #tpu.memory_space<vmem>>, vector<1x32xf32>
    %swap3A_729 = arith.constant 35 : index
    %swap3A_730 = arith.constant 0 : index
    %swap3A_731 = vector.load %arg17[%swap3A_729, %swap3A_730] : memref<64x96xf32, #tpu.memory_space<vmem>>, vector<1x32xf32>
    tpu.vector_store %arg17[%swap3A_729, %swap3A_730], %get3A_728 {strides = array<i32>} : memref<64x96xf32, #tpu.memory_space<vmem>>, vector<1x32xf32>,
    %get3A_732 = arith.index_cast %get3A_725 : i32 to index
    %get3A_733 = arith.constant 0 : index
    %get3A_734 = vector.load %arg5[%get3A_732, %get3A_733] : memref<10000x32xf32, #tpu.memory_space<vmem>>, vector<1x32xf32>
    %swap3A_735 = arith.constant 35 : index
    %swap3A_736 = arith.constant 32 : index
    %swap3A_737 = vector.load %arg17[%swap3A_735, %swap3A_736] : memref<64x96xf32, #tpu.memory_space<vmem>>, vector<1x32xf32>
    tpu.vector_store %arg17[%swap3A_735, %swap3A_736], %get3A_734 {strides = array<i32>} : memref<64x96xf32, #tpu.memory_space<vmem>>, vector<1x32xf32>,
    %get3A_738 = arith.index_cast %get3A_725 : i32 to index
    %get3A_739 = arith.constant 0 : index
    %get3A_740 = vector.load %arg16[%get3A_738, %get3A_739] : memref<10000x32xf32, #tpu.memory_space<vmem>>, vector<1x32xf32>
    %swap3A_741 = arith.constant 35 : index
    %swap3A_742 = arith.constant 64 : index
    %swap3A_743 = vector.load %arg17[%swap3A_741, %swap3A_742] : memref<64x96xf32, #tpu.memory_space<vmem>>, vector<1x32xf32>
    tpu.vector_store %arg17[%swap3A_741, %swap3A_742], %get3A_740 {strides = array<i32>} : memref<64x96xf32, #tpu.memory_space<vmem>>, vector<1x32xf32>,
    %get3A_744 = arith.constant 36 : index
    %get3A_745 = memref.load %arg6[%get3A_744] : memref<64xi32, #tpu.memory_space<smem>>
    %get3A_746 = arith.index_cast %get3A_745 : i32 to index
    %get3A_747 = arith.constant 0 : index
    %get3A_748 = vector.load %arg4[%get3A_746, %get3A_747] : memref<10000x32xf32, #tpu.memory_space<vmem>>, vector<1x32xf32>
    %swap3A_749 = arith.constant 36 : index
    %swap3A_750 = arith.constant 0 : index
    %swap3A_751 = vector.load %arg17[%swap3A_749, %swap3A_750] : memref<64x96xf32, #tpu.memory_space<vmem>>, vector<1x32xf32>
    tpu.vector_store %arg17[%swap3A_749, %swap3A_750], %get3A_748 {strides = array<i32>} : memref<64x96xf32, #tpu.memory_space<vmem>>, vector<1x32xf32>,
    %get3A_752 = arith.index_cast %get3A_745 : i32 to index
    %get3A_753 = arith.constant 0 : index
    %get3A_754 = vector.load %arg5[%get3A_752, %get3A_753] : memref<10000x32xf32, #tpu.memory_space<vmem>>, vector<1x32xf32>
    %swap3A_755 = arith.constant 36 : index
    %swap3A_756 = arith.constant 32 : index
    %swap3A_757 = vector.load %arg17[%swap3A_755, %swap3A_756] : memref<64x96xf32, #tpu.memory_space<vmem>>, vector<1x32xf32>
    tpu.vector_store %arg17[%swap3A_755, %swap3A_756], %get3A_754 {strides = array<i32>} : memref<64x96xf32, #tpu.memory_space<vmem>>, vector<1x32xf32>,
    %get3A_758 = arith.index_cast %get3A_745 : i32 to index
    %get3A_759 = arith.constant 0 : index
    %get3A_760 = vector.load %arg16[%get3A_758, %get3A_759] : memref<10000x32xf32, #tpu.memory_space<vmem>>, vector<1x32xf32>
    %swap3A_761 = arith.constant 36 : index
    %swap3A_762 = arith.constant 64 : index
    %swap3A_763 = vector.load %arg17[%swap3A_761, %swap3A_762] : memref<64x96xf32, #tpu.memory_space<vmem>>, vector<1x32xf32>
    tpu.vector_store %arg17[%swap3A_761, %swap3A_762], %get3A_760 {strides = array<i32>} : memref<64x96xf32, #tpu.memory_space<vmem>>, vector<1x32xf32>,
    %get3A_764 = arith.constant 37 : index
    %get3A_765 = memref.load %arg6[%get3A_764] : memref<64xi32, #tpu.memory_space<smem>>
    %get3A_766 = arith.index_cast %get3A_765 : i32 to index
    %get3A_767 = arith.constant 0 : index
    %get3A_768 = vector.load %arg4[%get3A_766, %get3A_767] : memref<10000x32xf32, #tpu.memory_space<vmem>>, vector<1x32xf32>
    %swap3A_769 = arith.constant 37 : index
    %swap3A_770 = arith.constant 0 : index
    %swap3A_771 = vector.load %arg17[%swap3A_769, %swap3A_770] : memref<64x96xf32, #tpu.memory_space<vmem>>, vector<1x32xf32>
    tpu.vector_store %arg17[%swap3A_769, %swap3A_770], %get3A_768 {strides = array<i32>} : memref<64x96xf32, #tpu.memory_space<vmem>>, vector<1x32xf32>,
    %get3A_772 = arith.index_cast %get3A_765 : i32 to index
    %get3A_773 = arith.constant 0 : index
    %get3A_774 = vector.load %arg5[%get3A_772, %get3A_773] : memref<10000x32xf32, #tpu.memory_space<vmem>>, vector<1x32xf32>
    %swap3A_775 = arith.constant 37 : index
    %swap3A_776 = arith.constant 32 : index
    %swap3A_777 = vector.load %arg17[%swap3A_775, %swap3A_776] : memref<64x96xf32, #tpu.memory_space<vmem>>, vector<1x32xf32>
    tpu.vector_store %arg17[%swap3A_775, %swap3A_776], %get3A_774 {strides = array<i32>} : memref<64x96xf32, #tpu.memory_space<vmem>>, vector<1x32xf32>,
    %get3A_778 = arith.index_cast %get3A_765 : i32 to index
    %get3A_779 = arith.constant 0 : index
    %get3A_780 = vector.load %arg16[%get3A_778, %get3A_779] : memref<10000x32xf32, #tpu.memory_space<vmem>>, vector<1x32xf32>
    %swap3A_781 = arith.constant 37 : index
    %swap3A_782 = arith.constant 64 : index
    %swap3A_783 = vector.load %arg17[%swap3A_781, %swap3A_782] : memref<64x96xf32, #tpu.memory_space<vmem>>, vector<1x32xf32>
    tpu.vector_store %arg17[%swap3A_781, %swap3A_782], %get3A_780 {strides = array<i32>} : memref<64x96xf32, #tpu.memory_space<vmem>>, vector<1x32xf32>,
    %get3A_784 = arith.constant 38 : index
    %get3A_785 = memref.load %arg6[%get3A_784] : memref<64xi32, #tpu.memory_space<smem>>
    %get3A_786 = arith.index_cast %get3A_785 : i32 to index
    %get3A_787 = arith.constant 0 : index
    %get3A_788 = vector.load %arg4[%get3A_786, %get3A_787] : memref<10000x32xf32, #tpu.memory_space<vmem>>, vector<1x32xf32>
    %swap3A_789 = arith.constant 38 : index
    %swap3A_790 = arith.constant 0 : index
    %swap3A_791 = vector.load %arg17[%swap3A_789, %swap3A_790] : memref<64x96xf32, #tpu.memory_space<vmem>>, vector<1x32xf32>
    tpu.vector_store %arg17[%swap3A_789, %swap3A_790], %get3A_788 {strides = array<i32>} : memref<64x96xf32, #tpu.memory_space<vmem>>, vector<1x32xf32>,
    %get3A_792 = arith.index_cast %get3A_785 : i32 to index
    %get3A_793 = arith.constant 0 : index
    %get3A_794 = vector.load %arg5[%get3A_792, %get3A_793] : memref<10000x32xf32, #tpu.memory_space<vmem>>, vector<1x32xf32>
    %swap3A_795 = arith.constant 38 : index
    %swap3A_796 = arith.constant 32 : index
    %swap3A_797 = vector.load %arg17[%swap3A_795, %swap3A_796] : memref<64x96xf32, #tpu.memory_space<vmem>>, vector<1x32xf32>
    tpu.vector_store %arg17[%swap3A_795, %swap3A_796], %get3A_794 {strides = array<i32>} : memref<64x96xf32, #tpu.memory_space<vmem>>, vector<1x32xf32>,
    %get3A_798 = arith.index_cast %get3A_785 : i32 to index
    %get3A_799 = arith.constant 0 : index
    %get3A_800 = vector.load %arg16[%get3A_798, %get3A_799] : memref<10000x32xf32, #tpu.memory_space<vmem>>, vector<1x32xf32>
    %swap3A_801 = arith.constant 38 : index
    %swap3A_802 = arith.constant 64 : index
    %swap3A_803 = vector.load %arg17[%swap3A_801, %swap3A_802] : memref<64x96xf32, #tpu.memory_space<vmem>>, vector<1x32xf32>
    tpu.vector_store %arg17[%swap3A_801, %swap3A_802], %get3A_800 {strides = array<i32>} : memref<64x96xf32, #tpu.memory_space<vmem>>, vector<1x32xf32>,
    %get3A_804 = arith.constant 39 : index
    %get3A_805 = memref.load %arg6[%get3A_804] : memref<64xi32, #tpu.memory_space<smem>>
    %get3A_806 = arith.index_cast %get3A_805 : i32 to index
    %get3A_807 = arith.constant 0 : index
    %get3A_808 = vector.load %arg4[%get3A_806, %get3A_807] : memref<10000x32xf32, #tpu.memory_space<vmem>>, vector<1x32xf32>
    %swap3A_809 = arith.constant 39 : index
    %swap3A_810 = arith.constant 0 : index
    %swap3A_811 = vector.load %arg17[%swap3A_809, %swap3A_810] : memref<64x96xf32, #tpu.memory_space<vmem>>, vector<1x32xf32>
    tpu.vector_store %arg17[%swap3A_809, %swap3A_810], %get3A_808 {strides = array<i32>} : memref<64x96xf32, #tpu.memory_space<vmem>>, vector<1x32xf32>,
    %get3A_812 = arith.index_cast %get3A_805 : i32 to index
    %get3A_813 = arith.constant 0 : index
    %get3A_814 = vector.load %arg5[%get3A_812, %get3A_813] : memref<10000x32xf32, #tpu.memory_space<vmem>>, vector<1x32xf32>
    %swap3A_815 = arith.constant 39 : index
    %swap3A_816 = arith.constant 32 : index
    %swap3A_817 = vector.load %arg17[%swap3A_815, %swap3A_816] : memref<64x96xf32, #tpu.memory_space<vmem>>, vector<1x32xf32>
    tpu.vector_store %arg17[%swap3A_815, %swap3A_816], %get3A_814 {strides = array<i32>} : memref<64x96xf32, #tpu.memory_space<vmem>>, vector<1x32xf32>,
    %get3A_818 = arith.index_cast %get3A_805 : i32 to index
    %get3A_819 = arith.constant 0 : index
    %get3A_820 = vector.load %arg16[%get3A_818, %get3A_819] : memref<10000x32xf32, #tpu.memory_space<vmem>>, vector<1x32xf32>
    %swap3A_821 = arith.constant 39 : index
    %swap3A_822 = arith.constant 64 : index
    %swap3A_823 = vector.load %arg17[%swap3A_821, %swap3A_822] : memref<64x96xf32, #tpu.memory_space<vmem>>, vector<1x32xf32>
    tpu.vector_store %arg17[%swap3A_821, %swap3A_822], %get3A_820 {strides = array<i32>} : memref<64x96xf32, #tpu.memory_space<vmem>>, vector<1x32xf32>,
    %get3A_824 = arith.constant 40 : index
    %get3A_825 = memref.load %arg6[%get3A_824] : memref<64xi32, #tpu.memory_space<smem>>
    %get3A_826 = arith.index_cast %get3A_825 : i32 to index
    %get3A_827 = arith.constant 0 : index
    %get3A_828 = vector.load %arg4[%get3A_826, %get3A_827] : memref<10000x32xf32, #tpu.memory_space<vmem>>, vector<1x32xf32>
    %swap3A_829 = arith.constant 40 : index
    %swap3A_830 = arith.constant 0 : index
    %swap3A_831 = vector.load %arg17[%swap3A_829, %swap3A_830] : memref<64x96xf32, #tpu.memory_space<vmem>>, vector<1x32xf32>
    tpu.vector_store %arg17[%swap3A_829, %swap3A_830], %get3A_828 {strides = array<i32>} : memref<64x96xf32, #tpu.memory_space<vmem>>, vector<1x32xf32>,
    %get3A_832 = arith.index_cast %get3A_825 : i32 to index
    %get3A_833 = arith.constant 0 : index
    %get3A_834 = vector.load %arg5[%get3A_832, %get3A_833] : memref<10000x32xf32, #tpu.memory_space<vmem>>, vector<1x32xf32>
    %swap3A_835 = arith.constant 40 : index
    %swap3A_836 = arith.constant 32 : index
    %swap3A_837 = vector.load %arg17[%swap3A_835, %swap3A_836] : memref<64x96xf32, #tpu.memory_space<vmem>>, vector<1x32xf32>
    tpu.vector_store %arg17[%swap3A_835, %swap3A_836], %get3A_834 {strides = array<i32>} : memref<64x96xf32, #tpu.memory_space<vmem>>, vector<1x32xf32>,
    %get3A_838 = arith.index_cast %get3A_825 : i32 to index
    %get3A_839 = arith.constant 0 : index
    %get3A_840 = vector.load %arg16[%get3A_838, %get3A_839] : memref<10000x32xf32, #tpu.memory_space<vmem>>, vector<1x32xf32>
    %swap3A_841 = arith.constant 40 : index
    %swap3A_842 = arith.constant 64 : index
    %swap3A_843 = vector.load %arg17[%swap3A_841, %swap3A_842] : memref<64x96xf32, #tpu.memory_space<vmem>>, vector<1x32xf32>
    tpu.vector_store %arg17[%swap3A_841, %swap3A_842], %get3A_840 {strides = array<i32>} : memref<64x96xf32, #tpu.memory_space<vmem>>, vector<1x32xf32>,
    %get3A_844 = arith.constant 41 : index
    %get3A_845 = memref.load %arg6[%get3A_844] : memref<64xi32, #tpu.memory_space<smem>>
    %get3A_846 = arith.index_cast %get3A_845 : i32 to index
    %get3A_847 = arith.constant 0 : index
    %get3A_848 = vector.load %arg4[%get3A_846, %get3A_847] : memref<10000x32xf32, #tpu.memory_space<vmem>>, vector<1x32xf32>
    %swap3A_849 = arith.constant 41 : index
    %swap3A_850 = arith.constant 0 : index
    %swap3A_851 = vector.load %arg17[%swap3A_849, %swap3A_850] : memref<64x96xf32, #tpu.memory_space<vmem>>, vector<1x32xf32>
    tpu.vector_store %arg17[%swap3A_849, %swap3A_850], %get3A_848 {strides = array<i32>} : memref<64x96xf32, #tpu.memory_space<vmem>>, vector<1x32xf32>,
    %get3A_852 = arith.index_cast %get3A_845 : i32 to index
    %get3A_853 = arith.constant 0 : index
    %get3A_854 = vector.load %arg5[%get3A_852, %get3A_853] : memref<10000x32xf32, #tpu.memory_space<vmem>>, vector<1x32xf32>
    %swap3A_855 = arith.constant 41 : index
    %swap3A_856 = arith.constant 32 : index
    %swap3A_857 = vector.load %arg17[%swap3A_855, %swap3A_856] : memref<64x96xf32, #tpu.memory_space<vmem>>, vector<1x32xf32>
    tpu.vector_store %arg17[%swap3A_855, %swap3A_856], %get3A_854 {strides = array<i32>} : memref<64x96xf32, #tpu.memory_space<vmem>>, vector<1x32xf32>,
    %get3A_858 = arith.index_cast %get3A_845 : i32 to index
    %get3A_859 = arith.constant 0 : index
    %get3A_860 = vector.load %arg16[%get3A_858, %get3A_859] : memref<10000x32xf32, #tpu.memory_space<vmem>>, vector<1x32xf32>
    %swap3A_861 = arith.constant 41 : index
    %swap3A_862 = arith.constant 64 : index
    %swap3A_863 = vector.load %arg17[%swap3A_861, %swap3A_862] : memref<64x96xf32, #tpu.memory_space<vmem>>, vector<1x32xf32>
    tpu.vector_store %arg17[%swap3A_861, %swap3A_862], %get3A_860 {strides = array<i32>} : memref<64x96xf32, #tpu.memory_space<vmem>>, vector<1x32xf32>,
    %get3A_864 = arith.constant 42 : index
    %get3A_865 = memref.load %arg6[%get3A_864] : memref<64xi32, #tpu.memory_space<smem>>
    %get3A_866 = arith.index_cast %get3A_865 : i32 to index
    %get3A_867 = arith.constant 0 : index
    %get3A_868 = vector.load %arg4[%get3A_866, %get3A_867] : memref<10000x32xf32, #tpu.memory_space<vmem>>, vector<1x32xf32>
    %swap3A_869 = arith.constant 42 : index
    %swap3A_870 = arith.constant 0 : index
    %swap3A_871 = vector.load %arg17[%swap3A_869, %swap3A_870] : memref<64x96xf32, #tpu.memory_space<vmem>>, vector<1x32xf32>
    tpu.vector_store %arg17[%swap3A_869, %swap3A_870], %get3A_868 {strides = array<i32>} : memref<64x96xf32, #tpu.memory_space<vmem>>, vector<1x32xf32>,
    %get3A_872 = arith.index_cast %get3A_865 : i32 to index
    %get3A_873 = arith.constant 0 : index
    %get3A_874 = vector.load %arg5[%get3A_872, %get3A_873] : memref<10000x32xf32, #tpu.memory_space<vmem>>, vector<1x32xf32>
    %swap3A_875 = arith.constant 42 : index
    %swap3A_876 = arith.constant 32 : index
    %swap3A_877 = vector.load %arg17[%swap3A_875, %swap3A_876] : memref<64x96xf32, #tpu.memory_space<vmem>>, vector<1x32xf32>
    tpu.vector_store %arg17[%swap3A_875, %swap3A_876], %get3A_874 {strides = array<i32>} : memref<64x96xf32, #tpu.memory_space<vmem>>, vector<1x32xf32>,
    %get3A_878 = arith.index_cast %get3A_865 : i32 to index
    %get3A_879 = arith.constant 0 : index
    %get3A_880 = vector.load %arg16[%get3A_878, %get3A_879] : memref<10000x32xf32, #tpu.memory_space<vmem>>, vector<1x32xf32>
    %swap3A_881 = arith.constant 42 : index
    %swap3A_882 = arith.constant 64 : index
    %swap3A_883 = vector.load %arg17[%swap3A_881, %swap3A_882] : memref<64x96xf32, #tpu.memory_space<vmem>>, vector<1x32xf32>
    tpu.vector_store %arg17[%swap3A_881, %swap3A_882], %get3A_880 {strides = array<i32>} : memref<64x96xf32, #tpu.memory_space<vmem>>, vector<1x32xf32>,
    %get3A_884 = arith.constant 43 : index
    %get3A_885 = memref.load %arg6[%get3A_884] : memref<64xi32, #tpu.memory_space<smem>>
    %get3A_886 = arith.index_cast %get3A_885 : i32 to index
    %get3A_887 = arith.constant 0 : index
    %get3A_888 = vector.load %arg4[%get3A_886, %get3A_887] : memref<10000x32xf32, #tpu.memory_space<vmem>>, vector<1x32xf32>
    %swap3A_889 = arith.constant 43 : index
    %swap3A_890 = arith.constant 0 : index
    %swap3A_891 = vector.load %arg17[%swap3A_889, %swap3A_890] : memref<64x96xf32, #tpu.memory_space<vmem>>, vector<1x32xf32>
    tpu.vector_store %arg17[%swap3A_889, %swap3A_890], %get3A_888 {strides = array<i32>} : memref<64x96xf32, #tpu.memory_space<vmem>>, vector<1x32xf32>,
    %get3A_892 = arith.index_cast %get3A_885 : i32 to index
    %get3A_893 = arith.constant 0 : index
    %get3A_894 = vector.load %arg5[%get3A_892, %get3A_893] : memref<10000x32xf32, #tpu.memory_space<vmem>>, vector<1x32xf32>
    %swap3A_895 = arith.constant 43 : index
    %swap3A_896 = arith.constant 32 : index
    %swap3A_897 = vector.load %arg17[%swap3A_895, %swap3A_896] : memref<64x96xf32, #tpu.memory_space<vmem>>, vector<1x32xf32>
    tpu.vector_store %arg17[%swap3A_895, %swap3A_896], %get3A_894 {strides = array<i32>} : memref<64x96xf32, #tpu.memory_space<vmem>>, vector<1x32xf32>,
    %get3A_898 = arith.index_cast %get3A_885 : i32 to index
    %get3A_899 = arith.constant 0 : index
    %get3A_900 = vector.load %arg16[%get3A_898, %get3A_899] : memref<10000x32xf32, #tpu.memory_space<vmem>>, vector<1x32xf32>
    %swap3A_901 = arith.constant 43 : index
    %swap3A_902 = arith.constant 64 : index
    %swap3A_903 = vector.load %arg17[%swap3A_901, %swap3A_902] : memref<64x96xf32, #tpu.memory_space<vmem>>, vector<1x32xf32>
    tpu.vector_store %arg17[%swap3A_901, %swap3A_902], %get3A_900 {strides = array<i32>} : memref<64x96xf32, #tpu.memory_space<vmem>>, vector<1x32xf32>,
    %get3A_904 = arith.constant 44 : index
    %get3A_905 = memref.load %arg6[%get3A_904] : memref<64xi32, #tpu.memory_space<smem>>
    %get3A_906 = arith.index_cast %get3A_905 : i32 to index
    %get3A_907 = arith.constant 0 : index
    %get3A_908 = vector.load %arg4[%get3A_906, %get3A_907] : memref<10000x32xf32, #tpu.memory_space<vmem>>, vector<1x32xf32>
    %swap3A_909 = arith.constant 44 : index
    %swap3A_910 = arith.constant 0 : index
    %swap3A_911 = vector.load %arg17[%swap3A_909, %swap3A_910] : memref<64x96xf32, #tpu.memory_space<vmem>>, vector<1x32xf32>
    tpu.vector_store %arg17[%swap3A_909, %swap3A_910], %get3A_908 {strides = array<i32>} : memref<64x96xf32, #tpu.memory_space<vmem>>, vector<1x32xf32>,
    %get3A_912 = arith.index_cast %get3A_905 : i32 to index
    %get3A_913 = arith.constant 0 : index
    %get3A_914 = vector.load %arg5[%get3A_912, %get3A_913] : memref<10000x32xf32, #tpu.memory_space<vmem>>, vector<1x32xf32>
    %swap3A_915 = arith.constant 44 : index
    %swap3A_916 = arith.constant 32 : index
    %swap3A_917 = vector.load %arg17[%swap3A_915, %swap3A_916] : memref<64x96xf32, #tpu.memory_space<vmem>>, vector<1x32xf32>
    tpu.vector_store %arg17[%swap3A_915, %swap3A_916], %get3A_914 {strides = array<i32>} : memref<64x96xf32, #tpu.memory_space<vmem>>, vector<1x32xf32>,
    %get3A_918 = arith.index_cast %get3A_905 : i32 to index
    %get3A_919 = arith.constant 0 : index
    %get3A_920 = vector.load %arg16[%get3A_918, %get3A_919] : memref<10000x32xf32, #tpu.memory_space<vmem>>, vector<1x32xf32>
    %swap3A_921 = arith.constant 44 : index
    %swap3A_922 = arith.constant 64 : index
    %swap3A_923 = vector.load %arg17[%swap3A_921, %swap3A_922] : memref<64x96xf32, #tpu.memory_space<vmem>>, vector<1x32xf32>
    tpu.vector_store %arg17[%swap3A_921, %swap3A_922], %get3A_920 {strides = array<i32>} : memref<64x96xf32, #tpu.memory_space<vmem>>, vector<1x32xf32>,
    %get3A_924 = arith.constant 45 : index
    %get3A_925 = memref.load %arg6[%get3A_924] : memref<64xi32, #tpu.memory_space<smem>>
    %get3A_926 = arith.index_cast %get3A_925 : i32 to index
    %get3A_927 = arith.constant 0 : index
    %get3A_928 = vector.load %arg4[%get3A_926, %get3A_927] : memref<10000x32xf32, #tpu.memory_space<vmem>>, vector<1x32xf32>
    %swap3A_929 = arith.constant 45 : index
    %swap3A_930 = arith.constant 0 : index
    %swap3A_931 = vector.load %arg17[%swap3A_929, %swap3A_930] : memref<64x96xf32, #tpu.memory_space<vmem>>, vector<1x32xf32>
    tpu.vector_store %arg17[%swap3A_929, %swap3A_930], %get3A_928 {strides = array<i32>} : memref<64x96xf32, #tpu.memory_space<vmem>>, vector<1x32xf32>,
    %get3A_932 = arith.index_cast %get3A_925 : i32 to index
    %get3A_933 = arith.constant 0 : index
    %get3A_934 = vector.load %arg5[%get3A_932, %get3A_933] : memref<10000x32xf32, #tpu.memory_space<vmem>>, vector<1x32xf32>
    %swap3A_935 = arith.constant 45 : index
    %swap3A_936 = arith.constant 32 : index
    %swap3A_937 = vector.load %arg17[%swap3A_935, %swap3A_936] : memref<64x96xf32, #tpu.memory_space<vmem>>, vector<1x32xf32>
    tpu.vector_store %arg17[%swap3A_935, %swap3A_936], %get3A_934 {strides = array<i32>} : memref<64x96xf32, #tpu.memory_space<vmem>>, vector<1x32xf32>,
    %get3A_938 = arith.index_cast %get3A_925 : i32 to index
    %get3A_939 = arith.constant 0 : index
    %get3A_940 = vector.load %arg16[%get3A_938, %get3A_939] : memref<10000x32xf32, #tpu.memory_space<vmem>>, vector<1x32xf32>
    %swap3A_941 = arith.constant 45 : index
    %swap3A_942 = arith.constant 64 : index
    %swap3A_943 = vector.load %arg17[%swap3A_941, %swap3A_942] : memref<64x96xf32, #tpu.memory_space<vmem>>, vector<1x32xf32>
    tpu.vector_store %arg17[%swap3A_941, %swap3A_942], %get3A_940 {strides = array<i32>} : memref<64x96xf32, #tpu.memory_space<vmem>>, vector<1x32xf32>,
    %get3A_944 = arith.constant 46 : index
    %get3A_945 = memref.load %arg6[%get3A_944] : memref<64xi32, #tpu.memory_space<smem>>
    %get3A_946 = arith.index_cast %get3A_945 : i32 to index
    %get3A_947 = arith.constant 0 : index
    %get3A_948 = vector.load %arg4[%get3A_946, %get3A_947] : memref<10000x32xf32, #tpu.memory_space<vmem>>, vector<1x32xf32>
    %swap3A_949 = arith.constant 46 : index
    %swap3A_950 = arith.constant 0 : index
    %swap3A_951 = vector.load %arg17[%swap3A_949, %swap3A_950] : memref<64x96xf32, #tpu.memory_space<vmem>>, vector<1x32xf32>
    tpu.vector_store %arg17[%swap3A_949, %swap3A_950], %get3A_948 {strides = array<i32>} : memref<64x96xf32, #tpu.memory_space<vmem>>, vector<1x32xf32>,
    %get3A_952 = arith.index_cast %get3A_945 : i32 to index
    %get3A_953 = arith.constant 0 : index
    %get3A_954 = vector.load %arg5[%get3A_952, %get3A_953] : memref<10000x32xf32, #tpu.memory_space<vmem>>, vector<1x32xf32>
    %swap3A_955 = arith.constant 46 : index
    %swap3A_956 = arith.constant 32 : index
    %swap3A_957 = vector.load %arg17[%swap3A_955, %swap3A_956] : memref<64x96xf32, #tpu.memory_space<vmem>>, vector<1x32xf32>
    tpu.vector_store %arg17[%swap3A_955, %swap3A_956], %get3A_954 {strides = array<i32>} : memref<64x96xf32, #tpu.memory_space<vmem>>, vector<1x32xf32>,
    %get3A_958 = arith.index_cast %get3A_945 : i32 to index
    %get3A_959 = arith.constant 0 : index
    %get3A_960 = vector.load %arg16[%get3A_958, %get3A_959] : memref<10000x32xf32, #tpu.memory_space<vmem>>, vector<1x32xf32>
    %swap3A_961 = arith.constant 46 : index
    %swap3A_962 = arith.constant 64 : index
    %swap3A_963 = vector.load %arg17[%swap3A_961, %swap3A_962] : memref<64x96xf32, #tpu.memory_space<vmem>>, vector<1x32xf32>
    tpu.vector_store %arg17[%swap3A_961, %swap3A_962], %get3A_960 {strides = array<i32>} : memref<64x96xf32, #tpu.memory_space<vmem>>, vector<1x32xf32>,
    %get3A_964 = arith.constant 47 : index
    %get3A_965 = memref.load %arg6[%get3A_964] : memref<64xi32, #tpu.memory_space<smem>>
    %get3A_966 = arith.index_cast %get3A_965 : i32 to index
    %get3A_967 = arith.constant 0 : index
    %get3A_968 = vector.load %arg4[%get3A_966, %get3A_967] : memref<10000x32xf32, #tpu.memory_space<vmem>>, vector<1x32xf32>
    %swap3A_969 = arith.constant 47 : index
    %swap3A_970 = arith.constant 0 : index
    %swap3A_971 = vector.load %arg17[%swap3A_969, %swap3A_970] : memref<64x96xf32, #tpu.memory_space<vmem>>, vector<1x32xf32>
    tpu.vector_store %arg17[%swap3A_969, %swap3A_970], %get3A_968 {strides = array<i32>} : memref<64x96xf32, #tpu.memory_space<vmem>>, vector<1x32xf32>,
    %get3A_972 = arith.index_cast %get3A_965 : i32 to index
    %get3A_973 = arith.constant 0 : index
    %get3A_974 = vector.load %arg5[%get3A_972, %get3A_973] : memref<10000x32xf32, #tpu.memory_space<vmem>>, vector<1x32xf32>
    %swap3A_975 = arith.constant 47 : index
    %swap3A_976 = arith.constant 32 : index
    %swap3A_977 = vector.load %arg17[%swap3A_975, %swap3A_976] : memref<64x96xf32, #tpu.memory_space<vmem>>, vector<1x32xf32>
    tpu.vector_store %arg17[%swap3A_975, %swap3A_976], %get3A_974 {strides = array<i32>} : memref<64x96xf32, #tpu.memory_space<vmem>>, vector<1x32xf32>,
    %get3A_978 = arith.index_cast %get3A_965 : i32 to index
    %get3A_979 = arith.constant 0 : index
    %get3A_980 = vector.load %arg16[%get3A_978, %get3A_979] : memref<10000x32xf32, #tpu.memory_space<vmem>>, vector<1x32xf32>
    %swap3A_981 = arith.constant 47 : index
    %swap3A_982 = arith.constant 64 : index
    %swap3A_983 = vector.load %arg17[%swap3A_981, %swap3A_982] : memref<64x96xf32, #tpu.memory_space<vmem>>, vector<1x32xf32>
    tpu.vector_store %arg17[%swap3A_981, %swap3A_982], %get3A_980 {strides = array<i32>} : memref<64x96xf32, #tpu.memory_space<vmem>>, vector<1x32xf32>,
    %get3A_984 = arith.constant 48 : index
    %get3A_985 = memref.load %arg6[%get3A_984] : memref<64xi32, #tpu.memory_space<smem>>
    %get3A_986 = arith.index_cast %get3A_985 : i32 to index
    %get3A_987 = arith.constant 0 : index
    %get3A_988 = vector.load %arg4[%get3A_986, %get3A_987] : memref<10000x32xf32, #tpu.memory_space<vmem>>, vector<1x32xf32>
    %swap3A_989 = arith.constant 48 : index
    %swap3A_990 = arith.constant 0 : index
    %swap3A_991 = vector.load %arg17[%swap3A_989, %swap3A_990] : memref<64x96xf32, #tpu.memory_space<vmem>>, vector<1x32xf32>
    tpu.vector_store %arg17[%swap3A_989, %swap3A_990], %get3A_988 {strides = array<i32>} : memref<64x96xf32, #tpu.memory_space<vmem>>, vector<1x32xf32>,
    %get3A_992 = arith.index_cast %get3A_985 : i32 to index
    %get3A_993 = arith.constant 0 : index
    %get3A_994 = vector.load %arg5[%get3A_992, %get3A_993] : memref<10000x32xf32, #tpu.memory_space<vmem>>, vector<1x32xf32>
    %swap3A_995 = arith.constant 48 : index
    %swap3A_996 = arith.constant 32 : index
    %swap3A_997 = vector.load %arg17[%swap3A_995, %swap3A_996] : memref<64x96xf32, #tpu.memory_space<vmem>>, vector<1x32xf32>
    tpu.vector_store %arg17[%swap3A_995, %swap3A_996], %get3A_994 {strides = array<i32>} : memref<64x96xf32, #tpu.memory_space<vmem>>, vector<1x32xf32>,
    %get3A_998 = arith.index_cast %get3A_985 : i32 to index
    %get3A_999 = arith.constant 0 : index
    %get3A_1000 = vector.load %arg16[%get3A_998, %get3A_999] : memref<10000x32xf32, #tpu.memory_space<vmem>>, vector<1x32xf32>
    %swap3A_1001 = arith.constant 48 : index
    %swap3A_1002 = arith.constant 64 : index
    %swap3A_1003 = vector.load %arg17[%swap3A_1001, %swap3A_1002] : memref<64x96xf32, #tpu.memory_space<vmem>>, vector<1x32xf32>
    tpu.vector_store %arg17[%swap3A_1001, %swap3A_1002], %get3A_1000 {strides = array<i32>} : memref<64x96xf32, #tpu.memory_space<vmem>>, vector<1x32xf32>,
    %get3A_1004 = arith.constant 49 : index
    %get3A_1005 = memref.load %arg6[%get3A_1004] : memref<64xi32, #tpu.memory_space<smem>>
    %get3A_1006 = arith.index_cast %get3A_1005 : i32 to index
    %get3A_1007 = arith.constant 0 : index
    %get3A_1008 = vector.load %arg4[%get3A_1006, %get3A_1007] : memref<10000x32xf32, #tpu.memory_space<vmem>>, vector<1x32xf32>
    %swap3A_1009 = arith.constant 49 : index
    %swap3A_1010 = arith.constant 0 : index
    %swap3A_1011 = vector.load %arg17[%swap3A_1009, %swap3A_1010] : memref<64x96xf32, #tpu.memory_space<vmem>>, vector<1x32xf32>
    tpu.vector_store %arg17[%swap3A_1009, %swap3A_1010], %get3A_1008 {strides = array<i32>} : memref<64x96xf32, #tpu.memory_space<vmem>>, vector<1x32xf32>,
    %get3A_1012 = arith.index_cast %get3A_1005 : i32 to index
    %get3A_1013 = arith.constant 0 : index
    %get3A_1014 = vector.load %arg5[%get3A_1012, %get3A_1013] : memref<10000x32xf32, #tpu.memory_space<vmem>>, vector<1x32xf32>
    %swap3A_1015 = arith.constant 49 : index
    %swap3A_1016 = arith.constant 32 : index
    %swap3A_1017 = vector.load %arg17[%swap3A_1015, %swap3A_1016] : memref<64x96xf32, #tpu.memory_space<vmem>>, vector<1x32xf32>
    tpu.vector_store %arg17[%swap3A_1015, %swap3A_1016], %get3A_1014 {strides = array<i32>} : memref<64x96xf32, #tpu.memory_space<vmem>>, vector<1x32xf32>,
    %get3A_1018 = arith.index_cast %get3A_1005 : i32 to index
    %get3A_1019 = arith.constant 0 : index
    %get3A_1020 = vector.load %arg16[%get3A_1018, %get3A_1019] : memref<10000x32xf32, #tpu.memory_space<vmem>>, vector<1x32xf32>
    %swap3A_1021 = arith.constant 49 : index
    %swap3A_1022 = arith.constant 64 : index
    %swap3A_1023 = vector.load %arg17[%swap3A_1021, %swap3A_1022] : memref<64x96xf32, #tpu.memory_space<vmem>>, vector<1x32xf32>
    tpu.vector_store %arg17[%swap3A_1021, %swap3A_1022], %get3A_1020 {strides = array<i32>} : memref<64x96xf32, #tpu.memory_space<vmem>>, vector<1x32xf32>,
    %get3A_1024 = arith.constant 50 : index
    %get3A_1025 = memref.load %arg6[%get3A_1024] : memref<64xi32, #tpu.memory_space<smem>>
    %get3A_1026 = arith.index_cast %get3A_1025 : i32 to index
    %get3A_1027 = arith.constant 0 : index
    %get3A_1028 = vector.load %arg4[%get3A_1026, %get3A_1027] : memref<10000x32xf32, #tpu.memory_space<vmem>>, vector<1x32xf32>
    %swap3A_1029 = arith.constant 50 : index
    %swap3A_1030 = arith.constant 0 : index
    %swap3A_1031 = vector.load %arg17[%swap3A_1029, %swap3A_1030] : memref<64x96xf32, #tpu.memory_space<vmem>>, vector<1x32xf32>
    tpu.vector_store %arg17[%swap3A_1029, %swap3A_1030], %get3A_1028 {strides = array<i32>} : memref<64x96xf32, #tpu.memory_space<vmem>>, vector<1x32xf32>,
    %get3A_1032 = arith.index_cast %get3A_1025 : i32 to index
    %get3A_1033 = arith.constant 0 : index
    %get3A_1034 = vector.load %arg5[%get3A_1032, %get3A_1033] : memref<10000x32xf32, #tpu.memory_space<vmem>>, vector<1x32xf32>
    %swap3A_1035 = arith.constant 50 : index
    %swap3A_1036 = arith.constant 32 : index
    %swap3A_1037 = vector.load %arg17[%swap3A_1035, %swap3A_1036] : memref<64x96xf32, #tpu.memory_space<vmem>>, vector<1x32xf32>
    tpu.vector_store %arg17[%swap3A_1035, %swap3A_1036], %get3A_1034 {strides = array<i32>} : memref<64x96xf32, #tpu.memory_space<vmem>>, vector<1x32xf32>,
    %get3A_1038 = arith.index_cast %get3A_1025 : i32 to index
    %get3A_1039 = arith.constant 0 : index
    %get3A_1040 = vector.load %arg16[%get3A_1038, %get3A_1039] : memref<10000x32xf32, #tpu.memory_space<vmem>>, vector<1x32xf32>
    %swap3A_1041 = arith.constant 50 : index
    %swap3A_1042 = arith.constant 64 : index
    %swap3A_1043 = vector.load %arg17[%swap3A_1041, %swap3A_1042] : memref<64x96xf32, #tpu.memory_space<vmem>>, vector<1x32xf32>
    tpu.vector_store %arg17[%swap3A_1041, %swap3A_1042], %get3A_1040 {strides = array<i32>} : memref<64x96xf32, #tpu.memory_space<vmem>>, vector<1x32xf32>,
    %get3A_1044 = arith.constant 51 : index
    %get3A_1045 = memref.load %arg6[%get3A_1044] : memref<64xi32, #tpu.memory_space<smem>>
    %get3A_1046 = arith.index_cast %get3A_1045 : i32 to index
    %get3A_1047 = arith.constant 0 : index
    %get3A_1048 = vector.load %arg4[%get3A_1046, %get3A_1047] : memref<10000x32xf32, #tpu.memory_space<vmem>>, vector<1x32xf32>
    %swap3A_1049 = arith.constant 51 : index
    %swap3A_1050 = arith.constant 0 : index
    %swap3A_1051 = vector.load %arg17[%swap3A_1049, %swap3A_1050] : memref<64x96xf32, #tpu.memory_space<vmem>>, vector<1x32xf32>
    tpu.vector_store %arg17[%swap3A_1049, %swap3A_1050], %get3A_1048 {strides = array<i32>} : memref<64x96xf32, #tpu.memory_space<vmem>>, vector<1x32xf32>,
    %get3A_1052 = arith.index_cast %get3A_1045 : i32 to index
    %get3A_1053 = arith.constant 0 : index
    %get3A_1054 = vector.load %arg5[%get3A_1052, %get3A_1053] : memref<10000x32xf32, #tpu.memory_space<vmem>>, vector<1x32xf32>
    %swap3A_1055 = arith.constant 51 : index
    %swap3A_1056 = arith.constant 32 : index
    %swap3A_1057 = vector.load %arg17[%swap3A_1055, %swap3A_1056] : memref<64x96xf32, #tpu.memory_space<vmem>>, vector<1x32xf32>
    tpu.vector_store %arg17[%swap3A_1055, %swap3A_1056], %get3A_1054 {strides = array<i32>} : memref<64x96xf32, #tpu.memory_space<vmem>>, vector<1x32xf32>,
    %get3A_1058 = arith.index_cast %get3A_1045 : i32 to index
    %get3A_1059 = arith.constant 0 : index
    %get3A_1060 = vector.load %arg16[%get3A_1058, %get3A_1059] : memref<10000x32xf32, #tpu.memory_space<vmem>>, vector<1x32xf32>
    %swap3A_1061 = arith.constant 51 : index
    %swap3A_1062 = arith.constant 64 : index
    %swap3A_1063 = vector.load %arg17[%swap3A_1061, %swap3A_1062] : memref<64x96xf32, #tpu.memory_space<vmem>>, vector<1x32xf32>
    tpu.vector_store %arg17[%swap3A_1061, %swap3A_1062], %get3A_1060 {strides = array<i32>} : memref<64x96xf32, #tpu.memory_space<vmem>>, vector<1x32xf32>,
    %get3A_1064 = arith.constant 52 : index
    %get3A_1065 = memref.load %arg6[%get3A_1064] : memref<64xi32, #tpu.memory_space<smem>>
    %get3A_1066 = arith.index_cast %get3A_1065 : i32 to index
    %get3A_1067 = arith.constant 0 : index
    %get3A_1068 = vector.load %arg4[%get3A_1066, %get3A_1067] : memref<10000x32xf32, #tpu.memory_space<vmem>>, vector<1x32xf32>
    %swap3A_1069 = arith.constant 52 : index
    %swap3A_1070 = arith.constant 0 : index
    %swap3A_1071 = vector.load %arg17[%swap3A_1069, %swap3A_1070] : memref<64x96xf32, #tpu.memory_space<vmem>>, vector<1x32xf32>
    tpu.vector_store %arg17[%swap3A_1069, %swap3A_1070], %get3A_1068 {strides = array<i32>} : memref<64x96xf32, #tpu.memory_space<vmem>>, vector<1x32xf32>,
    %get3A_1072 = arith.index_cast %get3A_1065 : i32 to index
    %get3A_1073 = arith.constant 0 : index
    %get3A_1074 = vector.load %arg5[%get3A_1072, %get3A_1073] : memref<10000x32xf32, #tpu.memory_space<vmem>>, vector<1x32xf32>
    %swap3A_1075 = arith.constant 52 : index
    %swap3A_1076 = arith.constant 32 : index
    %swap3A_1077 = vector.load %arg17[%swap3A_1075, %swap3A_1076] : memref<64x96xf32, #tpu.memory_space<vmem>>, vector<1x32xf32>
    tpu.vector_store %arg17[%swap3A_1075, %swap3A_1076], %get3A_1074 {strides = array<i32>} : memref<64x96xf32, #tpu.memory_space<vmem>>, vector<1x32xf32>,
    %get3A_1078 = arith.index_cast %get3A_1065 : i32 to index
    %get3A_1079 = arith.constant 0 : index
    %get3A_1080 = vector.load %arg16[%get3A_1078, %get3A_1079] : memref<10000x32xf32, #tpu.memory_space<vmem>>, vector<1x32xf32>
    %swap3A_1081 = arith.constant 52 : index
    %swap3A_1082 = arith.constant 64 : index
    %swap3A_1083 = vector.load %arg17[%swap3A_1081, %swap3A_1082] : memref<64x96xf32, #tpu.memory_space<vmem>>, vector<1x32xf32>
    tpu.vector_store %arg17[%swap3A_1081, %swap3A_1082], %get3A_1080 {strides = array<i32>} : memref<64x96xf32, #tpu.memory_space<vmem>>, vector<1x32xf32>,
    %get3A_1084 = arith.constant 53 : index
    %get3A_1085 = memref.load %arg6[%get3A_1084] : memref<64xi32, #tpu.memory_space<smem>>
    %get3A_1086 = arith.index_cast %get3A_1085 : i32 to index
    %get3A_1087 = arith.constant 0 : index
    %get3A_1088 = vector.load %arg4[%get3A_1086, %get3A_1087] : memref<10000x32xf32, #tpu.memory_space<vmem>>, vector<1x32xf32>
    %swap3A_1089 = arith.constant 53 : index
    %swap3A_1090 = arith.constant 0 : index
    %swap3A_1091 = vector.load %arg17[%swap3A_1089, %swap3A_1090] : memref<64x96xf32, #tpu.memory_space<vmem>>, vector<1x32xf32>
    tpu.vector_store %arg17[%swap3A_1089, %swap3A_1090], %get3A_1088 {strides = array<i32>} : memref<64x96xf32, #tpu.memory_space<vmem>>, vector<1x32xf32>,
    %get3A_1092 = arith.index_cast %get3A_1085 : i32 to index
    %get3A_1093 = arith.constant 0 : index
    %get3A_1094 = vector.load %arg5[%get3A_1092, %get3A_1093] : memref<10000x32xf32, #tpu.memory_space<vmem>>, vector<1x32xf32>
    %swap3A_1095 = arith.constant 53 : index
    %swap3A_1096 = arith.constant 32 : index
    %swap3A_1097 = vector.load %arg17[%swap3A_1095, %swap3A_1096] : memref<64x96xf32, #tpu.memory_space<vmem>>, vector<1x32xf32>
    tpu.vector_store %arg17[%swap3A_1095, %swap3A_1096], %get3A_1094 {strides = array<i32>} : memref<64x96xf32, #tpu.memory_space<vmem>>, vector<1x32xf32>,
    %get3A_1098 = arith.index_cast %get3A_1085 : i32 to index
    %get3A_1099 = arith.constant 0 : index
    %get3A_1100 = vector.load %arg16[%get3A_1098, %get3A_1099] : memref<10000x32xf32, #tpu.memory_space<vmem>>, vector<1x32xf32>
    %swap3A_1101 = arith.constant 53 : index
    %swap3A_1102 = arith.constant 64 : index
    %swap3A_1103 = vector.load %arg17[%swap3A_1101, %swap3A_1102] : memref<64x96xf32, #tpu.memory_space<vmem>>, vector<1x32xf32>
    tpu.vector_store %arg17[%swap3A_1101, %swap3A_1102], %get3A_1100 {strides = array<i32>} : memref<64x96xf32, #tpu.memory_space<vmem>>, vector<1x32xf32>,
    %get3A_1104 = arith.constant 54 : index
    %get3A_1105 = memref.load %arg6[%get3A_1104] : memref<64xi32, #tpu.memory_space<smem>>
    %get3A_1106 = arith.index_cast %get3A_1105 : i32 to index
    %get3A_1107 = arith.constant 0 : index
    %get3A_1108 = vector.load %arg4[%get3A_1106, %get3A_1107] : memref<10000x32xf32, #tpu.memory_space<vmem>>, vector<1x32xf32>
    %swap3A_1109 = arith.constant 54 : index
    %swap3A_1110 = arith.constant 0 : index
    %swap3A_1111 = vector.load %arg17[%swap3A_1109, %swap3A_1110] : memref<64x96xf32, #tpu.memory_space<vmem>>, vector<1x32xf32>
    tpu.vector_store %arg17[%swap3A_1109, %swap3A_1110], %get3A_1108 {strides = array<i32>} : memref<64x96xf32, #tpu.memory_space<vmem>>, vector<1x32xf32>,
    %get3A_1112 = arith.index_cast %get3A_1105 : i32 to index
    %get3A_1113 = arith.constant 0 : index
    %get3A_1114 = vector.load %arg5[%get3A_1112, %get3A_1113] : memref<10000x32xf32, #tpu.memory_space<vmem>>, vector<1x32xf32>
    %swap3A_1115 = arith.constant 54 : index
    %swap3A_1116 = arith.constant 32 : index
    %swap3A_1117 = vector.load %arg17[%swap3A_1115, %swap3A_1116] : memref<64x96xf32, #tpu.memory_space<vmem>>, vector<1x32xf32>
    tpu.vector_store %arg17[%swap3A_1115, %swap3A_1116], %get3A_1114 {strides = array<i32>} : memref<64x96xf32, #tpu.memory_space<vmem>>, vector<1x32xf32>,
    %get3A_1118 = arith.index_cast %get3A_1105 : i32 to index
    %get3A_1119 = arith.constant 0 : index
    %get3A_1120 = vector.load %arg16[%get3A_1118, %get3A_1119] : memref<10000x32xf32, #tpu.memory_space<vmem>>, vector<1x32xf32>
    %swap3A_1121 = arith.constant 54 : index
    %swap3A_1122 = arith.constant 64 : index
    %swap3A_1123 = vector.load %arg17[%swap3A_1121, %swap3A_1122] : memref<64x96xf32, #tpu.memory_space<vmem>>, vector<1x32xf32>
    tpu.vector_store %arg17[%swap3A_1121, %swap3A_1122], %get3A_1120 {strides = array<i32>} : memref<64x96xf32, #tpu.memory_space<vmem>>, vector<1x32xf32>,
    %get3A_1124 = arith.constant 55 : index
    %get3A_1125 = memref.load %arg6[%get3A_1124] : memref<64xi32, #tpu.memory_space<smem>>
    %get3A_1126 = arith.index_cast %get3A_1125 : i32 to index
    %get3A_1127 = arith.constant 0 : index
    %get3A_1128 = vector.load %arg4[%get3A_1126, %get3A_1127] : memref<10000x32xf32, #tpu.memory_space<vmem>>, vector<1x32xf32>
    %swap3A_1129 = arith.constant 55 : index
    %swap3A_1130 = arith.constant 0 : index
    %swap3A_1131 = vector.load %arg17[%swap3A_1129, %swap3A_1130] : memref<64x96xf32, #tpu.memory_space<vmem>>, vector<1x32xf32>
    tpu.vector_store %arg17[%swap3A_1129, %swap3A_1130], %get3A_1128 {strides = array<i32>} : memref<64x96xf32, #tpu.memory_space<vmem>>, vector<1x32xf32>,
    %get3A_1132 = arith.index_cast %get3A_1125 : i32 to index
    %get3A_1133 = arith.constant 0 : index
    %get3A_1134 = vector.load %arg5[%get3A_1132, %get3A_1133] : memref<10000x32xf32, #tpu.memory_space<vmem>>, vector<1x32xf32>
    %swap3A_1135 = arith.constant 55 : index
    %swap3A_1136 = arith.constant 32 : index
    %swap3A_1137 = vector.load %arg17[%swap3A_1135, %swap3A_1136] : memref<64x96xf32, #tpu.memory_space<vmem>>, vector<1x32xf32>
    tpu.vector_store %arg17[%swap3A_1135, %swap3A_1136], %get3A_1134 {strides = array<i32>} : memref<64x96xf32, #tpu.memory_space<vmem>>, vector<1x32xf32>,
    %get3A_1138 = arith.index_cast %get3A_1125 : i32 to index
    %get3A_1139 = arith.constant 0 : index
    %get3A_1140 = vector.load %arg16[%get3A_1138, %get3A_1139] : memref<10000x32xf32, #tpu.memory_space<vmem>>, vector<1x32xf32>
    %swap3A_1141 = arith.constant 55 : index
    %swap3A_1142 = arith.constant 64 : index
    %swap3A_1143 = vector.load %arg17[%swap3A_1141, %swap3A_1142] : memref<64x96xf32, #tpu.memory_space<vmem>>, vector<1x32xf32>
    tpu.vector_store %arg17[%swap3A_1141, %swap3A_1142], %get3A_1140 {strides = array<i32>} : memref<64x96xf32, #tpu.memory_space<vmem>>, vector<1x32xf32>,
    %get3A_1144 = arith.constant 56 : index
    %get3A_1145 = memref.load %arg6[%get3A_1144] : memref<64xi32, #tpu.memory_space<smem>>
    %get3A_1146 = arith.index_cast %get3A_1145 : i32 to index
    %get3A_1147 = arith.constant 0 : index
    %get3A_1148 = vector.load %arg4[%get3A_1146, %get3A_1147] : memref<10000x32xf32, #tpu.memory_space<vmem>>, vector<1x32xf32>
    %swap3A_1149 = arith.constant 56 : index
    %swap3A_1150 = arith.constant 0 : index
    %swap3A_1151 = vector.load %arg17[%swap3A_1149, %swap3A_1150] : memref<64x96xf32, #tpu.memory_space<vmem>>, vector<1x32xf32>
    tpu.vector_store %arg17[%swap3A_1149, %swap3A_1150], %get3A_1148 {strides = array<i32>} : memref<64x96xf32, #tpu.memory_space<vmem>>, vector<1x32xf32>,
    %get3A_1152 = arith.index_cast %get3A_1145 : i32 to index
    %get3A_1153 = arith.constant 0 : index
    %get3A_1154 = vector.load %arg5[%get3A_1152, %get3A_1153] : memref<10000x32xf32, #tpu.memory_space<vmem>>, vector<1x32xf32>
    %swap3A_1155 = arith.constant 56 : index
    %swap3A_1156 = arith.constant 32 : index
    %swap3A_1157 = vector.load %arg17[%swap3A_1155, %swap3A_1156] : memref<64x96xf32, #tpu.memory_space<vmem>>, vector<1x32xf32>
    tpu.vector_store %arg17[%swap3A_1155, %swap3A_1156], %get3A_1154 {strides = array<i32>} : memref<64x96xf32, #tpu.memory_space<vmem>>, vector<1x32xf32>,
    %get3A_1158 = arith.index_cast %get3A_1145 : i32 to index
    %get3A_1159 = arith.constant 0 : index
    %get3A_1160 = vector.load %arg16[%get3A_1158, %get3A_1159] : memref<10000x32xf32, #tpu.memory_space<vmem>>, vector<1x32xf32>
    %swap3A_1161 = arith.constant 56 : index
    %swap3A_1162 = arith.constant 64 : index
    %swap3A_1163 = vector.load %arg17[%swap3A_1161, %swap3A_1162] : memref<64x96xf32, #tpu.memory_space<vmem>>, vector<1x32xf32>
    tpu.vector_store %arg17[%swap3A_1161, %swap3A_1162], %get3A_1160 {strides = array<i32>} : memref<64x96xf32, #tpu.memory_space<vmem>>, vector<1x32xf32>,
    %get3A_1164 = arith.constant 57 : index
    %get3A_1165 = memref.load %arg6[%get3A_1164] : memref<64xi32, #tpu.memory_space<smem>>
    %get3A_1166 = arith.index_cast %get3A_1165 : i32 to index
    %get3A_1167 = arith.constant 0 : index
    %get3A_1168 = vector.load %arg4[%get3A_1166, %get3A_1167] : memref<10000x32xf32, #tpu.memory_space<vmem>>, vector<1x32xf32>
    %swap3A_1169 = arith.constant 57 : index
    %swap3A_1170 = arith.constant 0 : index
    %swap3A_1171 = vector.load %arg17[%swap3A_1169, %swap3A_1170] : memref<64x96xf32, #tpu.memory_space<vmem>>, vector<1x32xf32>
    tpu.vector_store %arg17[%swap3A_1169, %swap3A_1170], %get3A_1168 {strides = array<i32>} : memref<64x96xf32, #tpu.memory_space<vmem>>, vector<1x32xf32>,
    %get3A_1172 = arith.index_cast %get3A_1165 : i32 to index
    %get3A_1173 = arith.constant 0 : index
    %get3A_1174 = vector.load %arg5[%get3A_1172, %get3A_1173] : memref<10000x32xf32, #tpu.memory_space<vmem>>, vector<1x32xf32>
    %swap3A_1175 = arith.constant 57 : index
    %swap3A_1176 = arith.constant 32 : index
    %swap3A_1177 = vector.load %arg17[%swap3A_1175, %swap3A_1176] : memref<64x96xf32, #tpu.memory_space<vmem>>, vector<1x32xf32>
    tpu.vector_store %arg17[%swap3A_1175, %swap3A_1176], %get3A_1174 {strides = array<i32>} : memref<64x96xf32, #tpu.memory_space<vmem>>, vector<1x32xf32>,
    %get3A_1178 = arith.index_cast %get3A_1165 : i32 to index
    %get3A_1179 = arith.constant 0 : index
    %get3A_1180 = vector.load %arg16[%get3A_1178, %get3A_1179] : memref<10000x32xf32, #tpu.memory_space<vmem>>, vector<1x32xf32>
    %swap3A_1181 = arith.constant 57 : index
    %swap3A_1182 = arith.constant 64 : index
    %swap3A_1183 = vector.load %arg17[%swap3A_1181, %swap3A_1182] : memref<64x96xf32, #tpu.memory_space<vmem>>, vector<1x32xf32>
    tpu.vector_store %arg17[%swap3A_1181, %swap3A_1182], %get3A_1180 {strides = array<i32>} : memref<64x96xf32, #tpu.memory_space<vmem>>, vector<1x32xf32>,
    %get3A_1184 = arith.constant 58 : index
    %get3A_1185 = memref.load %arg6[%get3A_1184] : memref<64xi32, #tpu.memory_space<smem>>
    %get3A_1186 = arith.index_cast %get3A_1185 : i32 to index
    %get3A_1187 = arith.constant 0 : index
    %get3A_1188 = vector.load %arg4[%get3A_1186, %get3A_1187] : memref<10000x32xf32, #tpu.memory_space<vmem>>, vector<1x32xf32>
    %swap3A_1189 = arith.constant 58 : index
    %swap3A_1190 = arith.constant 0 : index
    %swap3A_1191 = vector.load %arg17[%swap3A_1189, %swap3A_1190] : memref<64x96xf32, #tpu.memory_space<vmem>>, vector<1x32xf32>
    tpu.vector_store %arg17[%swap3A_1189, %swap3A_1190], %get3A_1188 {strides = array<i32>} : memref<64x96xf32, #tpu.memory_space<vmem>>, vector<1x32xf32>,
    %get3A_1192 = arith.index_cast %get3A_1185 : i32 to index
    %get3A_1193 = arith.constant 0 : index
    %get3A_1194 = vector.load %arg5[%get3A_1192, %get3A_1193] : memref<10000x32xf32, #tpu.memory_space<vmem>>, vector<1x32xf32>
    %swap3A_1195 = arith.constant 58 : index
    %swap3A_1196 = arith.constant 32 : index
    %swap3A_1197 = vector.load %arg17[%swap3A_1195, %swap3A_1196] : memref<64x96xf32, #tpu.memory_space<vmem>>, vector<1x32xf32>
    tpu.vector_store %arg17[%swap3A_1195, %swap3A_1196], %get3A_1194 {strides = array<i32>} : memref<64x96xf32, #tpu.memory_space<vmem>>, vector<1x32xf32>,
    %get3A_1198 = arith.index_cast %get3A_1185 : i32 to index
    %get3A_1199 = arith.constant 0 : index
    %get3A_1200 = vector.load %arg16[%get3A_1198, %get3A_1199] : memref<10000x32xf32, #tpu.memory_space<vmem>>, vector<1x32xf32>
    %swap3A_1201 = arith.constant 58 : index
    %swap3A_1202 = arith.constant 64 : index
    %swap3A_1203 = vector.load %arg17[%swap3A_1201, %swap3A_1202] : memref<64x96xf32, #tpu.memory_space<vmem>>, vector<1x32xf32>
    tpu.vector_store %arg17[%swap3A_1201, %swap3A_1202], %get3A_1200 {strides = array<i32>} : memref<64x96xf32, #tpu.memory_space<vmem>>, vector<1x32xf32>,
    %get3A_1204 = arith.constant 59 : index
    %get3A_1205 = memref.load %arg6[%get3A_1204] : memref<64xi32, #tpu.memory_space<smem>>
    %get3A_1206 = arith.index_cast %get3A_1205 : i32 to index
    %get3A_1207 = arith.constant 0 : index
    %get3A_1208 = vector.load %arg4[%get3A_1206, %get3A_1207] : memref<10000x32xf32, #tpu.memory_space<vmem>>, vector<1x32xf32>
    %swap3A_1209 = arith.constant 59 : index
    %swap3A_1210 = arith.constant 0 : index
    %swap3A_1211 = vector.load %arg17[%swap3A_1209, %swap3A_1210] : memref<64x96xf32, #tpu.memory_space<vmem>>, vector<1x32xf32>
    tpu.vector_store %arg17[%swap3A_1209, %swap3A_1210], %get3A_1208 {strides = array<i32>} : memref<64x96xf32, #tpu.memory_space<vmem>>, vector<1x32xf32>,
    %get3A_1212 = arith.index_cast %get3A_1205 : i32 to index
    %get3A_1213 = arith.constant 0 : index
    %get3A_1214 = vector.load %arg5[%get3A_1212, %get3A_1213] : memref<10000x32xf32, #tpu.memory_space<vmem>>, vector<1x32xf32>
    %swap3A_1215 = arith.constant 59 : index
    %swap3A_1216 = arith.constant 32 : index
    %swap3A_1217 = vector.load %arg17[%swap3A_1215, %swap3A_1216] : memref<64x96xf32, #tpu.memory_space<vmem>>, vector<1x32xf32>
    tpu.vector_store %arg17[%swap3A_1215, %swap3A_1216], %get3A_1214 {strides = array<i32>} : memref<64x96xf32, #tpu.memory_space<vmem>>, vector<1x32xf32>,
    %get3A_1218 = arith.index_cast %get3A_1205 : i32 to index
    %get3A_1219 = arith.constant 0 : index
    %get3A_1220 = vector.load %arg16[%get3A_1218, %get3A_1219] : memref<10000x32xf32, #tpu.memory_space<vmem>>, vector<1x32xf32>
    %swap3A_1221 = arith.constant 59 : index
    %swap3A_1222 = arith.constant 64 : index
    %swap3A_1223 = vector.load %arg17[%swap3A_1221, %swap3A_1222] : memref<64x96xf32, #tpu.memory_space<vmem>>, vector<1x32xf32>
    tpu.vector_store %arg17[%swap3A_1221, %swap3A_1222], %get3A_1220 {strides = array<i32>} : memref<64x96xf32, #tpu.memory_space<vmem>>, vector<1x32xf32>,
    %get3A_1224 = arith.constant 60 : index
    %get3A_1225 = memref.load %arg6[%get3A_1224] : memref<64xi32, #tpu.memory_space<smem>>
    %get3A_1226 = arith.index_cast %get3A_1225 : i32 to index
    %get3A_1227 = arith.constant 0 : index
    %get3A_1228 = vector.load %arg4[%get3A_1226, %get3A_1227] : memref<10000x32xf32, #tpu.memory_space<vmem>>, vector<1x32xf32>
    %swap3A_1229 = arith.constant 60 : index
    %swap3A_1230 = arith.constant 0 : index
    %swap3A_1231 = vector.load %arg17[%swap3A_1229, %swap3A_1230] : memref<64x96xf32, #tpu.memory_space<vmem>>, vector<1x32xf32>
    tpu.vector_store %arg17[%swap3A_1229, %swap3A_1230], %get3A_1228 {strides = array<i32>} : memref<64x96xf32, #tpu.memory_space<vmem>>, vector<1x32xf32>,
    %get3A_1232 = arith.index_cast %get3A_1225 : i32 to index
    %get3A_1233 = arith.constant 0 : index
    %get3A_1234 = vector.load %arg5[%get3A_1232, %get3A_1233] : memref<10000x32xf32, #tpu.memory_space<vmem>>, vector<1x32xf32>
    %swap3A_1235 = arith.constant 60 : index
    %swap3A_1236 = arith.constant 32 : index
    %swap3A_1237 = vector.load %arg17[%swap3A_1235, %swap3A_1236] : memref<64x96xf32, #tpu.memory_space<vmem>>, vector<1x32xf32>
    tpu.vector_store %arg17[%swap3A_1235, %swap3A_1236], %get3A_1234 {strides = array<i32>} : memref<64x96xf32, #tpu.memory_space<vmem>>, vector<1x32xf32>,
    %get3A_1238 = arith.index_cast %get3A_1225 : i32 to index
    %get3A_1239 = arith.constant 0 : index
    %get3A_1240 = vector.load %arg16[%get3A_1238, %get3A_1239] : memref<10000x32xf32, #tpu.memory_space<vmem>>, vector<1x32xf32>
    %swap3A_1241 = arith.constant 60 : index
    %swap3A_1242 = arith.constant 64 : index
    %swap3A_1243 = vector.load %arg17[%swap3A_1241, %swap3A_1242] : memref<64x96xf32, #tpu.memory_space<vmem>>, vector<1x32xf32>
    tpu.vector_store %arg17[%swap3A_1241, %swap3A_1242], %get3A_1240 {strides = array<i32>} : memref<64x96xf32, #tpu.memory_space<vmem>>, vector<1x32xf32>,
    %get3A_1244 = arith.constant 61 : index
    %get3A_1245 = memref.load %arg6[%get3A_1244] : memref<64xi32, #tpu.memory_space<smem>>
    %get3A_1246 = arith.index_cast %get3A_1245 : i32 to index
    %get3A_1247 = arith.constant 0 : index
    %get3A_1248 = vector.load %arg4[%get3A_1246, %get3A_1247] : memref<10000x32xf32, #tpu.memory_space<vmem>>, vector<1x32xf32>
    %swap3A_1249 = arith.constant 61 : index
    %swap3A_1250 = arith.constant 0 : index
    %swap3A_1251 = vector.load %arg17[%swap3A_1249, %swap3A_1250] : memref<64x96xf32, #tpu.memory_space<vmem>>, vector<1x32xf32>
    tpu.vector_store %arg17[%swap3A_1249, %swap3A_1250], %get3A_1248 {strides = array<i32>} : memref<64x96xf32, #tpu.memory_space<vmem>>, vector<1x32xf32>,
    %get3A_1252 = arith.index_cast %get3A_1245 : i32 to index
    %get3A_1253 = arith.constant 0 : index
    %get3A_1254 = vector.load %arg5[%get3A_1252, %get3A_1253] : memref<10000x32xf32, #tpu.memory_space<vmem>>, vector<1x32xf32>
    %swap3A_1255 = arith.constant 61 : index
    %swap3A_1256 = arith.constant 32 : index
    %swap3A_1257 = vector.load %arg17[%swap3A_1255, %swap3A_1256] : memref<64x96xf32, #tpu.memory_space<vmem>>, vector<1x32xf32>
    tpu.vector_store %arg17[%swap3A_1255, %swap3A_1256], %get3A_1254 {strides = array<i32>} : memref<64x96xf32, #tpu.memory_space<vmem>>, vector<1x32xf32>,
    %get3A_1258 = arith.index_cast %get3A_1245 : i32 to index
    %get3A_1259 = arith.constant 0 : index
    %get3A_1260 = vector.load %arg16[%get3A_1258, %get3A_1259] : memref<10000x32xf32, #tpu.memory_space<vmem>>, vector<1x32xf32>
    %swap3A_1261 = arith.constant 61 : index
    %swap3A_1262 = arith.constant 64 : index
    %swap3A_1263 = vector.load %arg17[%swap3A_1261, %swap3A_1262] : memref<64x96xf32, #tpu.memory_space<vmem>>, vector<1x32xf32>
    tpu.vector_store %arg17[%swap3A_1261, %swap3A_1262], %get3A_1260 {strides = array<i32>} : memref<64x96xf32, #tpu.memory_space<vmem>>, vector<1x32xf32>,
    %get3A_1264 = arith.constant 62 : index
    %get3A_1265 = memref.load %arg6[%get3A_1264] : memref<64xi32, #tpu.memory_space<smem>>
    %get3A_1266 = arith.index_cast %get3A_1265 : i32 to index
    %get3A_1267 = arith.constant 0 : index
    %get3A_1268 = vector.load %arg4[%get3A_1266, %get3A_1267] : memref<10000x32xf32, #tpu.memory_space<vmem>>, vector<1x32xf32>
    %swap3A_1269 = arith.constant 62 : index
    %swap3A_1270 = arith.constant 0 : index
    %swap3A_1271 = vector.load %arg17[%swap3A_1269, %swap3A_1270] : memref<64x96xf32, #tpu.memory_space<vmem>>, vector<1x32xf32>
    tpu.vector_store %arg17[%swap3A_1269, %swap3A_1270], %get3A_1268 {strides = array<i32>} : memref<64x96xf32, #tpu.memory_space<vmem>>, vector<1x32xf32>,
    %get3A_1272 = arith.index_cast %get3A_1265 : i32 to index
    %get3A_1273 = arith.constant 0 : index
    %get3A_1274 = vector.load %arg5[%get3A_1272, %get3A_1273] : memref<10000x32xf32, #tpu.memory_space<vmem>>, vector<1x32xf32>
    %swap3A_1275 = arith.constant 62 : index
    %swap3A_1276 = arith.constant 32 : index
    %swap3A_1277 = vector.load %arg17[%swap3A_1275, %swap3A_1276] : memref<64x96xf32, #tpu.memory_space<vmem>>, vector<1x32xf32>
    tpu.vector_store %arg17[%swap3A_1275, %swap3A_1276], %get3A_1274 {strides = array<i32>} : memref<64x96xf32, #tpu.memory_space<vmem>>, vector<1x32xf32>,
    %get3A_1278 = arith.index_cast %get3A_1265 : i32 to index
    %get3A_1279 = arith.constant 0 : index
    %get3A_1280 = vector.load %arg16[%get3A_1278, %get3A_1279] : memref<10000x32xf32, #tpu.memory_space<vmem>>, vector<1x32xf32>
    %swap3A_1281 = arith.constant 62 : index
    %swap3A_1282 = arith.constant 64 : index
    %swap3A_1283 = vector.load %arg17[%swap3A_1281, %swap3A_1282] : memref<64x96xf32, #tpu.memory_space<vmem>>, vector<1x32xf32>
    tpu.vector_store %arg17[%swap3A_1281, %swap3A_1282], %get3A_1280 {strides = array<i32>} : memref<64x96xf32, #tpu.memory_space<vmem>>, vector<1x32xf32>,
    %get3A_1284 = arith.constant 63 : index
    %get3A_1285 = memref.load %arg6[%get3A_1284] : memref<64xi32, #tpu.memory_space<smem>>
    %get3A_1286 = arith.index_cast %get3A_1285 : i32 to index
    %get3A_1287 = arith.constant 0 : index
    %get3A_1288 = vector.load %arg4[%get3A_1286, %get3A_1287] : memref<10000x32xf32, #tpu.memory_space<vmem>>, vector<1x32xf32>
    %swap3A_1289 = arith.constant 63 : index
    %swap3A_1290 = arith.constant 0 : index
    %swap3A_1291 = vector.load %arg17[%swap3A_1289, %swap3A_1290] : memref<64x96xf32, #tpu.memory_space<vmem>>, vector<1x32xf32>
    tpu.vector_store %arg17[%swap3A_1289, %swap3A_1290], %get3A_1288 {strides = array<i32>} : memref<64x96xf32, #tpu.memory_space<vmem>>, vector<1x32xf32>,
    %get3A_1292 = arith.index_cast %get3A_1285 : i32 to index
    %get3A_1293 = arith.constant 0 : index
    %get3A_1294 = vector.load %arg5[%get3A_1292, %get3A_1293] : memref<10000x32xf32, #tpu.memory_space<vmem>>, vector<1x32xf32>
    %swap3A_1295 = arith.constant 63 : index
    %swap3A_1296 = arith.constant 32 : index
    %swap3A_1297 = vector.load %arg17[%swap3A_1295, %swap3A_1296] : memref<64x96xf32, #tpu.memory_space<vmem>>, vector<1x32xf32>
    tpu.vector_store %arg17[%swap3A_1295, %swap3A_1296], %get3A_1294 {strides = array<i32>} : memref<64x96xf32, #tpu.memory_space<vmem>>, vector<1x32xf32>,
    %get3A_1298 = arith.index_cast %get3A_1285 : i32 to index
    %get3A_1299 = arith.constant 0 : index
    %get3A_1300 = vector.load %arg16[%get3A_1298, %get3A_1299] : memref<10000x32xf32, #tpu.memory_space<vmem>>, vector<1x32xf32>
    %swap3A_1301 = arith.constant 63 : index
    %swap3A_1302 = arith.constant 64 : index
    %swap3A_1303 = vector.load %arg17[%swap3A_1301, %swap3A_1302] : memref<64x96xf32, #tpu.memory_space<vmem>>, vector<1x32xf32>
    tpu.vector_store %arg17[%swap3A_1301, %swap3A_1302], %get3A_1300 {strides = array<i32>} : memref<64x96xf32, #tpu.memory_space<vmem>>, vector<1x32xf32>,
    %get3A_1304 = arith.constant 0 : index
    %get3A_1305 = arith.constant 0 : index
    %get3A_1306 = vector.load %arg17[%get3A_1304, %get3A_1305] : memref<64x96xf32, #tpu.memory_space<vmem>>, vector<64x96xf32>
    %get3A_1307 = arith.constant 0 : index
    %get3A_1308 = arith.constant 0 : index
    %get3A_1309 = vector.load %arg8[%get3A_1307, %get3A_1308] : memref<96x512xf32, #tpu.memory_space<vmem>>, vector<96x512xf32>
    %dot_general3A = arith.constant dense<0.000000e+00> : vector<64x512xf32>
    %dot_general3A_1310 = tpu.matmul %get3A_1306, %get3A_1309, %dot_general3A {dimension_numbers = #tpu.dot_dimension_numbers<[1], [0], [0], [1], [0, 0, 1, 1], [], []>, transpose_lhs_hint = false} : vector<64x96xf32>, vector<96x512xf32>, vector<64x512xf32> -> vector<64x512xf32>
    %get3A_1311 = arith.constant 0 : index
    %get3A_1312 = arith.constant 0 : index
    %get3A_1313 = vector.load %arg9[%get3A_1311, %get3A_1312] : memref<1x512xf32, #tpu.memory_space<vmem>>, vector<1x512xf32>
    %add3A_1314 = vector.broadcast %get3A_1313 : vector<1x512xf32> to vector<64x512xf32>
    %add3A_1315 = arith.addf %dot_general3A_1310, %add3A_1314 : vector<64x512xf32>
    %swap3A_1316 = arith.constant 0 : index
    %swap3A_1317 = arith.constant 0 : index
    %swap3A_1318 = vector.load %arg15[%swap3A_1316, %swap3A_1317] : memref<64x512xf32, #tpu.memory_space<vmem>>, vector<64x512xf32>
    tpu.vector_store %arg15[%swap3A_1316, %swap3A_1317], %add3A_1315 {strides = array<i32>} : memref<64x512xf32, #tpu.memory_space<vmem>>, vector<64x512xf32>,
    %max3A = arith.constant 0.000000e+00 : f32
    %max3A_1319 = vector.broadcast %max3A : f32 to vector<64x512xf32>
    %max3A_1320 = arith.maximumf %add3A_1315, %max3A_1319 : vector<64x512xf32>
    %get3A_1321 = arith.constant 0 : index
    %get3A_1322 = arith.constant 0 : index
    %get3A_1323 = vector.load %arg10[%get3A_1321, %get3A_1322] : memref<512x2xf32, #tpu.memory_space<vmem>>, vector<512x2xf32>
    %dot_general3A_1324 = arith.constant dense<0.000000e+00> : vector<64x2xf32>
    %dot_general3A_1325 = tpu.matmul %max3A_1320, %get3A_1323, %dot_general3A_1324 {dimension_numbers = #tpu.dot_dimension_numbers<[1], [0], [0], [1], [0, 0, 1, 1], [], []>, transpose_lhs_hint = false} : vector<64x512xf32>, vector<512x2xf32>, vector<64x2xf32> -> vector<64x2xf32>
    %get3A_1326 = arith.constant 0 : index
    %get3A_1327 = arith.constant 0 : index
    %get3A_1328 = vector.load %arg11[%get3A_1326, %get3A_1327] : memref<1x2xf32, #tpu.memory_space<vmem>>, vector<1x2xf32>
    %add3A_1329 = vector.broadcast %get3A_1328 : vector<1x2xf32> to vector<64x2xf32>
    %add3A_1330 = arith.addf %dot_general3A_1325, %add3A_1329 : vector<64x2xf32>
    %slice3A = vector.extract_strided_slice %add3A_1330 {offsets = [0, 0], sizes = [64, 1], strides = [1, 1]} : vector<64x2xf32> to vector<64x1xf32>
    %slice3A_1331 = vector.extract_strided_slice %add3A_1330 {offsets = [0, 1], sizes = [64, 1], strides = [1, 1]} : vector<64x2xf32> to vector<64x1xf32>
    %max3A_1332 = arith.maximumf %slice3A, %slice3A_1331 : vector<64x1xf32>
    %sub3A = arith.subf %slice3A, %max3A_1332 : vector<64x1xf32>
    %exp3A = math.exp %sub3A : vector<64x1xf32>
    %sub3A_1333 = arith.subf %slice3A_1331, %max3A_1332 : vector<64x1xf32>
    %exp3A_1334 = math.exp %sub3A_1333 : vector<64x1xf32>
    %add3A_1335 = arith.addf %exp3A, %exp3A_1334 : vector<64x1xf32>
    %log3A = math.log %add3A_1335 : vector<64x1xf32>
    %add3A_1336 = arith.addf %max3A_1332, %log3A : vector<64x1xf32>
    %sub3A_1337 = vector.broadcast %add3A_1336 : vector<64x1xf32> to vector<64x2xf32>
    %sub3A_1338 = arith.subf %add3A_1330, %sub3A_1337 : vector<64x2xf32>
    %swap3A_1339 = arith.constant 0 : index
    %swap3A_1340 = arith.constant 0 : index
    %swap3A_1341 = vector.load %arg12[%swap3A_1339, %swap3A_1340] : memref<64x2xf32, #tpu.memory_space<vmem>>, vector<64x2xf32>
    tpu.vector_store %arg12[%swap3A_1339, %swap3A_1340], %sub3A_1338 {strides = array<i32>} : memref<64x2xf32, #tpu.memory_space<vmem>>, vector<64x2xf32>,
    %get3A_1342 = arith.constant 0 : index
    %get3A_1343 = arith.constant 0 : index
    %get3A_1344 = vector.load %arg7[%get3A_1342, %get3A_1343] : memref<64x1xi32, #tpu.memory_space<vmem>>, vector<64x1xi32>
    %eq3A = arith.constant 1 : i32
    %eq3A_1345 = vector.broadcast %eq3A : i32 to vector<64x1xi32>
    %eq3A_1346 = arith.cmpi eq, %get3A_1344, %eq3A_1345 : vector<64x1xi32>
    %select_n3A = arith.select %eq3A_1346, %slice3A_1331, %slice3A : vector<64x1xi1>, vector<64x1xf32>
    %sub3A_1347 = arith.subf %select_n3A, %add3A_1336 : vector<64x1xf32>
    %reduce_sum3A = arith.constant dense<0.000000e+00> : vector<1xf32>
    %reduce_sum3A_1348 = vector.multi_reduction <add>, %sub3A_1347, %reduce_sum3A [0] : vector<64x1xf32> to vector<1xf32>
    %broadcast_in_dim3A = vector.shape_cast %reduce_sum3A_1348 : vector<1xf32> to vector<1x1xf32>
    %neg3A = arith.constant 0.000000e+00 : f32
    %neg3A_1349 = vector.broadcast %neg3A : f32 to vector<1x1xf32>
    %neg3A_1350 = arith.subf %neg3A_1349, %broadcast_in_dim3A : vector<1x1xf32>
    %div3A = arith.constant 6.400000e+01 : f32
    %div3A_1351 = vector.broadcast %div3A : f32 to vector<1x1xf32>
    %div3A_1352 = arith.divf %neg3A_1350, %div3A_1351 : vector<1x1xf32>
    %swap3A_1353 = arith.constant 0 : index
    %swap3A_1354 = arith.constant 0 : index
    %swap3A_1355 = vector.load %arg13[%swap3A_1353, %swap3A_1354] : memref<1x1xf32, #tpu.memory_space<vmem>>, vector<1x1xf32>
    tpu.vector_store %arg13[%swap3A_1353, %swap3A_1354], %div3A_1352 {strides = array<i32>} : memref<1x1xf32, #tpu.memory_space<vmem>>, vector<1x1xf32>,
    %gt3A = arith.cmpf ogt, %slice3A_1331, %slice3A : vector<64x1xf32>
    %eq3A_1356 = arith.xori %gt3A, %eq3A_1346 : vector<64x1xi1>
    %eq3A_1357 = arith.constant dense<true> : vector<64x1xi1>
    %eq3A_1358 = arith.xori %eq3A_1356, %eq3A_1357 : vector<64x1xi1>
    %convert_element_type3A = arith.extui %eq3A_1358 : vector<64x1xi1> to vector<64x1xi32>
    %convert_element_type3A_1359 = arith.sitofp %convert_element_type3A : vector<64x1xi32> to vector<64x1xf32>
    %reduce_sum3A_1360 = arith.constant dense<0.000000e+00> : vector<1xf32>
    %reduce_sum3A_1361 = vector.multi_reduction <add>, %convert_element_type3A_1359, %reduce_sum3A_1360 [0] : vector<64x1xf32> to vector<1xf32>
    %broadcast_in_dim3A_1362 = vector.shape_cast %reduce_sum3A_1361 : vector<1xf32> to vector<1x1xf32>
    %div3A_1363 = arith.constant 6.400000e+01 : f32
    %div3A_1364 = vector.broadcast %div3A_1363 : f32 to vector<1x1xf32>
    %div3A_1365 = arith.divf %broadcast_in_dim3A_1362, %div3A_1364 : vector<1x1xf32>
    %swap3A_1366 = arith.constant 0 : index
    %swap3A_1367 = arith.constant 0 : index
    %swap3A_1368 = vector.load %arg14[%swap3A_1366, %swap3A_1367] : memref<1x1xf32, #tpu.memory_space<vmem>>, vector<1x1xf32>
    tpu.vector_store %arg14[%swap3A_1366, %swap3A_1367], %div3A_1365 {strides = array<i32>} : memref<1x1xf32, #tpu.memory_space<vmem>>, vector<1x1xf32>,
    return
  }
}

</mosaic_0001>

<sc_bundles>
// kernel: kernel.10.cloned.1.call-start
scs
__scs_entry_jumppad:
0x0: {  	(pc) =	sbr.rel $0x88, $3  }
0x1: {  	(tag) =	ssettag $0x0;
	lr =	simm.s32 $0x1  }
0x2: {  	[smem:$0x3F93] =	sst lr;
	_ =	strace $0xD0000000  }
0x3: {  	_ = 	snop  }
0x4: {  	_ = 	snop  }
0x5: {  	_ = 	snop  }
0x6: {  	_ = 	snop  }
0x7: {  	_ = 	snop  }
__scs_overlays_trampoline_lowered:
0x8: {  	[smem:$0x3FA2] =	sst s0  }
0x9: {  	[smem:$0x3FA3] =	sst s1  }
0xa: {  	[smem:$0x3FA4] =	sst s2  }
0xb: {  	[smem:$0x3FA5] =	sst s3  }
0xc: {  	[smem:$0x3FA6] =	sst s4  }
0xd: {  	[smem:$0x3FA7] =	sst s5  }
0xe: {  	[smem:$0x3FA8] =	sst s6  }
0xf: {  	[smem:$0x3FA9] =	sst s7  }
0x10: {  	[smem:$0x3FAA] =	sst s8  }
0x11: {  	[smem:$0x3FAB] =	sst s9;
	s0 =	simm.s32 @!p0 $0x0  }
0x12: {  	s1 =	sld [smem:$0x3F91];
	s0 =	simm.s32 @p0 $0x1  }
0x13: {  	[smem:$0x3FAC] =	sst s0;
	s0 =	simm.s32 @!p1 $0x0  }
0x14: {  	s2 =	sld [smem:$0x3F90];
	s0 =	simm.s32 @p1 $0x1  }
0x15: {  	[smem:$0x3FAD] =	sst s0;
	s0 =	simm.s32 @!p2 $0x0  }
0x16: {  	s3 =	sld [smem:$0x3FDB];
	s0 =	simm.s32 @p2 $0x1  }
0x17: {  	s4 =	simm.s32 $0x1BF5;
	[smem:$0x3FAF] =	sst s0  }
0x18: {  	s0 =	sld [smem:$0x3F92];
	_ =	swait.ge [sflag:s4], $0x0  }
0x19: {  	s7 =	sld [smem:$0x3F93]  }
0x1a: {  	s8 =	sadd.s32 $0xFFFFE003, lr  }
0x1b: {  	s9 =	sadd.s32 $0xFFFFFEF7, lr;
	s5 =	simm.s32 $0xFFFFFFFF;
	p2 =	slt.u32 s8, $0xFFFFF086  }
0x1c: {  	p1 =	slt.u32 s9, $0xF7A;
	s5 =	simm.s32 @!p2 $0x0  }
0x1d: {  	s5 =	simm.s32 @p1 $0x1;
	p0 =	seq.s32 s7, s2  }
0x1e: {  	s7 =	smul.u32 @!p0 $0xF7A, s2;
	p2 =	seq.s32 @!p0 s5, $0x0  }
0x1f: {  	s9 =	smul.u32 $0xF7A, s1;
	s8 =	simm.s32 @!p0 $0x1BF5;
	p2 =	por !p2, p0  }
0x20: {  	[sflag:s8] =	ssyncset.s32 @!p0 $0xFFFFF086;
	s6 =	sadd.s32 @!p0 s3, s7;
	s7 =	simm.s32 @!p0 $0x108  }
0x21: {  	s3 =	sadd.s32 s3, s9;
	s6 =	sadd.s32 @!p0 $0x88, s6;
	s7 =	simm.s32 @p2 $0x1082  }
0x22: {  	[simem:s7], [sflag:s8] =	dma.local @!p0 [hbm:s6], $0xF7A  }
0x23: {  	s9 =	sor.u32 $0xD0000000, s2;
	s6 =	simm.s32 $0x108;
	_ =	swait.ge @!p0 [sflag:s8], $0x0  }
0x24: {  	s3 =	sadd.s32 $0x88, s3;
	s6 =	simm.s32 @!p1 $0x1082;
	[sflag:s4] =	ssyncset.s32 $0xFFFFF086  }
0x25: {  	[simem:s6], [sflag:s4] =	dma.local [hbm:s3], $0xF7A  }
0x26: {  	[smem:$0x3F93] =	sst s1;
	(tag) =	ssettag s2;
	_ =	strace s9  }
0x27: {  	s1 =	sld [smem:$0x3FA3]  }
0x28: {  	s2 =	sld [smem:$0x3FA4]  }
0x29: {  	s4 =	sld [smem:$0x3FA6]  }
0x2a: {  	p0 =	seq.s32 s5, $0x0;
	s5 =	sld [smem:$0x3FA7]  }
0x2b: {  	s6 =	sld [smem:$0x3FA8]  }
0x2c: {  	s7 =	sld [smem:$0x3FA9]  }
0x2d: {  	s3 =	simm.s32 $0x108;
	s8 =	sld [smem:$0x3FAA]  }
0x2e: {  	s3 =	simm.s32 @!p0 $0x1082;
	s9 =	sld [smem:$0x3FAB]  }
0x2f: {  	lr =	sadd.s32 s0, s3;
	s0 =	sld [smem:$0x3FA2]  }
0x30: {  	s3 =	sld [smem:$0x3FA5]  }
0x31: {  	[smem:$0x3FAE] =	sst s10  }
0x32: {  	s10 =	sld [smem:$0x3FAC];
	_ =	sdelay $0x3  }
0x33: {  	p0 =	seq.s32 s10, $0x1;
	s10 =	sld [smem:$0x3FAE];
	_ =	sdelay $0x3  }
0x34: {  	[smem:$0x3FAE] =	sst s10  }
0x35: {  	s10 =	sld [smem:$0x3FAD];
	_ =	sdelay $0x3  }
0x36: {  	p1 =	seq.s32 s10, $0x1;
	s10 =	sld [smem:$0x3FAE];
	_ =	sdelay $0x3  }
0x37: {  	[smem:$0x3FAE] =	sst s10  }
0x38: {  	s10 =	sld [smem:$0x3FAF]  }
0x39: {  	_ = 	snop;
	(pc) =	sbr.ind lr, $3  }
0x3a: {  	_ = 	snop  }
0x3b: {  	_ = 	snop  }
0x3c: {  	p2 =	seq.s32 s10, $0x1;
	s10 =	sld [smem:$0x3FAE]  }
0x3d: {  	_ =	shalt  }
0x3e: {  	_ =	shalt  }
0x3f: {  	_ =	shalt  }
0x40: {  	_ =	shalt  }
0x41: {  	_ =	shalt  }
0x42: {  	_ =	shalt  }
0x43: {  	_ =	shalt  }
0x44: {  	_ =	shalt  }
0x45: {  	_ =	shalt  }
0x46: {  	_ =	shalt  }
0x47: {  	_ =	shalt  }
0x48: {  	_ =	shalt  }
0x49: {  	_ =	shalt  }
0x4a: {  	_ =	shalt  }
0x4b: {  	_ =	shalt  }
0x4c: {  	_ =	shalt  }
0x4d: {  	_ =	shalt  }
0x4e: {  	_ =	shalt  }
0x4f: {  	_ =	shalt  }
0x50: {  	_ =	shalt  }
0x51: {  	_ =	shalt  }
0x52: {  	_ =	shalt  }
0x53: {  	_ =	shalt  }
0x54: {  	_ =	shalt  }
0x55: {  	_ =	shalt  }
0x56: {  	_ =	shalt  }
0x57: {  	_ =	shalt  }
0x58: {  	_ =	shalt  }
0x59: {  	_ =	shalt  }
0x5a: {  	_ =	shalt  }
0x5b: {  	_ =	shalt  }
0x5c: {  	_ =	shalt  }
0x5d: {  	_ =	shalt  }
0x5e: {  	_ =	shalt  }
0x5f: {  	_ =	shalt  }
0x60: {  	_ =	shalt  }
0x61: {  	_ =	shalt  }
0x62: {  	_ =	shalt  }
0x63: {  	_ =	shalt  }
0x64: {  	_ =	shalt  }
0x65: {  	_ =	shalt  }
0x66: {  	_ =	shalt  }
0x67: {  	_ =	shalt  }
0x68: {  	_ =	shalt  }
0x69: {  	_ =	shalt  }
0x6a: {  	_ =	shalt  }
0x6b: {  	_ =	shalt  }
0x6c: {  	_ =	shalt  }
0x6d: {  	_ =	shalt  }
0x6e: {  	_ =	shalt  }
0x6f: {  	_ =	shalt  }
0x70: {  	_ =	shalt  }
0x71: {  	_ =	shalt  }
0x72: {  	_ =	shalt  }
0x73: {  	_ =	shalt  }
0x74: {  	_ =	shalt  }
0x75: {  	_ =	shalt  }
0x76: {  	_ =	shalt  }
0x77: {  	_ =	shalt  }
0x78: {  	_ =	shalt  }
0x79: {  	_ =	shalt  }
0x7a: {  	_ =	shalt  }
0x7b: {  	_ =	shalt  }
0x7c: {  	_ =	shalt  }
0x7d: {  	_ =	shalt  }
0x7e: {  	_ =	shalt  }
0x7f: {  	_ =	shalt  }
0x80: {  	_ =	shalt  }
0x81: {  	_ =	shalt  }
0x82: {  	_ =	shalt  }
0x83: {  	_ =	shalt  }
0x84: {  	_ =	shalt  }
0x85: {  	_ =	shalt  }
0x86: {  	_ =	shalt  }
0x87: {  	_ =	shalt  }
.Lfunc_end0:
.L_simem_size_0:
called_computation.1_lowered:
.L_overlay_start_0:
0x88: {  	s2 =	sld [smem:$0x3FD9]  }
0x89: {  	s3 =	sld [smem:$0x3FFE];
	_ =	sdelay $0x1  }
0x8a: {  	s1 =	srdreg.scid  }
0x8b: {  	s0 =	sand.u32 $0x1, s1  }
0x8c: {  	s16 =	sshll.u32 s0, $0xA;
	s2 =	sadd.s32 s3, s2  }
0x8d: {  	s2 =	sadd.s32 s2, s16  }
0x8e: {  	[smem:$0x3FBA] =	sst s2  }
0x8f: {  	_ = 	snop  }
0x90: {  	(tm) =	ssettm $0x1  }
0x91: {  	s17 =	sld [smem:$0x3FFB];
	_ =	sdelay $0x3  }
0x92: {  	_ =	strace s17  }
0x93: {  	s2 =	sld [smem:$0x3FFC];
	_ =	sdelay $0x3  }
0x94: {  	_ =	strace s2  }
0x95: {  	s2 =	sld [smem:$0x3FFD];
	_ =	sdelay $0x3  }
0x96: {  	_ =	strace s2  }
0x97: {  	_ =	strace $0x8FFFFFFF  }
0x98: {  	s18 =	sld [smem:$0x3FDB];
	_ =	sdelay $0x1  }
0x99: {  	s19 =	simm.s32 $_scs_section_size  }
0x9a: {  	s4 =	simm.s32 $_size__tile_overlayer_lowered;
	s5 =	simm.s32 $_tile_overlayer_lowered  }
0x9b: {  	s22 =	simm.s32 $0x1BFF;
	s21 =	sshll.u32 s5, $0x1;
	s2 =	sadd.s32 s19, s18  }
0x9c: {  	s6 =	simm.s32 $0x0;
	s20 =	sshll.u32 s4, $0x1;
	s4 =	sadd.s32 s21, s2  }
0x9d: {  	[timem:s6], [sflag:s22] =	dma.local [hbm:s4], s20  }
0x9e: {  	_ =	swait.ge [sflag:s22], s20  }
0x9f: {  	s3 =	ssub.s32 $0x0, s20;
	[sflag:s22] =	ssyncset.done $0x0  }
0xa0: {  	[sflag:s22] =	ssyncadd.s32 s3;
	_ =	sdelay $0x1  }
0xa1: {  	s23 =	simm.s32 $0x1B8B  }
0xa2: {  	_ =	swait.ge [sflag:s23], $0x1  }
0xa3: {  	[sflag:s23] =	ssyncset.done $0x0  }
0xa4: {  	s25 =	simm.s32 $0x1B8E;
	s24 =	sld [smem:$0x3FFE];
	[sflag:s23] =	ssyncadd.s32 $0xFFFFFFFF  }
0xa5: {  	s26 =	simm.s32 $execute0_lowered;
	[smem:$0x3FD2] =	sst s25  }
0xa6: {  	s4 =	sshll.u32 s26, $0x1;
	_ =	strace $0x80000046;
	[dreg:$0x1] =	wrdreg $0xFFFFFFFF  }
0xa7: {  	s28 =	simm.s32 $_size_execute0_lowered;
	s2 =	sadd.s32 s2, s4;
	[dreg:$0x0] =	wrdreg $0x0  }
0xa8: {  	s4 =	sshll.u32 s28, $0x1;
	[dreg:$0x2] =	wrdreg s2  }
0xa9: {  	[dreg:$0x3] =	wrdreg s4  }
0xaa: {  	[dreg:$0x4] =	wrdreg $0xC0  }
0xab: {  	_ =	task [dreg:s6], $0x5FFFF  }
0xac: {  	[dreg:$0x1] =	wrdreg $0xFFFFFFFF  }
0xad: {  	[dreg:$0x0] =	wrdreg $0x60  }
0xae: {  	[dreg:$0x2] =	wrdreg s24  }
0xaf: {  	[dreg:$0x3] =	wrdreg $0x9  }
0xb0: {  	_ =	task.clear_ibuf [dreg:s6], $0x4FFFF;
	_ =	strace $0x90000046  }
0xb1: {  	s29 =	simm.s32 $0x9;
	_ =	strace $0x80000048  }
0xb2: {  	_ =	swait.ge [sflag:s29], $0x1  }
0xb3: {  	[sflag:s29] =	ssyncadd.s32 $0xFFFFFFFF  }
0xb4: {  	_ =	strace $0x90000048  }
0xb5: {  	_ =	sfence  }
0xb6: {  	s30 =	sld [smem:$0x0];
	_ =	sdelay $0x2  }
0xb7: {  	s31 =	sshll.u32 s1, $0xD;
	s1 =	sshrl.u32 s1, $0x2  }
0xb8: {  	s3 =	sand.u32 $0x4000, s31;
	s1 =	sadd.s32 s1, s30  }
0xb9: {  	s0 =	sor.u32 s3, s0;
	s1 =	sshll.u32 s1, $0x11  }
0xba: {  	s0 =	sor.u32 s1, s0  }
0xbb: {  	s0 =	sadd.s32 $0x8F2B, s0  }
0xbc: {  	[sflag:s0] =	ssyncadd.remote.s32 $0x1  }
0xbd: {  	_ =	sfence.sel $0xFFFF  }
0xbe: {  	[dreg:$0x0] =	wrdreg $0xFFFFFFFF;
	(pc) =	sbr.abs _section_cstart, $3  }
0xbf: {  	[dreg:$0x1] =	wrdreg $0xFFFFFFFF  }
0xc0: {  	_ =	task.clear_ibuf [dreg:s6], $0x2FFFF;
	_ =	strace $0x9FFFFFFF  }
0xc1: {  	(tm) =	ssettm $0x7FFFFFFF  }
tec
execute0_lowered:
.L_overlay_start_1:
0x0: {  	(tag) =	ssettag $0x1  }
0x1: {  	s0 =	srdreg.scid  }
0x2: {  	s4 =	rddreg [dreg:$0x0];
	s3 =	sand.u32 $0x1, s0  }
0x3: {  	s1 =	stileid.u32;
	s7 =	simm.s32 $0x2800;
	s2 =	sshll.u32 s3, $0x4  }
0x4: {  	s0 =	rddreg [dreg:$0x1];
	s3 =	ssub.s32 $0x2, s3;
	s5 =	sor.u32 s1, s2  }
0x5: {  	s2 =	simm.s32 $0x0;
	s6 =	sshrl.u32 s3, $0x1;
	s5 =	smul.u32 $0x500, s5  }
0x6: {  	s8 =	simm.s32 $0x0;
	[smem:$0x7FF] =	sst s2;
	s31 =	ssub.s32 s3, s6  }
0x7: {  	s6 =	simm.s32 $0x1;
	_ =	strace $0x80000047;
	s4 =	sadd.s32 s5, s4  }
0x8: {  	v0 =	vimm.f32 $0.0e+00;
	v1 =	vimm.f32 $1.000000000e+00;
	s5 =	smax.u32 s31, $0x1;
	s3 =	sadd.s32 $0xA00, s4;
	s4 =	sadd.s32 $0xAA00, s4  }
.LBB2_1:
0x9: {  	s9 =	simm.s32 $0x40;
	s10 =	simm.s32 $0x0  }
.LBB2_2:
0xa: {  	p0 =	sne.s32 s9, $0x9FC0;
	[tilespmem:s10+$0x2800] =	vst v0;
	s10 =	smov.u32 s9;
	s9 =	sadd.s32 $0x40, s9  }
.Ltmp0:
0xb: {  	(pc) =	sbr.rel @p0 .LBB2_2-.Ltmp0, $2  }
0xc: {  	_ =	sdelay $0x2  }
0xd: {  	s10 =	sshra.s32 s10, $0x2  }
0xe: {  	[tilespmem:s10+$0x2800] =	vst v0;
	s9 =	simm.s32 $0x0  }
0xf: {  	[tilespmem:s9], [sflag:$0x1] =	stream.linear.gather [hbm4b:s3+s9], $0x2800, $0x38;
	[tilespmem:$0x5000] =	vst v63  }
0x10: {  	_ =	swait.ge [sflag:s6], $0x2800  }
0x11: {  	[sflag:s6] =	ssyncset.done $0x0  }
0x12: {  	s10 =	simm.s32 $0x0;
	s9 =	simm.s32 $0x40;
	[sflag:s6] =	ssyncadd.s32 $0xFFFFD800  }
.LBB2_4:
0x13: {  	p0 =	sne.s32 s9, $0x9FC0;
	v2 =	vld [tilespmem:s10+$0x0];
	_ =	sdelay $0x3  }
.Ltmp1:
0x14: {  	(pc) =	sbr.rel @p0 .LBB2_4-.Ltmp1, $2  }
0x15: {  	_ =	sdelay $0x2  }
0x16: {  	s10 =	sshra.s32 s9, $0x2;
	s9 =	sadd.s32 $0x40, s9;
	[tilespmem:v2+s7+$0x0] =	vst.idx.add.f32.msk $0xffff, v1  }
0x17: {  	v2 =	vld [tilespmem:s10+$0x0];
	_ =	sdelay $0x5  }
0x18: {  	s8 =	sadd.s32 $0x1, s8  }
0x19: {  	p0 =	sne.s32 s8, s5  }
.Ltmp2:
0x1a: {  	[tilespmem:v2+s7+$0x0] =	vst.idx.add.f32.msk $0xffff, v1;
	(pc) =	sbr.rel @p0 .LBB2_1-.Ltmp2, $4  }
0x1b: {  	[hbm4b:s4+s2] =	stream.linear.scatter [tilespmem:s7], [sflag:$0x1], $0x2800, $0x38;
	[tilespmem:$0x5000] =	vst v63  }
0x1c: {  	_ =	swait.ge [sflag:s6], $0x2800  }
0x1d: {  	[sflag:s6] =	ssyncset.done $0x0  }
0x1e: {  	[sflag:s6] =	ssyncadd.s32 $0xFFFFD800  }
0x1f: {  	_ =	sfence.sel $0x180000  }
0x20: {  	[bflag:$0x0] =	sbarrier.arrive $0xFFFF  }
0x21: {  	p0 =	sne.s32 s1, $0x0;
	_ =	strace $0x90000047  }
0x22: {  	s0 =	sadd.s32 @!p0 $0x100000, s0;
	[bflag:$0x2] =	sbarrier.arrive $0xFFFF  }
0x23: {  	[sflag:s0] =	ssyncadd.tile.s32 @!p0 $0x1;
	_ =	shalt  }
.Lfunc_end2:
_tile_overlayer_lowered:
.L_overlay_start_2:
0x24: {  	(tag) =	ssettag $0x2  }
0x25: {  	s0 =	rddreg [dreg:$0x0];
	s2 =	stileid.u32  }
0x26: {  	s1 =	rddreg [dreg:$0x1];
	p0 =	sne.s32 s2, $0x0  }
0x27: {  	s3 =	rddreg [dreg:$0x2];
	[bflag:$0x3] =	sbarrier.arrive $0xFFFF;
	s2 =	simm.s32 @!p0 $0x1C01  }
0x28: {  	[timem:s3], [sflag:s2] =	dma.local @!p0 [hbm:s0], s1  }
0x29: {  	s0 =	simm.s32 @!p0 $0x1  }
0x2a: {  	_ =	swait.ge @!p0 [sflag:s0], s1  }
0x2b: {  	s1 =	ssub.s32 @!p0 $0x0, s1;
	[sflag:s0] =	ssyncset.done @!p0 $0x0  }
0x2c: {  	[sflag:s0] =	ssyncadd.s32 @!p0 s1  }
0x2d: {  	[bflag:$0x3] =	sbarrier.arrive $0xFFFF  }
0x2e: {  	_ =	shalt  }

// kernel: kernel.13.cloned.1.call-start
scs
__scs_entry_jumppad:
0x0: {  	(pc) =	sbr.rel $0x88, $3  }
0x1: {  	(tag) =	ssettag $0x0;
	lr =	simm.s32 $0x1  }
0x2: {  	[smem:$0x3F93] =	sst lr;
	_ =	strace $0xD0000000  }
0x3: {  	_ = 	snop  }
0x4: {  	_ = 	snop  }
0x5: {  	_ = 	snop  }
0x6: {  	_ = 	snop  }
0x7: {  	_ = 	snop  }
__scs_overlays_trampoline_lowered:
0x8: {  	[smem:$0x3FA2] =	sst s0  }
0x9: {  	[smem:$0x3FA3] =	sst s1  }
0xa: {  	[smem:$0x3FA4] =	sst s2  }
0xb: {  	[smem:$0x3FA5] =	sst s3  }
0xc: {  	[smem:$0x3FA6] =	sst s4  }
0xd: {  	[smem:$0x3FA7] =	sst s5  }
0xe: {  	[smem:$0x3FA8] =	sst s6  }
0xf: {  	[smem:$0x3FA9] =	sst s7  }
0x10: {  	[smem:$0x3FAA] =	sst s8  }
0x11: {  	[smem:$0x3FAB] =	sst s9;
	s0 =	simm.s32 @!p0 $0x0  }
0x12: {  	s1 =	sld [smem:$0x3F91];
	s0 =	simm.s32 @p0 $0x1  }
0x13: {  	[smem:$0x3FAC] =	sst s0;
	s0 =	simm.s32 @!p1 $0x0  }
0x14: {  	s2 =	sld [smem:$0x3F90];
	s0 =	simm.s32 @p1 $0x1  }
0x15: {  	[smem:$0x3FAD] =	sst s0;
	s0 =	simm.s32 @!p2 $0x0  }
0x16: {  	s3 =	sld [smem:$0x3FDB];
	s0 =	simm.s32 @p2 $0x1  }
0x17: {  	s4 =	simm.s32 $0x1BF5;
	[smem:$0x3FAF] =	sst s0  }
0x18: {  	s0 =	sld [smem:$0x3F92];
	_ =	swait.ge [sflag:s4], $0x0  }
0x19: {  	s7 =	sld [smem:$0x3F93]  }
0x1a: {  	s8 =	sadd.s32 $0xFFFFE003, lr  }
0x1b: {  	s9 =	sadd.s32 $0xFFFFFEF7, lr;
	s5 =	simm.s32 $0xFFFFFFFF;
	p2 =	slt.u32 s8, $0xFFFFF086  }
0x1c: {  	p1 =	slt.u32 s9, $0xF7A;
	s5 =	simm.s32 @!p2 $0x0  }
0x1d: {  	s5 =	simm.s32 @p1 $0x1;
	p0 =	seq.s32 s7, s2  }
0x1e: {  	s7 =	smul.u32 @!p0 $0xF7A, s2;
	p2 =	seq.s32 @!p0 s5, $0x0  }
0x1f: {  	s9 =	smul.u32 $0xF7A, s1;
	s8 =	simm.s32 @!p0 $0x1BF5;
	p2 =	por !p2, p0  }
0x20: {  	[sflag:s8] =	ssyncset.s32 @!p0 $0xFFFFF086;
	s6 =	sadd.s32 @!p0 s3, s7;
	s7 =	simm.s32 @!p0 $0x108  }
0x21: {  	s3 =	sadd.s32 s3, s9;
	s6 =	sadd.s32 @!p0 $0x88, s6;
	s7 =	simm.s32 @p2 $0x1082  }
0x22: {  	[simem:s7], [sflag:s8] =	dma.local @!p0 [hbm:s6], $0xF7A  }
0x23: {  	s9 =	sor.u32 $0xD0000000, s2;
	s6 =	simm.s32 $0x108;
	_ =	swait.ge @!p0 [sflag:s8], $0x0  }
0x24: {  	s3 =	sadd.s32 $0x88, s3;
	s6 =	simm.s32 @!p1 $0x1082;
	[sflag:s4] =	ssyncset.s32 $0xFFFFF086  }
0x25: {  	[simem:s6], [sflag:s4] =	dma.local [hbm:s3], $0xF7A  }
0x26: {  	[smem:$0x3F93] =	sst s1;
	(tag) =	ssettag s2;
	_ =	strace s9  }
0x27: {  	s1 =	sld [smem:$0x3FA3]  }
0x28: {  	s2 =	sld [smem:$0x3FA4]  }
0x29: {  	s4 =	sld [smem:$0x3FA6]  }
0x2a: {  	p0 =	seq.s32 s5, $0x0;
	s5 =	sld [smem:$0x3FA7]  }
0x2b: {  	s6 =	sld [smem:$0x3FA8]  }
0x2c: {  	s7 =	sld [smem:$0x3FA9]  }
0x2d: {  	s3 =	simm.s32 $0x108;
	s8 =	sld [smem:$0x3FAA]  }
0x2e: {  	s3 =	simm.s32 @!p0 $0x1082;
	s9 =	sld [smem:$0x3FAB]  }
0x2f: {  	lr =	sadd.s32 s0, s3;
	s0 =	sld [smem:$0x3FA2]  }
0x30: {  	s3 =	sld [smem:$0x3FA5]  }
0x31: {  	[smem:$0x3FAE] =	sst s10  }
0x32: {  	s10 =	sld [smem:$0x3FAC];
	_ =	sdelay $0x3  }
0x33: {  	p0 =	seq.s32 s10, $0x1;
	s10 =	sld [smem:$0x3FAE];
	_ =	sdelay $0x3  }
0x34: {  	[smem:$0x3FAE] =	sst s10  }
0x35: {  	s10 =	sld [smem:$0x3FAD];
	_ =	sdelay $0x3  }
0x36: {  	p1 =	seq.s32 s10, $0x1;
	s10 =	sld [smem:$0x3FAE];
	_ =	sdelay $0x3  }
0x37: {  	[smem:$0x3FAE] =	sst s10  }
0x38: {  	s10 =	sld [smem:$0x3FAF]  }
0x39: {  	_ = 	snop;
	(pc) =	sbr.ind lr, $3  }
0x3a: {  	_ = 	snop  }
0x3b: {  	_ = 	snop  }
0x3c: {  	p2 =	seq.s32 s10, $0x1;
	s10 =	sld [smem:$0x3FAE]  }
0x3d: {  	_ =	shalt  }
0x3e: {  	_ =	shalt  }
0x3f: {  	_ =	shalt  }
0x40: {  	_ =	shalt  }
0x41: {  	_ =	shalt  }
0x42: {  	_ =	shalt  }
0x43: {  	_ =	shalt  }
0x44: {  	_ =	shalt  }
0x45: {  	_ =	shalt  }
0x46: {  	_ =	shalt  }
0x47: {  	_ =	shalt  }
0x48: {  	_ =	shalt  }
0x49: {  	_ =	shalt  }
0x4a: {  	_ =	shalt  }
0x4b: {  	_ =	shalt  }
0x4c: {  	_ =	shalt  }
0x4d: {  	_ =	shalt  }
0x4e: {  	_ =	shalt  }
0x4f: {  	_ =	shalt  }
0x50: {  	_ =	shalt  }
0x51: {  	_ =	shalt  }
0x52: {  	_ =	shalt  }
0x53: {  	_ =	shalt  }
0x54: {  	_ =	shalt  }
0x55: {  	_ =	shalt  }
0x56: {  	_ =	shalt  }
0x57: {  	_ =	shalt  }
0x58: {  	_ =	shalt  }
0x59: {  	_ =	shalt  }
0x5a: {  	_ =	shalt  }
0x5b: {  	_ =	shalt  }
0x5c: {  	_ =	shalt  }
0x5d: {  	_ =	shalt  }
0x5e: {  	_ =	shalt  }
0x5f: {  	_ =	shalt  }
0x60: {  	_ =	shalt  }
0x61: {  	_ =	shalt  }
0x62: {  	_ =	shalt  }
0x63: {  	_ =	shalt  }
0x64: {  	_ =	shalt  }
0x65: {  	_ =	shalt  }
0x66: {  	_ =	shalt  }
0x67: {  	_ =	shalt  }
0x68: {  	_ =	shalt  }
0x69: {  	_ =	shalt  }
0x6a: {  	_ =	shalt  }
0x6b: {  	_ =	shalt  }
0x6c: {  	_ =	shalt  }
0x6d: {  	_ =	shalt  }
0x6e: {  	_ =	shalt  }
0x6f: {  	_ =	shalt  }
0x70: {  	_ =	shalt  }
0x71: {  	_ =	shalt  }
0x72: {  	_ =	shalt  }
0x73: {  	_ =	shalt  }
0x74: {  	_ =	shalt  }
0x75: {  	_ =	shalt  }
0x76: {  	_ =	shalt  }
0x77: {  	_ =	shalt  }
0x78: {  	_ =	shalt  }
0x79: {  	_ =	shalt  }
0x7a: {  	_ =	shalt  }
0x7b: {  	_ =	shalt  }
0x7c: {  	_ =	shalt  }
0x7d: {  	_ =	shalt  }
0x7e: {  	_ =	shalt  }
0x7f: {  	_ =	shalt  }
0x80: {  	_ =	shalt  }
0x81: {  	_ =	shalt  }
0x82: {  	_ =	shalt  }
0x83: {  	_ =	shalt  }
0x84: {  	_ =	shalt  }
0x85: {  	_ =	shalt  }
0x86: {  	_ =	shalt  }
0x87: {  	_ =	shalt  }
.Lfunc_end0:
.L_simem_size_0:
called_computation.2_lowered:
.L_overlay_start_0:
0x88: {  	s2 =	sld [smem:$0x3FD9]  }
0x89: {  	s3 =	sld [smem:$0x3FFE];
	_ =	sdelay $0x1  }
0x8a: {  	s1 =	srdreg.scid  }
0x8b: {  	s0 =	sand.u32 $0x1, s1  }
0x8c: {  	s16 =	sshll.u32 s0, $0xA;
	s2 =	sadd.s32 s3, s2  }
0x8d: {  	s2 =	sadd.s32 s2, s16  }
0x8e: {  	[smem:$0x3FBA] =	sst s2  }
0x8f: {  	_ = 	snop  }
0x90: {  	(tm) =	ssettm $0x1  }
0x91: {  	s17 =	sld [smem:$0x3FFB];
	_ =	sdelay $0x3  }
0x92: {  	_ =	strace s17  }
0x93: {  	s2 =	sld [smem:$0x3FFC];
	_ =	sdelay $0x3  }
0x94: {  	_ =	strace s2  }
0x95: {  	s2 =	sld [smem:$0x3FFD];
	_ =	sdelay $0x3  }
0x96: {  	_ =	strace s2  }
0x97: {  	_ =	strace $0x8FFFFFFF  }
0x98: {  	s18 =	sld [smem:$0x3FDB];
	_ =	sdelay $0x1  }
0x99: {  	s19 =	simm.s32 $_scs_section_size  }
0x9a: {  	s4 =	simm.s32 $_size__tile_overlayer_lowered;
	s5 =	simm.s32 $_tile_overlayer_lowered  }
0x9b: {  	s22 =	simm.s32 $0x1BFF;
	s21 =	sshll.u32 s5, $0x1;
	s2 =	sadd.s32 s19, s18  }
0x9c: {  	s6 =	simm.s32 $0x0;
	s20 =	sshll.u32 s4, $0x1;
	s4 =	sadd.s32 s21, s2  }
0x9d: {  	[timem:s6], [sflag:s22] =	dma.local [hbm:s4], s20  }
0x9e: {  	_ =	swait.ge [sflag:s22], s20  }
0x9f: {  	s3 =	ssub.s32 $0x0, s20;
	[sflag:s22] =	ssyncset.done $0x0  }
0xa0: {  	[sflag:s22] =	ssyncadd.s32 s3;
	_ =	sdelay $0x1  }
0xa1: {  	s23 =	simm.s32 $0x1B8B  }
0xa2: {  	_ =	swait.ge [sflag:s23], $0x1  }
0xa3: {  	[sflag:s23] =	ssyncset.done $0x0  }
0xa4: {  	s25 =	simm.s32 $0x1B8E;
	s24 =	sld [smem:$0x3FFE];
	[sflag:s23] =	ssyncadd.s32 $0xFFFFFFFF  }
0xa5: {  	s26 =	simm.s32 $execute0_lowered;
	[smem:$0x3FD2] =	sst s25  }
0xa6: {  	s4 =	sshll.u32 s26, $0x1;
	_ =	strace $0x80000049;
	[dreg:$0x1] =	wrdreg $0xFFFFFFFF  }
0xa7: {  	s28 =	simm.s32 $_size_execute0_lowered;
	s2 =	sadd.s32 s2, s4;
	[dreg:$0x0] =	wrdreg $0x0  }
0xa8: {  	s4 =	sshll.u32 s28, $0x1;
	[dreg:$0x2] =	wrdreg s2  }
0xa9: {  	[dreg:$0x3] =	wrdreg s4  }
0xaa: {  	[dreg:$0x4] =	wrdreg $0xC0  }
0xab: {  	_ =	task [dreg:s6], $0x5FFFF  }
0xac: {  	[dreg:$0x1] =	wrdreg $0xFFFFFFFF  }
0xad: {  	[dreg:$0x0] =	wrdreg $0x60  }
0xae: {  	[dreg:$0x2] =	wrdreg s24  }
0xaf: {  	[dreg:$0x3] =	wrdreg $0x11F000  }
0xb0: {  	[dreg:$0x4] =	wrdreg $0x9  }
0xb1: {  	_ =	task.clear_ibuf [dreg:s6], $0x5FFFF;
	_ =	strace $0x90000049  }
0xb2: {  	s29 =	simm.s32 $0x9;
	_ =	strace $0x8000004B  }
0xb3: {  	_ =	swait.ge [sflag:s29], $0x1  }
0xb4: {  	[sflag:s29] =	ssyncadd.s32 $0xFFFFFFFF  }
0xb5: {  	_ =	strace $0x9000004B  }
0xb6: {  	_ =	sfence  }
0xb7: {  	s30 =	sld [smem:$0x0];
	_ =	sdelay $0x2  }
0xb8: {  	s31 =	sshll.u32 s1, $0xD;
	s1 =	sshrl.u32 s1, $0x2  }
0xb9: {  	s3 =	sand.u32 $0x4000, s31;
	s1 =	sadd.s32 s1, s30  }
0xba: {  	s0 =	sor.u32 s3, s0;
	s1 =	sshll.u32 s1, $0x11  }
0xbb: {  	s0 =	sor.u32 s1, s0  }
0xbc: {  	s0 =	sadd.s32 $0x8F2B, s0  }
0xbd: {  	[sflag:s0] =	ssyncadd.remote.s32 $0x1  }
0xbe: {  	_ =	sfence.sel $0xFFFF  }
0xbf: {  	[dreg:$0x0] =	wrdreg $0xFFFFFFFF;
	(pc) =	sbr.abs _section_cstart, $3  }
0xc0: {  	[dreg:$0x1] =	wrdreg $0xFFFFFFFF  }
0xc1: {  	_ =	task.clear_ibuf [dreg:s6], $0x2FFFF;
	_ =	strace $0x9FFFFFFF  }
0xc2: {  	(tm) =	ssettm $0x7FFFFFFF  }
0xc3: {  	_ =	shalt  }
tec
execute0_lowered:
.L_overlay_start_1:
0x0: {  	(tag) =	ssettag $0x1  }
0x1: {  	s0 =	rddreg [dreg:$0x0]  }
0x2: {  	s2 =	rddreg [dreg:$0x1]  }
0x3: {  	s1 =	srdreg.scid;
	s6 =	stileid.u32  }
0x4: {  	s3 =	simm.s32 $0x0;
	s11 =	simm.s32 $0x9;
	s13 =	simm.s32 $0x80  }
0x5: {  	s14 =	simm.s32 $0x5000;
	s17 =	simm.s32 $0x7000;
	s21 =	simm.s32 $0x9000  }
0x6: {  	s25 =	simm.s32 $0xB000;
	s28 =	simm.s32 $0xC000;
	s29 =	simm.s32 $0x1  }
0x7: {  	s30 =	simm.s32 $0x3;
	s31 =	simm.s32 $0x5;
	s1 =	sand.u32 $0x1, s1  }
0x8: {  	s5 =	smul.u32 $0x4F00, s6;
	[smem:$0x7FF] =	sst s3;
	s4 =	sshll.u32 s1, $0x4  }
0x9: {  	s26 =	smul.u32 $0x4F000, s1;
	s1 =	ssub.s32 $0x2, s1;
	s4 =	sor.u32 s6, s4  }
0xa: {  	_ =	strace $0x8000004A;
	s8 =	sshrl.u32 s1, $0x1;
	s7 =	smul.u32 $0x500, s4  }
.Ltmp0:
0xb: {  	s4 =	sadd.s32 $0xAA00, s0;
	s6 =	sadd.s32 s5, s26;
	(pc) =	sbr.rel .LBB2_1-.Ltmp0, $4  }
0xc: {  	s1 =	ssub.s32 s1, s8;
	s5 =	sadd.s32 s5, s2;
	s26 =	simm.s32 $0x380  }
0xd: {  	s6 =	sshrl.u32 s6, $0x3;
	s9 =	smax.u32 s1, $0x1;
	s7 =	sadd.s32 s7, s0  }
0xe: {  	s1 =	simm.s32 $0x8;
	s0 =	sadd.s32 s6, s0;
	s6 =	sadd.s32 $0x14A00, s7  }
0xf: {  	v0 =	vimm.f32 $0.0e+00;
	s7 =	sadd.s32 $0xA00, s7;
	s8 =	sadd.s32 $0x1EA00, s0;
	s0 =	simm.s32 $0x7  }
.LBB2_6:
0x10: {  	_ =	swait.ge [sflag:s1], $0x1000  }
0x11: {  	[sflag:s1] =	ssyncset.done $0x0  }
0x12: {  	[sflag:s1] =	ssyncadd.s32 $0xFFFFF000  }
0x13: {  	[spmem:s2] =	stream.indirect.scatter.add.f32 [tilespmem:s28], [sflag:$0x9], $0x20, s15, s13, $0xb8;
	[tilespmem:$0x16E00] =	vst v63  }
0x14: {  	s10 =	stileid.u32;
	_ =	swait.ge [sflag:s11], $0x1000  }
0x15: {  	s12 =	sshrl.u32 s5, $0x3;
	s3 =	sadd.s32 $0x1, s3;
	[sflag:s11] =	ssyncset.done $0x0  }
0x16: {  	s10 =	sshll.u32 s10, $0x6;
	p0 =	sne.s32 s3, s9;
	[sflag:s11] =	ssyncadd.s32 $0xFFFFF000  }
.Ltmp1:
0x17: {  	s10 =	sor.u32 $0x1C09, s10;
	[bflag:$0x0] =	sbarrier.arrive $0xFFFF;
	(pc) =	sbr.rel @!p0 .LBB2_7-.Ltmp1, $4  }
0x18: {  	[hbm:s8], [sflag:s10] =	dma.local [spmem:s12], $0x9E0  }
0x19: {  	_ =	swait.ge [sflag:s11], $0x9E0  }
0x1a: {  	[sflag:s11] =	ssyncset.done $0x0  }
0x1b: {  	[sflag:s11] =	ssyncadd.s32 $0xFFFFF620  }
.LBB2_1:
0x1c: {  	s10 =	simm.s32 $0x80;
	s12 =	simm.s32 $0x0  }
.LBB2_2:
0x1d: {  	p0 =	sne.s32 s10, $0x13B80;
	[tilespmem:s12+$0xD000] =	vst v0;
	s15 =	smov.u32 s10;
	s10 =	sadd.s32 $0x80, s10  }
.Ltmp2:
0x1e: {  	[tilespmem:s12+$0xD010] =	vst v0;
	(pc) =	sbr.rel @p0 .LBB2_2-.Ltmp2, $2  }
0x1f: {  	_ =	sdelay $0x2  }
0x20: {  	s12 =	sshra.s32 s15, $0x2  }
0x21: {  	[tilespmem:s12+$0xD000] =	vst v0  }
0x22: {  	[tilespmem:s12+$0xD010] =	vst v0;
	s10 =	simm.s32 $0xD000  }
0x23: {  	[spmem:s5] =	stream.linear.scatter [tilespmem:s10], [sflag:$0x9], $0x4F00, $0x38;
	[tilespmem:$0x16E00] =	vst v63  }
0x24: {  	_ =	swait.ge [sflag:s11], $0x4F00  }
0x25: {  	[sflag:s11] =	ssyncset.done $0x0  }
0x26: {  	[sflag:s11] =	ssyncadd.s32 $0xFFFFB100  }
0x27: {  	s10 =	simm.s32 $0x0;
	[bflag:$0x0] =	sbarrier.arrive $0xFFFF  }
0x28: {  	[tilespmem:s10], [sflag:$0x9] =	stream.linear.gather [hbm4b:s6+s10], $0x2800, $0x38;
	[tilespmem:$0x16E00] =	vst v63  }
0x29: {  	_ =	swait.ge [sflag:s11], $0x2800  }
0x2a: {  	[sflag:s11] =	ssyncset.done $0x0  }
0x2b: {  	s15 =	simm.s32 $0x2800;
	[sflag:s11] =	ssyncadd.s32 $0xFFFFD800  }
0x2c: {  	[tilespmem:s15], [sflag:$0x9] =	stream.linear.gather [hbm4b:s7+s10], $0x2800, $0x38;
	[tilespmem:$0x16E00] =	vst v63  }
0x2d: {  	_ =	swait.ge [sflag:s11], $0x2800  }
0x2e: {  	[sflag:s11] =	ssyncset.done $0x0  }
0x2f: {  	[sflag:s11] =	ssyncadd.s32 $0xFFFFD800  }
0x30: {  	[tilespmem:s14], [sflag:$0x1] =	stream.indirect.gather [hbm4b:s4+s13], $0x20, s10, s13, $0xb8;
	[tilespmem:$0x16E00] =	vst v63  }
0x31: {  	s16 =	simm.s32 $0x6000  }
0x32: {  	[tilespmem:s16], [sflag:$0x2] =	stream.indirect.gather [hbm4b:s4+s13], $0x20, s13, s13, $0xb8;
	[tilespmem:$0x16E00] =	vst v63  }
0x33: {  	s18 =	simm.s32 $0x100  }
0x34: {  	[tilespmem:s17], [sflag:$0x3] =	stream.indirect.gather [hbm4b:s4+s13], $0x20, s18, s13, $0xb8;
	[tilespmem:$0x16E00] =	vst v63  }
0x35: {  	s19 =	simm.s32 $0x180;
	s15 =	simm.s32 $0x8000  }
0x36: {  	[tilespmem:s15], [sflag:$0x4] =	stream.indirect.gather [hbm4b:s4+s13], $0x20, s19, s13, $0xb8;
	[tilespmem:$0x16E00] =	vst v63  }
0x37: {  	s20 =	simm.s32 $0x200  }
0x38: {  	[tilespmem:s21], [sflag:$0x5] =	stream.indirect.gather [hbm4b:s4+s13], $0x20, s20, s13, $0xb8;
	[tilespmem:$0x16E00] =	vst v63  }
0x39: {  	s22 =	simm.s32 $0x280;
	s23 =	simm.s32 $0xA000  }
0x3a: {  	[tilespmem:s23], [sflag:$0x6] =	stream.indirect.gather [hbm4b:s4+s13], $0x20, s22, s13, $0xb8;
	[tilespmem:$0x16E00] =	vst v63  }
0x3b: {  	s24 =	simm.s32 $0x300  }
0x3c: {  	[tilespmem:s25], [sflag:$0x7] =	stream.indirect.gather [hbm4b:s4+s13], $0x20, s24, s13, $0xb8;
	[tilespmem:$0x16E00] =	vst v63  }
0x3d: {  	_ = 	snop  }
0x3e: {  	[tilespmem:s28], [sflag:$0x8] =	stream.indirect.gather [hbm4b:s4+s13], $0x20, s26, s13, $0xb8;
	[tilespmem:$0x16E00] =	vst v63  }
.LBB2_4:
0x3f: {  	_ =	swait.ge [sflag:s29], $0x1000  }
0x40: {  	s12 =	sshra.s32 s10, $0x2;
	[sflag:s29] =	ssyncset.done $0x0  }
0x41: {  	s15 =	sadd.s32 $0x2800, s12;
	[sflag:s29] =	ssyncadd.s32 $0xFFFFF000  }
0x42: {  	[spmem:s2] =	stream.indirect.scatter.add.f32 [tilespmem:s14], [sflag:$0x9], $0x20, s15, s13, $0xb8;
	[tilespmem:$0x16E00] =	vst v63  }
0x43: {  	_ =	swait.ge [sflag:s11], $0x1000  }
0x44: {  	p0 =	seq.s32 s10, $0x9000;
	[sflag:s11] =	ssyncset.done $0x0  }
0x45: {  	s15 =	simm.s32 @p0 $0x2;
	[sflag:s11] =	ssyncadd.s32 $0xFFFFF000  }
0x46: {  	s18 =	sshra.s32 @p0 s10, $0x2;
	_ =	swait.ge @p0 [sflag:s15], $0x1000  }
0x47: {  	s19 =	simm.s32 @p0 $0x80;
	s16 =	simm.s32 @p0 $0x6000;
	[sflag:s15] =	ssyncset.done @p0 $0x0  }
0x48: {  	s20 =	simm.s32 @p0 $0x9;
	[sflag:s15] =	ssyncadd.s32 @p0 $0xFFFFF000;
	s15 =	sadd.s32 @p0 $0x2880, s18  }
0x49: {  	[spmem:s2] =	stream.indirect.scatter.add.f32 @p0 [tilespmem:s16], [sflag:$0x9], $0x20, s15, s19, $0xb8;
	[tilespmem:$0x16E00] =	vst v63  }
0x4a: {  	_ =	swait.ge @p0 [sflag:s20], $0x1000  }
0x4b: {  	s23 =	simm.s32 @!p0 $0x5000;
	s15 =	sshra.s32 @!p0 s10, $0x2;
	[sflag:s20] =	ssyncset.done @p0 $0x0  }
0x4c: {  	s16 =	simm.s32 @!p0 $0x80;
	s22 =	sadd.s32 @!p0 $0x400, s15;
	[sflag:s20] =	ssyncadd.s32 @p0 $0xFFFFF000  }
0x4d: {  	[tilespmem:s23], [sflag:$0x1] =	stream.indirect.gather @!p0 [hbm4b:s4+s16], $0x20, s22, s16, $0xb8;
	[tilespmem:$0x16E00] =	vst v63  }
0x4e: {  	s22 =	simm.s32 @!p0 $0x2  }
0x4f: {  	_ =	swait.ge @!p0 [sflag:s22], $0x1000  }
0x50: {  	[sflag:s22] =	ssyncset.done @!p0 $0x0  }
0x51: {  	s23 =	simm.s32 @!p0 $0x6000;
	[sflag:s22] =	ssyncadd.s32 @!p0 $0xFFFFF000;
	s22 =	sadd.s32 @!p0 $0x2880, s15  }
0x52: {  	[spmem:s2] =	stream.indirect.scatter.add.f32 @!p0 [tilespmem:s23], [sflag:$0x9], $0x20, s22, s16, $0xb8;
	[tilespmem:$0x16E00] =	vst v63  }
0x53: {  	s22 =	simm.s32 @!p0 $0x9  }
0x54: {  	_ =	swait.ge @!p0 [sflag:s22], $0x1000  }
0x55: {  	[sflag:s22] =	ssyncset.done @!p0 $0x0  }
0x56: {  	s24 =	sadd.s32 @!p0 $0x480, s15;
	[sflag:s22] =	ssyncadd.s32 @!p0 $0xFFFFF000  }
0x57: {  	[tilespmem:s23], [sflag:$0x2] =	stream.indirect.gather @!p0 [hbm4b:s4+s16], $0x20, s24, s16, $0xb8;
	[tilespmem:$0x16E00] =	vst v63  }
0x58: {  	_ =	swait.ge [sflag:s30], $0x1000  }
0x59: {  	[sflag:s30] =	ssyncset.done $0x0  }
0x5a: {  	s24 =	sadd.s32 $0x2900, s12;
	[sflag:s30] =	ssyncadd.s32 $0xFFFFF000  }
0x5b: {  	[spmem:s2] =	stream.indirect.scatter.add.f32 [tilespmem:s17], [sflag:$0x9], $0x20, s24, s13, $0xb8;
	[tilespmem:$0x16E00] =	vst v63  }
0x5c: {  	_ =	swait.ge [sflag:s11], $0x1000  }
0x5d: {  	[sflag:s11] =	ssyncset.done $0x0  }
0x5e: {  	s23 =	simm.s32 @p0 $0x4;
	[sflag:s11] =	ssyncadd.s32 $0xFFFFF000  }
0x5f: {  	_ =	swait.ge @p0 [sflag:s23], $0x1000  }
0x60: {  	[sflag:s23] =	ssyncset.done @p0 $0x0  }
0x61: {  	s24 =	simm.s32 @p0 $0x8000;
	[sflag:s23] =	ssyncadd.s32 @p0 $0xFFFFF000;
	s23 =	sadd.s32 @p0 $0x2980, s18  }
0x62: {  	[spmem:s2] =	stream.indirect.scatter.add.f32 @p0 [tilespmem:s24], [sflag:$0x9], $0x20, s23, s19, $0xb8;
	[tilespmem:$0x16E00] =	vst v63  }
0x63: {  	_ =	swait.ge @p0 [sflag:s20], $0x1000  }
0x64: {  	[sflag:s20] =	ssyncset.done @p0 $0x0  }
0x65: {  	s23 =	sadd.s32 @!p0 $0x500, s15;
	s24 =	simm.s32 @!p0 $0x7000;
	[sflag:s20] =	ssyncadd.s32 @p0 $0xFFFFF000  }
0x66: {  	[tilespmem:s24], [sflag:$0x3] =	stream.indirect.gather @!p0 [hbm4b:s4+s16], $0x20, s23, s16, $0xb8;
	[tilespmem:$0x16E00] =	vst v63  }
0x67: {  	s23 =	simm.s32 @!p0 $0x4  }
0x68: {  	_ =	swait.ge @!p0 [sflag:s23], $0x1000  }
0x69: {  	[sflag:s23] =	ssyncset.done @!p0 $0x0  }
0x6a: {  	s24 =	simm.s32 @!p0 $0x8000;
	[sflag:s23] =	ssyncadd.s32 @!p0 $0xFFFFF000;
	s23 =	sadd.s32 @!p0 $0x2980, s15  }
0x6b: {  	[spmem:s2] =	stream.indirect.scatter.add.f32 @!p0 [tilespmem:s24], [sflag:$0x9], $0x20, s23, s16, $0xb8;
	[tilespmem:$0x16E00] =	vst v63  }
0x6c: {  	_ =	swait.ge @!p0 [sflag:s22], $0x1000  }
0x6d: {  	[sflag:s22] =	ssyncset.done @!p0 $0x0  }
0x6e: {  	s23 =	sadd.s32 @!p0 $0x580, s15;
	[sflag:s22] =	ssyncadd.s32 @!p0 $0xFFFFF000  }
0x6f: {  	[tilespmem:s24], [sflag:$0x4] =	stream.indirect.gather @!p0 [hbm4b:s4+s16], $0x20, s23, s16, $0xb8;
	[tilespmem:$0x16E00] =	vst v63  }
0x70: {  	_ =	swait.ge [sflag:s31], $0x1000  }
0x71: {  	[sflag:s31] =	ssyncset.done $0x0  }
0x72: {  	s24 =	sadd.s32 $0x2A00, s12;
	[sflag:s31] =	ssyncadd.s32 $0xFFFFF000  }
0x73: {  	[spmem:s2] =	stream.indirect.scatter.add.f32 [tilespmem:s21], [sflag:$0x9], $0x20, s24, s13, $0xb8;
	[tilespmem:$0x16E00] =	vst v63  }
0x74: {  	_ =	swait.ge [sflag:s11], $0x1000  }
0x75: {  	[sflag:s11] =	ssyncset.done $0x0  }
0x76: {  	s23 =	simm.s32 @p0 $0x6;
	[sflag:s11] =	ssyncadd.s32 $0xFFFFF000  }
0x77: {  	_ =	swait.ge @p0 [sflag:s23], $0x1000  }
0x78: {  	[sflag:s23] =	ssyncset.done @p0 $0x0  }
0x79: {  	s18 =	sadd.s32 @p0 $0x2A80, s18;
	[sflag:s23] =	ssyncadd.s32 @p0 $0xFFFFF000;
	s23 =	simm.s32 @p0 $0xA000  }
0x7a: {  	[spmem:s2] =	stream.indirect.scatter.add.f32 @p0 [tilespmem:s23], [sflag:$0x9], $0x20, s18, s19, $0xb8;
	[tilespmem:$0x16E00] =	vst v63  }
0x7b: {  	_ =	swait.ge @p0 [sflag:s20], $0x1000  }
0x7c: {  	[sflag:s20] =	ssyncset.done @p0 $0x0  }
0x7d: {  	s18 =	sadd.s32 @!p0 $0x600, s15;
	s19 =	simm.s32 @!p0 $0x9000;
	[sflag:s20] =	ssyncadd.s32 @p0 $0xFFFFF000  }
0x7e: {  	[tilespmem:s19], [sflag:$0x5] =	stream.indirect.gather @!p0 [hbm4b:s4+s16], $0x20, s18, s16, $0xb8;
	[tilespmem:$0x16E00] =	vst v63  }
0x7f: {  	s18 =	simm.s32 @!p0 $0x6  }
0x80: {  	_ =	swait.ge @!p0 [sflag:s18], $0x1000  }
0x81: {  	[sflag:s18] =	ssyncset.done @!p0 $0x0  }
0x82: {  	s19 =	simm.s32 @!p0 $0xA000;
	[sflag:s18] =	ssyncadd.s32 @!p0 $0xFFFFF000;
	s18 =	sadd.s32 @!p0 $0x2A80, s15  }
0x83: {  	[spmem:s2] =	stream.indirect.scatter.add.f32 @!p0 [tilespmem:s19], [sflag:$0x9], $0x20, s18, s16, $0xb8;
	[tilespmem:$0x16E00] =	vst v63  }
0x84: {  	_ =	swait.ge @!p0 [sflag:s22], $0x1000  }
0x85: {  	[sflag:s22] =	ssyncset.done @!p0 $0x0  }
0x86: {  	s15 =	sadd.s32 @!p0 $0x680, s15;
	[sflag:s22] =	ssyncadd.s32 @!p0 $0xFFFFF000  }
0x87: {  	[tilespmem:s19], [sflag:$0x6] =	stream.indirect.gather @!p0 [hbm4b:s4+s16], $0x20, s15, s16, $0xb8;
	[tilespmem:$0x16E00] =	vst v63  }
0x88: {  	_ =	swait.ge [sflag:s0], $0x1000  }
0x89: {  	[sflag:s0] =	ssyncset.done $0x0  }
.Ltmp3:
0x8a: {  	s24 =	sadd.s32 $0x2B00, s12;
	[sflag:s0] =	ssyncadd.s32 $0xFFFFF000;
	(pc) =	sbr.rel @p0 .LBB2_6-.Ltmp3, $4  }
0x8b: {  	[spmem:s2] =	stream.indirect.scatter.add.f32 [tilespmem:s25], [sflag:$0x9], $0x20, s24, s13, $0xb8;
	[tilespmem:$0x16E00] =	vst v63  }
0x8c: {  	_ =	swait.ge [sflag:s11], $0x1000  }
0x8d: {  	[sflag:s11] =	ssyncset.done $0x0  }
0x8e: {  	s15 =	sadd.s32 $0x2B80, s12;
	[sflag:s11] =	ssyncadd.s32 $0xFFFFF000  }
0x8f: {  	s16 =	sadd.s32 $0x700, s12  }
0x90: {  	[tilespmem:s25], [sflag:$0x7] =	stream.indirect.gather [hbm4b:s4+s13], $0x20, s16, s13, $0xb8;
	[tilespmem:$0x16E00] =	vst v63  }
0x91: {  	_ =	swait.ge [sflag:s1], $0x1000  }
0x92: {  	[sflag:s1] =	ssyncset.done $0x0  }
0x93: {  	[sflag:s1] =	ssyncadd.s32 $0xFFFFF000  }
0x94: {  	[spmem:s2] =	stream.indirect.scatter.add.f32 [tilespmem:s28], [sflag:$0x9], $0x20, s15, s13, $0xb8;
	[tilespmem:$0x16E00] =	vst v63  }
.Ltmp4:
0x95: {  	_ = 	snop;
	(pc) =	sbr.rel .LBB2_4-.Ltmp4, $4  }
0x96: {  	_ =	swait.ge [sflag:s11], $0x1000  }
0x97: {  	[sflag:s11] =	ssyncset.done $0x0  }
0x98: {  	s24 =	sadd.s32 $0x780, s12;
	s10 =	sadd.s32 $0x1000, s10;
	[sflag:s11] =	ssyncadd.s32 $0xFFFFF000  }
0x99: {  	[tilespmem:s28], [sflag:$0x8] =	stream.indirect.gather [hbm4b:s4+s13], $0x20, s24, s13, $0xb8;
	[tilespmem:$0x16E00] =	vst v63  }
.LBB2_7:
0x9a: {  	_ =	sfence.sel $0x180000  }
0x9b: {  	[bflag:$0x0] =	sbarrier.arrive $0xFFFF  }
0x9c: {  	_ =	strace $0x9000004A  }
0x9d: {  	s0 =	stileid.u32;
	[bflag:$0x2] =	sbarrier.arrive $0xFFFF  }
0x9e: {  	p0 =	sne.s32 s0, $0x0;
	s0 =	rddreg [dreg:$0x2]  }
0x9f: {  	s0 =	sadd.s32 @!p0 $0x100000, s0  }
0xa0: {  	[sflag:s0] =	ssyncadd.tile.s32 @!p0 $0x1;
	_ =	shalt  }
.Lfunc_end2:
_tile_overlayer_lowered:
.L_overlay_start_2:
0xa1: {  	(tag) =	ssettag $0x2  }
0xa2: {  	s0 =	rddreg [dreg:$0x0];
	s2 =	stileid.u32  }
0xa3: {  	s1 =	rddreg [dreg:$0x1];
	p0 =	sne.s32 s2, $0x0  }
0xa4: {  	s3 =	rddreg [dreg:$0x2];
	[bflag:$0x3] =	sbarrier.arrive $0xFFFF;
	s2 =	simm.s32 @!p0 $0x1C09  }
0xa5: {  	[timem:s3], [sflag:s2] =	dma.local @!p0 [hbm:s0], s1  }
0xa6: {  	s0 =	simm.s32 @!p0 $0x9  }
0xa7: {  	_ =	swait.ge @!p0 [sflag:s0], s1  }
0xa8: {  	s1 =	ssub.s32 @!p0 $0x0, s1;
	[sflag:s0] =	ssyncset.done @!p0 $0x0  }
0xa9: {  	[sflag:s0] =	ssyncadd.s32 @!p0 s1  }
0xaa: {  	[bflag:$0x3] =	sbarrier.arrive $0xFFFF  }
0xab: {  	_ =	shalt  }

// kernel: kernel.16.cloned.1.call-start
scs
__scs_entry_jumppad:
0x0: {  	(pc) =	sbr.rel $0x88, $3  }
0x1: {  	(tag) =	ssettag $0x0;
	lr =	simm.s32 $0x1  }
0x2: {  	[smem:$0x3F93] =	sst lr;
	_ =	strace $0xD0000000  }
0x3: {  	_ = 	snop  }
0x4: {  	_ = 	snop  }
0x5: {  	_ = 	snop  }
0x6: {  	_ = 	snop  }
0x7: {  	_ = 	snop  }
__scs_overlays_trampoline_lowered:
0x8: {  	[smem:$0x3FA2] =	sst s0  }
0x9: {  	[smem:$0x3FA3] =	sst s1  }
0xa: {  	[smem:$0x3FA4] =	sst s2  }
0xb: {  	[smem:$0x3FA5] =	sst s3  }
0xc: {  	[smem:$0x3FA6] =	sst s4  }
0xd: {  	[smem:$0x3FA7] =	sst s5  }
0xe: {  	[smem:$0x3FA8] =	sst s6  }
0xf: {  	[smem:$0x3FA9] =	sst s7  }
0x10: {  	[smem:$0x3FAA] =	sst s8  }
0x11: {  	[smem:$0x3FAB] =	sst s9;
	s0 =	simm.s32 @!p0 $0x0  }
0x12: {  	s1 =	sld [smem:$0x3F91];
	s0 =	simm.s32 @p0 $0x1  }
0x13: {  	[smem:$0x3FAC] =	sst s0;
	s0 =	simm.s32 @!p1 $0x0  }
0x14: {  	s2 =	sld [smem:$0x3F90];
	s0 =	simm.s32 @p1 $0x1  }
0x15: {  	[smem:$0x3FAD] =	sst s0;
	s0 =	simm.s32 @!p2 $0x0  }
0x16: {  	s3 =	sld [smem:$0x3FDB];
	s0 =	simm.s32 @p2 $0x1  }
0x17: {  	s4 =	simm.s32 $0x1BF5;
	[smem:$0x3FAF] =	sst s0  }
0x18: {  	s0 =	sld [smem:$0x3F92];
	_ =	swait.ge [sflag:s4], $0x0  }
0x19: {  	s7 =	sld [smem:$0x3F93]  }
0x1a: {  	s8 =	sadd.s32 $0xFFFFE003, lr  }
0x1b: {  	s9 =	sadd.s32 $0xFFFFFEF7, lr;
	s5 =	simm.s32 $0xFFFFFFFF;
	p2 =	slt.u32 s8, $0xFFFFF086  }
0x1c: {  	p1 =	slt.u32 s9, $0xF7A;
	s5 =	simm.s32 @!p2 $0x0  }
0x1d: {  	s5 =	simm.s32 @p1 $0x1;
	p0 =	seq.s32 s7, s2  }
0x1e: {  	s7 =	smul.u32 @!p0 $0xF7A, s2;
	p2 =	seq.s32 @!p0 s5, $0x0  }
0x1f: {  	s9 =	smul.u32 $0xF7A, s1;
	s8 =	simm.s32 @!p0 $0x1BF5;
	p2 =	por !p2, p0  }
0x20: {  	[sflag:s8] =	ssyncset.s32 @!p0 $0xFFFFF086;
	s6 =	sadd.s32 @!p0 s3, s7;
	s7 =	simm.s32 @!p0 $0x108  }
0x21: {  	s3 =	sadd.s32 s3, s9;
	s6 =	sadd.s32 @!p0 $0x88, s6;
	s7 =	simm.s32 @p2 $0x1082  }
0x22: {  	[simem:s7], [sflag:s8] =	dma.local @!p0 [hbm:s6], $0xF7A  }
0x23: {  	s9 =	sor.u32 $0xD0000000, s2;
	s6 =	simm.s32 $0x108;
	_ =	swait.ge @!p0 [sflag:s8], $0x0  }
0x24: {  	s3 =	sadd.s32 $0x88, s3;
	s6 =	simm.s32 @!p1 $0x1082;
	[sflag:s4] =	ssyncset.s32 $0xFFFFF086  }
0x25: {  	[simem:s6], [sflag:s4] =	dma.local [hbm:s3], $0xF7A  }
0x26: {  	[smem:$0x3F93] =	sst s1;
	(tag) =	ssettag s2;
	_ =	strace s9  }
0x27: {  	s1 =	sld [smem:$0x3FA3]  }
0x28: {  	s2 =	sld [smem:$0x3FA4]  }
0x29: {  	s4 =	sld [smem:$0x3FA6]  }
0x2a: {  	p0 =	seq.s32 s5, $0x0;
	s5 =	sld [smem:$0x3FA7]  }
0x2b: {  	s6 =	sld [smem:$0x3FA8]  }
0x2c: {  	s7 =	sld [smem:$0x3FA9]  }
0x2d: {  	s3 =	simm.s32 $0x108;
	s8 =	sld [smem:$0x3FAA]  }
0x2e: {  	s3 =	simm.s32 @!p0 $0x1082;
	s9 =	sld [smem:$0x3FAB]  }
0x2f: {  	lr =	sadd.s32 s0, s3;
	s0 =	sld [smem:$0x3FA2]  }
0x30: {  	s3 =	sld [smem:$0x3FA5]  }
0x31: {  	[smem:$0x3FAE] =	sst s10  }
0x32: {  	s10 =	sld [smem:$0x3FAC];
	_ =	sdelay $0x3  }
0x33: {  	p0 =	seq.s32 s10, $0x1;
	s10 =	sld [smem:$0x3FAE];
	_ =	sdelay $0x3  }
0x34: {  	[smem:$0x3FAE] =	sst s10  }
0x35: {  	s10 =	sld [smem:$0x3FAD];
	_ =	sdelay $0x3  }
0x36: {  	p1 =	seq.s32 s10, $0x1;
	s10 =	sld [smem:$0x3FAE];
	_ =	sdelay $0x3  }
0x37: {  	[smem:$0x3FAE] =	sst s10  }
0x38: {  	s10 =	sld [smem:$0x3FAF]  }
0x39: {  	_ = 	snop;
	(pc) =	sbr.ind lr, $3  }
0x3a: {  	_ = 	snop  }
0x3b: {  	_ = 	snop  }
0x3c: {  	p2 =	seq.s32 s10, $0x1;
	s10 =	sld [smem:$0x3FAE]  }
0x3d: {  	_ =	shalt  }
0x3e: {  	_ =	shalt  }
0x3f: {  	_ =	shalt  }
0x40: {  	_ =	shalt  }
0x41: {  	_ =	shalt  }
0x42: {  	_ =	shalt  }
0x43: {  	_ =	shalt  }
0x44: {  	_ =	shalt  }
0x45: {  	_ =	shalt  }
0x46: {  	_ =	shalt  }
0x47: {  	_ =	shalt  }
0x48: {  	_ =	shalt  }
0x49: {  	_ =	shalt  }
0x4a: {  	_ =	shalt  }
0x4b: {  	_ =	shalt  }
0x4c: {  	_ =	shalt  }
0x4d: {  	_ =	shalt  }
0x4e: {  	_ =	shalt  }
0x4f: {  	_ =	shalt  }
0x50: {  	_ =	shalt  }
0x51: {  	_ =	shalt  }
0x52: {  	_ =	shalt  }
0x53: {  	_ =	shalt  }
0x54: {  	_ =	shalt  }
0x55: {  	_ =	shalt  }
0x56: {  	_ =	shalt  }
0x57: {  	_ =	shalt  }
0x58: {  	_ =	shalt  }
0x59: {  	_ =	shalt  }
0x5a: {  	_ =	shalt  }
0x5b: {  	_ =	shalt  }
0x5c: {  	_ =	shalt  }
0x5d: {  	_ =	shalt  }
0x5e: {  	_ =	shalt  }
0x5f: {  	_ =	shalt  }
0x60: {  	_ =	shalt  }
0x61: {  	_ =	shalt  }
0x62: {  	_ =	shalt  }
0x63: {  	_ =	shalt  }
0x64: {  	_ =	shalt  }
0x65: {  	_ =	shalt  }
0x66: {  	_ =	shalt  }
0x67: {  	_ =	shalt  }
0x68: {  	_ =	shalt  }
0x69: {  	_ =	shalt  }
0x6a: {  	_ =	shalt  }
0x6b: {  	_ =	shalt  }
0x6c: {  	_ =	shalt  }
0x6d: {  	_ =	shalt  }
0x6e: {  	_ =	shalt  }
0x6f: {  	_ =	shalt  }
0x70: {  	_ =	shalt  }
0x71: {  	_ =	shalt  }
0x72: {  	_ =	shalt  }
0x73: {  	_ =	shalt  }
0x74: {  	_ =	shalt  }
0x75: {  	_ =	shalt  }
0x76: {  	_ =	shalt  }
0x77: {  	_ =	shalt  }
0x78: {  	_ =	shalt  }
0x79: {  	_ =	shalt  }
0x7a: {  	_ =	shalt  }
0x7b: {  	_ =	shalt  }
0x7c: {  	_ =	shalt  }
0x7d: {  	_ =	shalt  }
0x7e: {  	_ =	shalt  }
0x7f: {  	_ =	shalt  }
0x80: {  	_ =	shalt  }
0x81: {  	_ =	shalt  }
0x82: {  	_ =	shalt  }
0x83: {  	_ =	shalt  }
0x84: {  	_ =	shalt  }
0x85: {  	_ =	shalt  }
0x86: {  	_ =	shalt  }
0x87: {  	_ =	shalt  }
.Lfunc_end0:
.L_simem_size_0:
called_computation.3_lowered:
.L_overlay_start_0:
0x88: {  	s2 =	sld [smem:$0x3FD9]  }
0x89: {  	s3 =	sld [smem:$0x3FFE];
	_ =	sdelay $0x1  }
0x8a: {  	s1 =	srdreg.scid  }
0x8b: {  	s0 =	sand.u32 $0x1, s1  }
0x8c: {  	s16 =	sshll.u32 s0, $0xA;
	s2 =	sadd.s32 s3, s2  }
0x8d: {  	s2 =	sadd.s32 s2, s16  }
0x8e: {  	[smem:$0x3FBA] =	sst s2  }
0x8f: {  	_ = 	snop  }
0x90: {  	(tm) =	ssettm $0x1  }
0x91: {  	s17 =	sld [smem:$0x3FFB];
	_ =	sdelay $0x3  }
0x92: {  	_ =	strace s17  }
0x93: {  	s2 =	sld [smem:$0x3FFC];
	_ =	sdelay $0x3  }
0x94: {  	_ =	strace s2  }
0x95: {  	s2 =	sld [smem:$0x3FFD];
	_ =	sdelay $0x3  }
0x96: {  	_ =	strace s2  }
0x97: {  	_ =	strace $0x8FFFFFFF  }
0x98: {  	s18 =	sld [smem:$0x3FDB];
	_ =	sdelay $0x1  }
0x99: {  	s19 =	simm.s32 $_scs_section_size  }
0x9a: {  	s4 =	simm.s32 $_size__tile_overlayer_lowered;
	s5 =	simm.s32 $_tile_overlayer_lowered  }
0x9b: {  	s22 =	simm.s32 $0x1BFF;
	s21 =	sshll.u32 s5, $0x1;
	s2 =	sadd.s32 s19, s18  }
0x9c: {  	s6 =	simm.s32 $0x0;
	s20 =	sshll.u32 s4, $0x1;
	s4 =	sadd.s32 s21, s2  }
0x9d: {  	[timem:s6], [sflag:s22] =	dma.local [hbm:s4], s20  }
0x9e: {  	_ =	swait.ge [sflag:s22], s20  }
0x9f: {  	s3 =	ssub.s32 $0x0, s20;
	[sflag:s22] =	ssyncset.done $0x0  }
0xa0: {  	[sflag:s22] =	ssyncadd.s32 s3;
	_ =	sdelay $0x1  }
0xa1: {  	s23 =	simm.s32 $0x1B8B  }
0xa2: {  	_ =	swait.ge [sflag:s23], $0x1  }
0xa3: {  	[sflag:s23] =	ssyncset.done $0x0  }
0xa4: {  	s25 =	simm.s32 $0x1B8E;
	s24 =	sld [smem:$0x3FFE];
	[sflag:s23] =	ssyncadd.s32 $0xFFFFFFFF  }
0xa5: {  	s26 =	simm.s32 $execute0_lowered;
	[smem:$0x3FD2] =	sst s25  }
0xa6: {  	s4 =	sshll.u32 s26, $0x1;
	_ =	strace $0x8000004C;
	[dreg:$0x1] =	wrdreg $0xFFFFFFFF  }
0xa7: {  	s28 =	simm.s32 $_size_execute0_lowered;
	s2 =	sadd.s32 s2, s4;
	[dreg:$0x0] =	wrdreg $0x0  }
0xa8: {  	s4 =	sshll.u32 s28, $0x1;
	[dreg:$0x2] =	wrdreg s2  }
0xa9: {  	[dreg:$0x3] =	wrdreg s4  }
0xaa: {  	[dreg:$0x4] =	wrdreg $0xC0  }
0xab: {  	_ =	task [dreg:s6], $0x5FFFF  }
0xac: {  	[dreg:$0x1] =	wrdreg $0xFFFFFFFF  }
0xad: {  	[dreg:$0x0] =	wrdreg $0x60  }
0xae: {  	[dreg:$0x2] =	wrdreg s24  }
0xaf: {  	[dreg:$0x3] =	wrdreg $0x11F000  }
0xb0: {  	[dreg:$0x4] =	wrdreg $0x9  }
0xb1: {  	_ =	task.clear_ibuf [dreg:s6], $0x5FFFF;
	_ =	strace $0x9000004C  }
0xb2: {  	s29 =	simm.s32 $0x9;
	_ =	strace $0x8000004E  }
0xb3: {  	_ =	swait.ge [sflag:s29], $0x1  }
0xb4: {  	[sflag:s29] =	ssyncadd.s32 $0xFFFFFFFF  }
0xb5: {  	_ =	strace $0x9000004E  }
0xb6: {  	_ =	sfence  }
0xb7: {  	s30 =	sld [smem:$0x0];
	_ =	sdelay $0x2  }
0xb8: {  	s31 =	sshll.u32 s1, $0xD;
	s1 =	sshrl.u32 s1, $0x2  }
0xb9: {  	s3 =	sand.u32 $0x4000, s31;
	s1 =	sadd.s32 s1, s30  }
0xba: {  	s0 =	sor.u32 s3, s0;
	s1 =	sshll.u32 s1, $0x11  }
0xbb: {  	s0 =	sor.u32 s1, s0  }
0xbc: {  	s0 =	sadd.s32 $0x8F2B, s0  }
0xbd: {  	[sflag:s0] =	ssyncadd.remote.s32 $0x1  }
0xbe: {  	_ =	sfence.sel $0xFFFF  }
0xbf: {  	[dreg:$0x0] =	wrdreg $0xFFFFFFFF;
	(pc) =	sbr.abs _section_cstart, $3  }
0xc0: {  	[dreg:$0x1] =	wrdreg $0xFFFFFFFF  }
0xc1: {  	_ =	task.clear_ibuf [dreg:s6], $0x2FFFF;
	_ =	strace $0x9FFFFFFF  }
0xc2: {  	(tm) =	ssettm $0x7FFFFFFF  }
0xc3: {  	_ =	shalt  }
tec
execute0_lowered:
.L_overlay_start_1:
0x0: {  	(tag) =	ssettag $0x1  }
0x1: {  	s0 =	rddreg [dreg:$0x0]  }
0x2: {  	s2 =	rddreg [dreg:$0x1]  }
0x3: {  	s1 =	srdreg.scid;
	s6 =	stileid.u32  }
0x4: {  	s3 =	simm.s32 $0x0;
	s11 =	simm.s32 $0x9;
	s13 =	simm.s32 $0x80  }
0x5: {  	s14 =	simm.s32 $0x5000;
	s17 =	simm.s32 $0x7000;
	s21 =	simm.s32 $0x9000  }
0x6: {  	s25 =	simm.s32 $0xB000;
	s28 =	simm.s32 $0xC000;
	s29 =	simm.s32 $0x1  }
0x7: {  	s30 =	simm.s32 $0x3;
	s31 =	simm.s32 $0x5;
	s1 =	sand.u32 $0x1, s1  }
0x8: {  	s5 =	smul.u32 $0x4F00, s6;
	[smem:$0x7FF] =	sst s3;
	s4 =	sshll.u32 s1, $0x4  }
0x9: {  	s26 =	smul.u32 $0x4F000, s1;
	s1 =	ssub.s32 $0x2, s1;
	s4 =	sor.u32 s6, s4  }
0xa: {  	_ =	strace $0x8000004D;
	s8 =	sshrl.u32 s1, $0x1;
	s7 =	smul.u32 $0x500, s4  }
.Ltmp0:
0xb: {  	s4 =	sadd.s32 $0xAA00, s0;
	s6 =	sadd.s32 s5, s26;
	(pc) =	sbr.rel .LBB2_1-.Ltmp0, $4  }
0xc: {  	s1 =	ssub.s32 s1, s8;
	s5 =	sadd.s32 s5, s2;
	s26 =	simm.s32 $0x380  }
0xd: {  	s6 =	sshrl.u32 s6, $0x3;
	s9 =	smax.u32 s1, $0x1;
	s7 =	sadd.s32 s7, s0  }
0xe: {  	s1 =	simm.s32 $0x8;
	s0 =	sadd.s32 s6, s0;
	s6 =	sadd.s32 $0x14A00, s7  }
0xf: {  	v0 =	vimm.f32 $0.0e+00;
	s7 =	sadd.s32 $0xA00, s7;
	s8 =	sadd.s32 $0x1EA00, s0;
	s0 =	simm.s32 $0x7  }
.LBB2_6:
0x10: {  	_ =	swait.ge [sflag:s1], $0x1000  }
0x11: {  	[sflag:s1] =	ssyncset.done $0x0  }
0x12: {  	[sflag:s1] =	ssyncadd.s32 $0xFFFFF000  }
0x13: {  	[spmem:s2] =	stream.indirect.scatter.add.f32 [tilespmem:s28], [sflag:$0x9], $0x20, s15, s13, $0xb8;
	[tilespmem:$0x16E00] =	vst v63  }
0x14: {  	s10 =	stileid.u32;
	_ =	swait.ge [sflag:s11], $0x1000  }
0x15: {  	s12 =	sshrl.u32 s5, $0x3;
	s3 =	sadd.s32 $0x1, s3;
	[sflag:s11] =	ssyncset.done $0x0  }
0x16: {  	s10 =	sshll.u32 s10, $0x6;
	p0 =	sne.s32 s3, s9;
	[sflag:s11] =	ssyncadd.s32 $0xFFFFF000  }
.Ltmp1:
0x17: {  	s10 =	sor.u32 $0x1C09, s10;
	[bflag:$0x0] =	sbarrier.arrive $0xFFFF;
	(pc) =	sbr.rel @!p0 .LBB2_7-.Ltmp1, $4  }
0x18: {  	[hbm:s8], [sflag:s10] =	dma.local [spmem:s12], $0x9E0  }
0x19: {  	_ =	swait.ge [sflag:s11], $0x9E0  }
0x1a: {  	[sflag:s11] =	ssyncset.done $0x0  }
0x1b: {  	[sflag:s11] =	ssyncadd.s32 $0xFFFFF620  }
.LBB2_1:
0x1c: {  	s10 =	simm.s32 $0x80;
	s12 =	simm.s32 $0x0  }
.LBB2_2:
0x1d: {  	p0 =	sne.s32 s10, $0x13B80;
	[tilespmem:s12+$0xD000] =	vst v0;
	s15 =	smov.u32 s10;
	s10 =	sadd.s32 $0x80, s10  }
.Ltmp2:
0x1e: {  	[tilespmem:s12+$0xD010] =	vst v0;
	(pc) =	sbr.rel @p0 .LBB2_2-.Ltmp2, $2  }
0x1f: {  	_ =	sdelay $0x2  }
0x20: {  	s12 =	sshra.s32 s15, $0x2  }
0x21: {  	[tilespmem:s12+$0xD000] =	vst v0  }
0x22: {  	[tilespmem:s12+$0xD010] =	vst v0;
	s10 =	simm.s32 $0xD000  }
0x23: {  	[spmem:s5] =	stream.linear.scatter [tilespmem:s10], [sflag:$0x9], $0x4F00, $0x38;
	[tilespmem:$0x16E00] =	vst v63  }
0x24: {  	_ =	swait.ge [sflag:s11], $0x4F00  }
0x25: {  	[sflag:s11] =	ssyncset.done $0x0  }
0x26: {  	[sflag:s11] =	ssyncadd.s32 $0xFFFFB100  }
0x27: {  	s10 =	simm.s32 $0x0;
	[bflag:$0x0] =	sbarrier.arrive $0xFFFF  }
0x28: {  	[tilespmem:s10], [sflag:$0x9] =	stream.linear.gather [hbm4b:s6+s10], $0x2800, $0x38;
	[tilespmem:$0x16E00] =	vst v63  }
0x29: {  	_ =	swait.ge [sflag:s11], $0x2800  }
0x2a: {  	[sflag:s11] =	ssyncset.done $0x0  }
0x2b: {  	s15 =	simm.s32 $0x2800;
	[sflag:s11] =	ssyncadd.s32 $0xFFFFD800  }
0x2c: {  	[tilespmem:s15], [sflag:$0x9] =	stream.linear.gather [hbm4b:s7+s10], $0x2800, $0x38;
	[tilespmem:$0x16E00] =	vst v63  }
0x2d: {  	_ =	swait.ge [sflag:s11], $0x2800  }
0x2e: {  	[sflag:s11] =	ssyncset.done $0x0  }
0x2f: {  	[sflag:s11] =	ssyncadd.s32 $0xFFFFD800  }
0x30: {  	[tilespmem:s14], [sflag:$0x1] =	stream.indirect.gather [hbm4b:s4+s13], $0x20, s10, s13, $0xb8;
	[tilespmem:$0x16E00] =	vst v63  }
0x31: {  	s16 =	simm.s32 $0x6000  }
0x32: {  	[tilespmem:s16], [sflag:$0x2] =	stream.indirect.gather [hbm4b:s4+s13], $0x20, s13, s13, $0xb8;
	[tilespmem:$0x16E00] =	vst v63  }
0x33: {  	s18 =	simm.s32 $0x100  }
0x34: {  	[tilespmem:s17], [sflag:$0x3] =	stream.indirect.gather [hbm4b:s4+s13], $0x20, s18, s13, $0xb8;
	[tilespmem:$0x16E00] =	vst v63  }
0x35: {  	s19 =	simm.s32 $0x180;
	s15 =	simm.s32 $0x8000  }
0x36: {  	[tilespmem:s15], [sflag:$0x4] =	stream.indirect.gather [hbm4b:s4+s13], $0x20, s19, s13, $0xb8;
	[tilespmem:$0x16E00] =	vst v63  }
0x37: {  	s20 =	simm.s32 $0x200  }
0x38: {  	[tilespmem:s21], [sflag:$0x5] =	stream.indirect.gather [hbm4b:s4+s13], $0x20, s20, s13, $0xb8;
	[tilespmem:$0x16E00] =	vst v63  }
0x39: {  	s22 =	simm.s32 $0x280;
	s23 =	simm.s32 $0xA000  }
0x3a: {  	[tilespmem:s23], [sflag:$0x6] =	stream.indirect.gather [hbm4b:s4+s13], $0x20, s22, s13, $0xb8;
	[tilespmem:$0x16E00] =	vst v63  }
0x3b: {  	s24 =	simm.s32 $0x300  }
0x3c: {  	[tilespmem:s25], [sflag:$0x7] =	stream.indirect.gather [hbm4b:s4+s13], $0x20, s24, s13, $0xb8;
	[tilespmem:$0x16E00] =	vst v63  }
0x3d: {  	_ = 	snop  }
0x3e: {  	[tilespmem:s28], [sflag:$0x8] =	stream.indirect.gather [hbm4b:s4+s13], $0x20, s26, s13, $0xb8;
	[tilespmem:$0x16E00] =	vst v63  }
.LBB2_4:
0x3f: {  	_ =	swait.ge [sflag:s29], $0x1000  }
0x40: {  	s12 =	sshra.s32 s10, $0x2;
	[sflag:s29] =	ssyncset.done $0x0  }
0x41: {  	s15 =	sadd.s32 $0x2800, s12;
	[sflag:s29] =	ssyncadd.s32 $0xFFFFF000  }
0x42: {  	[spmem:s2] =	stream.indirect.scatter.add.f32 [tilespmem:s14], [sflag:$0x9], $0x20, s15, s13, $0xb8;
	[tilespmem:$0x16E00] =	vst v63  }
0x43: {  	_ =	swait.ge [sflag:s11], $0x1000  }
0x44: {  	p0 =	seq.s32 s10, $0x9000;
	[sflag:s11] =	ssyncset.done $0x0  }
0x45: {  	s15 =	simm.s32 @p0 $0x2;
	[sflag:s11] =	ssyncadd.s32 $0xFFFFF000  }
0x46: {  	s18 =	sshra.s32 @p0 s10, $0x2;
	_ =	swait.ge @p0 [sflag:s15], $0x1000  }
0x47: {  	s19 =	simm.s32 @p0 $0x80;
	s16 =	simm.s32 @p0 $0x6000;
	[sflag:s15] =	ssyncset.done @p0 $0x0  }
0x48: {  	s20 =	simm.s32 @p0 $0x9;
	[sflag:s15] =	ssyncadd.s32 @p0 $0xFFFFF000;
	s15 =	sadd.s32 @p0 $0x2880, s18  }
0x49: {  	[spmem:s2] =	stream.indirect.scatter.add.f32 @p0 [tilespmem:s16], [sflag:$0x9], $0x20, s15, s19, $0xb8;
	[tilespmem:$0x16E00] =	vst v63  }
0x4a: {  	_ =	swait.ge @p0 [sflag:s20], $0x1000  }
0x4b: {  	s23 =	simm.s32 @!p0 $0x5000;
	s15 =	sshra.s32 @!p0 s10, $0x2;
	[sflag:s20] =	ssyncset.done @p0 $0x0  }
0x4c: {  	s16 =	simm.s32 @!p0 $0x80;
	s22 =	sadd.s32 @!p0 $0x400, s15;
	[sflag:s20] =	ssyncadd.s32 @p0 $0xFFFFF000  }
0x4d: {  	[tilespmem:s23], [sflag:$0x1] =	stream.indirect.gather @!p0 [hbm4b:s4+s16], $0x20, s22, s16, $0xb8;
	[tilespmem:$0x16E00] =	vst v63  }
0x4e: {  	s22 =	simm.s32 @!p0 $0x2  }
0x4f: {  	_ =	swait.ge @!p0 [sflag:s22], $0x1000  }
0x50: {  	[sflag:s22] =	ssyncset.done @!p0 $0x0  }
0x51: {  	s23 =	simm.s32 @!p0 $0x6000;
	[sflag:s22] =	ssyncadd.s32 @!p0 $0xFFFFF000;
	s22 =	sadd.s32 @!p0 $0x2880, s15  }
0x52: {  	[spmem:s2] =	stream.indirect.scatter.add.f32 @!p0 [tilespmem:s23], [sflag:$0x9], $0x20, s22, s16, $0xb8;
	[tilespmem:$0x16E00] =	vst v63  }
0x53: {  	s22 =	simm.s32 @!p0 $0x9  }
0x54: {  	_ =	swait.ge @!p0 [sflag:s22], $0x1000  }
0x55: {  	[sflag:s22] =	ssyncset.done @!p0 $0x0  }
0x56: {  	s24 =	sadd.s32 @!p0 $0x480, s15;
	[sflag:s22] =	ssyncadd.s32 @!p0 $0xFFFFF000  }
0x57: {  	[tilespmem:s23], [sflag:$0x2] =	stream.indirect.gather @!p0 [hbm4b:s4+s16], $0x20, s24, s16, $0xb8;
	[tilespmem:$0x16E00] =	vst v63  }
0x58: {  	_ =	swait.ge [sflag:s30], $0x1000  }
0x59: {  	[sflag:s30] =	ssyncset.done $0x0  }
0x5a: {  	s24 =	sadd.s32 $0x2900, s12;
	[sflag:s30] =	ssyncadd.s32 $0xFFFFF000  }
0x5b: {  	[spmem:s2] =	stream.indirect.scatter.add.f32 [tilespmem:s17], [sflag:$0x9], $0x20, s24, s13, $0xb8;
	[tilespmem:$0x16E00] =	vst v63  }
0x5c: {  	_ =	swait.ge [sflag:s11], $0x1000  }
0x5d: {  	[sflag:s11] =	ssyncset.done $0x0  }
0x5e: {  	s23 =	simm.s32 @p0 $0x4;
	[sflag:s11] =	ssyncadd.s32 $0xFFFFF000  }
0x5f: {  	_ =	swait.ge @p0 [sflag:s23], $0x1000  }
0x60: {  	[sflag:s23] =	ssyncset.done @p0 $0x0  }
0x61: {  	s24 =	simm.s32 @p0 $0x8000;
	[sflag:s23] =	ssyncadd.s32 @p0 $0xFFFFF000;
	s23 =	sadd.s32 @p0 $0x2980, s18  }
0x62: {  	[spmem:s2] =	stream.indirect.scatter.add.f32 @p0 [tilespmem:s24], [sflag:$0x9], $0x20, s23, s19, $0xb8;
	[tilespmem:$0x16E00] =	vst v63  }
0x63: {  	_ =	swait.ge @p0 [sflag:s20], $0x1000  }
0x64: {  	[sflag:s20] =	ssyncset.done @p0 $0x0  }
0x65: {  	s23 =	sadd.s32 @!p0 $0x500, s15;
	s24 =	simm.s32 @!p0 $0x7000;
	[sflag:s20] =	ssyncadd.s32 @p0 $0xFFFFF000  }
0x66: {  	[tilespmem:s24], [sflag:$0x3] =	stream.indirect.gather @!p0 [hbm4b:s4+s16], $0x20, s23, s16, $0xb8;
	[tilespmem:$0x16E00] =	vst v63  }
0x67: {  	s23 =	simm.s32 @!p0 $0x4  }
0x68: {  	_ =	swait.ge @!p0 [sflag:s23], $0x1000  }
0x69: {  	[sflag:s23] =	ssyncset.done @!p0 $0x0  }
0x6a: {  	s24 =	simm.s32 @!p0 $0x8000;
	[sflag:s23] =	ssyncadd.s32 @!p0 $0xFFFFF000;
	s23 =	sadd.s32 @!p0 $0x2980, s15  }
0x6b: {  	[spmem:s2] =	stream.indirect.scatter.add.f32 @!p0 [tilespmem:s24], [sflag:$0x9], $0x20, s23, s16, $0xb8;
	[tilespmem:$0x16E00] =	vst v63  }
0x6c: {  	_ =	swait.ge @!p0 [sflag:s22], $0x1000  }
0x6d: {  	[sflag:s22] =	ssyncset.done @!p0 $0x0  }
0x6e: {  	s23 =	sadd.s32 @!p0 $0x580, s15;
	[sflag:s22] =	ssyncadd.s32 @!p0 $0xFFFFF000  }
0x6f: {  	[tilespmem:s24], [sflag:$0x4] =	stream.indirect.gather @!p0 [hbm4b:s4+s16], $0x20, s23, s16, $0xb8;
	[tilespmem:$0x16E00] =	vst v63  }
0x70: {  	_ =	swait.ge [sflag:s31], $0x1000  }
0x71: {  	[sflag:s31] =	ssyncset.done $0x0  }
0x72: {  	s24 =	sadd.s32 $0x2A00, s12;
	[sflag:s31] =	ssyncadd.s32 $0xFFFFF000  }
0x73: {  	[spmem:s2] =	stream.indirect.scatter.add.f32 [tilespmem:s21], [sflag:$0x9], $0x20, s24, s13, $0xb8;
	[tilespmem:$0x16E00] =	vst v63  }
0x74: {  	_ =	swait.ge [sflag:s11], $0x1000  }
0x75: {  	[sflag:s11] =	ssyncset.done $0x0  }
0x76: {  	s23 =	simm.s32 @p0 $0x6;
	[sflag:s11] =	ssyncadd.s32 $0xFFFFF000  }
0x77: {  	_ =	swait.ge @p0 [sflag:s23], $0x1000  }
0x78: {  	[sflag:s23] =	ssyncset.done @p0 $0x0  }
0x79: {  	s18 =	sadd.s32 @p0 $0x2A80, s18;
	[sflag:s23] =	ssyncadd.s32 @p0 $0xFFFFF000;
	s23 =	simm.s32 @p0 $0xA000  }
0x7a: {  	[spmem:s2] =	stream.indirect.scatter.add.f32 @p0 [tilespmem:s23], [sflag:$0x9], $0x20, s18, s19, $0xb8;
	[tilespmem:$0x16E00] =	vst v63  }
0x7b: {  	_ =	swait.ge @p0 [sflag:s20], $0x1000  }
0x7c: {  	[sflag:s20] =	ssyncset.done @p0 $0x0  }
0x7d: {  	s18 =	sadd.s32 @!p0 $0x600, s15;
	s19 =	simm.s32 @!p0 $0x9000;
	[sflag:s20] =	ssyncadd.s32 @p0 $0xFFFFF000  }
0x7e: {  	[tilespmem:s19], [sflag:$0x5] =	stream.indirect.gather @!p0 [hbm4b:s4+s16], $0x20, s18, s16, $0xb8;
	[tilespmem:$0x16E00] =	vst v63  }
0x7f: {  	s18 =	simm.s32 @!p0 $0x6  }
0x80: {  	_ =	swait.ge @!p0 [sflag:s18], $0x1000  }
0x81: {  	[sflag:s18] =	ssyncset.done @!p0 $0x0  }
0x82: {  	s19 =	simm.s32 @!p0 $0xA000;
	[sflag:s18] =	ssyncadd.s32 @!p0 $0xFFFFF000;
	s18 =	sadd.s32 @!p0 $0x2A80, s15  }
0x83: {  	[spmem:s2] =	stream.indirect.scatter.add.f32 @!p0 [tilespmem:s19], [sflag:$0x9], $0x20, s18, s16, $0xb8;
	[tilespmem:$0x16E00] =	vst v63  }
0x84: {  	_ =	swait.ge @!p0 [sflag:s22], $0x1000  }
0x85: {  	[sflag:s22] =	ssyncset.done @!p0 $0x0  }
0x86: {  	s15 =	sadd.s32 @!p0 $0x680, s15;
	[sflag:s22] =	ssyncadd.s32 @!p0 $0xFFFFF000  }
0x87: {  	[tilespmem:s19], [sflag:$0x6] =	stream.indirect.gather @!p0 [hbm4b:s4+s16], $0x20, s15, s16, $0xb8;
	[tilespmem:$0x16E00] =	vst v63  }
0x88: {  	_ =	swait.ge [sflag:s0], $0x1000  }
0x89: {  	[sflag:s0] =	ssyncset.done $0x0  }
.Ltmp3:
0x8a: {  	s24 =	sadd.s32 $0x2B00, s12;
	[sflag:s0] =	ssyncadd.s32 $0xFFFFF000;
	(pc) =	sbr.rel @p0 .LBB2_6-.Ltmp3, $4  }
0x8b: {  	[spmem:s2] =	stream.indirect.scatter.add.f32 [tilespmem:s25], [sflag:$0x9], $0x20, s24, s13, $0xb8;
	[tilespmem:$0x16E00] =	vst v63  }
0x8c: {  	_ =	swait.ge [sflag:s11], $0x1000  }
0x8d: {  	[sflag:s11] =	ssyncset.done $0x0  }
0x8e: {  	s15 =	sadd.s32 $0x2B80, s12;
	[sflag:s11] =	ssyncadd.s32 $0xFFFFF000  }
0x8f: {  	s16 =	sadd.s32 $0x700, s12  }
0x90: {  	[tilespmem:s25], [sflag:$0x7] =	stream.indirect.gather [hbm4b:s4+s13], $0x20, s16, s13, $0xb8;
	[tilespmem:$0x16E00] =	vst v63  }
0x91: {  	_ =	swait.ge [sflag:s1], $0x1000  }
0x92: {  	[sflag:s1] =	ssyncset.done $0x0  }
0x93: {  	[sflag:s1] =	ssyncadd.s32 $0xFFFFF000  }
0x94: {  	[spmem:s2] =	stream.indirect.scatter.add.f32 [tilespmem:s28], [sflag:$0x9], $0x20, s15, s13, $0xb8;
	[tilespmem:$0x16E00] =	vst v63  }
.Ltmp4:
0x95: {  	_ = 	snop;
	(pc) =	sbr.rel .LBB2_4-.Ltmp4, $4  }
0x96: {  	_ =	swait.ge [sflag:s11], $0x1000  }
0x97: {  	[sflag:s11] =	ssyncset.done $0x0  }
0x98: {  	s24 =	sadd.s32 $0x780, s12;
	s10 =	sadd.s32 $0x1000, s10;
	[sflag:s11] =	ssyncadd.s32 $0xFFFFF000  }
0x99: {  	[tilespmem:s28], [sflag:$0x8] =	stream.indirect.gather [hbm4b:s4+s13], $0x20, s24, s13, $0xb8;
	[tilespmem:$0x16E00] =	vst v63  }
.LBB2_7:
0x9a: {  	_ =	sfence.sel $0x180000  }
0x9b: {  	[bflag:$0x0] =	sbarrier.arrive $0xFFFF  }
0x9c: {  	_ =	strace $0x9000004D  }
0x9d: {  	s0 =	stileid.u32;
	[bflag:$0x2] =	sbarrier.arrive $0xFFFF  }
0x9e: {  	p0 =	sne.s32 s0, $0x0;
	s0 =	rddreg [dreg:$0x2]  }
0x9f: {  	s0 =	sadd.s32 @!p0 $0x100000, s0  }
0xa0: {  	[sflag:s0] =	ssyncadd.tile.s32 @!p0 $0x1;
	_ =	shalt  }
.Lfunc_end2:
_tile_overlayer_lowered:
.L_overlay_start_2:
0xa1: {  	(tag) =	ssettag $0x2  }
0xa2: {  	s0 =	rddreg [dreg:$0x0];
	s2 =	stileid.u32  }
0xa3: {  	s1 =	rddreg [dreg:$0x1];
	p0 =	sne.s32 s2, $0x0  }
0xa4: {  	s3 =	rddreg [dreg:$0x2];
	[bflag:$0x3] =	sbarrier.arrive $0xFFFF;
	s2 =	simm.s32 @!p0 $0x1C09  }
0xa5: {  	[timem:s3], [sflag:s2] =	dma.local @!p0 [hbm:s0], s1  }
0xa6: {  	s0 =	simm.s32 @!p0 $0x9  }
0xa7: {  	_ =	swait.ge @!p0 [sflag:s0], s1  }
0xa8: {  	s1 =	ssub.s32 @!p0 $0x0, s1;
	[sflag:s0] =	ssyncset.done @!p0 $0x0  }
0xa9: {  	[sflag:s0] =	ssyncadd.s32 @!p0 s1  }
0xaa: {  	[bflag:$0x3] =	sbarrier.arrive $0xFFFF  }
0xab: {  	_ =	shalt  }

// kernel: kernel.19.cloned.1.call-start
scs
__scs_entry_jumppad:
0x0: {  	(pc) =	sbr.rel $0x88, $3  }
0x1: {  	(tag) =	ssettag $0x0;
	lr =	simm.s32 $0x1  }
0x2: {  	[smem:$0x3F93] =	sst lr;
	_ =	strace $0xD0000000  }
0x3: {  	_ = 	snop  }
0x4: {  	_ = 	snop  }
0x5: {  	_ = 	snop  }
0x6: {  	_ = 	snop  }
0x7: {  	_ = 	snop  }
__scs_overlays_trampoline_lowered:
0x8: {  	[smem:$0x3FA2] =	sst s0  }
0x9: {  	[smem:$0x3FA3] =	sst s1  }
0xa: {  	[smem:$0x3FA4] =	sst s2  }
0xb: {  	[smem:$0x3FA5] =	sst s3  }
0xc: {  	[smem:$0x3FA6] =	sst s4  }
0xd: {  	[smem:$0x3FA7] =	sst s5  }
0xe: {  	[smem:$0x3FA8] =	sst s6  }
0xf: {  	[smem:$0x3FA9] =	sst s7  }
0x10: {  	[smem:$0x3FAA] =	sst s8  }
0x11: {  	[smem:$0x3FAB] =	sst s9;
	s0 =	simm.s32 @!p0 $0x0  }
0x12: {  	s1 =	sld [smem:$0x3F91];
	s0 =	simm.s32 @p0 $0x1  }
0x13: {  	[smem:$0x3FAC] =	sst s0;
	s0 =	simm.s32 @!p1 $0x0  }
0x14: {  	s2 =	sld [smem:$0x3F90];
	s0 =	simm.s32 @p1 $0x1  }
0x15: {  	[smem:$0x3FAD] =	sst s0;
	s0 =	simm.s32 @!p2 $0x0  }
0x16: {  	s3 =	sld [smem:$0x3FDB];
	s0 =	simm.s32 @p2 $0x1  }
0x17: {  	s4 =	simm.s32 $0x1BF5;
	[smem:$0x3FAF] =	sst s0  }
0x18: {  	s0 =	sld [smem:$0x3F92];
	_ =	swait.ge [sflag:s4], $0x0  }
0x19: {  	s7 =	sld [smem:$0x3F93]  }
0x1a: {  	s8 =	sadd.s32 $0xFFFFE003, lr  }
0x1b: {  	s9 =	sadd.s32 $0xFFFFFEF7, lr;
	s5 =	simm.s32 $0xFFFFFFFF;
	p2 =	slt.u32 s8, $0xFFFFF086  }
0x1c: {  	p1 =	slt.u32 s9, $0xF7A;
	s5 =	simm.s32 @!p2 $0x0  }
0x1d: {  	s5 =	simm.s32 @p1 $0x1;
	p0 =	seq.s32 s7, s2  }
0x1e: {  	s7 =	smul.u32 @!p0 $0xF7A, s2;
	p2 =	seq.s32 @!p0 s5, $0x0  }
0x1f: {  	s9 =	smul.u32 $0xF7A, s1;
	s8 =	simm.s32 @!p0 $0x1BF5;
	p2 =	por !p2, p0  }
0x20: {  	[sflag:s8] =	ssyncset.s32 @!p0 $0xFFFFF086;
	s6 =	sadd.s32 @!p0 s3, s7;
	s7 =	simm.s32 @!p0 $0x108  }
0x21: {  	s3 =	sadd.s32 s3, s9;
	s6 =	sadd.s32 @!p0 $0x88, s6;
	s7 =	simm.s32 @p2 $0x1082  }
0x22: {  	[simem:s7], [sflag:s8] =	dma.local @!p0 [hbm:s6], $0xF7A  }
0x23: {  	s9 =	sor.u32 $0xD0000000, s2;
	s6 =	simm.s32 $0x108;
	_ =	swait.ge @!p0 [sflag:s8], $0x0  }
0x24: {  	s3 =	sadd.s32 $0x88, s3;
	s6 =	simm.s32 @!p1 $0x1082;
	[sflag:s4] =	ssyncset.s32 $0xFFFFF086  }
0x25: {  	[simem:s6], [sflag:s4] =	dma.local [hbm:s3], $0xF7A  }
0x26: {  	[smem:$0x3F93] =	sst s1;
	(tag) =	ssettag s2;
	_ =	strace s9  }
0x27: {  	s1 =	sld [smem:$0x3FA3]  }
0x28: {  	s2 =	sld [smem:$0x3FA4]  }
0x29: {  	s4 =	sld [smem:$0x3FA6]  }
0x2a: {  	p0 =	seq.s32 s5, $0x0;
	s5 =	sld [smem:$0x3FA7]  }
0x2b: {  	s6 =	sld [smem:$0x3FA8]  }
0x2c: {  	s7 =	sld [smem:$0x3FA9]  }
0x2d: {  	s3 =	simm.s32 $0x108;
	s8 =	sld [smem:$0x3FAA]  }
0x2e: {  	s3 =	simm.s32 @!p0 $0x1082;
	s9 =	sld [smem:$0x3FAB]  }
0x2f: {  	lr =	sadd.s32 s0, s3;
	s0 =	sld [smem:$0x3FA2]  }
0x30: {  	s3 =	sld [smem:$0x3FA5]  }
0x31: {  	[smem:$0x3FAE] =	sst s10  }
0x32: {  	s10 =	sld [smem:$0x3FAC];
	_ =	sdelay $0x3  }
0x33: {  	p0 =	seq.s32 s10, $0x1;
	s10 =	sld [smem:$0x3FAE];
	_ =	sdelay $0x3  }
0x34: {  	[smem:$0x3FAE] =	sst s10  }
0x35: {  	s10 =	sld [smem:$0x3FAD];
	_ =	sdelay $0x3  }
0x36: {  	p1 =	seq.s32 s10, $0x1;
	s10 =	sld [smem:$0x3FAE];
	_ =	sdelay $0x3  }
0x37: {  	[smem:$0x3FAE] =	sst s10  }
0x38: {  	s10 =	sld [smem:$0x3FAF]  }
0x39: {  	_ = 	snop;
	(pc) =	sbr.ind lr, $3  }
0x3a: {  	_ = 	snop  }
0x3b: {  	_ = 	snop  }
0x3c: {  	p2 =	seq.s32 s10, $0x1;
	s10 =	sld [smem:$0x3FAE]  }
0x3d: {  	_ =	shalt  }
0x3e: {  	_ =	shalt  }
0x3f: {  	_ =	shalt  }
0x40: {  	_ =	shalt  }
0x41: {  	_ =	shalt  }
0x42: {  	_ =	shalt  }
0x43: {  	_ =	shalt  }
0x44: {  	_ =	shalt  }
0x45: {  	_ =	shalt  }
0x46: {  	_ =	shalt  }
0x47: {  	_ =	shalt  }
0x48: {  	_ =	shalt  }
0x49: {  	_ =	shalt  }
0x4a: {  	_ =	shalt  }
0x4b: {  	_ =	shalt  }
0x4c: {  	_ =	shalt  }
0x4d: {  	_ =	shalt  }
0x4e: {  	_ =	shalt  }
0x4f: {  	_ =	shalt  }
0x50: {  	_ =	shalt  }
0x51: {  	_ =	shalt  }
0x52: {  	_ =	shalt  }
0x53: {  	_ =	shalt  }
0x54: {  	_ =	shalt  }
0x55: {  	_ =	shalt  }
0x56: {  	_ =	shalt  }
0x57: {  	_ =	shalt  }
0x58: {  	_ =	shalt  }
0x59: {  	_ =	shalt  }
0x5a: {  	_ =	shalt  }
0x5b: {  	_ =	shalt  }
0x5c: {  	_ =	shalt  }
0x5d: {  	_ =	shalt  }
0x5e: {  	_ =	shalt  }
0x5f: {  	_ =	shalt  }
0x60: {  	_ =	shalt  }
0x61: {  	_ =	shalt  }
0x62: {  	_ =	shalt  }
0x63: {  	_ =	shalt  }
0x64: {  	_ =	shalt  }
0x65: {  	_ =	shalt  }
0x66: {  	_ =	shalt  }
0x67: {  	_ =	shalt  }
0x68: {  	_ =	shalt  }
0x69: {  	_ =	shalt  }
0x6a: {  	_ =	shalt  }
0x6b: {  	_ =	shalt  }
0x6c: {  	_ =	shalt  }
0x6d: {  	_ =	shalt  }
0x6e: {  	_ =	shalt  }
0x6f: {  	_ =	shalt  }
0x70: {  	_ =	shalt  }
0x71: {  	_ =	shalt  }
0x72: {  	_ =	shalt  }
0x73: {  	_ =	shalt  }
0x74: {  	_ =	shalt  }
0x75: {  	_ =	shalt  }
0x76: {  	_ =	shalt  }
0x77: {  	_ =	shalt  }
0x78: {  	_ =	shalt  }
0x79: {  	_ =	shalt  }
0x7a: {  	_ =	shalt  }
0x7b: {  	_ =	shalt  }
0x7c: {  	_ =	shalt  }
0x7d: {  	_ =	shalt  }
0x7e: {  	_ =	shalt  }
0x7f: {  	_ =	shalt  }
0x80: {  	_ =	shalt  }
0x81: {  	_ =	shalt  }
0x82: {  	_ =	shalt  }
0x83: {  	_ =	shalt  }
0x84: {  	_ =	shalt  }
0x85: {  	_ =	shalt  }
0x86: {  	_ =	shalt  }
0x87: {  	_ =	shalt  }
.Lfunc_end0:
.L_simem_size_0:
called_computation.4_lowered:
.L_overlay_start_0:
0x88: {  	s2 =	sld [smem:$0x3FD9]  }
0x89: {  	s3 =	sld [smem:$0x3FFE];
	_ =	sdelay $0x1  }
0x8a: {  	s1 =	srdreg.scid  }
0x8b: {  	s0 =	sand.u32 $0x1, s1  }
0x8c: {  	s17 =	sshll.u32 s0, $0xA;
	s2 =	sadd.s32 s3, s2  }
0x8d: {  	s2 =	sadd.s32 s2, s17  }
0x8e: {  	[smem:$0x3FBA] =	sst s2  }
0x8f: {  	_ = 	snop  }
0x90: {  	(tm) =	ssettm $0x1  }
0x91: {  	s18 =	sld [smem:$0x3FFB];
	_ =	sdelay $0x3  }
0x92: {  	_ =	strace s18  }
0x93: {  	s2 =	sld [smem:$0x3FFC];
	_ =	sdelay $0x3  }
0x94: {  	_ =	strace s2  }
0x95: {  	s2 =	sld [smem:$0x3FFD];
	_ =	sdelay $0x3  }
0x96: {  	_ =	strace s2  }
0x97: {  	_ =	strace $0x8FFFFFFF  }
0x98: {  	s19 =	sld [smem:$0x3FDB];
	_ =	sdelay $0x1  }
0x99: {  	s20 =	simm.s32 $_scs_section_size  }
0x9a: {  	s4 =	simm.s32 $_size__tile_overlayer_lowered;
	s5 =	simm.s32 $_tile_overlayer_lowered  }
0x9b: {  	s6 =	simm.s32 $0x1BFF;
	s21 =	sshll.u32 s5, $0x1;
	s3 =	sadd.s32 s20, s19  }
0x9c: {  	s22 =	simm.s32 $0x0;
	s4 =	sshll.u32 s4, $0x1;
	s5 =	sadd.s32 s21, s3  }
0x9d: {  	[timem:s22], [sflag:s6] =	dma.local [hbm:s5], s4  }
0x9e: {  	_ =	swait.ge [sflag:s6], s4  }
0x9f: {  	s4 =	ssub.s32 $0x0, s4;
	[sflag:s6] =	ssyncset.done $0x0  }
0xa0: {  	[sflag:s6] =	ssyncadd.s32 s4;
	_ =	sdelay $0x1  }
0xa1: {  	s23 =	simm.s32 $0x1B8B  }
0xa2: {  	_ =	swait.ge [sflag:s23], $0x1  }
0xa3: {  	[sflag:s23] =	ssyncset.done $0x0  }
0xa4: {  	[sflag:s23] =	ssyncadd.s32 $0xFFFFFFFF  }
0xa5: {  	s4 =	sld [smem:$0x0]  }
0xa6: {  	s5 =	sand.u32 $0xFFFFFFFE, s1  }
0xa7: {  	p0 =	sne.s32 s1, s5  }
0xa8: {  	s5 =	sshll.u32 @p0 s5, $0xE  }
0xa9: {  	s5 =	sadd.s32 @p0 $0x11B8D, s5;
	s6 =	sshll.u32 @p0 s4, $0x11  }
0xaa: {  	s5 =	sor.u32 @p0 s6, s5  }
0xab: {  	[sflag:s5] =	ssyncadd.remote.s32 @p0 $0x1;
	_ =	sdelay $0x1  }
0xac: {  	s5 =	simm.s32 @p0 $0x1B8D  }
0xad: {  	_ =	swait.eq @p0 [sflag:s5], $0x1  }
0xae: {  	[sflag:s5] =	ssyncadd.s32 @p0 $0xFFFFFFFF  }
0xaf: {  	s6 =	sshll.u32 @!p0 s1, $0xE  }
0xb0: {  	s6 =	sor.u32 @!p0 $0x4000, s6;
	s5 =	simm.s32 @!p0 $0x1B8D  }
0xb1: {  	s4 =	sshll.u32 @!p0 s4, $0x11;
	s6 =	sadd.s32 @!p0 $0x11B8D, s6;
	_ =	swait.eq @!p0 [sflag:s5], $0x1  }
0xb2: {  	s4 =	sor.u32 @!p0 s4, s6;
	[sflag:s5] =	ssyncadd.s32 @!p0 $0xFFFFFFFF  }
0xb3: {  	s25 =	simm.s32 $0x1B8E;
	s24 =	sld [smem:$0x3FFE];
	[sflag:s4] =	ssyncadd.remote.s32 @!p0 $0x1  }
0xb4: {  	s26 =	simm.s32 $execute0_lowered;
	[smem:$0x3FD2] =	sst s25  }
0xb5: {  	s5 =	sshll.u32 s26, $0x1;
	_ =	strace $0x80000052;
	[dreg:$0x1] =	wrdreg $0xFFFFFFFF  }
0xb6: {  	s28 =	simm.s32 $_size_execute0_lowered;
	s3 =	sadd.s32 s3, s5;
	[dreg:$0x0] =	wrdreg $0x0  }
0xb7: {  	s5 =	sshll.u32 s28, $0x1;
	[dreg:$0x2] =	wrdreg s3  }
0xb8: {  	[dreg:$0x3] =	wrdreg s5  }
0xb9: {  	[dreg:$0x4] =	wrdreg $0xC0  }
0xba: {  	_ =	task [dreg:s22], $0x5FFFF  }
0xbb: {  	[dreg:$0x1] =	wrdreg $0xFFFFFFFF  }
0xbc: {  	[dreg:$0x0] =	wrdreg $0x60  }
0xbd: {  	[dreg:$0x2] =	wrdreg s24  }
0xbe: {  	[dreg:$0x3] =	wrdreg $0x11F000  }
0xbf: {  	[dreg:$0x4] =	wrdreg $0xA  }
0xc0: {  	_ =	task.clear_ibuf [dreg:s22], $0x5FFFF;
	_ =	strace $0x90000052  }
0xc1: {  	s29 =	simm.s32 $0xA;
	_ =	strace $0x80000054  }
0xc2: {  	_ =	swait.ge [sflag:s29], $0x1  }
0xc3: {  	[sflag:s29] =	ssyncadd.s32 $0xFFFFFFFF  }
0xc4: {  	_ =	strace $0x90000054  }
0xc5: {  	_ =	sfence  }
0xc6: {  	s30 =	sld [smem:$0x0];
	_ =	sdelay $0x2  }
0xc7: {  	s31 =	sshll.u32 s1, $0xD;
	s1 =	sshrl.u32 s1, $0x2  }
0xc8: {  	s4 =	sand.u32 $0x4000, s31;
	s1 =	sadd.s32 s1, s30  }
0xc9: {  	s0 =	sor.u32 s4, s0;
	s1 =	sshll.u32 s1, $0x11  }
0xca: {  	s0 =	sor.u32 s1, s0  }
0xcb: {  	s0 =	sadd.s32 $0x8F2B, s0  }
0xcc: {  	[sflag:s0] =	ssyncadd.remote.s32 $0x1  }
0xcd: {  	_ =	sfence.sel $0xFFFF  }
0xce: {  	[dreg:$0x0] =	wrdreg $0xFFFFFFFF;
	(pc) =	sbr.abs _section_cstart, $3  }
0xcf: {  	[dreg:$0x1] =	wrdreg $0xFFFFFFFF  }
0xd0: {  	_ =	task.clear_ibuf [dreg:s22], $0x2FFFF;
	_ =	strace $0x9FFFFFFF  }
0xd1: {  	(tm) =	ssettm $0x7FFFFFFF  }
tec
execute0_lowered:
.L_overlay_start_1:
0x0: {  	(tag) =	ssettag $0x1  }
0x1: {  	s0 =	rddreg [dreg:$0x0]  }
0x2: {  	s2 =	rddreg [dreg:$0x1]  }
0x3: {  	s1 =	srdreg.scid;
	s6 =	stileid.u32  }
0x4: {  	s3 =	simm.s32 $0x0;
	s11 =	simm.s32 $0x9;
	s13 =	simm.s32 $0x80  }
0x5: {  	s14 =	simm.s32 $0x5000;
	s17 =	simm.s32 $0x7000;
	s21 =	simm.s32 $0x9000  }
0x6: {  	s25 =	simm.s32 $0xB000;
	s28 =	simm.s32 $0xC000;
	s29 =	simm.s32 $0x1  }
0x7: {  	s30 =	simm.s32 $0x3;
	s31 =	simm.s32 $0x5;
	s1 =	sand.u32 $0x1, s1  }
0x8: {  	s5 =	smul.u32 $0x4F00, s6;
	[smem:$0x7FF] =	sst s3;
	s4 =	sshll.u32 s1, $0x4  }
0x9: {  	s26 =	smul.u32 $0x4F000, s1;
	s1 =	ssub.s32 $0x2, s1;
	s4 =	sor.u32 s6, s4  }
0xa: {  	_ =	strace $0x80000053;
	s8 =	sshrl.u32 s1, $0x1;
	s7 =	smul.u32 $0x500, s4  }
.Ltmp0:
0xb: {  	s4 =	sadd.s32 $0xAA00, s0;
	s6 =	sadd.s32 s5, s26;
	(pc) =	sbr.rel .LBB2_1-.Ltmp0, $4  }
0xc: {  	s1 =	ssub.s32 s1, s8;
	s5 =	sadd.s32 s5, s2;
	s26 =	simm.s32 $0x380  }
0xd: {  	s6 =	sshrl.u32 s6, $0x3;
	s9 =	smax.u32 s1, $0x1;
	s7 =	sadd.s32 s7, s0  }
0xe: {  	s1 =	simm.s32 $0x8;
	s0 =	sadd.s32 s6, s0;
	s6 =	sadd.s32 $0x14A00, s7  }
0xf: {  	v0 =	vimm.f32 $0.0e+00;
	s7 =	sadd.s32 $0xA00, s7;
	s8 =	sadd.s32 $0x1F000, s0;
	s0 =	simm.s32 $0x7  }
.LBB2_6:
0x10: {  	_ =	swait.ge [sflag:s1], $0x1000  }
0x11: {  	[sflag:s1] =	ssyncset.done $0x0  }
0x12: {  	[sflag:s1] =	ssyncadd.s32 $0xFFFFF000  }
0x13: {  	[spmem:s2] =	stream.indirect.scatter.add.f32 [tilespmem:s28], [sflag:$0x9], $0x20, s15, s13, $0xb8;
	[tilespmem:$0x16E00] =	vst v63  }
0x14: {  	s10 =	stileid.u32;
	_ =	swait.ge [sflag:s11], $0x1000  }
0x15: {  	s12 =	sshrl.u32 s5, $0x3;
	s3 =	sadd.s32 $0x1, s3;
	[sflag:s11] =	ssyncset.done $0x0  }
0x16: {  	s10 =	sshll.u32 s10, $0x6;
	p0 =	sne.s32 s3, s9;
	[sflag:s11] =	ssyncadd.s32 $0xFFFFF000  }
.Ltmp1:
0x17: {  	s10 =	sor.u32 $0x1C09, s10;
	[bflag:$0x0] =	sbarrier.arrive $0xFFFF;
	(pc) =	sbr.rel @!p0 .LBB2_7-.Ltmp1, $4  }
0x18: {  	[hbm:s8], [sflag:s10] =	dma.local [spmem:s12], $0x9E0  }
0x19: {  	_ =	swait.ge [sflag:s11], $0x9E0  }
0x1a: {  	[sflag:s11] =	ssyncset.done $0x0  }
0x1b: {  	[sflag:s11] =	ssyncadd.s32 $0xFFFFF620  }
.LBB2_1:
0x1c: {  	s10 =	simm.s32 $0x80;
	s12 =	simm.s32 $0x0  }
.LBB2_2:
0x1d: {  	p0 =	sne.s32 s10, $0x13B80;
	[tilespmem:s12+$0xD000] =	vst v0;
	s15 =	smov.u32 s10;
	s10 =	sadd.s32 $0x80, s10  }
.Ltmp2:
0x1e: {  	[tilespmem:s12+$0xD010] =	vst v0;
	(pc) =	sbr.rel @p0 .LBB2_2-.Ltmp2, $2  }
0x1f: {  	_ =	sdelay $0x2  }
0x20: {  	s12 =	sshra.s32 s15, $0x2  }
0x21: {  	[tilespmem:s12+$0xD000] =	vst v0  }
0x22: {  	[tilespmem:s12+$0xD010] =	vst v0;
	s10 =	simm.s32 $0xD000  }
0x23: {  	[spmem:s5] =	stream.linear.scatter [tilespmem:s10], [sflag:$0x9], $0x4F00, $0x38;
	[tilespmem:$0x16E00] =	vst v63  }
0x24: {  	_ =	swait.ge [sflag:s11], $0x4F00  }
0x25: {  	[sflag:s11] =	ssyncset.done $0x0  }
0x26: {  	[sflag:s11] =	ssyncadd.s32 $0xFFFFB100  }
0x27: {  	s10 =	simm.s32 $0x0;
	[bflag:$0x0] =	sbarrier.arrive $0xFFFF  }
0x28: {  	[tilespmem:s10], [sflag:$0x9] =	stream.linear.gather [hbm4b:s6+s10], $0x2800, $0x38;
	[tilespmem:$0x16E00] =	vst v63  }
0x29: {  	_ =	swait.ge [sflag:s11], $0x2800  }
0x2a: {  	[sflag:s11] =	ssyncset.done $0x0  }
0x2b: {  	s15 =	simm.s32 $0x2800;
	[sflag:s11] =	ssyncadd.s32 $0xFFFFD800  }
0x2c: {  	[tilespmem:s15], [sflag:$0x9] =	stream.linear.gather [hbm4b:s7+s10], $0x2800, $0x38;
	[tilespmem:$0x16E00] =	vst v63  }
0x2d: {  	_ =	swait.ge [sflag:s11], $0x2800  }
0x2e: {  	[sflag:s11] =	ssyncset.done $0x0  }
0x2f: {  	[sflag:s11] =	ssyncadd.s32 $0xFFFFD800  }
0x30: {  	[tilespmem:s14], [sflag:$0x1] =	stream.indirect.gather [hbm4b:s4+s13], $0x20, s10, s13, $0xb8;
	[tilespmem:$0x16E00] =	vst v63  }
0x31: {  	s16 =	simm.s32 $0x6000  }
0x32: {  	[tilespmem:s16], [sflag:$0x2] =	stream.indirect.gather [hbm4b:s4+s13], $0x20, s13, s13, $0xb8;
	[tilespmem:$0x16E00] =	vst v63  }
0x33: {  	s18 =	simm.s32 $0x100  }
0x34: {  	[tilespmem:s17], [sflag:$0x3] =	stream.indirect.gather [hbm4b:s4+s13], $0x20, s18, s13, $0xb8;
	[tilespmem:$0x16E00] =	vst v63  }
0x35: {  	s19 =	simm.s32 $0x180;
	s15 =	simm.s32 $0x8000  }
0x36: {  	[tilespmem:s15], [sflag:$0x4] =	stream.indirect.gather [hbm4b:s4+s13], $0x20, s19, s13, $0xb8;
	[tilespmem:$0x16E00] =	vst v63  }
0x37: {  	s20 =	simm.s32 $0x200  }
0x38: {  	[tilespmem:s21], [sflag:$0x5] =	stream.indirect.gather [hbm4b:s4+s13], $0x20, s20, s13, $0xb8;
	[tilespmem:$0x16E00] =	vst v63  }
0x39: {  	s22 =	simm.s32 $0x280;
	s23 =	simm.s32 $0xA000  }
0x3a: {  	[tilespmem:s23], [sflag:$0x6] =	stream.indirect.gather [hbm4b:s4+s13], $0x20, s22, s13, $0xb8;
	[tilespmem:$0x16E00] =	vst v63  }
0x3b: {  	s24 =	simm.s32 $0x300  }
0x3c: {  	[tilespmem:s25], [sflag:$0x7] =	stream.indirect.gather [hbm4b:s4+s13], $0x20, s24, s13, $0xb8;
	[tilespmem:$0x16E00] =	vst v63  }
0x3d: {  	_ = 	snop  }
0x3e: {  	[tilespmem:s28], [sflag:$0x8] =	stream.indirect.gather [hbm4b:s4+s13], $0x20, s26, s13, $0xb8;
	[tilespmem:$0x16E00] =	vst v63  }
.LBB2_4:
0x3f: {  	_ =	swait.ge [sflag:s29], $0x1000  }
0x40: {  	s12 =	sshra.s32 s10, $0x2;
	[sflag:s29] =	ssyncset.done $0x0  }
0x41: {  	s15 =	sadd.s32 $0x2800, s12;
	[sflag:s29] =	ssyncadd.s32 $0xFFFFF000  }
0x42: {  	[spmem:s2] =	stream.indirect.scatter.add.f32 [tilespmem:s14], [sflag:$0x9], $0x20, s15, s13, $0xb8;
	[tilespmem:$0x16E00] =	vst v63  }
0x43: {  	_ =	swait.ge [sflag:s11], $0x1000  }
0x44: {  	p0 =	seq.s32 s10, $0x9000;
	[sflag:s11] =	ssyncset.done $0x0  }
0x45: {  	s15 =	simm.s32 @p0 $0x2;
	[sflag:s11] =	ssyncadd.s32 $0xFFFFF000  }
0x46: {  	s18 =	sshra.s32 @p0 s10, $0x2;
	_ =	swait.ge @p0 [sflag:s15], $0x1000  }
0x47: {  	s19 =	simm.s32 @p0 $0x80;
	s16 =	simm.s32 @p0 $0x6000;
	[sflag:s15] =	ssyncset.done @p0 $0x0  }
0x48: {  	s20 =	simm.s32 @p0 $0x9;
	[sflag:s15] =	ssyncadd.s32 @p0 $0xFFFFF000;
	s15 =	sadd.s32 @p0 $0x2880, s18  }
0x49: {  	[spmem:s2] =	stream.indirect.scatter.add.f32 @p0 [tilespmem:s16], [sflag:$0x9], $0x20, s15, s19, $0xb8;
	[tilespmem:$0x16E00] =	vst v63  }
0x4a: {  	_ =	swait.ge @p0 [sflag:s20], $0x1000  }
0x4b: {  	s23 =	simm.s32 @!p0 $0x5000;
	s15 =	sshra.s32 @!p0 s10, $0x2;
	[sflag:s20] =	ssyncset.done @p0 $0x0  }
0x4c: {  	s16 =	simm.s32 @!p0 $0x80;
	s22 =	sadd.s32 @!p0 $0x400, s15;
	[sflag:s20] =	ssyncadd.s32 @p0 $0xFFFFF000  }
0x4d: {  	[tilespmem:s23], [sflag:$0x1] =	stream.indirect.gather @!p0 [hbm4b:s4+s16], $0x20, s22, s16, $0xb8;
	[tilespmem:$0x16E00] =	vst v63  }
0x4e: {  	s22 =	simm.s32 @!p0 $0x2  }
0x4f: {  	_ =	swait.ge @!p0 [sflag:s22], $0x1000  }
0x50: {  	[sflag:s22] =	ssyncset.done @!p0 $0x0  }
0x51: {  	s23 =	simm.s32 @!p0 $0x6000;
	[sflag:s22] =	ssyncadd.s32 @!p0 $0xFFFFF000;
	s22 =	sadd.s32 @!p0 $0x2880, s15  }
0x52: {  	[spmem:s2] =	stream.indirect.scatter.add.f32 @!p0 [tilespmem:s23], [sflag:$0x9], $0x20, s22, s16, $0xb8;
	[tilespmem:$0x16E00] =	vst v63  }
0x53: {  	s22 =	simm.s32 @!p0 $0x9  }
0x54: {  	_ =	swait.ge @!p0 [sflag:s22], $0x1000  }
0x55: {  	[sflag:s22] =	ssyncset.done @!p0 $0x0  }
0x56: {  	s24 =	sadd.s32 @!p0 $0x480, s15;
	[sflag:s22] =	ssyncadd.s32 @!p0 $0xFFFFF000  }
0x57: {  	[tilespmem:s23], [sflag:$0x2] =	stream.indirect.gather @!p0 [hbm4b:s4+s16], $0x20, s24, s16, $0xb8;
	[tilespmem:$0x16E00] =	vst v63  }
0x58: {  	_ =	swait.ge [sflag:s30], $0x1000  }
0x59: {  	[sflag:s30] =	ssyncset.done $0x0  }
0x5a: {  	s24 =	sadd.s32 $0x2900, s12;
	[sflag:s30] =	ssyncadd.s32 $0xFFFFF000  }
0x5b: {  	[spmem:s2] =	stream.indirect.scatter.add.f32 [tilespmem:s17], [sflag:$0x9], $0x20, s24, s13, $0xb8;
	[tilespmem:$0x16E00] =	vst v63  }
0x5c: {  	_ =	swait.ge [sflag:s11], $0x1000  }
0x5d: {  	[sflag:s11] =	ssyncset.done $0x0  }
0x5e: {  	s23 =	simm.s32 @p0 $0x4;
	[sflag:s11] =	ssyncadd.s32 $0xFFFFF000  }
0x5f: {  	_ =	swait.ge @p0 [sflag:s23], $0x1000  }
0x60: {  	[sflag:s23] =	ssyncset.done @p0 $0x0  }
0x61: {  	s24 =	simm.s32 @p0 $0x8000;
	[sflag:s23] =	ssyncadd.s32 @p0 $0xFFFFF000;
	s23 =	sadd.s32 @p0 $0x2980, s18  }
0x62: {  	[spmem:s2] =	stream.indirect.scatter.add.f32 @p0 [tilespmem:s24], [sflag:$0x9], $0x20, s23, s19, $0xb8;
	[tilespmem:$0x16E00] =	vst v63  }
0x63: {  	_ =	swait.ge @p0 [sflag:s20], $0x1000  }
0x64: {  	[sflag:s20] =	ssyncset.done @p0 $0x0  }
0x65: {  	s23 =	sadd.s32 @!p0 $0x500, s15;
	s24 =	simm.s32 @!p0 $0x7000;
	[sflag:s20] =	ssyncadd.s32 @p0 $0xFFFFF000  }
0x66: {  	[tilespmem:s24], [sflag:$0x3] =	stream.indirect.gather @!p0 [hbm4b:s4+s16], $0x20, s23, s16, $0xb8;
	[tilespmem:$0x16E00] =	vst v63  }
0x67: {  	s23 =	simm.s32 @!p0 $0x4  }
0x68: {  	_ =	swait.ge @!p0 [sflag:s23], $0x1000  }
0x69: {  	[sflag:s23] =	ssyncset.done @!p0 $0x0  }
0x6a: {  	s24 =	simm.s32 @!p0 $0x8000;
	[sflag:s23] =	ssyncadd.s32 @!p0 $0xFFFFF000;
	s23 =	sadd.s32 @!p0 $0x2980, s15  }
0x6b: {  	[spmem:s2] =	stream.indirect.scatter.add.f32 @!p0 [tilespmem:s24], [sflag:$0x9], $0x20, s23, s16, $0xb8;
	[tilespmem:$0x16E00] =	vst v63  }
0x6c: {  	_ =	swait.ge @!p0 [sflag:s22], $0x1000  }
0x6d: {  	[sflag:s22] =	ssyncset.done @!p0 $0x0  }
0x6e: {  	s23 =	sadd.s32 @!p0 $0x580, s15;
	[sflag:s22] =	ssyncadd.s32 @!p0 $0xFFFFF000  }
0x6f: {  	[tilespmem:s24], [sflag:$0x4] =	stream.indirect.gather @!p0 [hbm4b:s4+s16], $0x20, s23, s16, $0xb8;
	[tilespmem:$0x16E00] =	vst v63  }
0x70: {  	_ =	swait.ge [sflag:s31], $0x1000  }
0x71: {  	[sflag:s31] =	ssyncset.done $0x0  }
0x72: {  	s24 =	sadd.s32 $0x2A00, s12;
	[sflag:s31] =	ssyncadd.s32 $0xFFFFF000  }
0x73: {  	[spmem:s2] =	stream.indirect.scatter.add.f32 [tilespmem:s21], [sflag:$0x9], $0x20, s24, s13, $0xb8;
	[tilespmem:$0x16E00] =	vst v63  }
0x74: {  	_ =	swait.ge [sflag:s11], $0x1000  }
0x75: {  	[sflag:s11] =	ssyncset.done $0x0  }
0x76: {  	s23 =	simm.s32 @p0 $0x6;
	[sflag:s11] =	ssyncadd.s32 $0xFFFFF000  }
0x77: {  	_ =	swait.ge @p0 [sflag:s23], $0x1000  }
0x78: {  	[sflag:s23] =	ssyncset.done @p0 $0x0  }
0x79: {  	s18 =	sadd.s32 @p0 $0x2A80, s18;
	[sflag:s23] =	ssyncadd.s32 @p0 $0xFFFFF000;
	s23 =	simm.s32 @p0 $0xA000  }
0x7a: {  	[spmem:s2] =	stream.indirect.scatter.add.f32 @p0 [tilespmem:s23], [sflag:$0x9], $0x20, s18, s19, $0xb8;
	[tilespmem:$0x16E00] =	vst v63  }
0x7b: {  	_ =	swait.ge @p0 [sflag:s20], $0x1000  }
0x7c: {  	[sflag:s20] =	ssyncset.done @p0 $0x0  }
0x7d: {  	s18 =	sadd.s32 @!p0 $0x600, s15;
	s19 =	simm.s32 @!p0 $0x9000;
	[sflag:s20] =	ssyncadd.s32 @p0 $0xFFFFF000  }
0x7e: {  	[tilespmem:s19], [sflag:$0x5] =	stream.indirect.gather @!p0 [hbm4b:s4+s16], $0x20, s18, s16, $0xb8;
	[tilespmem:$0x16E00] =	vst v63  }
0x7f: {  	s18 =	simm.s32 @!p0 $0x6  }
0x80: {  	_ =	swait.ge @!p0 [sflag:s18], $0x1000  }
0x81: {  	[sflag:s18] =	ssyncset.done @!p0 $0x0  }
0x82: {  	s19 =	simm.s32 @!p0 $0xA000;
	[sflag:s18] =	ssyncadd.s32 @!p0 $0xFFFFF000;
	s18 =	sadd.s32 @!p0 $0x2A80, s15  }
0x83: {  	[spmem:s2] =	stream.indirect.scatter.add.f32 @!p0 [tilespmem:s19], [sflag:$0x9], $0x20, s18, s16, $0xb8;
	[tilespmem:$0x16E00] =	vst v63  }
0x84: {  	_ =	swait.ge @!p0 [sflag:s22], $0x1000  }
0x85: {  	[sflag:s22] =	ssyncset.done @!p0 $0x0  }
0x86: {  	s15 =	sadd.s32 @!p0 $0x680, s15;
	[sflag:s22] =	ssyncadd.s32 @!p0 $0xFFFFF000  }
0x87: {  	[tilespmem:s19], [sflag:$0x6] =	stream.indirect.gather @!p0 [hbm4b:s4+s16], $0x20, s15, s16, $0xb8;
	[tilespmem:$0x16E00] =	vst v63  }
0x88: {  	_ =	swait.ge [sflag:s0], $0x1000  }
0x89: {  	[sflag:s0] =	ssyncset.done $0x0  }
.Ltmp3:
0x8a: {  	s24 =	sadd.s32 $0x2B00, s12;
	[sflag:s0] =	ssyncadd.s32 $0xFFFFF000;
	(pc) =	sbr.rel @p0 .LBB2_6-.Ltmp3, $4  }
0x8b: {  	[spmem:s2] =	stream.indirect.scatter.add.f32 [tilespmem:s25], [sflag:$0x9], $0x20, s24, s13, $0xb8;
	[tilespmem:$0x16E00] =	vst v63  }
0x8c: {  	_ =	swait.ge [sflag:s11], $0x1000  }
0x8d: {  	[sflag:s11] =	ssyncset.done $0x0  }
0x8e: {  	s15 =	sadd.s32 $0x2B80, s12;
	[sflag:s11] =	ssyncadd.s32 $0xFFFFF000  }
0x8f: {  	s16 =	sadd.s32 $0x700, s12  }
0x90: {  	[tilespmem:s25], [sflag:$0x7] =	stream.indirect.gather [hbm4b:s4+s13], $0x20, s16, s13, $0xb8;
	[tilespmem:$0x16E00] =	vst v63  }
0x91: {  	_ =	swait.ge [sflag:s1], $0x1000  }
0x92: {  	[sflag:s1] =	ssyncset.done $0x0  }
0x93: {  	[sflag:s1] =	ssyncadd.s32 $0xFFFFF000  }
0x94: {  	[spmem:s2] =	stream.indirect.scatter.add.f32 [tilespmem:s28], [sflag:$0x9], $0x20, s15, s13, $0xb8;
	[tilespmem:$0x16E00] =	vst v63  }
.Ltmp4:
0x95: {  	_ = 	snop;
	(pc) =	sbr.rel .LBB2_4-.Ltmp4, $4  }
0x96: {  	_ =	swait.ge [sflag:s11], $0x1000  }
0x97: {  	[sflag:s11] =	ssyncset.done $0x0  }
0x98: {  	s24 =	sadd.s32 $0x780, s12;
	s10 =	sadd.s32 $0x1000, s10;
	[sflag:s11] =	ssyncadd.s32 $0xFFFFF000  }
0x99: {  	[tilespmem:s28], [sflag:$0x8] =	stream.indirect.gather [hbm4b:s4+s13], $0x20, s24, s13, $0xb8;
	[tilespmem:$0x16E00] =	vst v63  }
.LBB2_7:
0x9a: {  	_ =	sfence.sel $0x180000  }
0x9b: {  	[bflag:$0x0] =	sbarrier.arrive $0xFFFF  }
0x9c: {  	_ =	strace $0x90000053  }
0x9d: {  	s0 =	stileid.u32;
	[bflag:$0x2] =	sbarrier.arrive $0xFFFF  }
0x9e: {  	p0 =	sne.s32 s0, $0x0;
	s0 =	rddreg [dreg:$0x2]  }
0x9f: {  	s0 =	sadd.s32 @!p0 $0x100000, s0  }
0xa0: {  	[sflag:s0] =	ssyncadd.tile.s32 @!p0 $0x1;
	_ =	shalt  }
.Lfunc_end2:
_tile_overlayer_lowered:
.L_overlay_start_2:
0xa1: {  	(tag) =	ssettag $0x2  }
0xa2: {  	s0 =	rddreg [dreg:$0x0];
	s2 =	stileid.u32  }
0xa3: {  	s1 =	rddreg [dreg:$0x1];
	p0 =	sne.s32 s2, $0x0  }
0xa4: {  	s3 =	rddreg [dreg:$0x2];
	[bflag:$0x3] =	sbarrier.arrive $0xFFFF;
	s2 =	simm.s32 @!p0 $0x1C09  }
0xa5: {  	[timem:s3], [sflag:s2] =	dma.local @!p0 [hbm:s0], s1  }
0xa6: {  	s0 =	simm.s32 @!p0 $0x9  }
0xa7: {  	_ =	swait.ge @!p0 [sflag:s0], s1  }
0xa8: {  	s1 =	ssub.s32 @!p0 $0x0, s1;
	[sflag:s0] =	ssyncset.done @!p0 $0x0  }
0xa9: {  	[sflag:s0] =	ssyncadd.s32 @!p0 s1  }
0xaa: {  	[bflag:$0x3] =	sbarrier.arrive $0xFFFF  }
0xab: {  	_ =	shalt  }

// kernel: scatter_offload_async_start
scs
__scs_entry_jumppad:
0x0: {  	(pc) =	sbr.rel $0x88, $3  }
0x1: {  	(tag) =	ssettag $0x0;
	lr =	simm.s32 $0x1  }
0x2: {  	[smem:$0x3F93] =	sst lr;
	_ =	strace $0xD0000000  }
0x3: {  	_ = 	snop  }
0x4: {  	_ = 	snop  }
0x5: {  	_ = 	snop  }
0x6: {  	_ = 	snop  }
0x7: {  	_ = 	snop  }
__scs_overlays_trampoline_lowered:
0x8: {  	[smem:$0x3FA2] =	sst s0  }
0x9: {  	[smem:$0x3FA3] =	sst s1  }
0xa: {  	[smem:$0x3FA4] =	sst s2  }
0xb: {  	[smem:$0x3FA5] =	sst s3  }
0xc: {  	[smem:$0x3FA6] =	sst s4  }
0xd: {  	[smem:$0x3FA7] =	sst s5  }
0xe: {  	[smem:$0x3FA8] =	sst s6  }
0xf: {  	[smem:$0x3FA9] =	sst s7  }
0x10: {  	[smem:$0x3FAA] =	sst s8  }
0x11: {  	[smem:$0x3FAB] =	sst s9;
	s0 =	simm.s32 @!p0 $0x0  }
0x12: {  	s1 =	sld [smem:$0x3F91];
	s0 =	simm.s32 @p0 $0x1  }
0x13: {  	[smem:$0x3FAC] =	sst s0;
	s0 =	simm.s32 @!p1 $0x0  }
0x14: {  	s2 =	sld [smem:$0x3F90];
	s0 =	simm.s32 @p1 $0x1  }
0x15: {  	[smem:$0x3FAD] =	sst s0;
	s0 =	simm.s32 @!p2 $0x0  }
0x16: {  	s3 =	sld [smem:$0x3FDB];
	s0 =	simm.s32 @p2 $0x1  }
0x17: {  	s4 =	simm.s32 $0x1BF5;
	[smem:$0x3FAF] =	sst s0  }
0x18: {  	s0 =	sld [smem:$0x3F92];
	_ =	swait.ge [sflag:s4], $0x0  }
0x19: {  	s7 =	sld [smem:$0x3F93]  }
0x1a: {  	s8 =	sadd.s32 $0xFFFFE003, lr  }
0x1b: {  	s9 =	sadd.s32 $0xFFFFFEF7, lr;
	s5 =	simm.s32 $0xFFFFFFFF;
	p2 =	slt.u32 s8, $0xFFFFF086  }
0x1c: {  	p1 =	slt.u32 s9, $0xF7A;
	s5 =	simm.s32 @!p2 $0x0  }
0x1d: {  	s5 =	simm.s32 @p1 $0x1;
	p0 =	seq.s32 s7, s2  }
0x1e: {  	s7 =	smul.u32 @!p0 $0xF7A, s2;
	p2 =	seq.s32 @!p0 s5, $0x0  }
0x1f: {  	s9 =	smul.u32 $0xF7A, s1;
	s8 =	simm.s32 @!p0 $0x1BF5;
	p2 =	por !p2, p0  }
0x20: {  	[sflag:s8] =	ssyncset.s32 @!p0 $0xFFFFF086;
	s6 =	sadd.s32 @!p0 s3, s7;
	s7 =	simm.s32 @!p0 $0x108  }
0x21: {  	s3 =	sadd.s32 s3, s9;
	s6 =	sadd.s32 @!p0 $0x88, s6;
	s7 =	simm.s32 @p2 $0x1082  }
0x22: {  	[simem:s7], [sflag:s8] =	dma.local @!p0 [hbm:s6], $0xF7A  }
0x23: {  	s9 =	sor.u32 $0xD0000000, s2;
	s6 =	simm.s32 $0x108;
	_ =	swait.ge @!p0 [sflag:s8], $0x0  }
0x24: {  	s3 =	sadd.s32 $0x88, s3;
	s6 =	simm.s32 @!p1 $0x1082;
	[sflag:s4] =	ssyncset.s32 $0xFFFFF086  }
0x25: {  	[simem:s6], [sflag:s4] =	dma.local [hbm:s3], $0xF7A  }
0x26: {  	[smem:$0x3F93] =	sst s1;
	(tag) =	ssettag s2;
	_ =	strace s9  }
0x27: {  	s1 =	sld [smem:$0x3FA3]  }
0x28: {  	s2 =	sld [smem:$0x3FA4]  }
0x29: {  	s4 =	sld [smem:$0x3FA6]  }
0x2a: {  	p0 =	seq.s32 s5, $0x0;
	s5 =	sld [smem:$0x3FA7]  }
0x2b: {  	s6 =	sld [smem:$0x3FA8]  }
0x2c: {  	s7 =	sld [smem:$0x3FA9]  }
0x2d: {  	s3 =	simm.s32 $0x108;
	s8 =	sld [smem:$0x3FAA]  }
0x2e: {  	s3 =	simm.s32 @!p0 $0x1082;
	s9 =	sld [smem:$0x3FAB]  }
0x2f: {  	lr =	sadd.s32 s0, s3;
	s0 =	sld [smem:$0x3FA2]  }
0x30: {  	s3 =	sld [smem:$0x3FA5]  }
0x31: {  	[smem:$0x3FAE] =	sst s10  }
0x32: {  	s10 =	sld [smem:$0x3FAC];
	_ =	sdelay $0x3  }
0x33: {  	p0 =	seq.s32 s10, $0x1;
	s10 =	sld [smem:$0x3FAE];
	_ =	sdelay $0x3  }
0x34: {  	[smem:$0x3FAE] =	sst s10  }
0x35: {  	s10 =	sld [smem:$0x3FAD];
	_ =	sdelay $0x3  }
0x36: {  	p1 =	seq.s32 s10, $0x1;
	s10 =	sld [smem:$0x3FAE];
	_ =	sdelay $0x3  }
0x37: {  	[smem:$0x3FAE] =	sst s10  }
0x38: {  	s10 =	sld [smem:$0x3FAF]  }
0x39: {  	_ = 	snop;
	(pc) =	sbr.ind lr, $3  }
0x3a: {  	_ = 	snop  }
0x3b: {  	_ = 	snop  }
0x3c: {  	p2 =	seq.s32 s10, $0x1;
	s10 =	sld [smem:$0x3FAE]  }
0x3d: {  	_ =	shalt  }
0x3e: {  	_ =	shalt  }
0x3f: {  	_ =	shalt  }
0x40: {  	_ =	shalt  }
0x41: {  	_ =	shalt  }
0x42: {  	_ =	shalt  }
0x43: {  	_ =	shalt  }
0x44: {  	_ =	shalt  }
0x45: {  	_ =	shalt  }
0x46: {  	_ =	shalt  }
0x47: {  	_ =	shalt  }
0x48: {  	_ =	shalt  }
0x49: {  	_ =	shalt  }
0x4a: {  	_ =	shalt  }
0x4b: {  	_ =	shalt  }
0x4c: {  	_ =	shalt  }
0x4d: {  	_ =	shalt  }
0x4e: {  	_ =	shalt  }
0x4f: {  	_ =	shalt  }
0x50: {  	_ =	shalt  }
0x51: {  	_ =	shalt  }
0x52: {  	_ =	shalt  }
0x53: {  	_ =	shalt  }
0x54: {  	_ =	shalt  }
0x55: {  	_ =	shalt  }
0x56: {  	_ =	shalt  }
0x57: {  	_ =	shalt  }
0x58: {  	_ =	shalt  }
0x59: {  	_ =	shalt  }
0x5a: {  	_ =	shalt  }
0x5b: {  	_ =	shalt  }
0x5c: {  	_ =	shalt  }
0x5d: {  	_ =	shalt  }
0x5e: {  	_ =	shalt  }
0x5f: {  	_ =	shalt  }
0x60: {  	_ =	shalt  }
0x61: {  	_ =	shalt  }
0x62: {  	_ =	shalt  }
0x63: {  	_ =	shalt  }
0x64: {  	_ =	shalt  }
0x65: {  	_ =	shalt  }
0x66: {  	_ =	shalt  }
0x67: {  	_ =	shalt  }
0x68: {  	_ =	shalt  }
0x69: {  	_ =	shalt  }
0x6a: {  	_ =	shalt  }
0x6b: {  	_ =	shalt  }
0x6c: {  	_ =	shalt  }
0x6d: {  	_ =	shalt  }
0x6e: {  	_ =	shalt  }
0x6f: {  	_ =	shalt  }
0x70: {  	_ =	shalt  }
0x71: {  	_ =	shalt  }
0x72: {  	_ =	shalt  }
0x73: {  	_ =	shalt  }
0x74: {  	_ =	shalt  }
0x75: {  	_ =	shalt  }
0x76: {  	_ =	shalt  }
0x77: {  	_ =	shalt  }
0x78: {  	_ =	shalt  }
0x79: {  	_ =	shalt  }
0x7a: {  	_ =	shalt  }
0x7b: {  	_ =	shalt  }
0x7c: {  	_ =	shalt  }
0x7d: {  	_ =	shalt  }
0x7e: {  	_ =	shalt  }
0x7f: {  	_ =	shalt  }
0x80: {  	_ =	shalt  }
0x81: {  	_ =	shalt  }
0x82: {  	_ =	shalt  }
0x83: {  	_ =	shalt  }
0x84: {  	_ =	shalt  }
0x85: {  	_ =	shalt  }
0x86: {  	_ =	shalt  }
0x87: {  	_ =	shalt  }
.Lfunc_end0:
.L_simem_size_0:
called_computation_lowered:
.L_overlay_start_0:
0x88: {  	s0 =	sld [smem:$0x3FD9]  }
0x89: {  	s1 =	sld [smem:$0x3FFE];
	_ =	sdelay $0x3  }
0x8a: {  	s0 =	sadd.s32 s1, s0  }
0x8b: {  	[smem:$0x3FBA] =	sst s0  }
0x8c: {  	_ = 	snop  }
0x8d: {  	s0 =	sld [smem:$0x3FD0];
	_ =	sdelay $0x2  }
0x8e: {  	s13 =	simm.s32 $0xB;
	s2 =	simm.s32 $0x10  }
0x8f: {  	[smem:s2], [sflag:s13] =	dma.local [hbm:s0], $0x1  }
0x90: {  	_ =	swait.eq [sflag:s13], $0x1  }
0x91: {  	[sflag:s13] =	ssyncset.done $0x0  }
0x92: {  	s14 =	sld [smem:$0x12];
	[sflag:s13] =	ssyncadd.s32 $0xFFFFFFFF  }
0x93: {  	s15 =	sld [smem:$0x13];
	(tm) =	ssettm $0x1  }
0x94: {  	s16 =	sld [smem:$0x3FFB];
	_ =	sdelay $0x3  }
0x95: {  	_ =	strace s16  }
0x96: {  	s2 =	sld [smem:$0x3FFC];
	_ =	sdelay $0x3  }
0x97: {  	_ =	strace s2  }
0x98: {  	s2 =	sld [smem:$0x3FFD];
	_ =	sdelay $0x3  }
0x99: {  	_ =	strace s2  }
0x9a: {  	_ =	strace $0x8FFFFFFF  }
0x9b: {  	s17 =	sld [smem:$0x3FDB];
	_ =	sdelay $0x1  }
0x9c: {  	s3 =	simm.s32 $_scs_section_size  }
0x9d: {  	s4 =	simm.s32 $_size__tile_overlayer_lowered;
	s5 =	simm.s32 $_tile_overlayer_lowered  }
0x9e: {  	s20 =	simm.s32 $0x1BFF;
	s19 =	sshll.u32 s5, $0x1;
	s2 =	sadd.s32 s3, s17  }
0x9f: {  	s6 =	simm.s32 $0x0;
	s18 =	sshll.u32 s4, $0x1;
	s4 =	sadd.s32 s19, s2  }
0xa0: {  	[timem:s6], [sflag:s20] =	dma.local [hbm:s4], s18  }
0xa1: {  	_ =	swait.ge [sflag:s20], s18  }
0xa2: {  	s3 =	ssub.s32 $0x0, s18;
	[sflag:s20] =	ssyncset.done $0x0  }
0xa3: {  	[sflag:s20] =	ssyncadd.s32 s3;
	_ =	sdelay $0x1  }
0xa4: {  	s21 =	simm.s32 $0x1B8B  }
0xa5: {  	_ =	swait.ge [sflag:s21], $0x1  }
0xa6: {  	[sflag:s21] =	ssyncset.done $0x0  }
0xa7: {  	s23 =	simm.s32 $0x1B8E;
	s22 =	sld [smem:$0x3FFE];
	[sflag:s21] =	ssyncadd.s32 $0xFFFFFFFF  }
0xa8: {  	s24 =	simm.s32 $execute0_lowered;
	[smem:$0x3FD2] =	sst s23  }
0xa9: {  	s4 =	sshll.u32 s24, $0x1;
	_ =	strace $0x8000004F;
	[dreg:$0x1] =	wrdreg $0xFFFFFFFF  }
0xaa: {  	s25 =	simm.s32 $_size_execute0_lowered;
	s2 =	sadd.s32 s2, s4;
	[dreg:$0x0] =	wrdreg $0x0  }
0xab: {  	s4 =	sshll.u32 s25, $0x1;
	[dreg:$0x2] =	wrdreg s2  }
0xac: {  	[dreg:$0x3] =	wrdreg s4  }
0xad: {  	[dreg:$0x4] =	wrdreg $0xC0  }
0xae: {  	_ =	task [dreg:s6], $0x5FFFF  }
0xaf: {  	[dreg:$0x1] =	wrdreg $0xFFFFFFFF  }
0xb0: {  	[dreg:$0x0] =	wrdreg $0x60  }
0xb1: {  	[dreg:$0x2] =	wrdreg s14  }
0xb2: {  	[dreg:$0x3] =	wrdreg s15  }
0xb3: {  	[dreg:$0x4] =	wrdreg s22  }
0xb4: {  	[dreg:$0x5] =	wrdreg $0x9  }
0xb5: {  	_ =	task.clear_ibuf [dreg:s6], $0x6FFFF;
	_ =	strace $0x9000004F  }
0xb6: {  	s26 =	simm.s32 $0x9;
	_ =	strace $0x80000051  }
0xb7: {  	_ =	swait.ge [sflag:s26], $0x1  }
0xb8: {  	[sflag:s26] =	ssyncadd.s32 $0xFFFFFFFF  }
0xb9: {  	_ =	strace $0x90000051  }
0xba: {  	_ =	sfence  }
0xbb: {  	s28 =	sld [smem:$0x0];
	_ =	sdelay $0x1  }
0xbc: {  	s29 =	srdreg.scid  }
0xbd: {  	s30 =	sshll.u32 s29, $0xD;
	s31 =	sshrl.u32 s29, $0x2  }
0xbe: {  	s1 =	sand.u32 $0x1, s29;
	s2 =	sand.u32 $0x4000, s30;
	s0 =	sadd.s32 s31, s28  }
0xbf: {  	s1 =	sor.u32 s2, s1;
	s0 =	sshll.u32 s0, $0x11  }
0xc0: {  	s0 =	sor.u32 s0, s1  }
0xc1: {  	s0 =	sadd.s32 $0x8F2B, s0  }
0xc2: {  	[sflag:s0] =	ssyncadd.remote.s32 $0x1  }
0xc3: {  	_ =	sfence.sel $0xFFFF  }
0xc4: {  	[dreg:$0x0] =	wrdreg $0xFFFFFFFF;
	(pc) =	sbr.abs _section_cstart, $3  }
0xc5: {  	[dreg:$0x1] =	wrdreg $0xFFFFFFFF  }
0xc6: {  	_ =	task.clear_ibuf [dreg:s6], $0x2FFFF;
	_ =	strace $0x9FFFFFFF  }
0xc7: {  	(tm) =	ssettm $0x7FFFFFFF  }
tec
execute0_lowered:
.L_overlay_start_1:
0x0: {  	(tag) =	ssettag $0x1  }
0x1: {  	s1 =	rddreg [dreg:$0x0]  }
0x2: {  	s2 =	rddreg [dreg:$0x1]  }
0x3: {  	s7 =	rddreg [dreg:$0x2]  }
0x4: {  	s0 =	rddreg [dreg:$0x3]  }
0x5: {  	s4 =	stileid.u32;
	_ =	strace $0x80000050;
	s5 =	simm.s32 $0x3E  }
0x6: {  	p0 =	sne.s32 s4, $0x0;
	[sflag:s5] =	ssyncpa.u1 $0x0  }
0x7: {  	s30 =	smin.u32 s4, $0x9;
	s3 =	simm.s32 @!p0 $0x1C3E;
	s6 =	simm.s32 @!p0 $0x0  }
0x8: {  	[spmem:s6], [sflag:s3] =	dma.local @!p0 [hbm:s1], $0x10  }
0x9: {  	s3 =	sadd.s32 s4, s30  }
0xa: {  	p1 =	slt.u32 s4, $0x9;
	s4 =	simm.s32 $0x320;
	s3 =	smul.u32 $0x190, s3  }
0xb: {  	s4 =	simm.s32 @!p1 $0x190  }
0xc: {  	s4 =	sadd.s32 s4, s3  }
0xd: {  	s4 =	smin.u32 s4, $0x2710  }
0xe: {  	s8 =	ssub.s32 s4, s3  }
0xf: {  	p1 =	sgt.s32 s8, $0x0  }
0x10: {  	s8 =	simm.s32 @!p1 $0x0  }
0x11: {  	s9 =	sand.u32 $0xFFF0, s8  }
0x12: {  	s9 =	sshrl.u32 s9, $0x4  }
0x13: {  	s6 =	simm.s32 @!p0 $0x3E;
	s31 =	smul.u32 $0xA3E, s9  }
0x14: {  	_ =	swait.ge @!p0 [sflag:s6], $0x10  }
0x15: {  	[sflag:s6] =	ssyncset.done @!p0 $0x0;
	s9 =	sshrl.u32 s31, $0x10  }
0x16: {  	s11 =	simm.s32 $0x0;
	[sflag:s6] =	ssyncadd.s32 @!p0 $0xFFFFFFF0;
	s10 =	smul.u32 $0x190, s9  }
.Ltmp0:
0x17: {  	s7 =	sadd.s32 $0x1EA00, s7;
	[bflag:$0x0] =	sbarrier.arrive $0xFFFF;
	(pc) =	sbr.rel .LBB2_1-.Ltmp0, $4  }
0x18: {  	s6 =	simm.s32 $0x2;
	[sflag:s5] =	ssyncpa.u1 $0x1;
	s5 =	simm.s32 $0x1  }
0x19: {  	[sflag:s5] =	ssyncpa.u1 $0x0;
	p1 =	sne.s32 s8, s10;
	s8 =	simm.s32 $0x1  }
0x1a: {  	(ifvalue) =	ssetifvalue $0x80;
	[sflag:s6] =	ssyncpa.u1 $0x0;
	s8 =	simm.s32 @!p1 $0x0  }
0x1b: {  	vm0 =	vmmov $0xffff;
	s10 =	smov.u32 s3;
	s8 =	sadd.s32 s9, s8;
	s9 =	simm.s32 $0x0  }
.LBB2_5:
0x1c: {  	p2 =	sne.s32 s11, s8  }
.Ltmp1:
0x1d: {  	_ = 	snop;
	(pc) =	sbr.rel @!p2 .LBB2_6-.Ltmp1, $4  }
0x1e: {  	_ = 	snop  }
0x1f: {  	s12 =	sadd.s32 $0x190, s10  }
0x20: {  	s10 =	smov.u32 s3;
	s13 =	sadd.s32 $0x1, s11;
	p1 =	slt.s32 s12, s4  }
0x21: {  	s11 =	smov.u32 s13;
	s10 =	smov.u32 @p1 s12  }
.LBB2_1:
0x22: {  	p1 =	sge.u32 s11, s8  }
0x23: {  	s12 =	sxor.u32 @!p1 $0xFFFFFFFF, s11  }
0x24: {  	s12 =	sand.u32 @!p1 $0x1, s12  }
0x25: {  	s12 =	smul.u32 @!p1 $0x190, s12  }
0x26: {  	s13 =	sshrl.u32 @!p1 s10, $0x3  }
0x27: {  	s16 =	sand.u32 @!p1 $0x7, s10;
	s14 =	sadd.s32 @!p1 s2, s13;
	s15 =	sor.u32 @!p1 $0x8, s12  }
0x28: {  	[tilespmem:s15], [sflag:$0x2] =	stream.linear.gather @!p1 [hbm4b:s14+s16], $0x190, $0x38;
	[tilespmem:$0x648] =	vst v63  }
0x29: {  	s13 =	sadd.s32 @!p1 s7, s13;
	s12 =	sadd.s32 @!p1 $0x328, s12  }
0x2a: {  	[tilespmem:s12], [sflag:$0x2] =	stream.linear.gather @!p1 [hbm4b:s13+s16], $0x190, $0x38;
	[tilespmem:$0x648] =	vst v63  }
0x2b: {  	p1 =	seq.s32 s11, $0x0  }
.Ltmp2:
0x2c: {  	_ = 	snop;
	(pc) =	sbr.rel @p1 .LBB2_5-.Ltmp2, $1  }
0x2d: {  	_ =	sdelay $0x3  }
0x2e: {  	s12 =	sand.u32 $0x1, s11  }
0x2f: {  	_ =	swait.ge [sflag:s6], $0x320;
	p1 =	seq.s32 s12, $0x1;
	s12 =	simm.s32 $0x190  }
0x30: {  	[sflag:s6] =	ssyncset.done $0x0;
	s12 =	simm.s32 @!p1 $0x0  }
0x31: {  	[sflag:s6] =	ssyncadd.s32 $0xFFFFFCE0;
	s14 =	sor.u32 $0x8, s12  }
0x32: {  	v0 =	vld.msk [tilespmem:s14+$0x0 ss:$0x1], $0xffff;
	_ =	sdelay $0x4  }
0x33: {  	v0 =	vmin.u32 v0, $0x80;
	_ =	sdelay $0x3  }
0x34: {  	s13 =	simm.s32 $0x0;
	s12 =	sadd.s32 $0x328, s12;
	s14 =	sadd.s32 $0x10, s14  }
0x35: {  	[spmem:s9] =	stream.indirect_vreg.scatter.add.s32 [tilespmem:s12], [sflag:$0x1], $0x1, v0, vm0, $0x4038;
	[tilespmem:$0x648] =	vst v63  }
.LBB2_3:
0x36: {  	v0 =	vld.msk [tilespmem:s14+$0x0 ss:$0x1], $0xffff;
	s13 =	sadd.s32 $0x10, s13  }
0x37: {  	p1 =	slt.u32 s13, $0x180;
	_ =	sdelay $0x4  }
0x38: {  	v0 =	vmin.u32 v0, $0x80  }
.Ltmp3:
0x39: {  	(pc) =	sbr.rel @p1 .LBB2_3-.Ltmp3, $3  }
0x3a: {  	_ =	sdelay $0x1  }
0x3b: {  	s14 =	sadd.s32 $0x10, s14;
	s12 =	sadd.s32 $0x10, s12  }
0x3c: {  	[spmem:s9] =	stream.indirect_vreg.scatter.add.s32 [tilespmem:s12], [sflag:$0x1], $0x1, v0, vm0, $0x4038;
	[tilespmem:$0x648] =	vst v63  }
.Ltmp4:
0x3d: {  	(pc) =	sbr.rel .LBB2_5-.Ltmp4, $4  }
0x3e: {  	_ = 	snop  }
0x3f: {  	_ =	swait.ge [sflag:s5], $0x190  }
0x40: {  	[sflag:s5] =	ssyncset.done $0x0  }
0x41: {  	[sflag:s5] =	ssyncadd.s32 $0xFFFFFE70  }
.LBB2_6:
0x42: {  	_ =	sfence.sel $0x180000  }
0x43: {  	s2 =	simm.s32 $0x2;
	[bflag:$0x0] =	sbarrier.arrive $0xFFFF  }
0x44: {  	s30 =	simm.s32 $0x1;
	[sflag:s2] =	ssyncpa.u1 $0x1  }
0x45: {  	[sflag:s30] =	ssyncpa.u1 $0x1  }
0x46: {  	_ =	sfence.stream.spmem  }
0x47: {  	s31 =	simm.s32 $0x3D;
	[bflag:$0x0] =	sbarrier.arrive $0xFFFF  }
0x48: {  	s2 =	simm.s32 @p0 $0x3D;
	[sflag:s31] =	ssyncpa.u1 $0x0  }
0x49: {  	[sflag:s2] =	ssyncpa.u1 @p0 $0x1  }
0x4a: {  	[bflag:$0x0] =	sbarrier.arrive @p0 $0xFFFF  }
0x4b: {  	_ =	strace @p0 $0x90000050  }
0x4c: {  	s3 =	simm.s32 @!p0 $0x1C3D;
	s2 =	simm.s32 @!p0 $0x0;
	[bflag:$0x2] =	sbarrier.arrive @p0 $0xFFFF  }
0x4d: {  	[hbm:s1], [sflag:s3] =	dma.local @!p0 [spmem:s2], $0x10  }
0x4e: {  	s1 =	simm.s32 @!p0 $0x3D  }
0x4f: {  	_ =	swait.ge @!p0 [sflag:s1], $0x10  }
0x50: {  	[sflag:s1] =	ssyncset.done @!p0 $0x0  }
0x51: {  	[sflag:s1] =	ssyncadd.s32 @!p0 $0xFFFFFFF0  }
0x52: {  	[sflag:s1] =	ssyncpa.u1 @!p0 $0x1  }
0x53: {  	[bflag:$0x0] =	sbarrier.arrive @!p0 $0xFFFF  }
0x54: {  	_ =	strace @!p0 $0x90000050  }
0x55: {  	s0 =	sadd.s32 @!p0 $0x100000, s0;
	[bflag:$0x2] =	sbarrier.arrive @!p0 $0xFFFF  }
0x56: {  	[sflag:s0] =	ssyncadd.tile.s32 @!p0 $0x1;
	_ =	shalt  }
.Lfunc_end2:
_tile_overlayer_lowered:
.L_overlay_start_2:
0x57: {  	(tag) =	ssettag $0x2  }
0x58: {  	s0 =	rddreg [dreg:$0x0];
	s2 =	stileid.u32  }
0x59: {  	s1 =	rddreg [dreg:$0x1];
	p0 =	sne.s32 s2, $0x0  }
0x5a: {  	s3 =	rddreg [dreg:$0x2];
	[bflag:$0x3] =	sbarrier.arrive $0xFFFF;
	s2 =	simm.s32 @!p0 $0x1C01  }
0x5b: {  	[timem:s3], [sflag:s2] =	dma.local @!p0 [hbm:s0], s1  }
0x5c: {  	s0 =	simm.s32 @!p0 $0x1  }
0x5d: {  	_ =	swait.ge @!p0 [sflag:s0], s1  }
0x5e: {  	s1 =	ssub.s32 @!p0 $0x0, s1;
	[sflag:s0] =	ssyncset.done @!p0 $0x0  }
0x5f: {  	[sflag:s0] =	ssyncadd.s32 @!p0 s1  }
0x60: {  	[bflag:$0x3] =	sbarrier.arrive $0xFFFF  }
0x61: {  	_ =	shalt  }

</sc_bundles>
